<compile_context>
chip_gen: v7x
topology: tpu7x:2x2x1
jax: 0.10.2.dev20260603
libtpu: 0.0.44.dev20260713+nightly
codegen_flags: <defaults>
</compile_context>

<pallas_src>
import functools

import jax
import jax.numpy as jnp
from jax import lax
from jax.experimental import pallas as pl
from jax.experimental.pallas import tpu as pltpu
from jax.experimental.pallas import tpu_sc as plsc

S = 2048
DIM = 768
E = 64
ED = 128
BLOCK = 32
G = S // BLOCK + E
P = G * BLOCK
TB = 256

NC, NS = 2, 16
NW = NC * NS
CHUNK = S // NS
ZCHUNK = P // NS
PW = P // NW
HPW = PW // 2
UCHUNK = S // NW


def _gate_kernel(x_ref, gw_ref, bias_ref, idx_ref, wgt_ref):
    logits = jax.lax.dot_general(
        x_ref[...], gw_ref[...], (((1,), (1,)), ((), ())),
        preferred_element_type=jnp.float32,
    )
    scores = jax.nn.sigmoid(logits + bias_ref[...])
    m = jnp.max(scores, axis=1, keepdims=True)
    eids = jax.lax.broadcasted_iota(jnp.int32, scores.shape, 1)
    idx_ref[...] = jnp.min(jnp.where(scores == m, eids, E), axis=1, keepdims=True)
    wgt_ref[...] = m / (m + 1e-6)


NCH = 8
CROWS = P // NCH
CBLK = CROWS // BLOCK


def _ffn_kernel(be_ref, seg_ref, xs_hbm, w1_hbm, w2_hbm, ws_hbm, y_hbm,
                xsv, yv, wsv, w1b, w2b, xsems, wsem, w3sems, osem):
    nseg = seg_ref[E]
    for ch in range(NCH):
        pltpu.make_async_copy(xs_hbm.at[pl.ds(ch * CROWS, CROWS)],
                              xsv.at[pl.ds(ch * CROWS, CROWS)],
                              xsems.at[ch]).start()
    pltpu.make_async_copy(ws_hbm, wsv, wsem).start()
    e0 = seg_ref[0]
    pltpu.make_async_copy(w1_hbm.at[e0], w1b.at[0], w3sems.at[0, 0]).start()
    pltpu.make_async_copy(w2_hbm.at[e0], w2b.at[0], w3sems.at[0, 1]).start()

    @pl.when(nseg > 1)
    def _():
        e1 = seg_ref[1]
        pltpu.make_async_copy(w1_hbm.at[e1], w1b.at[1], w3sems.at[1, 0]).start()
        pltpu.make_async_copy(w2_hbm.at[e1], w2b.at[1], w3sems.at[1, 1]).start()

    pltpu.make_async_copy(ws_hbm, wsv, wsem).wait()

    def gloop(g, carry):
        k, s3 = carry
        e = be_ref[g]
        prv = be_ref[jnp.maximum(g - 1, 0)]
        is_new = jnp.logical_or(g == 0, e != prv)
        k = jnp.where(is_new, k + 1, k)
        s3 = jnp.where(is_new, jnp.where(s3 == 2, 0, s3 + 1), s3)

        @pl.when((g & (CBLK - 1)) == 0)
        def _():
            ch = g >> 4
            pltpu.make_async_copy(xs_hbm.at[pl.ds(ch * CROWS, CROWS)],
                                  xsv.at[pl.ds(ch * CROWS, CROWS)],
                                  xsems.at[ch]).wait()

        @pl.when(jnp.logical_and(is_new, k < nseg))
        def _():
            pltpu.make_async_copy(w1_hbm.at[e], w1b.at[s3],
                                  w3sems.at[s3, 0]).wait()
            pltpu.make_async_copy(w2_hbm.at[e], w2b.at[s3],
                                  w3sems.at[s3, 1]).wait()
            nk = k + 2

            @pl.when(nk < nseg)
            def _():
                tgt = jnp.where(s3 == 0, 2, s3 - 1)
                ne = seg_ref[nk]
                pltpu.make_async_copy(w1_hbm.at[ne], w1b.at[tgt],
                                      w3sems.at[tgt, 0]).start()
                pltpu.make_async_copy(w2_hbm.at[ne], w2b.at[tgt],
                                      w3sems.at[tgt, 1]).start()

        xblk = xsv[pl.ds(g * BLOCK, BLOCK), :]
        h = jnp.dot(xblk, w1b[s3], preferred_element_type=jnp.float32)
        h = h * jax.nn.sigmoid(h)
        y = jnp.dot(h, w2b[s3], preferred_element_type=jnp.float32)
        yv[pl.ds(g * BLOCK, BLOCK), :] = y * wsv[pl.ds(g * BLOCK, BLOCK), :]

        @pl.when((g & (CBLK - 1)) == (CBLK - 1))
        def _():
            ch = g >> 4
            pltpu.make_async_copy(yv.at[pl.ds(ch * CROWS, CROWS)],
                                  y_hbm.at[pl.ds(ch * CROWS, CROWS)],
                                  osem).start()
        return (k, s3)

    lax.fori_loop(0, G, gloop, (jnp.int32(-1), jnp.int32(2)))
    for ch in range(NCH):
        pltpu.make_async_copy(yv.at[pl.ds(ch * CROWS, CROWS)],
                              y_hbm.at[pl.ds(ch * CROWS, CROWS)],
                              osem).wait()


_sc_mesh = plsc.VectorSubcoreMesh(core_axis_name="c", subcore_axis_name="s")


@functools.partial(
    pl.kernel,
    out_type=[
        jax.ShapeDtypeStruct((P, DIM), jnp.float32),
        jax.ShapeDtypeStruct((P,), jnp.float32),
        jax.ShapeDtypeStruct((G,), jnp.int32),
        jax.ShapeDtypeStruct((S,), jnp.int32),
        jax.ShapeDtypeStruct((E + 16,), jnp.int32),
    ],
    mesh=_sc_mesh,
    scratch_types=[
        pltpu.VMEM((CHUNK,), jnp.int32),
        pltpu.VMEM((CHUNK,), jnp.float32),
        pltpu.VMEM((NS * E,), jnp.int32),
        pltpu.VMEM((E,), jnp.int32),
        pltpu.VMEM((E,), jnp.int32),
        pltpu.VMEM((E,), jnp.int32),
        pltpu.VMEM((E,), jnp.int32),
        pltpu.VMEM((E,), jnp.int32),
        pltpu.VMEM((E + 16,), jnp.int32),
        pltpu.VMEM((CHUNK,), jnp.int32),
        pltpu.VMEM((CHUNK,), jnp.int32),
        pltpu.VMEM((G,), jnp.int32),
        pltpu.VMEM((ZCHUNK,), jnp.int32),
        pltpu.VMEM((ZCHUNK,), jnp.float32),
        pltpu.VMEM((HPW,), jnp.int32),
        pltpu.VMEM((HPW, DIM), jnp.float32),
        pltpu.VMEM_SHARED((NS * E,), jnp.int32),
        pltpu.VMEM_SHARED((P,), jnp.int32),
        pltpu.VMEM_SHARED((P,), jnp.float32),
        pltpu.SemaphoreType.DMA,
    ],
    compiler_params=pltpu.CompilerParams(needs_layout_passes=False),
)
def _sc_route(top1_hbm, wgt_hbm, x_hbm, xs_hbm, ws_hbm, be_hbm, pos_hbm,
              seg_hbm, idx_v, wgt_v, allhist_v, hist_v, rb_v, po_v, runh_v,
              ends_v, seglist_v, plist_v, tok_v, be_v, zi_v, zf_v,
              gid_v, rows_v, hist_sh, ids_sh, ws_sh, sem):
    c = lax.axis_index("c")
    s = lax.axis_index("s")
    base = s * CHUNK
    iota = lax.broadcasted_iota(jnp.int32, (16,), 0)
    zv = jnp.zeros((16,), jnp.int32)

    with jax.named_scope("ph_dma_in"):
        pltpu.sync_copy(top1_hbm.at[pl.ds(base, CHUNK)], idx_v)
        pltpu.sync_copy(wgt_hbm.at[pl.ds(base, CHUNK)], wgt_v)

    for j in range(ZCHUNK // 16):
        zi_v[pl.ds(j * 16, 16)] = (iota + (s * ZCHUNK + j * 16)) & (S - 1)
        zf_v[pl.ds(j * 16, 16)] = jnp.zeros((16,), jnp.float32)
    for j in range(CHUNK // 16):
        tok_v[pl.ds(j * 16, 16)] = iota + (base + j * 16)

    sc_hist = jax.named_scope("ph_hist")
    sc_hist.__enter__()

    def hist_body(i, hq):
        ev = idx_v[pl.ds(i * 16, 16)]
        for l in range(16):
            e = ev[l]
            hq = tuple(hq[q] + (iota + 16 * q == e).astype(jnp.int32)
                       for q in range(E // 16))
        return hq
    hq = lax.fori_loop(0, CHUNK // 16, hist_body, (zv,) * (E // 16))
    for q in range(E // 16):
        hist_v[pl.ds(q * 16, 16)] = hq[q]
    sc_hist.__exit__(None, None, None)

    sc_pub = jax.named_scope("ph_publish")
    sc_pub.__enter__()
    pltpu.sync_copy(hist_v, hist_sh.at[pl.ds(s * E, E)])
    pltpu.sync_copy(zi_v, ids_sh.at[pl.ds(s * ZCHUNK, ZCHUNK)])
    pltpu.sync_copy(zf_v, ws_sh.at[pl.ds(s * ZCHUNK, ZCHUNK)])
    plsc.subcore_barrier()
    pltpu.sync_copy(hist_sh, allhist_v)
    sc_pub.__exit__(None, None, None)

    sc_meta = jax.named_scope("ph_meta")
    sc_meta.__enter__()
    for q in range((E + 16) // 16):
        seglist_v[pl.ds(q * 16, 16)] = zv
    carry = jnp.int32(0)
    segcarry = jnp.int32(0)
    for q in range(E // 16):
        tot = zv
        rb = zv
        for t in range(NS):
            h = allhist_v[pl.ds(t * E + q * 16, 16)]
            tot = tot + h
            rb = rb + jnp.where(jnp.full((16,), t, jnp.int32) < s, h, zv)
        rb_v[pl.ds(q * 16, 16)] = rb
        nblk = (tot + (BLOCK - 1)) >> 5
        ends = plsc.cumsum(nblk) + carry
        ends_v[pl.ds(q * 16, 16)] = ends
        po_v[pl.ds(q * 16, 16)] = (ends - nblk) * BLOCK
        carry = carry + jnp.sum(nblk)
        nz = jnp.minimum(nblk, 1)
        segrank = plsc.cumsum(nz) - nz + segcarry
        plsc.store_scatter(seglist_v, [segrank], iota + 16 * q,
                           mask=(nz == 1))
        segcarry = segcarry + jnp.sum(nz)
    seglist_v[pl.ds(E, 16)] = zv + segcarry

    sc_meta.__exit__(None, None, None)
    sc_pos = jax.named_scope("ph_pos")
    sc_pos.__enter__()
    def pos_body(i, lcq):
        for q in range(E // 16):
            runh_v[pl.ds(q * 16, 16)] = lcq[q]
        ev = idx_v[pl.ds(i * 16, 16)]
        pv = (plsc.load_gather(po_v, [ev]) + plsc.load_gather(rb_v, [ev])
              + plsc.load_gather(runh_v, [ev]))
        intra = zv
        for l in range(16):
            e = ev[l]
            intra = intra + ((iota > l) & (ev == e)).astype(jnp.int32)
            lcq = tuple(lcq[q] + (iota + 16 * q == e).astype(jnp.int32)
                        for q in range(E // 16))
        plist_v[pl.ds(i * 16, 16)] = pv + intra
        return lcq
    lax.fori_loop(0, CHUNK // 16, pos_body, (zv,) * (E // 16))
    sc_pos.__exit__(None, None, None)

    with jax.named_scope("ph_scatter"):
        plsc.subcore_barrier()
        pltpu.sync_copy(tok_v, ids_sh.at[plist_v])
        pltpu.sync_copy(wgt_v, ws_sh.at[plist_v])
        plsc.subcore_barrier()

    sc_be = jax.named_scope("ph_be")
    sc_be.__enter__()

    def be_body(i, carry2):
        gv = iota + i * 16
        cnt = zv
        for q in range(E // 16):
            endsq = ends_v[pl.ds(q * 16, 16)]
            for l in range(16):
                cnt = cnt + (gv >= endsq[l]).astype(jnp.int32)
        be_v[pl.ds(i * 16, 16)] = jnp.minimum(cnt, E - 1)
        return carry2
    lax.fori_loop(0, G // 16, be_body, 0)

    @pl.when(jnp.logical_and(s == 0, c == 0))
    def _():
        pltpu.sync_copy(be_v, be_hbm)
        pltpu.sync_copy(seglist_v, seg_hbm)

    @pl.when(c == 0)
    def _():
        pltpu.sync_copy(plist_v, pos_hbm.at[pl.ds(base, CHUNK)])
        pltpu.sync_copy(ws_sh.at[pl.ds(s * ZCHUNK, ZCHUNK)],
                        ws_hbm.at[pl.ds(s * ZCHUNK, ZCHUNK)])

    sc_be.__exit__(None, None, None)

    with jax.named_scope("ph_xgather"):
        w = s * NC + c
        for r in range(2):
            row0 = w * PW + r * HPW
            pltpu.sync_copy(ids_sh.at[pl.ds(row0, HPW)], gid_v)
            pltpu.async_copy(x_hbm.at[gid_v], rows_v, sem).wait()
            pltpu.sync_copy(rows_v, xs_hbm.at[pl.ds(row0, HPW)])


@functools.partial(
    pl.kernel,
    out_type=jax.ShapeDtypeStruct((S, DIM), jnp.float32),
    mesh=_sc_mesh,
    scratch_types=[
        pltpu.VMEM((UCHUNK,), jnp.int32),
        pltpu.VMEM((UCHUNK, DIM), jnp.float32),
        pltpu.SemaphoreType.DMA,
    ],
    compiler_params=pltpu.CompilerParams(needs_layout_passes=False),
)
def _sc_unpermute(pos_hbm, ys_hbm, out_hbm, pid_v, rows_v, sem):
    w = lax.axis_index("s") * NC + lax.axis_index("c")
    base = w * UCHUNK
    pltpu.sync_copy(pos_hbm.at[pl.ds(base, UCHUNK)], pid_v)
    pltpu.async_copy(ys_hbm.at[pid_v], rows_v, sem).wait()
    pltpu.sync_copy(rows_v, out_hbm.at[pl.ds(base, UCHUNK)])


@jax.jit
def kernel(x, gate_w, w1, w2, balance_bias):
    b, s, d = x.shape
    xf = x.reshape(s, d)

    top1, wgt = pl.pallas_call(
        _gate_kernel,
        grid=(s // TB,),
        in_specs=[
            pl.BlockSpec((TB, DIM), lambda t: (t, 0)),
            pl.BlockSpec((E, DIM), lambda t: (0, 0)),
            pl.BlockSpec((1, E), lambda t: (0, 0)),
        ],
        out_specs=[
            pl.BlockSpec((TB, 1), lambda t: (t, 0)),
            pl.BlockSpec((TB, 1), lambda t: (t, 0)),
        ],
        out_shape=[
            jax.ShapeDtypeStruct((s, 1), jnp.int32),
            jax.ShapeDtypeStruct((s, 1), jnp.float32),
        ],
    )(xf, gate_w, balance_bias.reshape(1, E))

    x_sorted, ws, block_expert, pos, seglist = _sc_route(
        top1.reshape(s), wgt.reshape(s), xf)

    y_sorted = pl.pallas_call(
        _ffn_kernel,
        grid_spec=pltpu.PrefetchScalarGridSpec(
            num_scalar_prefetch=2,
            grid=(1,),
            in_specs=[
                pl.BlockSpec(memory_space=pl.ANY),
                pl.BlockSpec(memory_space=pl.ANY),
                pl.BlockSpec(memory_space=pl.ANY),
                pl.BlockSpec(memory_space=pl.ANY),
            ],
            out_specs=pl.BlockSpec(memory_space=pl.ANY),
            scratch_shapes=[
                pltpu.VMEM((P, DIM), jnp.float32),
                pltpu.VMEM((P, DIM), jnp.float32),
                pltpu.VMEM((P, 1), jnp.float32),
                pltpu.VMEM((3, DIM, ED), jnp.float32),
                pltpu.VMEM((3, ED, DIM), jnp.float32),
                pltpu.SemaphoreType.DMA((NCH,)),
                pltpu.SemaphoreType.DMA,
                pltpu.SemaphoreType.DMA((3, 2)),
                pltpu.SemaphoreType.DMA,
            ],
        ),
        out_shape=jax.ShapeDtypeStruct((P, DIM), jnp.float32),
        compiler_params=pltpu.CompilerParams(
            vmem_limit_bytes=100 * 1024 * 1024),
    )(block_expert, seglist, x_sorted, w1, w2, ws.reshape(P, 1))

    out = _sc_unpermute(pos, y_sorted)
    return out.reshape(b, s, d)

# --- scband reference (transcript-rebuilt; emitter-appended) ---
"""Pipeline reference for scband-sigmoid-mo-erouter-63015760167161 (READ-ONLY COPY).

The authoritative reference and input builder live on the scoring server;
editing this copy changes nothing except your own understanding.
"""

import jax, jax.numpy as jnp
import numpy as np

B = 1
S = 2048
DIM = 768
E = 64
K = 1
EXPERT_DIM = 128


def setup_inputs(seed: int = 0) -> dict:
    key = jax.random.key(seed)
    k0, k1, k2, k3 = jax.random.split(key, 4)
    x = jax.random.normal(k0, (B, S, DIM), dtype=jnp.float32)
    # gate: nn.Linear(dim, num_experts, bias=False) -> weight [E, DIM]
    gate_w = jax.random.normal(k1, (E, DIM), dtype=jnp.float32) * (DIM ** -0.5)
    # expert FFNs, stacked. w1[e]: [DIM, EXPERT_DIM] (pre-transposed), w2[e]: [EXPERT_DIM, DIM]
    w1 = jax.random.normal(k2, (E, DIM, EXPERT_DIM), dtype=jnp.float32) * (DIM ** -0.5)
    w2 = jax.random.normal(k3, (E, EXPERT_DIM, DIM), dtype=jnp.float32) * (EXPERT_DIM ** -0.5)
    balance_bias = jnp.zeros((E,), dtype=jnp.float32)
    return {"x": x, "gate_w": gate_w, "w1": w1, "w2": w2, "balance_bias": balance_bias}


def reference(x, gate_w, w1, w2, balance_bias):
    b, s, d = x.shape
    x_flat = x.reshape(-1, d)
    # gate logits + sigmoid with per-expert balance bias (noaux_tc)
    gate_logits = x_flat @ gate_w.T
    gate_scores = jax.nn.sigmoid(gate_logits + balance_bias)
    # top-k selection per token
    topk_scores, topk_indices = jax.lax.top_k(gate_scores, K)
    topk_scores = topk_scores / (jnp.sum(topk_scores, axis=-1, keepdims=True) + 1e-06)
    # dense masked-combine formulation: mathematically identical to the
    # torch per-expert gather loop (tokens not routed to expert e get weight 0)
    output = jnp.zeros_like(x_flat)
    for e in range(E):
        combine_e = jnp.sum(jnp.where(topk_indices == e, topk_scores, 0.0), axis=-1)  # [tokens]
        h = jax.nn.silu(x_flat @ w1[e])
        expert_out = h @ w2[e]
        output = output + combine_e[:, None] * expert_out
    return output.reshape(b, s, d)

if __name__ == "__main__":
    import jax
    _d = setup_inputs()
    print(jax.jit(kernel)(*tuple(_d.values())))

</pallas_src>

<mosaic_0001>
#map = affine_map<(d0, d1) -> (0)>
#map1 = affine_map<(d0, d1) -> (0, 0)>
module attributes {stable_mosaic.version = 14 : i64} {
  func.func @_sc_route(%arg0: i32, %arg1: i32, %arg2: memref<2048xi32, #tpu.memory_space<hbm>>, %arg3: memref<2048xf32, #tpu.memory_space<hbm>>, %arg4: memref<2048x768xf32, #tpu.memory_space<hbm>>, %arg5: memref<4096x768xf32, #tpu.memory_space<hbm>>, %arg6: memref<4096xf32, #tpu.memory_space<hbm>>, %arg7: memref<128xi32, #tpu.memory_space<hbm>>, %arg8: memref<2048xi32, #tpu.memory_space<hbm>>, %arg9: memref<80xi32, #tpu.memory_space<hbm>>, %arg10: memref<128xi32, #tpu.memory_space<vmem>>, %arg11: memref<128xf32, #tpu.memory_space<vmem>>, %arg12: memref<1024xi32, #tpu.memory_space<vmem>>, %arg13: memref<64xi32, #tpu.memory_space<vmem>>, %arg14: memref<64xi32, #tpu.memory_space<vmem>>, %arg15: memref<64xi32, #tpu.memory_space<vmem>>, %arg16: memref<64xi32, #tpu.memory_space<vmem>>, %arg17: memref<64xi32, #tpu.memory_space<vmem>>, %arg18: memref<80xi32, #tpu.memory_space<vmem>>, %arg19: memref<128xi32, #tpu.memory_space<vmem>>, %arg20: memref<128xi32, #tpu.memory_space<vmem>>, %arg21: memref<128xi32, #tpu.memory_space<vmem>>, %arg22: memref<256xi32, #tpu.memory_space<vmem>>, %arg23: memref<256xf32, #tpu.memory_space<vmem>>, %arg24: memref<64xi32, #tpu.memory_space<vmem>>, %arg25: memref<64x768xf32, #tpu.memory_space<vmem>>, %arg26: memref<1024xi32, #tpu.memory_space<vmem_shared>>, %arg27: memref<4096xi32, #tpu.memory_space<vmem_shared>>, %arg28: memref<4096xf32, #tpu.memory_space<vmem_shared>>, %arg29: memref<!tpu.dma_semaphore, #tpu.memory_space<semaphore_mem>>) attributes {dimension_semantics = [#tpu.dimension_semantics<core_parallel>, #tpu.dimension_semantics<subcore_parallel>], iteration_bounds = array<i64: 2, 16>, scalar_prefetch = 0 : i64, scratch_operands = 20 : i64, tpu.core_type = #tpu.core_type<sc_vector_subcore>, window_params = [{transform_indices = #map}, {transform_indices = #map}, {transform_indices = #map1}, {transform_indices = #map1}, {transform_indices = #map}, {transform_indices = #map}, {transform_indices = #map}, {transform_indices = #map}]} {
    %mul3A = arith.constant 128 : i32
    %mul3A_0 = arith.muli %arg1, %mul3A : i32
    %iota3A = tpu.iota {dimensions = array<i32: 0>} : vector<16xi32>
    %broadcast_in_dim3A = arith.constant 0 : i32
    %broadcast_in_dim3A_1 = vector.broadcast %broadcast_in_dim3A : i32 to vector<16xi32>
    "tpu.trace_start"() <{level = 10 : i32, message = "ph_dma_in"}> : () -> ()
    "tpu.region"() ({
      %run_scoped3A = tpu.sem_alloc : memref<!tpu.dma_semaphore, #tpu.memory_space<semaphore_mem>>
      %dma_start3A_1121 = tpu.memref_slice %arg2[%mul3A_0] : memref<2048xi32, #tpu.memory_space<hbm>> -> memref<128xi32, #tpu.memory_space<hbm>>
      %dma_start3A_1122 = tpu.memref_slice %arg2[%mul3A_0] : memref<2048xi32, #tpu.memory_space<hbm>> -> memref<128xi32, #tpu.memory_space<hbm>>
      tpu.enqueue_dma source(%dma_start3A_1122 : memref<128xi32, #tpu.memory_space<hbm>>) target(%arg10 : memref<128xi32, #tpu.memory_space<vmem>>) target_semaphore(%run_scoped3A : memref<!tpu.dma_semaphore, #tpu.memory_space<semaphore_mem>>)
      %dma_wait3A_1123 = tpu.memref_slice %arg2[%mul3A_0] : memref<2048xi32, #tpu.memory_space<hbm>> -> memref<128xi32, #tpu.memory_space<hbm>>
      %dma_wait3A_1124 = tpu.memref_slice %arg2[%mul3A_0] : memref<2048xi32, #tpu.memory_space<hbm>> -> memref<128xi32, #tpu.memory_space<hbm>>
      tpu.wait_dma2 semaphore(%run_scoped3A : memref<!tpu.dma_semaphore, #tpu.memory_space<semaphore_mem>>) src(%dma_wait3A_1124 : memref<128xi32, #tpu.memory_space<hbm>>) dst(%arg10 : memref<128xi32, #tpu.memory_space<vmem>>)
      tpu.yield
    }) : () -> ()
    "tpu.region"() ({
      %run_scoped3A = tpu.sem_alloc : memref<!tpu.dma_semaphore, #tpu.memory_space<semaphore_mem>>
      %dma_start3A_1121 = tpu.memref_slice %arg3[%mul3A_0] : memref<2048xf32, #tpu.memory_space<hbm>> -> memref<128xf32, #tpu.memory_space<hbm>>
      %dma_start3A_1122 = tpu.memref_slice %arg3[%mul3A_0] : memref<2048xf32, #tpu.memory_space<hbm>> -> memref<128xf32, #tpu.memory_space<hbm>>
      tpu.enqueue_dma source(%dma_start3A_1122 : memref<128xf32, #tpu.memory_space<hbm>>) target(%arg11 : memref<128xf32, #tpu.memory_space<vmem>>) target_semaphore(%run_scoped3A : memref<!tpu.dma_semaphore, #tpu.memory_space<semaphore_mem>>)
      %dma_wait3A_1123 = tpu.memref_slice %arg3[%mul3A_0] : memref<2048xf32, #tpu.memory_space<hbm>> -> memref<128xf32, #tpu.memory_space<hbm>>
      %dma_wait3A_1124 = tpu.memref_slice %arg3[%mul3A_0] : memref<2048xf32, #tpu.memory_space<hbm>> -> memref<128xf32, #tpu.memory_space<hbm>>
      tpu.wait_dma2 semaphore(%run_scoped3A : memref<!tpu.dma_semaphore, #tpu.memory_space<semaphore_mem>>) src(%dma_wait3A_1124 : memref<128xf32, #tpu.memory_space<hbm>>) dst(%arg11 : memref<128xf32, #tpu.memory_space<vmem>>)
      tpu.yield
    }) : () -> ()
    "tpu.trace_stop"() : () -> ()
    %mul3A_2 = arith.constant 256 : i32
    %mul3A_3 = arith.muli %arg1, %mul3A_2 : i32
    %add3A = arith.constant 0 : i32
    %add3A_4 = arith.addi %mul3A_3, %add3A : i32
    %add3A_5 = vector.broadcast %add3A_4 : i32 to vector<16xi32>
    %add3A_6 = arith.addi %iota3A, %add3A_5 : vector<16xi32>
    %and3A = arith.constant 2047 : i32
    %and3A_7 = vector.broadcast %and3A : i32 to vector<16xi32>
    %and3A_8 = arith.andi %add3A_6, %and3A_7 : vector<16xi32>
    %swap3A = arith.constant 0 : index
    %swap3A_9 = tpu.vector_load %arg22[%swap3A] {strides = array<i32>} : memref<256xi32, #tpu.memory_space<vmem>>, vector<16xi32>,
    tpu.vector_store %arg22[%swap3A], %and3A_8 {strides = array<i32>} : memref<256xi32, #tpu.memory_space<vmem>>, vector<16xi32>,
    %broadcast_in_dim3A_10 = arith.constant 0.000000e+00 : f32
    %broadcast_in_dim3A_11 = vector.broadcast %broadcast_in_dim3A_10 : f32 to vector<16xf32>
    %swap3A_12 = arith.constant 0 : index
    %swap3A_13 = tpu.vector_load %arg23[%swap3A_12] {strides = array<i32>} : memref<256xf32, #tpu.memory_space<vmem>>, vector<16xf32>,
    tpu.vector_store %arg23[%swap3A_12], %broadcast_in_dim3A_11 {strides = array<i32>} : memref<256xf32, #tpu.memory_space<vmem>>, vector<16xf32>,
    %mul3A_14 = arith.constant 256 : i32
    %mul3A_15 = arith.muli %arg1, %mul3A_14 : i32
    %add3A_16 = arith.constant 16 : i32
    %add3A_17 = arith.addi %mul3A_15, %add3A_16 : i32
    %add3A_18 = vector.broadcast %add3A_17 : i32 to vector<16xi32>
    %add3A_19 = arith.addi %iota3A, %add3A_18 : vector<16xi32>
    %and3A_20 = arith.constant 2047 : i32
    %and3A_21 = vector.broadcast %and3A_20 : i32 to vector<16xi32>
    %and3A_22 = arith.andi %add3A_19, %and3A_21 : vector<16xi32>
    %swap3A_23 = arith.constant 16 : index
    %swap3A_24 = tpu.vector_load %arg22[%swap3A_23] {strides = array<i32>} : memref<256xi32, #tpu.memory_space<vmem>>, vector<16xi32>,
    tpu.vector_store %arg22[%swap3A_23], %and3A_22 {strides = array<i32>} : memref<256xi32, #tpu.memory_space<vmem>>, vector<16xi32>,
    %broadcast_in_dim3A_25 = arith.constant 0.000000e+00 : f32
    %broadcast_in_dim3A_26 = vector.broadcast %broadcast_in_dim3A_25 : f32 to vector<16xf32>
    %swap3A_27 = arith.constant 16 : index
    %swap3A_28 = tpu.vector_load %arg23[%swap3A_27] {strides = array<i32>} : memref<256xf32, #tpu.memory_space<vmem>>, vector<16xf32>,
    tpu.vector_store %arg23[%swap3A_27], %broadcast_in_dim3A_26 {strides = array<i32>} : memref<256xf32, #tpu.memory_space<vmem>>, vector<16xf32>,
    %mul3A_29 = arith.constant 256 : i32
    %mul3A_30 = arith.muli %arg1, %mul3A_29 : i32
    %add3A_31 = arith.constant 32 : i32
    %add3A_32 = arith.addi %mul3A_30, %add3A_31 : i32
    %add3A_33 = vector.broadcast %add3A_32 : i32 to vector<16xi32>
    %add3A_34 = arith.addi %iota3A, %add3A_33 : vector<16xi32>
    %and3A_35 = arith.constant 2047 : i32
    %and3A_36 = vector.broadcast %and3A_35 : i32 to vector<16xi32>
    %and3A_37 = arith.andi %add3A_34, %and3A_36 : vector<16xi32>
    %swap3A_38 = arith.constant 32 : index
    %swap3A_39 = tpu.vector_load %arg22[%swap3A_38] {strides = array<i32>} : memref<256xi32, #tpu.memory_space<vmem>>, vector<16xi32>,
    tpu.vector_store %arg22[%swap3A_38], %and3A_37 {strides = array<i32>} : memref<256xi32, #tpu.memory_space<vmem>>, vector<16xi32>,
    %broadcast_in_dim3A_40 = arith.constant 0.000000e+00 : f32
    %broadcast_in_dim3A_41 = vector.broadcast %broadcast_in_dim3A_40 : f32 to vector<16xf32>
    %swap3A_42 = arith.constant 32 : index
    %swap3A_43 = tpu.vector_load %arg23[%swap3A_42] {strides = array<i32>} : memref<256xf32, #tpu.memory_space<vmem>>, vector<16xf32>,
    tpu.vector_store %arg23[%swap3A_42], %broadcast_in_dim3A_41 {strides = array<i32>} : memref<256xf32, #tpu.memory_space<vmem>>, vector<16xf32>,
    %mul3A_44 = arith.constant 256 : i32
    %mul3A_45 = arith.muli %arg1, %mul3A_44 : i32
    %add3A_46 = arith.constant 48 : i32
    %add3A_47 = arith.addi %mul3A_45, %add3A_46 : i32
    %add3A_48 = vector.broadcast %add3A_47 : i32 to vector<16xi32>
    %add3A_49 = arith.addi %iota3A, %add3A_48 : vector<16xi32>
    %and3A_50 = arith.constant 2047 : i32
    %and3A_51 = vector.broadcast %and3A_50 : i32 to vector<16xi32>
    %and3A_52 = arith.andi %add3A_49, %and3A_51 : vector<16xi32>
    %swap3A_53 = arith.constant 48 : index
    %swap3A_54 = tpu.vector_load %arg22[%swap3A_53] {strides = array<i32>} : memref<256xi32, #tpu.memory_space<vmem>>, vector<16xi32>,
    tpu.vector_store %arg22[%swap3A_53], %and3A_52 {strides = array<i32>} : memref<256xi32, #tpu.memory_space<vmem>>, vector<16xi32>,
    %broadcast_in_dim3A_55 = arith.constant 0.000000e+00 : f32
    %broadcast_in_dim3A_56 = vector.broadcast %broadcast_in_dim3A_55 : f32 to vector<16xf32>
    %swap3A_57 = arith.constant 48 : index
    %swap3A_58 = tpu.vector_load %arg23[%swap3A_57] {strides = array<i32>} : memref<256xf32, #tpu.memory_space<vmem>>, vector<16xf32>,
    tpu.vector_store %arg23[%swap3A_57], %broadcast_in_dim3A_56 {strides = array<i32>} : memref<256xf32, #tpu.memory_space<vmem>>, vector<16xf32>,
    %mul3A_59 = arith.constant 256 : i32
    %mul3A_60 = arith.muli %arg1, %mul3A_59 : i32
    %add3A_61 = arith.constant 64 : i32
    %add3A_62 = arith.addi %mul3A_60, %add3A_61 : i32
    %add3A_63 = vector.broadcast %add3A_62 : i32 to vector<16xi32>
    %add3A_64 = arith.addi %iota3A, %add3A_63 : vector<16xi32>
    %and3A_65 = arith.constant 2047 : i32
    %and3A_66 = vector.broadcast %and3A_65 : i32 to vector<16xi32>
    %and3A_67 = arith.andi %add3A_64, %and3A_66 : vector<16xi32>
    %swap3A_68 = arith.constant 64 : index
    %swap3A_69 = tpu.vector_load %arg22[%swap3A_68] {strides = array<i32>} : memref<256xi32, #tpu.memory_space<vmem>>, vector<16xi32>,
    tpu.vector_store %arg22[%swap3A_68], %and3A_67 {strides = array<i32>} : memref<256xi32, #tpu.memory_space<vmem>>, vector<16xi32>,
    %broadcast_in_dim3A_70 = arith.constant 0.000000e+00 : f32
    %broadcast_in_dim3A_71 = vector.broadcast %broadcast_in_dim3A_70 : f32 to vector<16xf32>
    %swap3A_72 = arith.constant 64 : index
    %swap3A_73 = tpu.vector_load %arg23[%swap3A_72] {strides = array<i32>} : memref<256xf32, #tpu.memory_space<vmem>>, vector<16xf32>,
    tpu.vector_store %arg23[%swap3A_72], %broadcast_in_dim3A_71 {strides = array<i32>} : memref<256xf32, #tpu.memory_space<vmem>>, vector<16xf32>,
    %mul3A_74 = arith.constant 256 : i32
    %mul3A_75 = arith.muli %arg1, %mul3A_74 : i32
    %add3A_76 = arith.constant 80 : i32
    %add3A_77 = arith.addi %mul3A_75, %add3A_76 : i32
    %add3A_78 = vector.broadcast %add3A_77 : i32 to vector<16xi32>
    %add3A_79 = arith.addi %iota3A, %add3A_78 : vector<16xi32>
    %and3A_80 = arith.constant 2047 : i32
    %and3A_81 = vector.broadcast %and3A_80 : i32 to vector<16xi32>
    %and3A_82 = arith.andi %add3A_79, %and3A_81 : vector<16xi32>
    %swap3A_83 = arith.constant 80 : index
    %swap3A_84 = tpu.vector_load %arg22[%swap3A_83] {strides = array<i32>} : memref<256xi32, #tpu.memory_space<vmem>>, vector<16xi32>,
    tpu.vector_store %arg22[%swap3A_83], %and3A_82 {strides = array<i32>} : memref<256xi32, #tpu.memory_space<vmem>>, vector<16xi32>,
    %broadcast_in_dim3A_85 = arith.constant 0.000000e+00 : f32
    %broadcast_in_dim3A_86 = vector.broadcast %broadcast_in_dim3A_85 : f32 to vector<16xf32>
    %swap3A_87 = arith.constant 80 : index
    %swap3A_88 = tpu.vector_load %arg23[%swap3A_87] {strides = array<i32>} : memref<256xf32, #tpu.memory_space<vmem>>, vector<16xf32>,
    tpu.vector_store %arg23[%swap3A_87], %broadcast_in_dim3A_86 {strides = array<i32>} : memref<256xf32, #tpu.memory_space<vmem>>, vector<16xf32>,
    %mul3A_89 = arith.constant 256 : i32
    %mul3A_90 = arith.muli %arg1, %mul3A_89 : i32
    %add3A_91 = arith.constant 96 : i32
    %add3A_92 = arith.addi %mul3A_90, %add3A_91 : i32
    %add3A_93 = vector.broadcast %add3A_92 : i32 to vector<16xi32>
    %add3A_94 = arith.addi %iota3A, %add3A_93 : vector<16xi32>
    %and3A_95 = arith.constant 2047 : i32
    %and3A_96 = vector.broadcast %and3A_95 : i32 to vector<16xi32>
    %and3A_97 = arith.andi %add3A_94, %and3A_96 : vector<16xi32>
    %swap3A_98 = arith.constant 96 : index
    %swap3A_99 = tpu.vector_load %arg22[%swap3A_98] {strides = array<i32>} : memref<256xi32, #tpu.memory_space<vmem>>, vector<16xi32>,
    tpu.vector_store %arg22[%swap3A_98], %and3A_97 {strides = array<i32>} : memref<256xi32, #tpu.memory_space<vmem>>, vector<16xi32>,
    %broadcast_in_dim3A_100 = arith.constant 0.000000e+00 : f32
    %broadcast_in_dim3A_101 = vector.broadcast %broadcast_in_dim3A_100 : f32 to vector<16xf32>
    %swap3A_102 = arith.constant 96 : index
    %swap3A_103 = tpu.vector_load %arg23[%swap3A_102] {strides = array<i32>} : memref<256xf32, #tpu.memory_space<vmem>>, vector<16xf32>,
    tpu.vector_store %arg23[%swap3A_102], %broadcast_in_dim3A_101 {strides = array<i32>} : memref<256xf32, #tpu.memory_space<vmem>>, vector<16xf32>,
    %mul3A_104 = arith.constant 256 : i32
    %mul3A_105 = arith.muli %arg1, %mul3A_104 : i32
    %add3A_106 = arith.constant 112 : i32
    %add3A_107 = arith.addi %mul3A_105, %add3A_106 : i32
    %add3A_108 = vector.broadcast %add3A_107 : i32 to vector<16xi32>
    %add3A_109 = arith.addi %iota3A, %add3A_108 : vector<16xi32>
    %and3A_110 = arith.constant 2047 : i32
    %and3A_111 = vector.broadcast %and3A_110 : i32 to vector<16xi32>
    %and3A_112 = arith.andi %add3A_109, %and3A_111 : vector<16xi32>
    %swap3A_113 = arith.constant 112 : index
    %swap3A_114 = tpu.vector_load %arg22[%swap3A_113] {strides = array<i32>} : memref<256xi32, #tpu.memory_space<vmem>>, vector<16xi32>,
    tpu.vector_store %arg22[%swap3A_113], %and3A_112 {strides = array<i32>} : memref<256xi32, #tpu.memory_space<vmem>>, vector<16xi32>,
    %broadcast_in_dim3A_115 = arith.constant 0.000000e+00 : f32
    %broadcast_in_dim3A_116 = vector.broadcast %broadcast_in_dim3A_115 : f32 to vector<16xf32>
    %swap3A_117 = arith.constant 112 : index
    %swap3A_118 = tpu.vector_load %arg23[%swap3A_117] {strides = array<i32>} : memref<256xf32, #tpu.memory_space<vmem>>, vector<16xf32>,
    tpu.vector_store %arg23[%swap3A_117], %broadcast_in_dim3A_116 {strides = array<i32>} : memref<256xf32, #tpu.memory_space<vmem>>, vector<16xf32>,
    %mul3A_119 = arith.constant 256 : i32
    %mul3A_120 = arith.muli %arg1, %mul3A_119 : i32
    %add3A_121 = arith.constant 128 : i32
    %add3A_122 = arith.addi %mul3A_120, %add3A_121 : i32
    %add3A_123 = vector.broadcast %add3A_122 : i32 to vector<16xi32>
    %add3A_124 = arith.addi %iota3A, %add3A_123 : vector<16xi32>
    %and3A_125 = arith.constant 2047 : i32
    %and3A_126 = vector.broadcast %and3A_125 : i32 to vector<16xi32>
    %and3A_127 = arith.andi %add3A_124, %and3A_126 : vector<16xi32>
    %swap3A_128 = arith.constant 128 : index
    %swap3A_129 = tpu.vector_load %arg22[%swap3A_128] {strides = array<i32>} : memref<256xi32, #tpu.memory_space<vmem>>, vector<16xi32>,
    tpu.vector_store %arg22[%swap3A_128], %and3A_127 {strides = array<i32>} : memref<256xi32, #tpu.memory_space<vmem>>, vector<16xi32>,
    %broadcast_in_dim3A_130 = arith.constant 0.000000e+00 : f32
    %broadcast_in_dim3A_131 = vector.broadcast %broadcast_in_dim3A_130 : f32 to vector<16xf32>
    %swap3A_132 = arith.constant 128 : index
    %swap3A_133 = tpu.vector_load %arg23[%swap3A_132] {strides = array<i32>} : memref<256xf32, #tpu.memory_space<vmem>>, vector<16xf32>,
    tpu.vector_store %arg23[%swap3A_132], %broadcast_in_dim3A_131 {strides = array<i32>} : memref<256xf32, #tpu.memory_space<vmem>>, vector<16xf32>,
    %mul3A_134 = arith.constant 256 : i32
    %mul3A_135 = arith.muli %arg1, %mul3A_134 : i32
    %add3A_136 = arith.constant 144 : i32
    %add3A_137 = arith.addi %mul3A_135, %add3A_136 : i32
    %add3A_138 = vector.broadcast %add3A_137 : i32 to vector<16xi32>
    %add3A_139 = arith.addi %iota3A, %add3A_138 : vector<16xi32>
    %and3A_140 = arith.constant 2047 : i32
    %and3A_141 = vector.broadcast %and3A_140 : i32 to vector<16xi32>
    %and3A_142 = arith.andi %add3A_139, %and3A_141 : vector<16xi32>
    %swap3A_143 = arith.constant 144 : index
    %swap3A_144 = tpu.vector_load %arg22[%swap3A_143] {strides = array<i32>} : memref<256xi32, #tpu.memory_space<vmem>>, vector<16xi32>,
    tpu.vector_store %arg22[%swap3A_143], %and3A_142 {strides = array<i32>} : memref<256xi32, #tpu.memory_space<vmem>>, vector<16xi32>,
    %broadcast_in_dim3A_145 = arith.constant 0.000000e+00 : f32
    %broadcast_in_dim3A_146 = vector.broadcast %broadcast_in_dim3A_145 : f32 to vector<16xf32>
    %swap3A_147 = arith.constant 144 : index
    %swap3A_148 = tpu.vector_load %arg23[%swap3A_147] {strides = array<i32>} : memref<256xf32, #tpu.memory_space<vmem>>, vector<16xf32>,
    tpu.vector_store %arg23[%swap3A_147], %broadcast_in_dim3A_146 {strides = array<i32>} : memref<256xf32, #tpu.memory_space<vmem>>, vector<16xf32>,
    %mul3A_149 = arith.constant 256 : i32
    %mul3A_150 = arith.muli %arg1, %mul3A_149 : i32
    %add3A_151 = arith.constant 160 : i32
    %add3A_152 = arith.addi %mul3A_150, %add3A_151 : i32
    %add3A_153 = vector.broadcast %add3A_152 : i32 to vector<16xi32>
    %add3A_154 = arith.addi %iota3A, %add3A_153 : vector<16xi32>
    %and3A_155 = arith.constant 2047 : i32
    %and3A_156 = vector.broadcast %and3A_155 : i32 to vector<16xi32>
    %and3A_157 = arith.andi %add3A_154, %and3A_156 : vector<16xi32>
    %swap3A_158 = arith.constant 160 : index
    %swap3A_159 = tpu.vector_load %arg22[%swap3A_158] {strides = array<i32>} : memref<256xi32, #tpu.memory_space<vmem>>, vector<16xi32>,
    tpu.vector_store %arg22[%swap3A_158], %and3A_157 {strides = array<i32>} : memref<256xi32, #tpu.memory_space<vmem>>, vector<16xi32>,
    %broadcast_in_dim3A_160 = arith.constant 0.000000e+00 : f32
    %broadcast_in_dim3A_161 = vector.broadcast %broadcast_in_dim3A_160 : f32 to vector<16xf32>
    %swap3A_162 = arith.constant 160 : index
    %swap3A_163 = tpu.vector_load %arg23[%swap3A_162] {strides = array<i32>} : memref<256xf32, #tpu.memory_space<vmem>>, vector<16xf32>,
    tpu.vector_store %arg23[%swap3A_162], %broadcast_in_dim3A_161 {strides = array<i32>} : memref<256xf32, #tpu.memory_space<vmem>>, vector<16xf32>,
    %mul3A_164 = arith.constant 256 : i32
    %mul3A_165 = arith.muli %arg1, %mul3A_164 : i32
    %add3A_166 = arith.constant 176 : i32
    %add3A_167 = arith.addi %mul3A_165, %add3A_166 : i32
    %add3A_168 = vector.broadcast %add3A_167 : i32 to vector<16xi32>
    %add3A_169 = arith.addi %iota3A, %add3A_168 : vector<16xi32>
    %and3A_170 = arith.constant 2047 : i32
    %and3A_171 = vector.broadcast %and3A_170 : i32 to vector<16xi32>
    %and3A_172 = arith.andi %add3A_169, %and3A_171 : vector<16xi32>
    %swap3A_173 = arith.constant 176 : index
    %swap3A_174 = tpu.vector_load %arg22[%swap3A_173] {strides = array<i32>} : memref<256xi32, #tpu.memory_space<vmem>>, vector<16xi32>,
    tpu.vector_store %arg22[%swap3A_173], %and3A_172 {strides = array<i32>} : memref<256xi32, #tpu.memory_space<vmem>>, vector<16xi32>,
    %broadcast_in_dim3A_175 = arith.constant 0.000000e+00 : f32
    %broadcast_in_dim3A_176 = vector.broadcast %broadcast_in_dim3A_175 : f32 to vector<16xf32>
    %swap3A_177 = arith.constant 176 : index
    %swap3A_178 = tpu.vector_load %arg23[%swap3A_177] {strides = array<i32>} : memref<256xf32, #tpu.memory_space<vmem>>, vector<16xf32>,
    tpu.vector_store %arg23[%swap3A_177], %broadcast_in_dim3A_176 {strides = array<i32>} : memref<256xf32, #tpu.memory_space<vmem>>, vector<16xf32>,
    %mul3A_179 = arith.constant 256 : i32
    %mul3A_180 = arith.muli %arg1, %mul3A_179 : i32
    %add3A_181 = arith.constant 192 : i32
    %add3A_182 = arith.addi %mul3A_180, %add3A_181 : i32
    %add3A_183 = vector.broadcast %add3A_182 : i32 to vector<16xi32>
    %add3A_184 = arith.addi %iota3A, %add3A_183 : vector<16xi32>
    %and3A_185 = arith.constant 2047 : i32
    %and3A_186 = vector.broadcast %and3A_185 : i32 to vector<16xi32>
    %and3A_187 = arith.andi %add3A_184, %and3A_186 : vector<16xi32>
    %swap3A_188 = arith.constant 192 : index
    %swap3A_189 = tpu.vector_load %arg22[%swap3A_188] {strides = array<i32>} : memref<256xi32, #tpu.memory_space<vmem>>, vector<16xi32>,
    tpu.vector_store %arg22[%swap3A_188], %and3A_187 {strides = array<i32>} : memref<256xi32, #tpu.memory_space<vmem>>, vector<16xi32>,
    %broadcast_in_dim3A_190 = arith.constant 0.000000e+00 : f32
    %broadcast_in_dim3A_191 = vector.broadcast %broadcast_in_dim3A_190 : f32 to vector<16xf32>
    %swap3A_192 = arith.constant 192 : index
    %swap3A_193 = tpu.vector_load %arg23[%swap3A_192] {strides = array<i32>} : memref<256xf32, #tpu.memory_space<vmem>>, vector<16xf32>,
    tpu.vector_store %arg23[%swap3A_192], %broadcast_in_dim3A_191 {strides = array<i32>} : memref<256xf32, #tpu.memory_space<vmem>>, vector<16xf32>,
    %mul3A_194 = arith.constant 256 : i32
    %mul3A_195 = arith.muli %arg1, %mul3A_194 : i32
    %add3A_196 = arith.constant 208 : i32
    %add3A_197 = arith.addi %mul3A_195, %add3A_196 : i32
    %add3A_198 = vector.broadcast %add3A_197 : i32 to vector<16xi32>
    %add3A_199 = arith.addi %iota3A, %add3A_198 : vector<16xi32>
    %and3A_200 = arith.constant 2047 : i32
    %and3A_201 = vector.broadcast %and3A_200 : i32 to vector<16xi32>
    %and3A_202 = arith.andi %add3A_199, %and3A_201 : vector<16xi32>
    %swap3A_203 = arith.constant 208 : index
    %swap3A_204 = tpu.vector_load %arg22[%swap3A_203] {strides = array<i32>} : memref<256xi32, #tpu.memory_space<vmem>>, vector<16xi32>,
    tpu.vector_store %arg22[%swap3A_203], %and3A_202 {strides = array<i32>} : memref<256xi32, #tpu.memory_space<vmem>>, vector<16xi32>,
    %broadcast_in_dim3A_205 = arith.constant 0.000000e+00 : f32
    %broadcast_in_dim3A_206 = vector.broadcast %broadcast_in_dim3A_205 : f32 to vector<16xf32>
    %swap3A_207 = arith.constant 208 : index
    %swap3A_208 = tpu.vector_load %arg23[%swap3A_207] {strides = array<i32>} : memref<256xf32, #tpu.memory_space<vmem>>, vector<16xf32>,
    tpu.vector_store %arg23[%swap3A_207], %broadcast_in_dim3A_206 {strides = array<i32>} : memref<256xf32, #tpu.memory_space<vmem>>, vector<16xf32>,
    %mul3A_209 = arith.constant 256 : i32
    %mul3A_210 = arith.muli %arg1, %mul3A_209 : i32
    %add3A_211 = arith.constant 224 : i32
    %add3A_212 = arith.addi %mul3A_210, %add3A_211 : i32
    %add3A_213 = vector.broadcast %add3A_212 : i32 to vector<16xi32>
    %add3A_214 = arith.addi %iota3A, %add3A_213 : vector<16xi32>
    %and3A_215 = arith.constant 2047 : i32
    %and3A_216 = vector.broadcast %and3A_215 : i32 to vector<16xi32>
    %and3A_217 = arith.andi %add3A_214, %and3A_216 : vector<16xi32>
    %swap3A_218 = arith.constant 224 : index
    %swap3A_219 = tpu.vector_load %arg22[%swap3A_218] {strides = array<i32>} : memref<256xi32, #tpu.memory_space<vmem>>, vector<16xi32>,
    tpu.vector_store %arg22[%swap3A_218], %and3A_217 {strides = array<i32>} : memref<256xi32, #tpu.memory_space<vmem>>, vector<16xi32>,
    %broadcast_in_dim3A_220 = arith.constant 0.000000e+00 : f32
    %broadcast_in_dim3A_221 = vector.broadcast %broadcast_in_dim3A_220 : f32 to vector<16xf32>
    %swap3A_222 = arith.constant 224 : index
    %swap3A_223 = tpu.vector_load %arg23[%swap3A_222] {strides = array<i32>} : memref<256xf32, #tpu.memory_space<vmem>>, vector<16xf32>,
    tpu.vector_store %arg23[%swap3A_222], %broadcast_in_dim3A_221 {strides = array<i32>} : memref<256xf32, #tpu.memory_space<vmem>>, vector<16xf32>,
    %mul3A_224 = arith.constant 256 : i32
    %mul3A_225 = arith.muli %arg1, %mul3A_224 : i32
    %add3A_226 = arith.constant 240 : i32
    %add3A_227 = arith.addi %mul3A_225, %add3A_226 : i32
    %add3A_228 = vector.broadcast %add3A_227 : i32 to vector<16xi32>
    %add3A_229 = arith.addi %iota3A, %add3A_228 : vector<16xi32>
    %and3A_230 = arith.constant 2047 : i32
    %and3A_231 = vector.broadcast %and3A_230 : i32 to vector<16xi32>
    %and3A_232 = arith.andi %add3A_229, %and3A_231 : vector<16xi32>
    %swap3A_233 = arith.constant 240 : index
    %swap3A_234 = tpu.vector_load %arg22[%swap3A_233] {strides = array<i32>} : memref<256xi32, #tpu.memory_space<vmem>>, vector<16xi32>,
    tpu.vector_store %arg22[%swap3A_233], %and3A_232 {strides = array<i32>} : memref<256xi32, #tpu.memory_space<vmem>>, vector<16xi32>,
    %broadcast_in_dim3A_235 = arith.constant 0.000000e+00 : f32
    %broadcast_in_dim3A_236 = vector.broadcast %broadcast_in_dim3A_235 : f32 to vector<16xf32>
    %swap3A_237 = arith.constant 240 : index
    %swap3A_238 = tpu.vector_load %arg23[%swap3A_237] {strides = array<i32>} : memref<256xf32, #tpu.memory_space<vmem>>, vector<16xf32>,
    tpu.vector_store %arg23[%swap3A_237], %broadcast_in_dim3A_236 {strides = array<i32>} : memref<256xf32, #tpu.memory_space<vmem>>, vector<16xf32>,
    %add3A_239 = arith.constant 0 : i32
    %add3A_240 = arith.addi %mul3A_0, %add3A_239 : i32
    %add3A_241 = vector.broadcast %add3A_240 : i32 to vector<16xi32>
    %add3A_242 = arith.addi %iota3A, %add3A_241 : vector<16xi32>
    %swap3A_243 = arith.constant 0 : index
    %swap3A_244 = tpu.vector_load %arg20[%swap3A_243] {strides = array<i32>} : memref<128xi32, #tpu.memory_space<vmem>>, vector<16xi32>,
    tpu.vector_store %arg20[%swap3A_243], %add3A_242 {strides = array<i32>} : memref<128xi32, #tpu.memory_space<vmem>>, vector<16xi32>,
    %add3A_245 = arith.constant 16 : i32
    %add3A_246 = arith.addi %mul3A_0, %add3A_245 : i32
    %add3A_247 = vector.broadcast %add3A_246 : i32 to vector<16xi32>
    %add3A_248 = arith.addi %iota3A, %add3A_247 : vector<16xi32>
    %swap3A_249 = arith.constant 16 : index
    %swap3A_250 = tpu.vector_load %arg20[%swap3A_249] {strides = array<i32>} : memref<128xi32, #tpu.memory_space<vmem>>, vector<16xi32>,
    tpu.vector_store %arg20[%swap3A_249], %add3A_248 {strides = array<i32>} : memref<128xi32, #tpu.memory_space<vmem>>, vector<16xi32>,
    %add3A_251 = arith.constant 32 : i32
    %add3A_252 = arith.addi %mul3A_0, %add3A_251 : i32
    %add3A_253 = vector.broadcast %add3A_252 : i32 to vector<16xi32>
    %add3A_254 = arith.addi %iota3A, %add3A_253 : vector<16xi32>
    %swap3A_255 = arith.constant 32 : index
    %swap3A_256 = tpu.vector_load %arg20[%swap3A_255] {strides = array<i32>} : memref<128xi32, #tpu.memory_space<vmem>>, vector<16xi32>,
    tpu.vector_store %arg20[%swap3A_255], %add3A_254 {strides = array<i32>} : memref<128xi32, #tpu.memory_space<vmem>>, vector<16xi32>,
    %add3A_257 = arith.constant 48 : i32
    %add3A_258 = arith.addi %mul3A_0, %add3A_257 : i32
    %add3A_259 = vector.broadcast %add3A_258 : i32 to vector<16xi32>
    %add3A_260 = arith.addi %iota3A, %add3A_259 : vector<16xi32>
    %swap3A_261 = arith.constant 48 : index
    %swap3A_262 = tpu.vector_load %arg20[%swap3A_261] {strides = array<i32>} : memref<128xi32, #tpu.memory_space<vmem>>, vector<16xi32>,
    tpu.vector_store %arg20[%swap3A_261], %add3A_260 {strides = array<i32>} : memref<128xi32, #tpu.memory_space<vmem>>, vector<16xi32>,
    %add3A_263 = arith.constant 64 : i32
    %add3A_264 = arith.addi %mul3A_0, %add3A_263 : i32
    %add3A_265 = vector.broadcast %add3A_264 : i32 to vector<16xi32>
    %add3A_266 = arith.addi %iota3A, %add3A_265 : vector<16xi32>
    %swap3A_267 = arith.constant 64 : index
    %swap3A_268 = tpu.vector_load %arg20[%swap3A_267] {strides = array<i32>} : memref<128xi32, #tpu.memory_space<vmem>>, vector<16xi32>,
    tpu.vector_store %arg20[%swap3A_267], %add3A_266 {strides = array<i32>} : memref<128xi32, #tpu.memory_space<vmem>>, vector<16xi32>,
    %add3A_269 = arith.constant 80 : i32
    %add3A_270 = arith.addi %mul3A_0, %add3A_269 : i32
    %add3A_271 = vector.broadcast %add3A_270 : i32 to vector<16xi32>
    %add3A_272 = arith.addi %iota3A, %add3A_271 : vector<16xi32>
    %swap3A_273 = arith.constant 80 : index
    %swap3A_274 = tpu.vector_load %arg20[%swap3A_273] {strides = array<i32>} : memref<128xi32, #tpu.memory_space<vmem>>, vector<16xi32>,
    tpu.vector_store %arg20[%swap3A_273], %add3A_272 {strides = array<i32>} : memref<128xi32, #tpu.memory_space<vmem>>, vector<16xi32>,
    %add3A_275 = arith.constant 96 : i32
    %add3A_276 = arith.addi %mul3A_0, %add3A_275 : i32
    %add3A_277 = vector.broadcast %add3A_276 : i32 to vector<16xi32>
    %add3A_278 = arith.addi %iota3A, %add3A_277 : vector<16xi32>
    %swap3A_279 = arith.constant 96 : index
    %swap3A_280 = tpu.vector_load %arg20[%swap3A_279] {strides = array<i32>} : memref<128xi32, #tpu.memory_space<vmem>>, vector<16xi32>,
    tpu.vector_store %arg20[%swap3A_279], %add3A_278 {strides = array<i32>} : memref<128xi32, #tpu.memory_space<vmem>>, vector<16xi32>,
    %add3A_281 = arith.constant 112 : i32
    %add3A_282 = arith.addi %mul3A_0, %add3A_281 : i32
    %add3A_283 = vector.broadcast %add3A_282 : i32 to vector<16xi32>
    %add3A_284 = arith.addi %iota3A, %add3A_283 : vector<16xi32>
    %swap3A_285 = arith.constant 112 : index
    %swap3A_286 = tpu.vector_load %arg20[%swap3A_285] {strides = array<i32>} : memref<128xi32, #tpu.memory_space<vmem>>, vector<16xi32>,
    tpu.vector_store %arg20[%swap3A_285], %add3A_284 {strides = array<i32>} : memref<128xi32, #tpu.memory_space<vmem>>, vector<16xi32>,
    "tpu.trace_start"() <{level = 10 : i32, message = "ph_hist"}> : () -> ()
    %scan3A = arith.constant 0 : i32
    %scan3A_287 = arith.constant 8 : i32
    %scan3A_288 = arith.addi %scan3A, %scan3A_287 : i32
    %scan3A_289 = arith.constant 1 : i32
    %scan3A_290:4 = scf.for %scan3A_1121 = %scan3A to %scan3A_288 step %scan3A_289 iter_args(%scan3A_1122 = %broadcast_in_dim3A_1, %scan3A_1123 = %broadcast_in_dim3A_1, %scan3A_1124 = %broadcast_in_dim3A_1, %scan3A_1125 = %broadcast_in_dim3A_1) -> (vector<16xi32>, vector<16xi32>, vector<16xi32>, vector<16xi32>)  : i32 {
      %mul3A_1126 = arith.constant 16 : i32
      %mul3A_1127 = arith.muli %scan3A_1121, %mul3A_1126 : i32
      %get3A_1128 = arith.index_cast %mul3A_1127 : i32 to index
      %get3A_1129 = tpu.vector_load %arg10[%get3A_1128] {strides = array<i32>} : memref<128xi32, #tpu.memory_space<vmem>>, vector<16xi32>,
      %slice3A = vector.extract_strided_slice %get3A_1129 {offsets = [0], sizes = [1], strides = [1]} : vector<16xi32> to vector<1xi32>
      %squeeze3A = vector.extract %slice3A[0] : i32 from vector<1xi32>
      %add3A_1130 = arith.constant 0 : i32
      %add3A_1131 = vector.broadcast %add3A_1130 : i32 to vector<16xi32>
      %add3A_1132 = arith.addi %iota3A, %add3A_1131 : vector<16xi32>
      %eq3A_1133 = vector.broadcast %squeeze3A : i32 to vector<16xi32>
      %eq3A_1134 = arith.cmpi eq, %add3A_1132, %eq3A_1133 : vector<16xi32>
      %convert_element_type3A_1135 = arith.extui %eq3A_1134 : vector<16xi1> to vector<16xi32>
      %add3A_1136 = arith.addi %scan3A_1122, %convert_element_type3A_1135 : vector<16xi32>
      %add3A_1137 = arith.constant 16 : i32
      %add3A_1138 = vector.broadcast %add3A_1137 : i32 to vector<16xi32>
      %add3A_1139 = arith.addi %iota3A, %add3A_1138 : vector<16xi32>
      %eq3A_1140 = vector.broadcast %squeeze3A : i32 to vector<16xi32>
      %eq3A_1141 = arith.cmpi eq, %add3A_1139, %eq3A_1140 : vector<16xi32>
      %convert_element_type3A_1142 = arith.extui %eq3A_1141 : vector<16xi1> to vector<16xi32>
      %add3A_1143 = arith.addi %scan3A_1123, %convert_element_type3A_1142 : vector<16xi32>
      %add3A_1144 = arith.constant 32 : i32
      %add3A_1145 = vector.broadcast %add3A_1144 : i32 to vector<16xi32>
      %add3A_1146 = arith.addi %iota3A, %add3A_1145 : vector<16xi32>
      %eq3A_1147 = vector.broadcast %squeeze3A : i32 to vector<16xi32>
      %eq3A_1148 = arith.cmpi eq, %add3A_1146, %eq3A_1147 : vector<16xi32>
      %convert_element_type3A_1149 = arith.extui %eq3A_1148 : vector<16xi1> to vector<16xi32>
      %add3A_1150 = arith.addi %scan3A_1124, %convert_element_type3A_1149 : vector<16xi32>
      %add3A_1151 = arith.constant 48 : i32
      %add3A_1152 = vector.broadcast %add3A_1151 : i32 to vector<16xi32>
      %add3A_1153 = arith.addi %iota3A, %add3A_1152 : vector<16xi32>
      %eq3A_1154 = vector.broadcast %squeeze3A : i32 to vector<16xi32>
      %eq3A_1155 = arith.cmpi eq, %add3A_1153, %eq3A_1154 : vector<16xi32>
      %convert_element_type3A_1156 = arith.extui %eq3A_1155 : vector<16xi1> to vector<16xi32>
      %add3A_1157 = arith.addi %scan3A_1125, %convert_element_type3A_1156 : vector<16xi32>
      %slice3A_1158 = vector.extract_strided_slice %get3A_1129 {offsets = [1], sizes = [1], strides = [1]} : vector<16xi32> to vector<1xi32>
      %squeeze3A_1159 = vector.extract %slice3A_1158[0] : i32 from vector<1xi32>
      %add3A_1160 = arith.constant 0 : i32
      %add3A_1161 = vector.broadcast %add3A_1160 : i32 to vector<16xi32>
      %add3A_1162 = arith.addi %iota3A, %add3A_1161 : vector<16xi32>
      %eq3A_1163 = vector.broadcast %squeeze3A_1159 : i32 to vector<16xi32>
      %eq3A_1164 = arith.cmpi eq, %add3A_1162, %eq3A_1163 : vector<16xi32>
      %convert_element_type3A_1165 = arith.extui %eq3A_1164 : vector<16xi1> to vector<16xi32>
      %add3A_1166 = arith.addi %add3A_1136, %convert_element_type3A_1165 : vector<16xi32>
      %add3A_1167 = arith.constant 16 : i32
      %add3A_1168 = vector.broadcast %add3A_1167 : i32 to vector<16xi32>
      %add3A_1169 = arith.addi %iota3A, %add3A_1168 : vector<16xi32>
      %eq3A_1170 = vector.broadcast %squeeze3A_1159 : i32 to vector<16xi32>
      %eq3A_1171 = arith.cmpi eq, %add3A_1169, %eq3A_1170 : vector<16xi32>
      %convert_element_type3A_1172 = arith.extui %eq3A_1171 : vector<16xi1> to vector<16xi32>
      %add3A_1173 = arith.addi %add3A_1143, %convert_element_type3A_1172 : vector<16xi32>
      %add3A_1174 = arith.constant 32 : i32
      %add3A_1175 = vector.broadcast %add3A_1174 : i32 to vector<16xi32>
      %add3A_1176 = arith.addi %iota3A, %add3A_1175 : vector<16xi32>
      %eq3A_1177 = vector.broadcast %squeeze3A_1159 : i32 to vector<16xi32>
      %eq3A_1178 = arith.cmpi eq, %add3A_1176, %eq3A_1177 : vector<16xi32>
      %convert_element_type3A_1179 = arith.extui %eq3A_1178 : vector<16xi1> to vector<16xi32>
      %add3A_1180 = arith.addi %add3A_1150, %convert_element_type3A_1179 : vector<16xi32>
      %add3A_1181 = arith.constant 48 : i32
      %add3A_1182 = vector.broadcast %add3A_1181 : i32 to vector<16xi32>
      %add3A_1183 = arith.addi %iota3A, %add3A_1182 : vector<16xi32>
      %eq3A_1184 = vector.broadcast %squeeze3A_1159 : i32 to vector<16xi32>
      %eq3A_1185 = arith.cmpi eq, %add3A_1183, %eq3A_1184 : vector<16xi32>
      %convert_element_type3A_1186 = arith.extui %eq3A_1185 : vector<16xi1> to vector<16xi32>
      %add3A_1187 = arith.addi %add3A_1157, %convert_element_type3A_1186 : vector<16xi32>
      %slice3A_1188 = vector.extract_strided_slice %get3A_1129 {offsets = [2], sizes = [1], strides = [1]} : vector<16xi32> to vector<1xi32>
      %squeeze3A_1189 = vector.extract %slice3A_1188[0] : i32 from vector<1xi32>
      %add3A_1190 = arith.constant 0 : i32
      %add3A_1191 = vector.broadcast %add3A_1190 : i32 to vector<16xi32>
      %add3A_1192 = arith.addi %iota3A, %add3A_1191 : vector<16xi32>
      %eq3A_1193 = vector.broadcast %squeeze3A_1189 : i32 to vector<16xi32>
      %eq3A_1194 = arith.cmpi eq, %add3A_1192, %eq3A_1193 : vector<16xi32>
      %convert_element_type3A_1195 = arith.extui %eq3A_1194 : vector<16xi1> to vector<16xi32>
      %add3A_1196 = arith.addi %add3A_1166, %convert_element_type3A_1195 : vector<16xi32>
      %add3A_1197 = arith.constant 16 : i32
      %add3A_1198 = vector.broadcast %add3A_1197 : i32 to vector<16xi32>
      %add3A_1199 = arith.addi %iota3A, %add3A_1198 : vector<16xi32>
      %eq3A_1200 = vector.broadcast %squeeze3A_1189 : i32 to vector<16xi32>
      %eq3A_1201 = arith.cmpi eq, %add3A_1199, %eq3A_1200 : vector<16xi32>
      %convert_element_type3A_1202 = arith.extui %eq3A_1201 : vector<16xi1> to vector<16xi32>
      %add3A_1203 = arith.addi %add3A_1173, %convert_element_type3A_1202 : vector<16xi32>
      %add3A_1204 = arith.constant 32 : i32
      %add3A_1205 = vector.broadcast %add3A_1204 : i32 to vector<16xi32>
      %add3A_1206 = arith.addi %iota3A, %add3A_1205 : vector<16xi32>
      %eq3A_1207 = vector.broadcast %squeeze3A_1189 : i32 to vector<16xi32>
      %eq3A_1208 = arith.cmpi eq, %add3A_1206, %eq3A_1207 : vector<16xi32>
      %convert_element_type3A_1209 = arith.extui %eq3A_1208 : vector<16xi1> to vector<16xi32>
      %add3A_1210 = arith.addi %add3A_1180, %convert_element_type3A_1209 : vector<16xi32>
      %add3A_1211 = arith.constant 48 : i32
      %add3A_1212 = vector.broadcast %add3A_1211 : i32 to vector<16xi32>
      %add3A_1213 = arith.addi %iota3A, %add3A_1212 : vector<16xi32>
      %eq3A_1214 = vector.broadcast %squeeze3A_1189 : i32 to vector<16xi32>
      %eq3A_1215 = arith.cmpi eq, %add3A_1213, %eq3A_1214 : vector<16xi32>
      %convert_element_type3A_1216 = arith.extui %eq3A_1215 : vector<16xi1> to vector<16xi32>
      %add3A_1217 = arith.addi %add3A_1187, %convert_element_type3A_1216 : vector<16xi32>
      %slice3A_1218 = vector.extract_strided_slice %get3A_1129 {offsets = [3], sizes = [1], strides = [1]} : vector<16xi32> to vector<1xi32>
      %squeeze3A_1219 = vector.extract %slice3A_1218[0] : i32 from vector<1xi32>
      %add3A_1220 = arith.constant 0 : i32
      %add3A_1221 = vector.broadcast %add3A_1220 : i32 to vector<16xi32>
      %add3A_1222 = arith.addi %iota3A, %add3A_1221 : vector<16xi32>
      %eq3A_1223 = vector.broadcast %squeeze3A_1219 : i32 to vector<16xi32>
      %eq3A_1224 = arith.cmpi eq, %add3A_1222, %eq3A_1223 : vector<16xi32>
      %convert_element_type3A_1225 = arith.extui %eq3A_1224 : vector<16xi1> to vector<16xi32>
      %add3A_1226 = arith.addi %add3A_1196, %convert_element_type3A_1225 : vector<16xi32>
      %add3A_1227 = arith.constant 16 : i32
      %add3A_1228 = vector.broadcast %add3A_1227 : i32 to vector<16xi32>
      %add3A_1229 = arith.addi %iota3A, %add3A_1228 : vector<16xi32>
      %eq3A_1230 = vector.broadcast %squeeze3A_1219 : i32 to vector<16xi32>
      %eq3A_1231 = arith.cmpi eq, %add3A_1229, %eq3A_1230 : vector<16xi32>
      %convert_element_type3A_1232 = arith.extui %eq3A_1231 : vector<16xi1> to vector<16xi32>
      %add3A_1233 = arith.addi %add3A_1203, %convert_element_type3A_1232 : vector<16xi32>
      %add3A_1234 = arith.constant 32 : i32
      %add3A_1235 = vector.broadcast %add3A_1234 : i32 to vector<16xi32>
      %add3A_1236 = arith.addi %iota3A, %add3A_1235 : vector<16xi32>
      %eq3A_1237 = vector.broadcast %squeeze3A_1219 : i32 to vector<16xi32>
      %eq3A_1238 = arith.cmpi eq, %add3A_1236, %eq3A_1237 : vector<16xi32>
      %convert_element_type3A_1239 = arith.extui %eq3A_1238 : vector<16xi1> to vector<16xi32>
      %add3A_1240 = arith.addi %add3A_1210, %convert_element_type3A_1239 : vector<16xi32>
      %add3A_1241 = arith.constant 48 : i32
      %add3A_1242 = vector.broadcast %add3A_1241 : i32 to vector<16xi32>
      %add3A_1243 = arith.addi %iota3A, %add3A_1242 : vector<16xi32>
      %eq3A_1244 = vector.broadcast %squeeze3A_1219 : i32 to vector<16xi32>
      %eq3A_1245 = arith.cmpi eq, %add3A_1243, %eq3A_1244 : vector<16xi32>
      %convert_element_type3A_1246 = arith.extui %eq3A_1245 : vector<16xi1> to vector<16xi32>
      %add3A_1247 = arith.addi %add3A_1217, %convert_element_type3A_1246 : vector<16xi32>
      %slice3A_1248 = vector.extract_strided_slice %get3A_1129 {offsets = [4], sizes = [1], strides = [1]} : vector<16xi32> to vector<1xi32>
      %squeeze3A_1249 = vector.extract %slice3A_1248[0] : i32 from vector<1xi32>
      %add3A_1250 = arith.constant 0 : i32
      %add3A_1251 = vector.broadcast %add3A_1250 : i32 to vector<16xi32>
      %add3A_1252 = arith.addi %iota3A, %add3A_1251 : vector<16xi32>
      %eq3A_1253 = vector.broadcast %squeeze3A_1249 : i32 to vector<16xi32>
      %eq3A_1254 = arith.cmpi eq, %add3A_1252, %eq3A_1253 : vector<16xi32>
      %convert_element_type3A_1255 = arith.extui %eq3A_1254 : vector<16xi1> to vector<16xi32>
      %add3A_1256 = arith.addi %add3A_1226, %convert_element_type3A_1255 : vector<16xi32>
      %add3A_1257 = arith.constant 16 : i32
      %add3A_1258 = vector.broadcast %add3A_1257 : i32 to vector<16xi32>
      %add3A_1259 = arith.addi %iota3A, %add3A_1258 : vector<16xi32>
      %eq3A_1260 = vector.broadcast %squeeze3A_1249 : i32 to vector<16xi32>
      %eq3A_1261 = arith.cmpi eq, %add3A_1259, %eq3A_1260 : vector<16xi32>
      %convert_element_type3A_1262 = arith.extui %eq3A_1261 : vector<16xi1> to vector<16xi32>
      %add3A_1263 = arith.addi %add3A_1233, %convert_element_type3A_1262 : vector<16xi32>
      %add3A_1264 = arith.constant 32 : i32
      %add3A_1265 = vector.broadcast %add3A_1264 : i32 to vector<16xi32>
      %add3A_1266 = arith.addi %iota3A, %add3A_1265 : vector<16xi32>
      %eq3A_1267 = vector.broadcast %squeeze3A_1249 : i32 to vector<16xi32>
      %eq3A_1268 = arith.cmpi eq, %add3A_1266, %eq3A_1267 : vector<16xi32>
      %convert_element_type3A_1269 = arith.extui %eq3A_1268 : vector<16xi1> to vector<16xi32>
      %add3A_1270 = arith.addi %add3A_1240, %convert_element_type3A_1269 : vector<16xi32>
      %add3A_1271 = arith.constant 48 : i32
      %add3A_1272 = vector.broadcast %add3A_1271 : i32 to vector<16xi32>
      %add3A_1273 = arith.addi %iota3A, %add3A_1272 : vector<16xi32>
      %eq3A_1274 = vector.broadcast %squeeze3A_1249 : i32 to vector<16xi32>
      %eq3A_1275 = arith.cmpi eq, %add3A_1273, %eq3A_1274 : vector<16xi32>
      %convert_element_type3A_1276 = arith.extui %eq3A_1275 : vector<16xi1> to vector<16xi32>
      %add3A_1277 = arith.addi %add3A_1247, %convert_element_type3A_1276 : vector<16xi32>
      %slice3A_1278 = vector.extract_strided_slice %get3A_1129 {offsets = [5], sizes = [1], strides = [1]} : vector<16xi32> to vector<1xi32>
      %squeeze3A_1279 = vector.extract %slice3A_1278[0] : i32 from vector<1xi32>
      %add3A_1280 = arith.constant 0 : i32
      %add3A_1281 = vector.broadcast %add3A_1280 : i32 to vector<16xi32>
      %add3A_1282 = arith.addi %iota3A, %add3A_1281 : vector<16xi32>
      %eq3A_1283 = vector.broadcast %squeeze3A_1279 : i32 to vector<16xi32>
      %eq3A_1284 = arith.cmpi eq, %add3A_1282, %eq3A_1283 : vector<16xi32>
      %convert_element_type3A_1285 = arith.extui %eq3A_1284 : vector<16xi1> to vector<16xi32>
      %add3A_1286 = arith.addi %add3A_1256, %convert_element_type3A_1285 : vector<16xi32>
      %add3A_1287 = arith.constant 16 : i32
      %add3A_1288 = vector.broadcast %add3A_1287 : i32 to vector<16xi32>
      %add3A_1289 = arith.addi %iota3A, %add3A_1288 : vector<16xi32>
      %eq3A_1290 = vector.broadcast %squeeze3A_1279 : i32 to vector<16xi32>
      %eq3A_1291 = arith.cmpi eq, %add3A_1289, %eq3A_1290 : vector<16xi32>
      %convert_element_type3A_1292 = arith.extui %eq3A_1291 : vector<16xi1> to vector<16xi32>
      %add3A_1293 = arith.addi %add3A_1263, %convert_element_type3A_1292 : vector<16xi32>
      %add3A_1294 = arith.constant 32 : i32
      %add3A_1295 = vector.broadcast %add3A_1294 : i32 to vector<16xi32>
      %add3A_1296 = arith.addi %iota3A, %add3A_1295 : vector<16xi32>
      %eq3A_1297 = vector.broadcast %squeeze3A_1279 : i32 to vector<16xi32>
      %eq3A_1298 = arith.cmpi eq, %add3A_1296, %eq3A_1297 : vector<16xi32>
      %convert_element_type3A_1299 = arith.extui %eq3A_1298 : vector<16xi1> to vector<16xi32>
      %add3A_1300 = arith.addi %add3A_1270, %convert_element_type3A_1299 : vector<16xi32>
      %add3A_1301 = arith.constant 48 : i32
      %add3A_1302 = vector.broadcast %add3A_1301 : i32 to vector<16xi32>
      %add3A_1303 = arith.addi %iota3A, %add3A_1302 : vector<16xi32>
      %eq3A_1304 = vector.broadcast %squeeze3A_1279 : i32 to vector<16xi32>
      %eq3A_1305 = arith.cmpi eq, %add3A_1303, %eq3A_1304 : vector<16xi32>
      %convert_element_type3A_1306 = arith.extui %eq3A_1305 : vector<16xi1> to vector<16xi32>
      %add3A_1307 = arith.addi %add3A_1277, %convert_element_type3A_1306 : vector<16xi32>
      %slice3A_1308 = vector.extract_strided_slice %get3A_1129 {offsets = [6], sizes = [1], strides = [1]} : vector<16xi32> to vector<1xi32>
      %squeeze3A_1309 = vector.extract %slice3A_1308[0] : i32 from vector<1xi32>
      %add3A_1310 = arith.constant 0 : i32
      %add3A_1311 = vector.broadcast %add3A_1310 : i32 to vector<16xi32>
      %add3A_1312 = arith.addi %iota3A, %add3A_1311 : vector<16xi32>
      %eq3A_1313 = vector.broadcast %squeeze3A_1309 : i32 to vector<16xi32>
      %eq3A_1314 = arith.cmpi eq, %add3A_1312, %eq3A_1313 : vector<16xi32>
      %convert_element_type3A_1315 = arith.extui %eq3A_1314 : vector<16xi1> to vector<16xi32>
      %add3A_1316 = arith.addi %add3A_1286, %convert_element_type3A_1315 : vector<16xi32>
      %add3A_1317 = arith.constant 16 : i32
      %add3A_1318 = vector.broadcast %add3A_1317 : i32 to vector<16xi32>
      %add3A_1319 = arith.addi %iota3A, %add3A_1318 : vector<16xi32>
      %eq3A_1320 = vector.broadcast %squeeze3A_1309 : i32 to vector<16xi32>
      %eq3A_1321 = arith.cmpi eq, %add3A_1319, %eq3A_1320 : vector<16xi32>
      %convert_element_type3A_1322 = arith.extui %eq3A_1321 : vector<16xi1> to vector<16xi32>
      %add3A_1323 = arith.addi %add3A_1293, %convert_element_type3A_1322 : vector<16xi32>
      %add3A_1324 = arith.constant 32 : i32
      %add3A_1325 = vector.broadcast %add3A_1324 : i32 to vector<16xi32>
      %add3A_1326 = arith.addi %iota3A, %add3A_1325 : vector<16xi32>
      %eq3A_1327 = vector.broadcast %squeeze3A_1309 : i32 to vector<16xi32>
      %eq3A_1328 = arith.cmpi eq, %add3A_1326, %eq3A_1327 : vector<16xi32>
      %convert_element_type3A_1329 = arith.extui %eq3A_1328 : vector<16xi1> to vector<16xi32>
      %add3A_1330 = arith.addi %add3A_1300, %convert_element_type3A_1329 : vector<16xi32>
      %add3A_1331 = arith.constant 48 : i32
      %add3A_1332 = vector.broadcast %add3A_1331 : i32 to vector<16xi32>
      %add3A_1333 = arith.addi %iota3A, %add3A_1332 : vector<16xi32>
      %eq3A_1334 = vector.broadcast %squeeze3A_1309 : i32 to vector<16xi32>
      %eq3A_1335 = arith.cmpi eq, %add3A_1333, %eq3A_1334 : vector<16xi32>
      %convert_element_type3A_1336 = arith.extui %eq3A_1335 : vector<16xi1> to vector<16xi32>
      %add3A_1337 = arith.addi %add3A_1307, %convert_element_type3A_1336 : vector<16xi32>
      %slice3A_1338 = vector.extract_strided_slice %get3A_1129 {offsets = [7], sizes = [1], strides = [1]} : vector<16xi32> to vector<1xi32>
      %squeeze3A_1339 = vector.extract %slice3A_1338[0] : i32 from vector<1xi32>
      %add3A_1340 = arith.constant 0 : i32
      %add3A_1341 = vector.broadcast %add3A_1340 : i32 to vector<16xi32>
      %add3A_1342 = arith.addi %iota3A, %add3A_1341 : vector<16xi32>
      %eq3A_1343 = vector.broadcast %squeeze3A_1339 : i32 to vector<16xi32>
      %eq3A_1344 = arith.cmpi eq, %add3A_1342, %eq3A_1343 : vector<16xi32>
      %convert_element_type3A_1345 = arith.extui %eq3A_1344 : vector<16xi1> to vector<16xi32>
      %add3A_1346 = arith.addi %add3A_1316, %convert_element_type3A_1345 : vector<16xi32>
      %add3A_1347 = arith.constant 16 : i32
      %add3A_1348 = vector.broadcast %add3A_1347 : i32 to vector<16xi32>
      %add3A_1349 = arith.addi %iota3A, %add3A_1348 : vector<16xi32>
      %eq3A_1350 = vector.broadcast %squeeze3A_1339 : i32 to vector<16xi32>
      %eq3A_1351 = arith.cmpi eq, %add3A_1349, %eq3A_1350 : vector<16xi32>
      %convert_element_type3A_1352 = arith.extui %eq3A_1351 : vector<16xi1> to vector<16xi32>
      %add3A_1353 = arith.addi %add3A_1323, %convert_element_type3A_1352 : vector<16xi32>
      %add3A_1354 = arith.constant 32 : i32
      %add3A_1355 = vector.broadcast %add3A_1354 : i32 to vector<16xi32>
      %add3A_1356 = arith.addi %iota3A, %add3A_1355 : vector<16xi32>
      %eq3A_1357 = vector.broadcast %squeeze3A_1339 : i32 to vector<16xi32>
      %eq3A_1358 = arith.cmpi eq, %add3A_1356, %eq3A_1357 : vector<16xi32>
      %convert_element_type3A_1359 = arith.extui %eq3A_1358 : vector<16xi1> to vector<16xi32>
      %add3A_1360 = arith.addi %add3A_1330, %convert_element_type3A_1359 : vector<16xi32>
      %add3A_1361 = arith.constant 48 : i32
      %add3A_1362 = vector.broadcast %add3A_1361 : i32 to vector<16xi32>
      %add3A_1363 = arith.addi %iota3A, %add3A_1362 : vector<16xi32>
      %eq3A_1364 = vector.broadcast %squeeze3A_1339 : i32 to vector<16xi32>
      %eq3A_1365 = arith.cmpi eq, %add3A_1363, %eq3A_1364 : vector<16xi32>
      %convert_element_type3A_1366 = arith.extui %eq3A_1365 : vector<16xi1> to vector<16xi32>
      %add3A_1367 = arith.addi %add3A_1337, %convert_element_type3A_1366 : vector<16xi32>
      %slice3A_1368 = vector.extract_strided_slice %get3A_1129 {offsets = [8], sizes = [1], strides = [1]} : vector<16xi32> to vector<1xi32>
      %squeeze3A_1369 = vector.extract %slice3A_1368[0] : i32 from vector<1xi32>
      %add3A_1370 = arith.constant 0 : i32
      %add3A_1371 = vector.broadcast %add3A_1370 : i32 to vector<16xi32>
      %add3A_1372 = arith.addi %iota3A, %add3A_1371 : vector<16xi32>
      %eq3A_1373 = vector.broadcast %squeeze3A_1369 : i32 to vector<16xi32>
      %eq3A_1374 = arith.cmpi eq, %add3A_1372, %eq3A_1373 : vector<16xi32>
      %convert_element_type3A_1375 = arith.extui %eq3A_1374 : vector<16xi1> to vector<16xi32>
      %add3A_1376 = arith.addi %add3A_1346, %convert_element_type3A_1375 : vector<16xi32>
      %add3A_1377 = arith.constant 16 : i32
      %add3A_1378 = vector.broadcast %add3A_1377 : i32 to vector<16xi32>
      %add3A_1379 = arith.addi %iota3A, %add3A_1378 : vector<16xi32>
      %eq3A_1380 = vector.broadcast %squeeze3A_1369 : i32 to vector<16xi32>
      %eq3A_1381 = arith.cmpi eq, %add3A_1379, %eq3A_1380 : vector<16xi32>
      %convert_element_type3A_1382 = arith.extui %eq3A_1381 : vector<16xi1> to vector<16xi32>
      %add3A_1383 = arith.addi %add3A_1353, %convert_element_type3A_1382 : vector<16xi32>
      %add3A_1384 = arith.constant 32 : i32
      %add3A_1385 = vector.broadcast %add3A_1384 : i32 to vector<16xi32>
      %add3A_1386 = arith.addi %iota3A, %add3A_1385 : vector<16xi32>
      %eq3A_1387 = vector.broadcast %squeeze3A_1369 : i32 to vector<16xi32>
      %eq3A_1388 = arith.cmpi eq, %add3A_1386, %eq3A_1387 : vector<16xi32>
      %convert_element_type3A_1389 = arith.extui %eq3A_1388 : vector<16xi1> to vector<16xi32>
      %add3A_1390 = arith.addi %add3A_1360, %convert_element_type3A_1389 : vector<16xi32>
      %add3A_1391 = arith.constant 48 : i32
      %add3A_1392 = vector.broadcast %add3A_1391 : i32 to vector<16xi32>
      %add3A_1393 = arith.addi %iota3A, %add3A_1392 : vector<16xi32>
      %eq3A_1394 = vector.broadcast %squeeze3A_1369 : i32 to vector<16xi32>
      %eq3A_1395 = arith.cmpi eq, %add3A_1393, %eq3A_1394 : vector<16xi32>
      %convert_element_type3A_1396 = arith.extui %eq3A_1395 : vector<16xi1> to vector<16xi32>
      %add3A_1397 = arith.addi %add3A_1367, %convert_element_type3A_1396 : vector<16xi32>
      %slice3A_1398 = vector.extract_strided_slice %get3A_1129 {offsets = [9], sizes = [1], strides = [1]} : vector<16xi32> to vector<1xi32>
      %squeeze3A_1399 = vector.extract %slice3A_1398[0] : i32 from vector<1xi32>
      %add3A_1400 = arith.constant 0 : i32
      %add3A_1401 = vector.broadcast %add3A_1400 : i32 to vector<16xi32>
      %add3A_1402 = arith.addi %iota3A, %add3A_1401 : vector<16xi32>
      %eq3A_1403 = vector.broadcast %squeeze3A_1399 : i32 to vector<16xi32>
      %eq3A_1404 = arith.cmpi eq, %add3A_1402, %eq3A_1403 : vector<16xi32>
      %convert_element_type3A_1405 = arith.extui %eq3A_1404 : vector<16xi1> to vector<16xi32>
      %add3A_1406 = arith.addi %add3A_1376, %convert_element_type3A_1405 : vector<16xi32>
      %add3A_1407 = arith.constant 16 : i32
      %add3A_1408 = vector.broadcast %add3A_1407 : i32 to vector<16xi32>
      %add3A_1409 = arith.addi %iota3A, %add3A_1408 : vector<16xi32>
      %eq3A_1410 = vector.broadcast %squeeze3A_1399 : i32 to vector<16xi32>
      %eq3A_1411 = arith.cmpi eq, %add3A_1409, %eq3A_1410 : vector<16xi32>
      %convert_element_type3A_1412 = arith.extui %eq3A_1411 : vector<16xi1> to vector<16xi32>
      %add3A_1413 = arith.addi %add3A_1383, %convert_element_type3A_1412 : vector<16xi32>
      %add3A_1414 = arith.constant 32 : i32
      %add3A_1415 = vector.broadcast %add3A_1414 : i32 to vector<16xi32>
      %add3A_1416 = arith.addi %iota3A, %add3A_1415 : vector<16xi32>
      %eq3A_1417 = vector.broadcast %squeeze3A_1399 : i32 to vector<16xi32>
      %eq3A_1418 = arith.cmpi eq, %add3A_1416, %eq3A_1417 : vector<16xi32>
      %convert_element_type3A_1419 = arith.extui %eq3A_1418 : vector<16xi1> to vector<16xi32>
      %add3A_1420 = arith.addi %add3A_1390, %convert_element_type3A_1419 : vector<16xi32>
      %add3A_1421 = arith.constant 48 : i32
      %add3A_1422 = vector.broadcast %add3A_1421 : i32 to vector<16xi32>
      %add3A_1423 = arith.addi %iota3A, %add3A_1422 : vector<16xi32>
      %eq3A_1424 = vector.broadcast %squeeze3A_1399 : i32 to vector<16xi32>
      %eq3A_1425 = arith.cmpi eq, %add3A_1423, %eq3A_1424 : vector<16xi32>
      %convert_element_type3A_1426 = arith.extui %eq3A_1425 : vector<16xi1> to vector<16xi32>
      %add3A_1427 = arith.addi %add3A_1397, %convert_element_type3A_1426 : vector<16xi32>
      %slice3A_1428 = vector.extract_strided_slice %get3A_1129 {offsets = [10], sizes = [1], strides = [1]} : vector<16xi32> to vector<1xi32>
      %squeeze3A_1429 = vector.extract %slice3A_1428[0] : i32 from vector<1xi32>
      %add3A_1430 = arith.constant 0 : i32
      %add3A_1431 = vector.broadcast %add3A_1430 : i32 to vector<16xi32>
      %add3A_1432 = arith.addi %iota3A, %add3A_1431 : vector<16xi32>
      %eq3A_1433 = vector.broadcast %squeeze3A_1429 : i32 to vector<16xi32>
      %eq3A_1434 = arith.cmpi eq, %add3A_1432, %eq3A_1433 : vector<16xi32>
      %convert_element_type3A_1435 = arith.extui %eq3A_1434 : vector<16xi1> to vector<16xi32>
      %add3A_1436 = arith.addi %add3A_1406, %convert_element_type3A_1435 : vector<16xi32>
      %add3A_1437 = arith.constant 16 : i32
      %add3A_1438 = vector.broadcast %add3A_1437 : i32 to vector<16xi32>
      %add3A_1439 = arith.addi %iota3A, %add3A_1438 : vector<16xi32>
      %eq3A_1440 = vector.broadcast %squeeze3A_1429 : i32 to vector<16xi32>
      %eq3A_1441 = arith.cmpi eq, %add3A_1439, %eq3A_1440 : vector<16xi32>
      %convert_element_type3A_1442 = arith.extui %eq3A_1441 : vector<16xi1> to vector<16xi32>
      %add3A_1443 = arith.addi %add3A_1413, %convert_element_type3A_1442 : vector<16xi32>
      %add3A_1444 = arith.constant 32 : i32
      %add3A_1445 = vector.broadcast %add3A_1444 : i32 to vector<16xi32>
      %add3A_1446 = arith.addi %iota3A, %add3A_1445 : vector<16xi32>
      %eq3A_1447 = vector.broadcast %squeeze3A_1429 : i32 to vector<16xi32>
      %eq3A_1448 = arith.cmpi eq, %add3A_1446, %eq3A_1447 : vector<16xi32>
      %convert_element_type3A_1449 = arith.extui %eq3A_1448 : vector<16xi1> to vector<16xi32>
      %add3A_1450 = arith.addi %add3A_1420, %convert_element_type3A_1449 : vector<16xi32>
      %add3A_1451 = arith.constant 48 : i32
      %add3A_1452 = vector.broadcast %add3A_1451 : i32 to vector<16xi32>
      %add3A_1453 = arith.addi %iota3A, %add3A_1452 : vector<16xi32>
      %eq3A_1454 = vector.broadcast %squeeze3A_1429 : i32 to vector<16xi32>
      %eq3A_1455 = arith.cmpi eq, %add3A_1453, %eq3A_1454 : vector<16xi32>
      %convert_element_type3A_1456 = arith.extui %eq3A_1455 : vector<16xi1> to vector<16xi32>
      %add3A_1457 = arith.addi %add3A_1427, %convert_element_type3A_1456 : vector<16xi32>
      %slice3A_1458 = vector.extract_strided_slice %get3A_1129 {offsets = [11], sizes = [1], strides = [1]} : vector<16xi32> to vector<1xi32>
      %squeeze3A_1459 = vector.extract %slice3A_1458[0] : i32 from vector<1xi32>
      %add3A_1460 = arith.constant 0 : i32
      %add3A_1461 = vector.broadcast %add3A_1460 : i32 to vector<16xi32>
      %add3A_1462 = arith.addi %iota3A, %add3A_1461 : vector<16xi32>
      %eq3A_1463 = vector.broadcast %squeeze3A_1459 : i32 to vector<16xi32>
      %eq3A_1464 = arith.cmpi eq, %add3A_1462, %eq3A_1463 : vector<16xi32>
      %convert_element_type3A_1465 = arith.extui %eq3A_1464 : vector<16xi1> to vector<16xi32>
      %add3A_1466 = arith.addi %add3A_1436, %convert_element_type3A_1465 : vector<16xi32>
      %add3A_1467 = arith.constant 16 : i32
      %add3A_1468 = vector.broadcast %add3A_1467 : i32 to vector<16xi32>
      %add3A_1469 = arith.addi %iota3A, %add3A_1468 : vector<16xi32>
      %eq3A_1470 = vector.broadcast %squeeze3A_1459 : i32 to vector<16xi32>
      %eq3A_1471 = arith.cmpi eq, %add3A_1469, %eq3A_1470 : vector<16xi32>
      %convert_element_type3A_1472 = arith.extui %eq3A_1471 : vector<16xi1> to vector<16xi32>
      %add3A_1473 = arith.addi %add3A_1443, %convert_element_type3A_1472 : vector<16xi32>
      %add3A_1474 = arith.constant 32 : i32
      %add3A_1475 = vector.broadcast %add3A_1474 : i32 to vector<16xi32>
      %add3A_1476 = arith.addi %iota3A, %add3A_1475 : vector<16xi32>
      %eq3A_1477 = vector.broadcast %squeeze3A_1459 : i32 to vector<16xi32>
      %eq3A_1478 = arith.cmpi eq, %add3A_1476, %eq3A_1477 : vector<16xi32>
      %convert_element_type3A_1479 = arith.extui %eq3A_1478 : vector<16xi1> to vector<16xi32>
      %add3A_1480 = arith.addi %add3A_1450, %convert_element_type3A_1479 : vector<16xi32>
      %add3A_1481 = arith.constant 48 : i32
      %add3A_1482 = vector.broadcast %add3A_1481 : i32 to vector<16xi32>
      %add3A_1483 = arith.addi %iota3A, %add3A_1482 : vector<16xi32>
      %eq3A_1484 = vector.broadcast %squeeze3A_1459 : i32 to vector<16xi32>
      %eq3A_1485 = arith.cmpi eq, %add3A_1483, %eq3A_1484 : vector<16xi32>
      %convert_element_type3A_1486 = arith.extui %eq3A_1485 : vector<16xi1> to vector<16xi32>
      %add3A_1487 = arith.addi %add3A_1457, %convert_element_type3A_1486 : vector<16xi32>
      %slice3A_1488 = vector.extract_strided_slice %get3A_1129 {offsets = [12], sizes = [1], strides = [1]} : vector<16xi32> to vector<1xi32>
      %squeeze3A_1489 = vector.extract %slice3A_1488[0] : i32 from vector<1xi32>
      %add3A_1490 = arith.constant 0 : i32
      %add3A_1491 = vector.broadcast %add3A_1490 : i32 to vector<16xi32>
      %add3A_1492 = arith.addi %iota3A, %add3A_1491 : vector<16xi32>
      %eq3A_1493 = vector.broadcast %squeeze3A_1489 : i32 to vector<16xi32>
      %eq3A_1494 = arith.cmpi eq, %add3A_1492, %eq3A_1493 : vector<16xi32>
      %convert_element_type3A_1495 = arith.extui %eq3A_1494 : vector<16xi1> to vector<16xi32>
      %add3A_1496 = arith.addi %add3A_1466, %convert_element_type3A_1495 : vector<16xi32>
      %add3A_1497 = arith.constant 16 : i32
      %add3A_1498 = vector.broadcast %add3A_1497 : i32 to vector<16xi32>
      %add3A_1499 = arith.addi %iota3A, %add3A_1498 : vector<16xi32>
      %eq3A_1500 = vector.broadcast %squeeze3A_1489 : i32 to vector<16xi32>
      %eq3A_1501 = arith.cmpi eq, %add3A_1499, %eq3A_1500 : vector<16xi32>
      %convert_element_type3A_1502 = arith.extui %eq3A_1501 : vector<16xi1> to vector<16xi32>
      %add3A_1503 = arith.addi %add3A_1473, %convert_element_type3A_1502 : vector<16xi32>
      %add3A_1504 = arith.constant 32 : i32
      %add3A_1505 = vector.broadcast %add3A_1504 : i32 to vector<16xi32>
      %add3A_1506 = arith.addi %iota3A, %add3A_1505 : vector<16xi32>
      %eq3A_1507 = vector.broadcast %squeeze3A_1489 : i32 to vector<16xi32>
      %eq3A_1508 = arith.cmpi eq, %add3A_1506, %eq3A_1507 : vector<16xi32>
      %convert_element_type3A_1509 = arith.extui %eq3A_1508 : vector<16xi1> to vector<16xi32>
      %add3A_1510 = arith.addi %add3A_1480, %convert_element_type3A_1509 : vector<16xi32>
      %add3A_1511 = arith.constant 48 : i32
      %add3A_1512 = vector.broadcast %add3A_1511 : i32 to vector<16xi32>
      %add3A_1513 = arith.addi %iota3A, %add3A_1512 : vector<16xi32>
      %eq3A_1514 = vector.broadcast %squeeze3A_1489 : i32 to vector<16xi32>
      %eq3A_1515 = arith.cmpi eq, %add3A_1513, %eq3A_1514 : vector<16xi32>
      %convert_element_type3A_1516 = arith.extui %eq3A_1515 : vector<16xi1> to vector<16xi32>
      %add3A_1517 = arith.addi %add3A_1487, %convert_element_type3A_1516 : vector<16xi32>
      %slice3A_1518 = vector.extract_strided_slice %get3A_1129 {offsets = [13], sizes = [1], strides = [1]} : vector<16xi32> to vector<1xi32>
      %squeeze3A_1519 = vector.extract %slice3A_1518[0] : i32 from vector<1xi32>
      %add3A_1520 = arith.constant 0 : i32
      %add3A_1521 = vector.broadcast %add3A_1520 : i32 to vector<16xi32>
      %add3A_1522 = arith.addi %iota3A, %add3A_1521 : vector<16xi32>
      %eq3A_1523 = vector.broadcast %squeeze3A_1519 : i32 to vector<16xi32>
      %eq3A_1524 = arith.cmpi eq, %add3A_1522, %eq3A_1523 : vector<16xi32>
      %convert_element_type3A_1525 = arith.extui %eq3A_1524 : vector<16xi1> to vector<16xi32>
      %add3A_1526 = arith.addi %add3A_1496, %convert_element_type3A_1525 : vector<16xi32>
      %add3A_1527 = arith.constant 16 : i32
      %add3A_1528 = vector.broadcast %add3A_1527 : i32 to vector<16xi32>
      %add3A_1529 = arith.addi %iota3A, %add3A_1528 : vector<16xi32>
      %eq3A_1530 = vector.broadcast %squeeze3A_1519 : i32 to vector<16xi32>
      %eq3A_1531 = arith.cmpi eq, %add3A_1529, %eq3A_1530 : vector<16xi32>
      %convert_element_type3A_1532 = arith.extui %eq3A_1531 : vector<16xi1> to vector<16xi32>
      %add3A_1533 = arith.addi %add3A_1503, %convert_element_type3A_1532 : vector<16xi32>
      %add3A_1534 = arith.constant 32 : i32
      %add3A_1535 = vector.broadcast %add3A_1534 : i32 to vector<16xi32>
      %add3A_1536 = arith.addi %iota3A, %add3A_1535 : vector<16xi32>
      %eq3A_1537 = vector.broadcast %squeeze3A_1519 : i32 to vector<16xi32>
      %eq3A_1538 = arith.cmpi eq, %add3A_1536, %eq3A_1537 : vector<16xi32>
      %convert_element_type3A_1539 = arith.extui %eq3A_1538 : vector<16xi1> to vector<16xi32>
      %add3A_1540 = arith.addi %add3A_1510, %convert_element_type3A_1539 : vector<16xi32>
      %add3A_1541 = arith.constant 48 : i32
      %add3A_1542 = vector.broadcast %add3A_1541 : i32 to vector<16xi32>
      %add3A_1543 = arith.addi %iota3A, %add3A_1542 : vector<16xi32>
      %eq3A_1544 = vector.broadcast %squeeze3A_1519 : i32 to vector<16xi32>
      %eq3A_1545 = arith.cmpi eq, %add3A_1543, %eq3A_1544 : vector<16xi32>
      %convert_element_type3A_1546 = arith.extui %eq3A_1545 : vector<16xi1> to vector<16xi32>
      %add3A_1547 = arith.addi %add3A_1517, %convert_element_type3A_1546 : vector<16xi32>
      %slice3A_1548 = vector.extract_strided_slice %get3A_1129 {offsets = [14], sizes = [1], strides = [1]} : vector<16xi32> to vector<1xi32>
      %squeeze3A_1549 = vector.extract %slice3A_1548[0] : i32 from vector<1xi32>
      %add3A_1550 = arith.constant 0 : i32
      %add3A_1551 = vector.broadcast %add3A_1550 : i32 to vector<16xi32>
      %add3A_1552 = arith.addi %iota3A, %add3A_1551 : vector<16xi32>
      %eq3A_1553 = vector.broadcast %squeeze3A_1549 : i32 to vector<16xi32>
      %eq3A_1554 = arith.cmpi eq, %add3A_1552, %eq3A_1553 : vector<16xi32>
      %convert_element_type3A_1555 = arith.extui %eq3A_1554 : vector<16xi1> to vector<16xi32>
      %add3A_1556 = arith.addi %add3A_1526, %convert_element_type3A_1555 : vector<16xi32>
      %add3A_1557 = arith.constant 16 : i32
      %add3A_1558 = vector.broadcast %add3A_1557 : i32 to vector<16xi32>
      %add3A_1559 = arith.addi %iota3A, %add3A_1558 : vector<16xi32>
      %eq3A_1560 = vector.broadcast %squeeze3A_1549 : i32 to vector<16xi32>
      %eq3A_1561 = arith.cmpi eq, %add3A_1559, %eq3A_1560 : vector<16xi32>
      %convert_element_type3A_1562 = arith.extui %eq3A_1561 : vector<16xi1> to vector<16xi32>
      %add3A_1563 = arith.addi %add3A_1533, %convert_element_type3A_1562 : vector<16xi32>
      %add3A_1564 = arith.constant 32 : i32
      %add3A_1565 = vector.broadcast %add3A_1564 : i32 to vector<16xi32>
      %add3A_1566 = arith.addi %iota3A, %add3A_1565 : vector<16xi32>
      %eq3A_1567 = vector.broadcast %squeeze3A_1549 : i32 to vector<16xi32>
      %eq3A_1568 = arith.cmpi eq, %add3A_1566, %eq3A_1567 : vector<16xi32>
      %convert_element_type3A_1569 = arith.extui %eq3A_1568 : vector<16xi1> to vector<16xi32>
      %add3A_1570 = arith.addi %add3A_1540, %convert_element_type3A_1569 : vector<16xi32>
      %add3A_1571 = arith.constant 48 : i32
      %add3A_1572 = vector.broadcast %add3A_1571 : i32 to vector<16xi32>
      %add3A_1573 = arith.addi %iota3A, %add3A_1572 : vector<16xi32>
      %eq3A_1574 = vector.broadcast %squeeze3A_1549 : i32 to vector<16xi32>
      %eq3A_1575 = arith.cmpi eq, %add3A_1573, %eq3A_1574 : vector<16xi32>
      %convert_element_type3A_1576 = arith.extui %eq3A_1575 : vector<16xi1> to vector<16xi32>
      %add3A_1577 = arith.addi %add3A_1547, %convert_element_type3A_1576 : vector<16xi32>
      %slice3A_1578 = vector.extract_strided_slice %get3A_1129 {offsets = [15], sizes = [1], strides = [1]} : vector<16xi32> to vector<1xi32>
      %squeeze3A_1579 = vector.extract %slice3A_1578[0] : i32 from vector<1xi32>
      %add3A_1580 = arith.constant 0 : i32
      %add3A_1581 = vector.broadcast %add3A_1580 : i32 to vector<16xi32>
      %add3A_1582 = arith.addi %iota3A, %add3A_1581 : vector<16xi32>
      %eq3A_1583 = vector.broadcast %squeeze3A_1579 : i32 to vector<16xi32>
      %eq3A_1584 = arith.cmpi eq, %add3A_1582, %eq3A_1583 : vector<16xi32>
      %convert_element_type3A_1585 = arith.extui %eq3A_1584 : vector<16xi1> to vector<16xi32>
      %add3A_1586 = arith.addi %add3A_1556, %convert_element_type3A_1585 : vector<16xi32>
      %add3A_1587 = arith.constant 16 : i32
      %add3A_1588 = vector.broadcast %add3A_1587 : i32 to vector<16xi32>
      %add3A_1589 = arith.addi %iota3A, %add3A_1588 : vector<16xi32>
      %eq3A_1590 = vector.broadcast %squeeze3A_1579 : i32 to vector<16xi32>
      %eq3A_1591 = arith.cmpi eq, %add3A_1589, %eq3A_1590 : vector<16xi32>
      %convert_element_type3A_1592 = arith.extui %eq3A_1591 : vector<16xi1> to vector<16xi32>
      %add3A_1593 = arith.addi %add3A_1563, %convert_element_type3A_1592 : vector<16xi32>
      %add3A_1594 = arith.constant 32 : i32
      %add3A_1595 = vector.broadcast %add3A_1594 : i32 to vector<16xi32>
      %add3A_1596 = arith.addi %iota3A, %add3A_1595 : vector<16xi32>
      %eq3A_1597 = vector.broadcast %squeeze3A_1579 : i32 to vector<16xi32>
      %eq3A_1598 = arith.cmpi eq, %add3A_1596, %eq3A_1597 : vector<16xi32>
      %convert_element_type3A_1599 = arith.extui %eq3A_1598 : vector<16xi1> to vector<16xi32>
      %add3A_1600 = arith.addi %add3A_1570, %convert_element_type3A_1599 : vector<16xi32>
      %add3A_1601 = arith.constant 48 : i32
      %add3A_1602 = vector.broadcast %add3A_1601 : i32 to vector<16xi32>
      %add3A_1603 = arith.addi %iota3A, %add3A_1602 : vector<16xi32>
      %eq3A_1604 = vector.broadcast %squeeze3A_1579 : i32 to vector<16xi32>
      %eq3A_1605 = arith.cmpi eq, %add3A_1603, %eq3A_1604 : vector<16xi32>
      %convert_element_type3A_1606 = arith.extui %eq3A_1605 : vector<16xi1> to vector<16xi32>
      %add3A_1607 = arith.addi %add3A_1577, %convert_element_type3A_1606 : vector<16xi32>
      scf.yield %add3A_1586, %add3A_1593, %add3A_1600, %add3A_1607 : vector<16xi32>, vector<16xi32>, vector<16xi32>, vector<16xi32>
    }
    %scan3A_291 = arith.constant 8 : i32
    %swap3A_292 = arith.constant 0 : index
    %swap3A_293 = tpu.vector_load %arg13[%swap3A_292] {strides = array<i32>} : memref<64xi32, #tpu.memory_space<vmem>>, vector<16xi32>,
    tpu.vector_store %arg13[%swap3A_292], %scan3A_290#0 {strides = array<i32>} : memref<64xi32, #tpu.memory_space<vmem>>, vector<16xi32>,
    %swap3A_294 = arith.constant 16 : index
    %swap3A_295 = tpu.vector_load %arg13[%swap3A_294] {strides = array<i32>} : memref<64xi32, #tpu.memory_space<vmem>>, vector<16xi32>,
    tpu.vector_store %arg13[%swap3A_294], %scan3A_290#1 {strides = array<i32>} : memref<64xi32, #tpu.memory_space<vmem>>, vector<16xi32>,
    %swap3A_296 = arith.constant 32 : index
    %swap3A_297 = tpu.vector_load %arg13[%swap3A_296] {strides = array<i32>} : memref<64xi32, #tpu.memory_space<vmem>>, vector<16xi32>,
    tpu.vector_store %arg13[%swap3A_296], %scan3A_290#2 {strides = array<i32>} : memref<64xi32, #tpu.memory_space<vmem>>, vector<16xi32>,
    %swap3A_298 = arith.constant 48 : index
    %swap3A_299 = tpu.vector_load %arg13[%swap3A_298] {strides = array<i32>} : memref<64xi32, #tpu.memory_space<vmem>>, vector<16xi32>,
    tpu.vector_store %arg13[%swap3A_298], %scan3A_290#3 {strides = array<i32>} : memref<64xi32, #tpu.memory_space<vmem>>, vector<16xi32>,
    "tpu.trace_stop"() : () -> ()
    "tpu.trace_start"() <{level = 10 : i32, message = "ph_publish"}> : () -> ()
    %mul3A_300 = arith.constant 64 : i32
    %mul3A_301 = arith.muli %arg1, %mul3A_300 : i32
    "tpu.region"() ({
      %run_scoped3A = tpu.sem_alloc : memref<!tpu.dma_semaphore, #tpu.memory_space<semaphore_mem>>
      %dma_start3A_1121 = tpu.memref_slice %arg26[%mul3A_301] : memref<1024xi32, #tpu.memory_space<vmem_shared>> -> memref<64xi32, #tpu.memory_space<vmem_shared>>
      %dma_start3A_1122 = tpu.memref_slice %arg26[%mul3A_301] : memref<1024xi32, #tpu.memory_space<vmem_shared>> -> memref<64xi32, #tpu.memory_space<vmem_shared>>
      tpu.enqueue_dma source(%arg13 : memref<64xi32, #tpu.memory_space<vmem>>) target(%dma_start3A_1122 : memref<64xi32, #tpu.memory_space<vmem_shared>>) target_semaphore(%run_scoped3A : memref<!tpu.dma_semaphore, #tpu.memory_space<semaphore_mem>>)
      %dma_wait3A_1123 = tpu.memref_slice %arg26[%mul3A_301] : memref<1024xi32, #tpu.memory_space<vmem_shared>> -> memref<64xi32, #tpu.memory_space<vmem_shared>>
      %dma_wait3A_1124 = tpu.memref_slice %arg26[%mul3A_301] : memref<1024xi32, #tpu.memory_space<vmem_shared>> -> memref<64xi32, #tpu.memory_space<vmem_shared>>
      tpu.wait_dma2 semaphore(%run_scoped3A : memref<!tpu.dma_semaphore, #tpu.memory_space<semaphore_mem>>) src(%arg13 : memref<64xi32, #tpu.memory_space<vmem>>) dst(%dma_wait3A_1124 : memref<64xi32, #tpu.memory_space<vmem_shared>>)
      tpu.yield
    }) : () -> ()
    %mul3A_302 = arith.constant 256 : i32
    %mul3A_303 = arith.muli %arg1, %mul3A_302 : i32
    "tpu.region"() ({
      %run_scoped3A = tpu.sem_alloc : memref<!tpu.dma_semaphore, #tpu.memory_space<semaphore_mem>>
      %dma_start3A_1121 = tpu.memref_slice %arg27[%mul3A_303] : memref<4096xi32, #tpu.memory_space<vmem_shared>> -> memref<256xi32, #tpu.memory_space<vmem_shared>>
      %dma_start3A_1122 = tpu.memref_slice %arg27[%mul3A_303] : memref<4096xi32, #tpu.memory_space<vmem_shared>> -> memref<256xi32, #tpu.memory_space<vmem_shared>>
      tpu.enqueue_dma source(%arg22 : memref<256xi32, #tpu.memory_space<vmem>>) target(%dma_start3A_1122 : memref<256xi32, #tpu.memory_space<vmem_shared>>) target_semaphore(%run_scoped3A : memref<!tpu.dma_semaphore, #tpu.memory_space<semaphore_mem>>)
      %dma_wait3A_1123 = tpu.memref_slice %arg27[%mul3A_303] : memref<4096xi32, #tpu.memory_space<vmem_shared>> -> memref<256xi32, #tpu.memory_space<vmem_shared>>
      %dma_wait3A_1124 = tpu.memref_slice %arg27[%mul3A_303] : memref<4096xi32, #tpu.memory_space<vmem_shared>> -> memref<256xi32, #tpu.memory_space<vmem_shared>>
      tpu.wait_dma2 semaphore(%run_scoped3A : memref<!tpu.dma_semaphore, #tpu.memory_space<semaphore_mem>>) src(%arg22 : memref<256xi32, #tpu.memory_space<vmem>>) dst(%dma_wait3A_1124 : memref<256xi32, #tpu.memory_space<vmem_shared>>)
      tpu.yield
    }) : () -> ()
    %mul3A_304 = arith.constant 256 : i32
    %mul3A_305 = arith.muli %arg1, %mul3A_304 : i32
    "tpu.region"() ({
      %run_scoped3A = tpu.sem_alloc : memref<!tpu.dma_semaphore, #tpu.memory_space<semaphore_mem>>
      %dma_start3A_1121 = tpu.memref_slice %arg28[%mul3A_305] : memref<4096xf32, #tpu.memory_space<vmem_shared>> -> memref<256xf32, #tpu.memory_space<vmem_shared>>
      %dma_start3A_1122 = tpu.memref_slice %arg28[%mul3A_305] : memref<4096xf32, #tpu.memory_space<vmem_shared>> -> memref<256xf32, #tpu.memory_space<vmem_shared>>
      tpu.enqueue_dma source(%arg23 : memref<256xf32, #tpu.memory_space<vmem>>) target(%dma_start3A_1122 : memref<256xf32, #tpu.memory_space<vmem_shared>>) target_semaphore(%run_scoped3A : memref<!tpu.dma_semaphore, #tpu.memory_space<semaphore_mem>>)
      %dma_wait3A_1123 = tpu.memref_slice %arg28[%mul3A_305] : memref<4096xf32, #tpu.memory_space<vmem_shared>> -> memref<256xf32, #tpu.memory_space<vmem_shared>>
      %dma_wait3A_1124 = tpu.memref_slice %arg28[%mul3A_305] : memref<4096xf32, #tpu.memory_space<vmem_shared>> -> memref<256xf32, #tpu.memory_space<vmem_shared>>
      tpu.wait_dma2 semaphore(%run_scoped3A : memref<!tpu.dma_semaphore, #tpu.memory_space<semaphore_mem>>) src(%arg23 : memref<256xf32, #tpu.memory_space<vmem>>) dst(%dma_wait3A_1124 : memref<256xf32, #tpu.memory_space<vmem_shared>>)
      tpu.yield
    }) : () -> ()
    %barrier3A = arith.constant 0 : index
    tpu.barrier barrier_id(%barrier3A)
    "tpu.region"() ({
      %run_scoped3A = tpu.sem_alloc : memref<!tpu.dma_semaphore, #tpu.memory_space<semaphore_mem>>
      tpu.enqueue_dma source(%arg26 : memref<1024xi32, #tpu.memory_space<vmem_shared>>) target(%arg12 : memref<1024xi32, #tpu.memory_space<vmem>>) target_semaphore(%run_scoped3A : memref<!tpu.dma_semaphore, #tpu.memory_space<semaphore_mem>>)
      tpu.wait_dma2 semaphore(%run_scoped3A : memref<!tpu.dma_semaphore, #tpu.memory_space<semaphore_mem>>) src(%arg26 : memref<1024xi32, #tpu.memory_space<vmem_shared>>) dst(%arg12 : memref<1024xi32, #tpu.memory_space<vmem>>)
      tpu.yield
    }) : () -> ()
    "tpu.trace_stop"() : () -> ()
    "tpu.trace_start"() <{level = 10 : i32, message = "ph_meta"}> : () -> ()
    %swap3A_306 = arith.constant 0 : index
    %swap3A_307 = tpu.vector_load %arg18[%swap3A_306] {strides = array<i32>} : memref<80xi32, #tpu.memory_space<vmem>>, vector<16xi32>,
    tpu.vector_store %arg18[%swap3A_306], %broadcast_in_dim3A_1 {strides = array<i32>} : memref<80xi32, #tpu.memory_space<vmem>>, vector<16xi32>,
    %swap3A_308 = arith.constant 16 : index
    %swap3A_309 = tpu.vector_load %arg18[%swap3A_308] {strides = array<i32>} : memref<80xi32, #tpu.memory_space<vmem>>, vector<16xi32>,
    tpu.vector_store %arg18[%swap3A_308], %broadcast_in_dim3A_1 {strides = array<i32>} : memref<80xi32, #tpu.memory_space<vmem>>, vector<16xi32>,
    %swap3A_310 = arith.constant 32 : index
    %swap3A_311 = tpu.vector_load %arg18[%swap3A_310] {strides = array<i32>} : memref<80xi32, #tpu.memory_space<vmem>>, vector<16xi32>,
    tpu.vector_store %arg18[%swap3A_310], %broadcast_in_dim3A_1 {strides = array<i32>} : memref<80xi32, #tpu.memory_space<vmem>>, vector<16xi32>,
    %swap3A_312 = arith.constant 48 : index
    %swap3A_313 = tpu.vector_load %arg18[%swap3A_312] {strides = array<i32>} : memref<80xi32, #tpu.memory_space<vmem>>, vector<16xi32>,
    tpu.vector_store %arg18[%swap3A_312], %broadcast_in_dim3A_1 {strides = array<i32>} : memref<80xi32, #tpu.memory_space<vmem>>, vector<16xi32>,
    %swap3A_314 = arith.constant 64 : index
    %swap3A_315 = tpu.vector_load %arg18[%swap3A_314] {strides = array<i32>} : memref<80xi32, #tpu.memory_space<vmem>>, vector<16xi32>,
    tpu.vector_store %arg18[%swap3A_314], %broadcast_in_dim3A_1 {strides = array<i32>} : memref<80xi32, #tpu.memory_space<vmem>>, vector<16xi32>,
    %get3A = arith.constant 0 : index
    %get3A_316 = tpu.vector_load %arg12[%get3A] {strides = array<i32>} : memref<1024xi32, #tpu.memory_space<vmem>>, vector<16xi32>,
    %add3A_317 = arith.addi %broadcast_in_dim3A_1, %get3A_316 : vector<16xi32>
    %broadcast_in_dim3A_318 = arith.constant 0 : i32
    %broadcast_in_dim3A_319 = vector.broadcast %broadcast_in_dim3A_318 : i32 to vector<16xi32>
    %lt3A = vector.broadcast %arg1 : i32 to vector<16xi32>
    %lt3A_320 = arith.cmpi slt, %broadcast_in_dim3A_319, %lt3A : vector<16xi32>
    %select_n3A = arith.select %lt3A_320, %get3A_316, %broadcast_in_dim3A_1 : vector<16xi1>, vector<16xi32>
    %add3A_321 = arith.addi %broadcast_in_dim3A_1, %select_n3A : vector<16xi32>
    %get3A_322 = arith.constant 64 : index
    %get3A_323 = tpu.vector_load %arg12[%get3A_322] {strides = array<i32>} : memref<1024xi32, #tpu.memory_space<vmem>>, vector<16xi32>,
    %add3A_324 = arith.addi %add3A_317, %get3A_323 : vector<16xi32>
    %broadcast_in_dim3A_325 = arith.constant 1 : i32
    %broadcast_in_dim3A_326 = vector.broadcast %broadcast_in_dim3A_325 : i32 to vector<16xi32>
    %lt3A_327 = vector.broadcast %arg1 : i32 to vector<16xi32>
    %lt3A_328 = arith.cmpi slt, %broadcast_in_dim3A_326, %lt3A_327 : vector<16xi32>
    %select_n3A_329 = arith.select %lt3A_328, %get3A_323, %broadcast_in_dim3A_1 : vector<16xi1>, vector<16xi32>
    %add3A_330 = arith.addi %add3A_321, %select_n3A_329 : vector<16xi32>
    %get3A_331 = arith.constant 128 : index
    %get3A_332 = tpu.vector_load %arg12[%get3A_331] {strides = array<i32>} : memref<1024xi32, #tpu.memory_space<vmem>>, vector<16xi32>,
    %add3A_333 = arith.addi %add3A_324, %get3A_332 : vector<16xi32>
    %broadcast_in_dim3A_334 = arith.constant 2 : i32
    %broadcast_in_dim3A_335 = vector.broadcast %broadcast_in_dim3A_334 : i32 to vector<16xi32>
    %lt3A_336 = vector.broadcast %arg1 : i32 to vector<16xi32>
    %lt3A_337 = arith.cmpi slt, %broadcast_in_dim3A_335, %lt3A_336 : vector<16xi32>
    %select_n3A_338 = arith.select %lt3A_337, %get3A_332, %broadcast_in_dim3A_1 : vector<16xi1>, vector<16xi32>
    %add3A_339 = arith.addi %add3A_330, %select_n3A_338 : vector<16xi32>
    %get3A_340 = arith.constant 192 : index
    %get3A_341 = tpu.vector_load %arg12[%get3A_340] {strides = array<i32>} : memref<1024xi32, #tpu.memory_space<vmem>>, vector<16xi32>,
    %add3A_342 = arith.addi %add3A_333, %get3A_341 : vector<16xi32>
    %broadcast_in_dim3A_343 = arith.constant 3 : i32
    %broadcast_in_dim3A_344 = vector.broadcast %broadcast_in_dim3A_343 : i32 to vector<16xi32>
    %lt3A_345 = vector.broadcast %arg1 : i32 to vector<16xi32>
    %lt3A_346 = arith.cmpi slt, %broadcast_in_dim3A_344, %lt3A_345 : vector<16xi32>
    %select_n3A_347 = arith.select %lt3A_346, %get3A_341, %broadcast_in_dim3A_1 : vector<16xi1>, vector<16xi32>
    %add3A_348 = arith.addi %add3A_339, %select_n3A_347 : vector<16xi32>
    %get3A_349 = arith.constant 256 : index
    %get3A_350 = tpu.vector_load %arg12[%get3A_349] {strides = array<i32>} : memref<1024xi32, #tpu.memory_space<vmem>>, vector<16xi32>,
    %add3A_351 = arith.addi %add3A_342, %get3A_350 : vector<16xi32>
    %broadcast_in_dim3A_352 = arith.constant 4 : i32
    %broadcast_in_dim3A_353 = vector.broadcast %broadcast_in_dim3A_352 : i32 to vector<16xi32>
    %lt3A_354 = vector.broadcast %arg1 : i32 to vector<16xi32>
    %lt3A_355 = arith.cmpi slt, %broadcast_in_dim3A_353, %lt3A_354 : vector<16xi32>
    %select_n3A_356 = arith.select %lt3A_355, %get3A_350, %broadcast_in_dim3A_1 : vector<16xi1>, vector<16xi32>
    %add3A_357 = arith.addi %add3A_348, %select_n3A_356 : vector<16xi32>
    %get3A_358 = arith.constant 320 : index
    %get3A_359 = tpu.vector_load %arg12[%get3A_358] {strides = array<i32>} : memref<1024xi32, #tpu.memory_space<vmem>>, vector<16xi32>,
    %add3A_360 = arith.addi %add3A_351, %get3A_359 : vector<16xi32>
    %broadcast_in_dim3A_361 = arith.constant 5 : i32
    %broadcast_in_dim3A_362 = vector.broadcast %broadcast_in_dim3A_361 : i32 to vector<16xi32>
    %lt3A_363 = vector.broadcast %arg1 : i32 to vector<16xi32>
    %lt3A_364 = arith.cmpi slt, %broadcast_in_dim3A_362, %lt3A_363 : vector<16xi32>
    %select_n3A_365 = arith.select %lt3A_364, %get3A_359, %broadcast_in_dim3A_1 : vector<16xi1>, vector<16xi32>
    %add3A_366 = arith.addi %add3A_357, %select_n3A_365 : vector<16xi32>
    %get3A_367 = arith.constant 384 : index
    %get3A_368 = tpu.vector_load %arg12[%get3A_367] {strides = array<i32>} : memref<1024xi32, #tpu.memory_space<vmem>>, vector<16xi32>,
    %add3A_369 = arith.addi %add3A_360, %get3A_368 : vector<16xi32>
    %broadcast_in_dim3A_370 = arith.constant 6 : i32
    %broadcast_in_dim3A_371 = vector.broadcast %broadcast_in_dim3A_370 : i32 to vector<16xi32>
    %lt3A_372 = vector.broadcast %arg1 : i32 to vector<16xi32>
    %lt3A_373 = arith.cmpi slt, %broadcast_in_dim3A_371, %lt3A_372 : vector<16xi32>
    %select_n3A_374 = arith.select %lt3A_373, %get3A_368, %broadcast_in_dim3A_1 : vector<16xi1>, vector<16xi32>
    %add3A_375 = arith.addi %add3A_366, %select_n3A_374 : vector<16xi32>
    %get3A_376 = arith.constant 448 : index
    %get3A_377 = tpu.vector_load %arg12[%get3A_376] {strides = array<i32>} : memref<1024xi32, #tpu.memory_space<vmem>>, vector<16xi32>,
    %add3A_378 = arith.addi %add3A_369, %get3A_377 : vector<16xi32>
    %broadcast_in_dim3A_379 = arith.constant 7 : i32
    %broadcast_in_dim3A_380 = vector.broadcast %broadcast_in_dim3A_379 : i32 to vector<16xi32>
    %lt3A_381 = vector.broadcast %arg1 : i32 to vector<16xi32>
    %lt3A_382 = arith.cmpi slt, %broadcast_in_dim3A_380, %lt3A_381 : vector<16xi32>
    %select_n3A_383 = arith.select %lt3A_382, %get3A_377, %broadcast_in_dim3A_1 : vector<16xi1>, vector<16xi32>
    %add3A_384 = arith.addi %add3A_375, %select_n3A_383 : vector<16xi32>
    %get3A_385 = arith.constant 512 : index
    %get3A_386 = tpu.vector_load %arg12[%get3A_385] {strides = array<i32>} : memref<1024xi32, #tpu.memory_space<vmem>>, vector<16xi32>,
    %add3A_387 = arith.addi %add3A_378, %get3A_386 : vector<16xi32>
    %broadcast_in_dim3A_388 = arith.constant 8 : i32
    %broadcast_in_dim3A_389 = vector.broadcast %broadcast_in_dim3A_388 : i32 to vector<16xi32>
    %lt3A_390 = vector.broadcast %arg1 : i32 to vector<16xi32>
    %lt3A_391 = arith.cmpi slt, %broadcast_in_dim3A_389, %lt3A_390 : vector<16xi32>
    %select_n3A_392 = arith.select %lt3A_391, %get3A_386, %broadcast_in_dim3A_1 : vector<16xi1>, vector<16xi32>
    %add3A_393 = arith.addi %add3A_384, %select_n3A_392 : vector<16xi32>
    %get3A_394 = arith.constant 576 : index
    %get3A_395 = tpu.vector_load %arg12[%get3A_394] {strides = array<i32>} : memref<1024xi32, #tpu.memory_space<vmem>>, vector<16xi32>,
    %add3A_396 = arith.addi %add3A_387, %get3A_395 : vector<16xi32>
    %broadcast_in_dim3A_397 = arith.constant 9 : i32
    %broadcast_in_dim3A_398 = vector.broadcast %broadcast_in_dim3A_397 : i32 to vector<16xi32>
    %lt3A_399 = vector.broadcast %arg1 : i32 to vector<16xi32>
    %lt3A_400 = arith.cmpi slt, %broadcast_in_dim3A_398, %lt3A_399 : vector<16xi32>
    %select_n3A_401 = arith.select %lt3A_400, %get3A_395, %broadcast_in_dim3A_1 : vector<16xi1>, vector<16xi32>
    %add3A_402 = arith.addi %add3A_393, %select_n3A_401 : vector<16xi32>
    %get3A_403 = arith.constant 640 : index
    %get3A_404 = tpu.vector_load %arg12[%get3A_403] {strides = array<i32>} : memref<1024xi32, #tpu.memory_space<vmem>>, vector<16xi32>,
    %add3A_405 = arith.addi %add3A_396, %get3A_404 : vector<16xi32>
    %broadcast_in_dim3A_406 = arith.constant 10 : i32
    %broadcast_in_dim3A_407 = vector.broadcast %broadcast_in_dim3A_406 : i32 to vector<16xi32>
    %lt3A_408 = vector.broadcast %arg1 : i32 to vector<16xi32>
    %lt3A_409 = arith.cmpi slt, %broadcast_in_dim3A_407, %lt3A_408 : vector<16xi32>
    %select_n3A_410 = arith.select %lt3A_409, %get3A_404, %broadcast_in_dim3A_1 : vector<16xi1>, vector<16xi32>
    %add3A_411 = arith.addi %add3A_402, %select_n3A_410 : vector<16xi32>
    %get3A_412 = arith.constant 704 : index
    %get3A_413 = tpu.vector_load %arg12[%get3A_412] {strides = array<i32>} : memref<1024xi32, #tpu.memory_space<vmem>>, vector<16xi32>,
    %add3A_414 = arith.addi %add3A_405, %get3A_413 : vector<16xi32>
    %broadcast_in_dim3A_415 = arith.constant 11 : i32
    %broadcast_in_dim3A_416 = vector.broadcast %broadcast_in_dim3A_415 : i32 to vector<16xi32>
    %lt3A_417 = vector.broadcast %arg1 : i32 to vector<16xi32>
    %lt3A_418 = arith.cmpi slt, %broadcast_in_dim3A_416, %lt3A_417 : vector<16xi32>
    %select_n3A_419 = arith.select %lt3A_418, %get3A_413, %broadcast_in_dim3A_1 : vector<16xi1>, vector<16xi32>
    %add3A_420 = arith.addi %add3A_411, %select_n3A_419 : vector<16xi32>
    %get3A_421 = arith.constant 768 : index
    %get3A_422 = tpu.vector_load %arg12[%get3A_421] {strides = array<i32>} : memref<1024xi32, #tpu.memory_space<vmem>>, vector<16xi32>,
    %add3A_423 = arith.addi %add3A_414, %get3A_422 : vector<16xi32>
    %broadcast_in_dim3A_424 = arith.constant 12 : i32
    %broadcast_in_dim3A_425 = vector.broadcast %broadcast_in_dim3A_424 : i32 to vector<16xi32>
    %lt3A_426 = vector.broadcast %arg1 : i32 to vector<16xi32>
    %lt3A_427 = arith.cmpi slt, %broadcast_in_dim3A_425, %lt3A_426 : vector<16xi32>
    %select_n3A_428 = arith.select %lt3A_427, %get3A_422, %broadcast_in_dim3A_1 : vector<16xi1>, vector<16xi32>
    %add3A_429 = arith.addi %add3A_420, %select_n3A_428 : vector<16xi32>
    %get3A_430 = arith.constant 832 : index
    %get3A_431 = tpu.vector_load %arg12[%get3A_430] {strides = array<i32>} : memref<1024xi32, #tpu.memory_space<vmem>>, vector<16xi32>,
    %add3A_432 = arith.addi %add3A_423, %get3A_431 : vector<16xi32>
    %broadcast_in_dim3A_433 = arith.constant 13 : i32
    %broadcast_in_dim3A_434 = vector.broadcast %broadcast_in_dim3A_433 : i32 to vector<16xi32>
    %lt3A_435 = vector.broadcast %arg1 : i32 to vector<16xi32>
    %lt3A_436 = arith.cmpi slt, %broadcast_in_dim3A_434, %lt3A_435 : vector<16xi32>
    %select_n3A_437 = arith.select %lt3A_436, %get3A_431, %broadcast_in_dim3A_1 : vector<16xi1>, vector<16xi32>
    %add3A_438 = arith.addi %add3A_429, %select_n3A_437 : vector<16xi32>
    %get3A_439 = arith.constant 896 : index
    %get3A_440 = tpu.vector_load %arg12[%get3A_439] {strides = array<i32>} : memref<1024xi32, #tpu.memory_space<vmem>>, vector<16xi32>,
    %add3A_441 = arith.addi %add3A_432, %get3A_440 : vector<16xi32>
    %broadcast_in_dim3A_442 = arith.constant 14 : i32
    %broadcast_in_dim3A_443 = vector.broadcast %broadcast_in_dim3A_442 : i32 to vector<16xi32>
    %lt3A_444 = vector.broadcast %arg1 : i32 to vector<16xi32>
    %lt3A_445 = arith.cmpi slt, %broadcast_in_dim3A_443, %lt3A_444 : vector<16xi32>
    %select_n3A_446 = arith.select %lt3A_445, %get3A_440, %broadcast_in_dim3A_1 : vector<16xi1>, vector<16xi32>
    %add3A_447 = arith.addi %add3A_438, %select_n3A_446 : vector<16xi32>
    %get3A_448 = arith.constant 960 : index
    %get3A_449 = tpu.vector_load %arg12[%get3A_448] {strides = array<i32>} : memref<1024xi32, #tpu.memory_space<vmem>>, vector<16xi32>,
    %add3A_450 = arith.addi %add3A_441, %get3A_449 : vector<16xi32>
    %broadcast_in_dim3A_451 = arith.constant 15 : i32
    %broadcast_in_dim3A_452 = vector.broadcast %broadcast_in_dim3A_451 : i32 to vector<16xi32>
    %lt3A_453 = vector.broadcast %arg1 : i32 to vector<16xi32>
    %lt3A_454 = arith.cmpi slt, %broadcast_in_dim3A_452, %lt3A_453 : vector<16xi32>
    %select_n3A_455 = arith.select %lt3A_454, %get3A_449, %broadcast_in_dim3A_1 : vector<16xi1>, vector<16xi32>
    %add3A_456 = arith.addi %add3A_447, %select_n3A_455 : vector<16xi32>
    %swap3A_457 = arith.constant 0 : index
    %swap3A_458 = tpu.vector_load %arg14[%swap3A_457] {strides = array<i32>} : memref<64xi32, #tpu.memory_space<vmem>>, vector<16xi32>,
    tpu.vector_store %arg14[%swap3A_457], %add3A_456 {strides = array<i32>} : memref<64xi32, #tpu.memory_space<vmem>>, vector<16xi32>,
    %add3A_459 = arith.constant 31 : i32
    %add3A_460 = vector.broadcast %add3A_459 : i32 to vector<16xi32>
    %add3A_461 = arith.addi %add3A_450, %add3A_460 : vector<16xi32>
    %shift_right_arithmetic3A = arith.constant 5 : i32
    %shift_right_arithmetic3A_462 = vector.broadcast %shift_right_arithmetic3A : i32 to vector<16xi32>
    %shift_right_arithmetic3A_463 = arith.shrsi %add3A_461, %shift_right_arithmetic3A_462 : vector<16xi32>
    %broadcast_in_dim3A_464 = arith.constant true
    %broadcast_in_dim3A_465 = vector.broadcast %broadcast_in_dim3A_464 : i1 to vector<16xi1>
    %masked_cumsum3A = tpu.scan <sum>, %shift_right_arithmetic3A_463 masked %broadcast_in_dim3A_465 : vector<16xi32>, vector<16xi1> -> vector<16xi32>
    %add3A_466 = arith.constant 0 : i32
    %add3A_467 = vector.broadcast %add3A_466 : i32 to vector<16xi32>
    %add3A_468 = arith.addi %masked_cumsum3A, %add3A_467 : vector<16xi32>
    %swap3A_469 = arith.constant 0 : index
    %swap3A_470 = tpu.vector_load %arg17[%swap3A_469] {strides = array<i32>} : memref<64xi32, #tpu.memory_space<vmem>>, vector<16xi32>,
    tpu.vector_store %arg17[%swap3A_469], %add3A_468 {strides = array<i32>} : memref<64xi32, #tpu.memory_space<vmem>>, vector<16xi32>,
    %sub3A = arith.subi %add3A_468, %shift_right_arithmetic3A_463 : vector<16xi32>
    %mul3A_471 = arith.constant 32 : i32
    %mul3A_472 = vector.broadcast %mul3A_471 : i32 to vector<16xi32>
    %mul3A_473 = arith.muli %sub3A, %mul3A_472 : vector<16xi32>
    %swap3A_474 = arith.constant 0 : index
    %swap3A_475 = tpu.vector_load %arg15[%swap3A_474] {strides = array<i32>} : memref<64xi32, #tpu.memory_space<vmem>>, vector<16xi32>,
    tpu.vector_store %arg15[%swap3A_474], %mul3A_473 {strides = array<i32>} : memref<64xi32, #tpu.memory_space<vmem>>, vector<16xi32>,
    %reduce_sum3A = arith.constant true
    %reduce_sum3A_476 = vector.broadcast %reduce_sum3A : i1 to vector<16xi1>
    %reduce_sum3A_477 = tpu.scan <sum>, %shift_right_arithmetic3A_463 masked %reduce_sum3A_476 : vector<16xi32>, vector<16xi1> -> vector<16xi32>
    %reduce_sum3A_478 = vector.extract %reduce_sum3A_477[15] : i32 from vector<16xi32>
    %add3A_479 = arith.constant 0 : i32
    %add3A_480 = arith.addi %add3A_479, %reduce_sum3A_478 : i32
    %min3A = arith.constant 1 : i32
    %min3A_481 = vector.broadcast %min3A : i32 to vector<16xi32>
    %min3A_482 = arith.minsi %shift_right_arithmetic3A_463, %min3A_481 : vector<16xi32>
    %broadcast_in_dim3A_483 = arith.constant true
    %broadcast_in_dim3A_484 = vector.broadcast %broadcast_in_dim3A_483 : i1 to vector<16xi1>
    %masked_cumsum3A_485 = tpu.scan <sum>, %min3A_482 masked %broadcast_in_dim3A_484 : vector<16xi32>, vector<16xi1> -> vector<16xi32>
    %sub3A_486 = arith.subi %masked_cumsum3A_485, %min3A_482 : vector<16xi32>
    %add3A_487 = arith.constant 0 : i32
    %add3A_488 = vector.broadcast %add3A_487 : i32 to vector<16xi32>
    %add3A_489 = arith.addi %sub3A_486, %add3A_488 : vector<16xi32>
    %add3A_490 = arith.constant 0 : i32
    %add3A_491 = vector.broadcast %add3A_490 : i32 to vector<16xi32>
    %add3A_492 = arith.addi %iota3A, %add3A_491 : vector<16xi32>
    %eq3A = arith.constant 1 : i32
    %eq3A_493 = vector.broadcast %eq3A : i32 to vector<16xi32>
    %eq3A_494 = arith.cmpi eq, %min3A_482, %eq3A_493 : vector<16xi32>
    tpu.vector_store_idx %arg18[%add3A_489], %add3A_492 masked %eq3A_494 : memref<80xi32, #tpu.memory_space<vmem>>[vector<16xi32>], vector<16xi32>, vector<16xi1>
    %reduce_sum3A_495 = arith.constant true
    %reduce_sum3A_496 = vector.broadcast %reduce_sum3A_495 : i1 to vector<16xi1>
    %reduce_sum3A_497 = tpu.scan <sum>, %min3A_482 masked %reduce_sum3A_496 : vector<16xi32>, vector<16xi1> -> vector<16xi32>
    %reduce_sum3A_498 = vector.extract %reduce_sum3A_497[15] : i32 from vector<16xi32>
    %add3A_499 = arith.constant 0 : i32
    %add3A_500 = arith.addi %add3A_499, %reduce_sum3A_498 : i32
    %get3A_501 = arith.constant 16 : index
    %get3A_502 = tpu.vector_load %arg12[%get3A_501] {strides = array<i32>} : memref<1024xi32, #tpu.memory_space<vmem>>, vector<16xi32>,
    %add3A_503 = arith.addi %broadcast_in_dim3A_1, %get3A_502 : vector<16xi32>
    %broadcast_in_dim3A_504 = arith.constant 0 : i32
    %broadcast_in_dim3A_505 = vector.broadcast %broadcast_in_dim3A_504 : i32 to vector<16xi32>
    %lt3A_506 = vector.broadcast %arg1 : i32 to vector<16xi32>
    %lt3A_507 = arith.cmpi slt, %broadcast_in_dim3A_505, %lt3A_506 : vector<16xi32>
    %select_n3A_508 = arith.select %lt3A_507, %get3A_502, %broadcast_in_dim3A_1 : vector<16xi1>, vector<16xi32>
    %add3A_509 = arith.addi %broadcast_in_dim3A_1, %select_n3A_508 : vector<16xi32>
    %get3A_510 = arith.constant 80 : index
    %get3A_511 = tpu.vector_load %arg12[%get3A_510] {strides = array<i32>} : memref<1024xi32, #tpu.memory_space<vmem>>, vector<16xi32>,
    %add3A_512 = arith.addi %add3A_503, %get3A_511 : vector<16xi32>
    %broadcast_in_dim3A_513 = arith.constant 1 : i32
    %broadcast_in_dim3A_514 = vector.broadcast %broadcast_in_dim3A_513 : i32 to vector<16xi32>
    %lt3A_515 = vector.broadcast %arg1 : i32 to vector<16xi32>
    %lt3A_516 = arith.cmpi slt, %broadcast_in_dim3A_514, %lt3A_515 : vector<16xi32>
    %select_n3A_517 = arith.select %lt3A_516, %get3A_511, %broadcast_in_dim3A_1 : vector<16xi1>, vector<16xi32>
    %add3A_518 = arith.addi %add3A_509, %select_n3A_517 : vector<16xi32>
    %get3A_519 = arith.constant 144 : index
    %get3A_520 = tpu.vector_load %arg12[%get3A_519] {strides = array<i32>} : memref<1024xi32, #tpu.memory_space<vmem>>, vector<16xi32>,
    %add3A_521 = arith.addi %add3A_512, %get3A_520 : vector<16xi32>
    %broadcast_in_dim3A_522 = arith.constant 2 : i32
    %broadcast_in_dim3A_523 = vector.broadcast %broadcast_in_dim3A_522 : i32 to vector<16xi32>
    %lt3A_524 = vector.broadcast %arg1 : i32 to vector<16xi32>
    %lt3A_525 = arith.cmpi slt, %broadcast_in_dim3A_523, %lt3A_524 : vector<16xi32>
    %select_n3A_526 = arith.select %lt3A_525, %get3A_520, %broadcast_in_dim3A_1 : vector<16xi1>, vector<16xi32>
    %add3A_527 = arith.addi %add3A_518, %select_n3A_526 : vector<16xi32>
    %get3A_528 = arith.constant 208 : index
    %get3A_529 = tpu.vector_load %arg12[%get3A_528] {strides = array<i32>} : memref<1024xi32, #tpu.memory_space<vmem>>, vector<16xi32>,
    %add3A_530 = arith.addi %add3A_521, %get3A_529 : vector<16xi32>
    %broadcast_in_dim3A_531 = arith.constant 3 : i32
    %broadcast_in_dim3A_532 = vector.broadcast %broadcast_in_dim3A_531 : i32 to vector<16xi32>
    %lt3A_533 = vector.broadcast %arg1 : i32 to vector<16xi32>
    %lt3A_534 = arith.cmpi slt, %broadcast_in_dim3A_532, %lt3A_533 : vector<16xi32>
    %select_n3A_535 = arith.select %lt3A_534, %get3A_529, %broadcast_in_dim3A_1 : vector<16xi1>, vector<16xi32>
    %add3A_536 = arith.addi %add3A_527, %select_n3A_535 : vector<16xi32>
    %get3A_537 = arith.constant 272 : index
    %get3A_538 = tpu.vector_load %arg12[%get3A_537] {strides = array<i32>} : memref<1024xi32, #tpu.memory_space<vmem>>, vector<16xi32>,
    %add3A_539 = arith.addi %add3A_530, %get3A_538 : vector<16xi32>
    %broadcast_in_dim3A_540 = arith.constant 4 : i32
    %broadcast_in_dim3A_541 = vector.broadcast %broadcast_in_dim3A_540 : i32 to vector<16xi32>
    %lt3A_542 = vector.broadcast %arg1 : i32 to vector<16xi32>
    %lt3A_543 = arith.cmpi slt, %broadcast_in_dim3A_541, %lt3A_542 : vector<16xi32>
    %select_n3A_544 = arith.select %lt3A_543, %get3A_538, %broadcast_in_dim3A_1 : vector<16xi1>, vector<16xi32>
    %add3A_545 = arith.addi %add3A_536, %select_n3A_544 : vector<16xi32>
    %get3A_546 = arith.constant 336 : index
    %get3A_547 = tpu.vector_load %arg12[%get3A_546] {strides = array<i32>} : memref<1024xi32, #tpu.memory_space<vmem>>, vector<16xi32>,
    %add3A_548 = arith.addi %add3A_539, %get3A_547 : vector<16xi32>
    %broadcast_in_dim3A_549 = arith.constant 5 : i32
    %broadcast_in_dim3A_550 = vector.broadcast %broadcast_in_dim3A_549 : i32 to vector<16xi32>
    %lt3A_551 = vector.broadcast %arg1 : i32 to vector<16xi32>
    %lt3A_552 = arith.cmpi slt, %broadcast_in_dim3A_550, %lt3A_551 : vector<16xi32>
    %select_n3A_553 = arith.select %lt3A_552, %get3A_547, %broadcast_in_dim3A_1 : vector<16xi1>, vector<16xi32>
    %add3A_554 = arith.addi %add3A_545, %select_n3A_553 : vector<16xi32>
    %get3A_555 = arith.constant 400 : index
    %get3A_556 = tpu.vector_load %arg12[%get3A_555] {strides = array<i32>} : memref<1024xi32, #tpu.memory_space<vmem>>, vector<16xi32>,
    %add3A_557 = arith.addi %add3A_548, %get3A_556 : vector<16xi32>
    %broadcast_in_dim3A_558 = arith.constant 6 : i32
    %broadcast_in_dim3A_559 = vector.broadcast %broadcast_in_dim3A_558 : i32 to vector<16xi32>
    %lt3A_560 = vector.broadcast %arg1 : i32 to vector<16xi32>
    %lt3A_561 = arith.cmpi slt, %broadcast_in_dim3A_559, %lt3A_560 : vector<16xi32>
    %select_n3A_562 = arith.select %lt3A_561, %get3A_556, %broadcast_in_dim3A_1 : vector<16xi1>, vector<16xi32>
    %add3A_563 = arith.addi %add3A_554, %select_n3A_562 : vector<16xi32>
    %get3A_564 = arith.constant 464 : index
    %get3A_565 = tpu.vector_load %arg12[%get3A_564] {strides = array<i32>} : memref<1024xi32, #tpu.memory_space<vmem>>, vector<16xi32>,
    %add3A_566 = arith.addi %add3A_557, %get3A_565 : vector<16xi32>
    %broadcast_in_dim3A_567 = arith.constant 7 : i32
    %broadcast_in_dim3A_568 = vector.broadcast %broadcast_in_dim3A_567 : i32 to vector<16xi32>
    %lt3A_569 = vector.broadcast %arg1 : i32 to vector<16xi32>
    %lt3A_570 = arith.cmpi slt, %broadcast_in_dim3A_568, %lt3A_569 : vector<16xi32>
    %select_n3A_571 = arith.select %lt3A_570, %get3A_565, %broadcast_in_dim3A_1 : vector<16xi1>, vector<16xi32>
    %add3A_572 = arith.addi %add3A_563, %select_n3A_571 : vector<16xi32>
    %get3A_573 = arith.constant 528 : index
    %get3A_574 = tpu.vector_load %arg12[%get3A_573] {strides = array<i32>} : memref<1024xi32, #tpu.memory_space<vmem>>, vector<16xi32>,
    %add3A_575 = arith.addi %add3A_566, %get3A_574 : vector<16xi32>
    %broadcast_in_dim3A_576 = arith.constant 8 : i32
    %broadcast_in_dim3A_577 = vector.broadcast %broadcast_in_dim3A_576 : i32 to vector<16xi32>
    %lt3A_578 = vector.broadcast %arg1 : i32 to vector<16xi32>
    %lt3A_579 = arith.cmpi slt, %broadcast_in_dim3A_577, %lt3A_578 : vector<16xi32>
    %select_n3A_580 = arith.select %lt3A_579, %get3A_574, %broadcast_in_dim3A_1 : vector<16xi1>, vector<16xi32>
    %add3A_581 = arith.addi %add3A_572, %select_n3A_580 : vector<16xi32>
    %get3A_582 = arith.constant 592 : index
    %get3A_583 = tpu.vector_load %arg12[%get3A_582] {strides = array<i32>} : memref<1024xi32, #tpu.memory_space<vmem>>, vector<16xi32>,
    %add3A_584 = arith.addi %add3A_575, %get3A_583 : vector<16xi32>
    %broadcast_in_dim3A_585 = arith.constant 9 : i32
    %broadcast_in_dim3A_586 = vector.broadcast %broadcast_in_dim3A_585 : i32 to vector<16xi32>
    %lt3A_587 = vector.broadcast %arg1 : i32 to vector<16xi32>
    %lt3A_588 = arith.cmpi slt, %broadcast_in_dim3A_586, %lt3A_587 : vector<16xi32>
    %select_n3A_589 = arith.select %lt3A_588, %get3A_583, %broadcast_in_dim3A_1 : vector<16xi1>, vector<16xi32>
    %add3A_590 = arith.addi %add3A_581, %select_n3A_589 : vector<16xi32>
    %get3A_591 = arith.constant 656 : index
    %get3A_592 = tpu.vector_load %arg12[%get3A_591] {strides = array<i32>} : memref<1024xi32, #tpu.memory_space<vmem>>, vector<16xi32>,
    %add3A_593 = arith.addi %add3A_584, %get3A_592 : vector<16xi32>
    %broadcast_in_dim3A_594 = arith.constant 10 : i32
    %broadcast_in_dim3A_595 = vector.broadcast %broadcast_in_dim3A_594 : i32 to vector<16xi32>
    %lt3A_596 = vector.broadcast %arg1 : i32 to vector<16xi32>
    %lt3A_597 = arith.cmpi slt, %broadcast_in_dim3A_595, %lt3A_596 : vector<16xi32>
    %select_n3A_598 = arith.select %lt3A_597, %get3A_592, %broadcast_in_dim3A_1 : vector<16xi1>, vector<16xi32>
    %add3A_599 = arith.addi %add3A_590, %select_n3A_598 : vector<16xi32>
    %get3A_600 = arith.constant 720 : index
    %get3A_601 = tpu.vector_load %arg12[%get3A_600] {strides = array<i32>} : memref<1024xi32, #tpu.memory_space<vmem>>, vector<16xi32>,
    %add3A_602 = arith.addi %add3A_593, %get3A_601 : vector<16xi32>
    %broadcast_in_dim3A_603 = arith.constant 11 : i32
    %broadcast_in_dim3A_604 = vector.broadcast %broadcast_in_dim3A_603 : i32 to vector<16xi32>
    %lt3A_605 = vector.broadcast %arg1 : i32 to vector<16xi32>
    %lt3A_606 = arith.cmpi slt, %broadcast_in_dim3A_604, %lt3A_605 : vector<16xi32>
    %select_n3A_607 = arith.select %lt3A_606, %get3A_601, %broadcast_in_dim3A_1 : vector<16xi1>, vector<16xi32>
    %add3A_608 = arith.addi %add3A_599, %select_n3A_607 : vector<16xi32>
    %get3A_609 = arith.constant 784 : index
    %get3A_610 = tpu.vector_load %arg12[%get3A_609] {strides = array<i32>} : memref<1024xi32, #tpu.memory_space<vmem>>, vector<16xi32>,
    %add3A_611 = arith.addi %add3A_602, %get3A_610 : vector<16xi32>
    %broadcast_in_dim3A_612 = arith.constant 12 : i32
    %broadcast_in_dim3A_613 = vector.broadcast %broadcast_in_dim3A_612 : i32 to vector<16xi32>
    %lt3A_614 = vector.broadcast %arg1 : i32 to vector<16xi32>
    %lt3A_615 = arith.cmpi slt, %broadcast_in_dim3A_613, %lt3A_614 : vector<16xi32>
    %select_n3A_616 = arith.select %lt3A_615, %get3A_610, %broadcast_in_dim3A_1 : vector<16xi1>, vector<16xi32>
    %add3A_617 = arith.addi %add3A_608, %select_n3A_616 : vector<16xi32>
    %get3A_618 = arith.constant 848 : index
    %get3A_619 = tpu.vector_load %arg12[%get3A_618] {strides = array<i32>} : memref<1024xi32, #tpu.memory_space<vmem>>, vector<16xi32>,
    %add3A_620 = arith.addi %add3A_611, %get3A_619 : vector<16xi32>
    %broadcast_in_dim3A_621 = arith.constant 13 : i32
    %broadcast_in_dim3A_622 = vector.broadcast %broadcast_in_dim3A_621 : i32 to vector<16xi32>
    %lt3A_623 = vector.broadcast %arg1 : i32 to vector<16xi32>
    %lt3A_624 = arith.cmpi slt, %broadcast_in_dim3A_622, %lt3A_623 : vector<16xi32>
    %select_n3A_625 = arith.select %lt3A_624, %get3A_619, %broadcast_in_dim3A_1 : vector<16xi1>, vector<16xi32>
    %add3A_626 = arith.addi %add3A_617, %select_n3A_625 : vector<16xi32>
    %get3A_627 = arith.constant 912 : index
    %get3A_628 = tpu.vector_load %arg12[%get3A_627] {strides = array<i32>} : memref<1024xi32, #tpu.memory_space<vmem>>, vector<16xi32>,
    %add3A_629 = arith.addi %add3A_620, %get3A_628 : vector<16xi32>
    %broadcast_in_dim3A_630 = arith.constant 14 : i32
    %broadcast_in_dim3A_631 = vector.broadcast %broadcast_in_dim3A_630 : i32 to vector<16xi32>
    %lt3A_632 = vector.broadcast %arg1 : i32 to vector<16xi32>
    %lt3A_633 = arith.cmpi slt, %broadcast_in_dim3A_631, %lt3A_632 : vector<16xi32>
    %select_n3A_634 = arith.select %lt3A_633, %get3A_628, %broadcast_in_dim3A_1 : vector<16xi1>, vector<16xi32>
    %add3A_635 = arith.addi %add3A_626, %select_n3A_634 : vector<16xi32>
    %get3A_636 = arith.constant 976 : index
    %get3A_637 = tpu.vector_load %arg12[%get3A_636] {strides = array<i32>} : memref<1024xi32, #tpu.memory_space<vmem>>, vector<16xi32>,
    %add3A_638 = arith.addi %add3A_629, %get3A_637 : vector<16xi32>
    %broadcast_in_dim3A_639 = arith.constant 15 : i32
    %broadcast_in_dim3A_640 = vector.broadcast %broadcast_in_dim3A_639 : i32 to vector<16xi32>
    %lt3A_641 = vector.broadcast %arg1 : i32 to vector<16xi32>
    %lt3A_642 = arith.cmpi slt, %broadcast_in_dim3A_640, %lt3A_641 : vector<16xi32>
    %select_n3A_643 = arith.select %lt3A_642, %get3A_637, %broadcast_in_dim3A_1 : vector<16xi1>, vector<16xi32>
    %add3A_644 = arith.addi %add3A_635, %select_n3A_643 : vector<16xi32>
    %swap3A_645 = arith.constant 16 : index
    %swap3A_646 = tpu.vector_load %arg14[%swap3A_645] {strides = array<i32>} : memref<64xi32, #tpu.memory_space<vmem>>, vector<16xi32>,
    tpu.vector_store %arg14[%swap3A_645], %add3A_644 {strides = array<i32>} : memref<64xi32, #tpu.memory_space<vmem>>, vector<16xi32>,
    %add3A_647 = arith.constant 31 : i32
    %add3A_648 = vector.broadcast %add3A_647 : i32 to vector<16xi32>
    %add3A_649 = arith.addi %add3A_638, %add3A_648 : vector<16xi32>
    %shift_right_arithmetic3A_650 = arith.constant 5 : i32
    %shift_right_arithmetic3A_651 = vector.broadcast %shift_right_arithmetic3A_650 : i32 to vector<16xi32>
    %shift_right_arithmetic3A_652 = arith.shrsi %add3A_649, %shift_right_arithmetic3A_651 : vector<16xi32>
    %broadcast_in_dim3A_653 = arith.constant true
    %broadcast_in_dim3A_654 = vector.broadcast %broadcast_in_dim3A_653 : i1 to vector<16xi1>
    %masked_cumsum3A_655 = tpu.scan <sum>, %shift_right_arithmetic3A_652 masked %broadcast_in_dim3A_654 : vector<16xi32>, vector<16xi1> -> vector<16xi32>
    %add3A_656 = vector.broadcast %add3A_480 : i32 to vector<16xi32>
    %add3A_657 = arith.addi %masked_cumsum3A_655, %add3A_656 : vector<16xi32>
    %swap3A_658 = arith.constant 16 : index
    %swap3A_659 = tpu.vector_load %arg17[%swap3A_658] {strides = array<i32>} : memref<64xi32, #tpu.memory_space<vmem>>, vector<16xi32>,
    tpu.vector_store %arg17[%swap3A_658], %add3A_657 {strides = array<i32>} : memref<64xi32, #tpu.memory_space<vmem>>, vector<16xi32>,
    %sub3A_660 = arith.subi %add3A_657, %shift_right_arithmetic3A_652 : vector<16xi32>
    %mul3A_661 = arith.constant 32 : i32
    %mul3A_662 = vector.broadcast %mul3A_661 : i32 to vector<16xi32>
    %mul3A_663 = arith.muli %sub3A_660, %mul3A_662 : vector<16xi32>
    %swap3A_664 = arith.constant 16 : index
    %swap3A_665 = tpu.vector_load %arg15[%swap3A_664] {strides = array<i32>} : memref<64xi32, #tpu.memory_space<vmem>>, vector<16xi32>,
    tpu.vector_store %arg15[%swap3A_664], %mul3A_663 {strides = array<i32>} : memref<64xi32, #tpu.memory_space<vmem>>, vector<16xi32>,
    %reduce_sum3A_666 = arith.constant true
    %reduce_sum3A_667 = vector.broadcast %reduce_sum3A_666 : i1 to vector<16xi1>
    %reduce_sum3A_668 = tpu.scan <sum>, %shift_right_arithmetic3A_652 masked %reduce_sum3A_667 : vector<16xi32>, vector<16xi1> -> vector<16xi32>
    %reduce_sum3A_669 = vector.extract %reduce_sum3A_668[15] : i32 from vector<16xi32>
    %add3A_670 = arith.addi %add3A_480, %reduce_sum3A_669 : i32
    %min3A_671 = arith.constant 1 : i32
    %min3A_672 = vector.broadcast %min3A_671 : i32 to vector<16xi32>
    %min3A_673 = arith.minsi %shift_right_arithmetic3A_652, %min3A_672 : vector<16xi32>
    %broadcast_in_dim3A_674 = arith.constant true
    %broadcast_in_dim3A_675 = vector.broadcast %broadcast_in_dim3A_674 : i1 to vector<16xi1>
    %masked_cumsum3A_676 = tpu.scan <sum>, %min3A_673 masked %broadcast_in_dim3A_675 : vector<16xi32>, vector<16xi1> -> vector<16xi32>
    %sub3A_677 = arith.subi %masked_cumsum3A_676, %min3A_673 : vector<16xi32>
    %add3A_678 = vector.broadcast %add3A_500 : i32 to vector<16xi32>
    %add3A_679 = arith.addi %sub3A_677, %add3A_678 : vector<16xi32>
    %add3A_680 = arith.constant 16 : i32
    %add3A_681 = vector.broadcast %add3A_680 : i32 to vector<16xi32>
    %add3A_682 = arith.addi %iota3A, %add3A_681 : vector<16xi32>
    %eq3A_683 = arith.constant 1 : i32
    %eq3A_684 = vector.broadcast %eq3A_683 : i32 to vector<16xi32>
    %eq3A_685 = arith.cmpi eq, %min3A_673, %eq3A_684 : vector<16xi32>
    tpu.vector_store_idx %arg18[%add3A_679], %add3A_682 masked %eq3A_685 : memref<80xi32, #tpu.memory_space<vmem>>[vector<16xi32>], vector<16xi32>, vector<16xi1>
    %reduce_sum3A_686 = arith.constant true
    %reduce_sum3A_687 = vector.broadcast %reduce_sum3A_686 : i1 to vector<16xi1>
    %reduce_sum3A_688 = tpu.scan <sum>, %min3A_673 masked %reduce_sum3A_687 : vector<16xi32>, vector<16xi1> -> vector<16xi32>
    %reduce_sum3A_689 = vector.extract %reduce_sum3A_688[15] : i32 from vector<16xi32>
    %add3A_690 = arith.addi %add3A_500, %reduce_sum3A_689 : i32
    %get3A_691 = arith.constant 32 : index
    %get3A_692 = tpu.vector_load %arg12[%get3A_691] {strides = array<i32>} : memref<1024xi32, #tpu.memory_space<vmem>>, vector<16xi32>,
    %add3A_693 = arith.addi %broadcast_in_dim3A_1, %get3A_692 : vector<16xi32>
    %broadcast_in_dim3A_694 = arith.constant 0 : i32
    %broadcast_in_dim3A_695 = vector.broadcast %broadcast_in_dim3A_694 : i32 to vector<16xi32>
    %lt3A_696 = vector.broadcast %arg1 : i32 to vector<16xi32>
    %lt3A_697 = arith.cmpi slt, %broadcast_in_dim3A_695, %lt3A_696 : vector<16xi32>
    %select_n3A_698 = arith.select %lt3A_697, %get3A_692, %broadcast_in_dim3A_1 : vector<16xi1>, vector<16xi32>
    %add3A_699 = arith.addi %broadcast_in_dim3A_1, %select_n3A_698 : vector<16xi32>
    %get3A_700 = arith.constant 96 : index
    %get3A_701 = tpu.vector_load %arg12[%get3A_700] {strides = array<i32>} : memref<1024xi32, #tpu.memory_space<vmem>>, vector<16xi32>,
    %add3A_702 = arith.addi %add3A_693, %get3A_701 : vector<16xi32>
    %broadcast_in_dim3A_703 = arith.constant 1 : i32
    %broadcast_in_dim3A_704 = vector.broadcast %broadcast_in_dim3A_703 : i32 to vector<16xi32>
    %lt3A_705 = vector.broadcast %arg1 : i32 to vector<16xi32>
    %lt3A_706 = arith.cmpi slt, %broadcast_in_dim3A_704, %lt3A_705 : vector<16xi32>
    %select_n3A_707 = arith.select %lt3A_706, %get3A_701, %broadcast_in_dim3A_1 : vector<16xi1>, vector<16xi32>
    %add3A_708 = arith.addi %add3A_699, %select_n3A_707 : vector<16xi32>
    %get3A_709 = arith.constant 160 : index
    %get3A_710 = tpu.vector_load %arg12[%get3A_709] {strides = array<i32>} : memref<1024xi32, #tpu.memory_space<vmem>>, vector<16xi32>,
    %add3A_711 = arith.addi %add3A_702, %get3A_710 : vector<16xi32>
    %broadcast_in_dim3A_712 = arith.constant 2 : i32
    %broadcast_in_dim3A_713 = vector.broadcast %broadcast_in_dim3A_712 : i32 to vector<16xi32>
    %lt3A_714 = vector.broadcast %arg1 : i32 to vector<16xi32>
    %lt3A_715 = arith.cmpi slt, %broadcast_in_dim3A_713, %lt3A_714 : vector<16xi32>
    %select_n3A_716 = arith.select %lt3A_715, %get3A_710, %broadcast_in_dim3A_1 : vector<16xi1>, vector<16xi32>
    %add3A_717 = arith.addi %add3A_708, %select_n3A_716 : vector<16xi32>
    %get3A_718 = arith.constant 224 : index
    %get3A_719 = tpu.vector_load %arg12[%get3A_718] {strides = array<i32>} : memref<1024xi32, #tpu.memory_space<vmem>>, vector<16xi32>,
    %add3A_720 = arith.addi %add3A_711, %get3A_719 : vector<16xi32>
    %broadcast_in_dim3A_721 = arith.constant 3 : i32
    %broadcast_in_dim3A_722 = vector.broadcast %broadcast_in_dim3A_721 : i32 to vector<16xi32>
    %lt3A_723 = vector.broadcast %arg1 : i32 to vector<16xi32>
    %lt3A_724 = arith.cmpi slt, %broadcast_in_dim3A_722, %lt3A_723 : vector<16xi32>
    %select_n3A_725 = arith.select %lt3A_724, %get3A_719, %broadcast_in_dim3A_1 : vector<16xi1>, vector<16xi32>
    %add3A_726 = arith.addi %add3A_717, %select_n3A_725 : vector<16xi32>
    %get3A_727 = arith.constant 288 : index
    %get3A_728 = tpu.vector_load %arg12[%get3A_727] {strides = array<i32>} : memref<1024xi32, #tpu.memory_space<vmem>>, vector<16xi32>,
    %add3A_729 = arith.addi %add3A_720, %get3A_728 : vector<16xi32>
    %broadcast_in_dim3A_730 = arith.constant 4 : i32
    %broadcast_in_dim3A_731 = vector.broadcast %broadcast_in_dim3A_730 : i32 to vector<16xi32>
    %lt3A_732 = vector.broadcast %arg1 : i32 to vector<16xi32>
    %lt3A_733 = arith.cmpi slt, %broadcast_in_dim3A_731, %lt3A_732 : vector<16xi32>
    %select_n3A_734 = arith.select %lt3A_733, %get3A_728, %broadcast_in_dim3A_1 : vector<16xi1>, vector<16xi32>
    %add3A_735 = arith.addi %add3A_726, %select_n3A_734 : vector<16xi32>
    %get3A_736 = arith.constant 352 : index
    %get3A_737 = tpu.vector_load %arg12[%get3A_736] {strides = array<i32>} : memref<1024xi32, #tpu.memory_space<vmem>>, vector<16xi32>,
    %add3A_738 = arith.addi %add3A_729, %get3A_737 : vector<16xi32>
    %broadcast_in_dim3A_739 = arith.constant 5 : i32
    %broadcast_in_dim3A_740 = vector.broadcast %broadcast_in_dim3A_739 : i32 to vector<16xi32>
    %lt3A_741 = vector.broadcast %arg1 : i32 to vector<16xi32>
    %lt3A_742 = arith.cmpi slt, %broadcast_in_dim3A_740, %lt3A_741 : vector<16xi32>
    %select_n3A_743 = arith.select %lt3A_742, %get3A_737, %broadcast_in_dim3A_1 : vector<16xi1>, vector<16xi32>
    %add3A_744 = arith.addi %add3A_735, %select_n3A_743 : vector<16xi32>
    %get3A_745 = arith.constant 416 : index
    %get3A_746 = tpu.vector_load %arg12[%get3A_745] {strides = array<i32>} : memref<1024xi32, #tpu.memory_space<vmem>>, vector<16xi32>,
    %add3A_747 = arith.addi %add3A_738, %get3A_746 : vector<16xi32>
    %broadcast_in_dim3A_748 = arith.constant 6 : i32
    %broadcast_in_dim3A_749 = vector.broadcast %broadcast_in_dim3A_748 : i32 to vector<16xi32>
    %lt3A_750 = vector.broadcast %arg1 : i32 to vector<16xi32>
    %lt3A_751 = arith.cmpi slt, %broadcast_in_dim3A_749, %lt3A_750 : vector<16xi32>
    %select_n3A_752 = arith.select %lt3A_751, %get3A_746, %broadcast_in_dim3A_1 : vector<16xi1>, vector<16xi32>
    %add3A_753 = arith.addi %add3A_744, %select_n3A_752 : vector<16xi32>
    %get3A_754 = arith.constant 480 : index
    %get3A_755 = tpu.vector_load %arg12[%get3A_754] {strides = array<i32>} : memref<1024xi32, #tpu.memory_space<vmem>>, vector<16xi32>,
    %add3A_756 = arith.addi %add3A_747, %get3A_755 : vector<16xi32>
    %broadcast_in_dim3A_757 = arith.constant 7 : i32
    %broadcast_in_dim3A_758 = vector.broadcast %broadcast_in_dim3A_757 : i32 to vector<16xi32>
    %lt3A_759 = vector.broadcast %arg1 : i32 to vector<16xi32>
    %lt3A_760 = arith.cmpi slt, %broadcast_in_dim3A_758, %lt3A_759 : vector<16xi32>
    %select_n3A_761 = arith.select %lt3A_760, %get3A_755, %broadcast_in_dim3A_1 : vector<16xi1>, vector<16xi32>
    %add3A_762 = arith.addi %add3A_753, %select_n3A_761 : vector<16xi32>
    %get3A_763 = arith.constant 544 : index
    %get3A_764 = tpu.vector_load %arg12[%get3A_763] {strides = array<i32>} : memref<1024xi32, #tpu.memory_space<vmem>>, vector<16xi32>,
    %add3A_765 = arith.addi %add3A_756, %get3A_764 : vector<16xi32>
    %broadcast_in_dim3A_766 = arith.constant 8 : i32
    %broadcast_in_dim3A_767 = vector.broadcast %broadcast_in_dim3A_766 : i32 to vector<16xi32>
    %lt3A_768 = vector.broadcast %arg1 : i32 to vector<16xi32>
    %lt3A_769 = arith.cmpi slt, %broadcast_in_dim3A_767, %lt3A_768 : vector<16xi32>
    %select_n3A_770 = arith.select %lt3A_769, %get3A_764, %broadcast_in_dim3A_1 : vector<16xi1>, vector<16xi32>
    %add3A_771 = arith.addi %add3A_762, %select_n3A_770 : vector<16xi32>
    %get3A_772 = arith.constant 608 : index
    %get3A_773 = tpu.vector_load %arg12[%get3A_772] {strides = array<i32>} : memref<1024xi32, #tpu.memory_space<vmem>>, vector<16xi32>,
    %add3A_774 = arith.addi %add3A_765, %get3A_773 : vector<16xi32>
    %broadcast_in_dim3A_775 = arith.constant 9 : i32
    %broadcast_in_dim3A_776 = vector.broadcast %broadcast_in_dim3A_775 : i32 to vector<16xi32>
    %lt3A_777 = vector.broadcast %arg1 : i32 to vector<16xi32>
    %lt3A_778 = arith.cmpi slt, %broadcast_in_dim3A_776, %lt3A_777 : vector<16xi32>
    %select_n3A_779 = arith.select %lt3A_778, %get3A_773, %broadcast_in_dim3A_1 : vector<16xi1>, vector<16xi32>
    %add3A_780 = arith.addi %add3A_771, %select_n3A_779 : vector<16xi32>
    %get3A_781 = arith.constant 672 : index
    %get3A_782 = tpu.vector_load %arg12[%get3A_781] {strides = array<i32>} : memref<1024xi32, #tpu.memory_space<vmem>>, vector<16xi32>,
    %add3A_783 = arith.addi %add3A_774, %get3A_782 : vector<16xi32>
    %broadcast_in_dim3A_784 = arith.constant 10 : i32
    %broadcast_in_dim3A_785 = vector.broadcast %broadcast_in_dim3A_784 : i32 to vector<16xi32>
    %lt3A_786 = vector.broadcast %arg1 : i32 to vector<16xi32>
    %lt3A_787 = arith.cmpi slt, %broadcast_in_dim3A_785, %lt3A_786 : vector<16xi32>
    %select_n3A_788 = arith.select %lt3A_787, %get3A_782, %broadcast_in_dim3A_1 : vector<16xi1>, vector<16xi32>
    %add3A_789 = arith.addi %add3A_780, %select_n3A_788 : vector<16xi32>
    %get3A_790 = arith.constant 736 : index
    %get3A_791 = tpu.vector_load %arg12[%get3A_790] {strides = array<i32>} : memref<1024xi32, #tpu.memory_space<vmem>>, vector<16xi32>,
    %add3A_792 = arith.addi %add3A_783, %get3A_791 : vector<16xi32>
    %broadcast_in_dim3A_793 = arith.constant 11 : i32
    %broadcast_in_dim3A_794 = vector.broadcast %broadcast_in_dim3A_793 : i32 to vector<16xi32>
    %lt3A_795 = vector.broadcast %arg1 : i32 to vector<16xi32>
    %lt3A_796 = arith.cmpi slt, %broadcast_in_dim3A_794, %lt3A_795 : vector<16xi32>
    %select_n3A_797 = arith.select %lt3A_796, %get3A_791, %broadcast_in_dim3A_1 : vector<16xi1>, vector<16xi32>
    %add3A_798 = arith.addi %add3A_789, %select_n3A_797 : vector<16xi32>
    %get3A_799 = arith.constant 800 : index
    %get3A_800 = tpu.vector_load %arg12[%get3A_799] {strides = array<i32>} : memref<1024xi32, #tpu.memory_space<vmem>>, vector<16xi32>,
    %add3A_801 = arith.addi %add3A_792, %get3A_800 : vector<16xi32>
    %broadcast_in_dim3A_802 = arith.constant 12 : i32
    %broadcast_in_dim3A_803 = vector.broadcast %broadcast_in_dim3A_802 : i32 to vector<16xi32>
    %lt3A_804 = vector.broadcast %arg1 : i32 to vector<16xi32>
    %lt3A_805 = arith.cmpi slt, %broadcast_in_dim3A_803, %lt3A_804 : vector<16xi32>
    %select_n3A_806 = arith.select %lt3A_805, %get3A_800, %broadcast_in_dim3A_1 : vector<16xi1>, vector<16xi32>
    %add3A_807 = arith.addi %add3A_798, %select_n3A_806 : vector<16xi32>
    %get3A_808 = arith.constant 864 : index
    %get3A_809 = tpu.vector_load %arg12[%get3A_808] {strides = array<i32>} : memref<1024xi32, #tpu.memory_space<vmem>>, vector<16xi32>,
    %add3A_810 = arith.addi %add3A_801, %get3A_809 : vector<16xi32>
    %broadcast_in_dim3A_811 = arith.constant 13 : i32
    %broadcast_in_dim3A_812 = vector.broadcast %broadcast_in_dim3A_811 : i32 to vector<16xi32>
    %lt3A_813 = vector.broadcast %arg1 : i32 to vector<16xi32>
    %lt3A_814 = arith.cmpi slt, %broadcast_in_dim3A_812, %lt3A_813 : vector<16xi32>
    %select_n3A_815 = arith.select %lt3A_814, %get3A_809, %broadcast_in_dim3A_1 : vector<16xi1>, vector<16xi32>
    %add3A_816 = arith.addi %add3A_807, %select_n3A_815 : vector<16xi32>
    %get3A_817 = arith.constant 928 : index
    %get3A_818 = tpu.vector_load %arg12[%get3A_817] {strides = array<i32>} : memref<1024xi32, #tpu.memory_space<vmem>>, vector<16xi32>,
    %add3A_819 = arith.addi %add3A_810, %get3A_818 : vector<16xi32>
    %broadcast_in_dim3A_820 = arith.constant 14 : i32
    %broadcast_in_dim3A_821 = vector.broadcast %broadcast_in_dim3A_820 : i32 to vector<16xi32>
    %lt3A_822 = vector.broadcast %arg1 : i32 to vector<16xi32>
    %lt3A_823 = arith.cmpi slt, %broadcast_in_dim3A_821, %lt3A_822 : vector<16xi32>
    %select_n3A_824 = arith.select %lt3A_823, %get3A_818, %broadcast_in_dim3A_1 : vector<16xi1>, vector<16xi32>
    %add3A_825 = arith.addi %add3A_816, %select_n3A_824 : vector<16xi32>
    %get3A_826 = arith.constant 992 : index
    %get3A_827 = tpu.vector_load %arg12[%get3A_826] {strides = array<i32>} : memref<1024xi32, #tpu.memory_space<vmem>>, vector<16xi32>,
    %add3A_828 = arith.addi %add3A_819, %get3A_827 : vector<16xi32>
    %broadcast_in_dim3A_829 = arith.constant 15 : i32
    %broadcast_in_dim3A_830 = vector.broadcast %broadcast_in_dim3A_829 : i32 to vector<16xi32>
    %lt3A_831 = vector.broadcast %arg1 : i32 to vector<16xi32>
    %lt3A_832 = arith.cmpi slt, %broadcast_in_dim3A_830, %lt3A_831 : vector<16xi32>
    %select_n3A_833 = arith.select %lt3A_832, %get3A_827, %broadcast_in_dim3A_1 : vector<16xi1>, vector<16xi32>
    %add3A_834 = arith.addi %add3A_825, %select_n3A_833 : vector<16xi32>
    %swap3A_835 = arith.constant 32 : index
    %swap3A_836 = tpu.vector_load %arg14[%swap3A_835] {strides = array<i32>} : memref<64xi32, #tpu.memory_space<vmem>>, vector<16xi32>,
    tpu.vector_store %arg14[%swap3A_835], %add3A_834 {strides = array<i32>} : memref<64xi32, #tpu.memory_space<vmem>>, vector<16xi32>,
    %add3A_837 = arith.constant 31 : i32
    %add3A_838 = vector.broadcast %add3A_837 : i32 to vector<16xi32>
    %add3A_839 = arith.addi %add3A_828, %add3A_838 : vector<16xi32>
    %shift_right_arithmetic3A_840 = arith.constant 5 : i32
    %shift_right_arithmetic3A_841 = vector.broadcast %shift_right_arithmetic3A_840 : i32 to vector<16xi32>
    %shift_right_arithmetic3A_842 = arith.shrsi %add3A_839, %shift_right_arithmetic3A_841 : vector<16xi32>
    %broadcast_in_dim3A_843 = arith.constant true
    %broadcast_in_dim3A_844 = vector.broadcast %broadcast_in_dim3A_843 : i1 to vector<16xi1>
    %masked_cumsum3A_845 = tpu.scan <sum>, %shift_right_arithmetic3A_842 masked %broadcast_in_dim3A_844 : vector<16xi32>, vector<16xi1> -> vector<16xi32>
    %add3A_846 = vector.broadcast %add3A_670 : i32 to vector<16xi32>
    %add3A_847 = arith.addi %masked_cumsum3A_845, %add3A_846 : vector<16xi32>
    %swap3A_848 = arith.constant 32 : index
    %swap3A_849 = tpu.vector_load %arg17[%swap3A_848] {strides = array<i32>} : memref<64xi32, #tpu.memory_space<vmem>>, vector<16xi32>,
    tpu.vector_store %arg17[%swap3A_848], %add3A_847 {strides = array<i32>} : memref<64xi32, #tpu.memory_space<vmem>>, vector<16xi32>,
    %sub3A_850 = arith.subi %add3A_847, %shift_right_arithmetic3A_842 : vector<16xi32>
    %mul3A_851 = arith.constant 32 : i32
    %mul3A_852 = vector.broadcast %mul3A_851 : i32 to vector<16xi32>
    %mul3A_853 = arith.muli %sub3A_850, %mul3A_852 : vector<16xi32>
    %swap3A_854 = arith.constant 32 : index
    %swap3A_855 = tpu.vector_load %arg15[%swap3A_854] {strides = array<i32>} : memref<64xi32, #tpu.memory_space<vmem>>, vector<16xi32>,
    tpu.vector_store %arg15[%swap3A_854], %mul3A_853 {strides = array<i32>} : memref<64xi32, #tpu.memory_space<vmem>>, vector<16xi32>,
    %reduce_sum3A_856 = arith.constant true
    %reduce_sum3A_857 = vector.broadcast %reduce_sum3A_856 : i1 to vector<16xi1>
    %reduce_sum3A_858 = tpu.scan <sum>, %shift_right_arithmetic3A_842 masked %reduce_sum3A_857 : vector<16xi32>, vector<16xi1> -> vector<16xi32>
    %reduce_sum3A_859 = vector.extract %reduce_sum3A_858[15] : i32 from vector<16xi32>
    %add3A_860 = arith.addi %add3A_670, %reduce_sum3A_859 : i32
    %min3A_861 = arith.constant 1 : i32
    %min3A_862 = vector.broadcast %min3A_861 : i32 to vector<16xi32>
    %min3A_863 = arith.minsi %shift_right_arithmetic3A_842, %min3A_862 : vector<16xi32>
    %broadcast_in_dim3A_864 = arith.constant true
    %broadcast_in_dim3A_865 = vector.broadcast %broadcast_in_dim3A_864 : i1 to vector<16xi1>
    %masked_cumsum3A_866 = tpu.scan <sum>, %min3A_863 masked %broadcast_in_dim3A_865 : vector<16xi32>, vector<16xi1> -> vector<16xi32>
    %sub3A_867 = arith.subi %masked_cumsum3A_866, %min3A_863 : vector<16xi32>
    %add3A_868 = vector.broadcast %add3A_690 : i32 to vector<16xi32>
    %add3A_869 = arith.addi %sub3A_867, %add3A_868 : vector<16xi32>
    %add3A_870 = arith.constant 32 : i32
    %add3A_871 = vector.broadcast %add3A_870 : i32 to vector<16xi32>
    %add3A_872 = arith.addi %iota3A, %add3A_871 : vector<16xi32>
    %eq3A_873 = arith.constant 1 : i32
    %eq3A_874 = vector.broadcast %eq3A_873 : i32 to vector<16xi32>
    %eq3A_875 = arith.cmpi eq, %min3A_863, %eq3A_874 : vector<16xi32>
    tpu.vector_store_idx %arg18[%add3A_869], %add3A_872 masked %eq3A_875 : memref<80xi32, #tpu.memory_space<vmem>>[vector<16xi32>], vector<16xi32>, vector<16xi1>
    %reduce_sum3A_876 = arith.constant true
    %reduce_sum3A_877 = vector.broadcast %reduce_sum3A_876 : i1 to vector<16xi1>
    %reduce_sum3A_878 = tpu.scan <sum>, %min3A_863 masked %reduce_sum3A_877 : vector<16xi32>, vector<16xi1> -> vector<16xi32>
    %reduce_sum3A_879 = vector.extract %reduce_sum3A_878[15] : i32 from vector<16xi32>
    %add3A_880 = arith.addi %add3A_690, %reduce_sum3A_879 : i32
    %get3A_881 = arith.constant 48 : index
    %get3A_882 = tpu.vector_load %arg12[%get3A_881] {strides = array<i32>} : memref<1024xi32, #tpu.memory_space<vmem>>, vector<16xi32>,
    %add3A_883 = arith.addi %broadcast_in_dim3A_1, %get3A_882 : vector<16xi32>
    %broadcast_in_dim3A_884 = arith.constant 0 : i32
    %broadcast_in_dim3A_885 = vector.broadcast %broadcast_in_dim3A_884 : i32 to vector<16xi32>
    %lt3A_886 = vector.broadcast %arg1 : i32 to vector<16xi32>
    %lt3A_887 = arith.cmpi slt, %broadcast_in_dim3A_885, %lt3A_886 : vector<16xi32>
    %select_n3A_888 = arith.select %lt3A_887, %get3A_882, %broadcast_in_dim3A_1 : vector<16xi1>, vector<16xi32>
    %add3A_889 = arith.addi %broadcast_in_dim3A_1, %select_n3A_888 : vector<16xi32>
    %get3A_890 = arith.constant 112 : index
    %get3A_891 = tpu.vector_load %arg12[%get3A_890] {strides = array<i32>} : memref<1024xi32, #tpu.memory_space<vmem>>, vector<16xi32>,
    %add3A_892 = arith.addi %add3A_883, %get3A_891 : vector<16xi32>
    %broadcast_in_dim3A_893 = arith.constant 1 : i32
    %broadcast_in_dim3A_894 = vector.broadcast %broadcast_in_dim3A_893 : i32 to vector<16xi32>
    %lt3A_895 = vector.broadcast %arg1 : i32 to vector<16xi32>
    %lt3A_896 = arith.cmpi slt, %broadcast_in_dim3A_894, %lt3A_895 : vector<16xi32>
    %select_n3A_897 = arith.select %lt3A_896, %get3A_891, %broadcast_in_dim3A_1 : vector<16xi1>, vector<16xi32>
    %add3A_898 = arith.addi %add3A_889, %select_n3A_897 : vector<16xi32>
    %get3A_899 = arith.constant 176 : index
    %get3A_900 = tpu.vector_load %arg12[%get3A_899] {strides = array<i32>} : memref<1024xi32, #tpu.memory_space<vmem>>, vector<16xi32>,
    %add3A_901 = arith.addi %add3A_892, %get3A_900 : vector<16xi32>
    %broadcast_in_dim3A_902 = arith.constant 2 : i32
    %broadcast_in_dim3A_903 = vector.broadcast %broadcast_in_dim3A_902 : i32 to vector<16xi32>
    %lt3A_904 = vector.broadcast %arg1 : i32 to vector<16xi32>
    %lt3A_905 = arith.cmpi slt, %broadcast_in_dim3A_903, %lt3A_904 : vector<16xi32>
    %select_n3A_906 = arith.select %lt3A_905, %get3A_900, %broadcast_in_dim3A_1 : vector<16xi1>, vector<16xi32>
    %add3A_907 = arith.addi %add3A_898, %select_n3A_906 : vector<16xi32>
    %get3A_908 = arith.constant 240 : index
    %get3A_909 = tpu.vector_load %arg12[%get3A_908] {strides = array<i32>} : memref<1024xi32, #tpu.memory_space<vmem>>, vector<16xi32>,
    %add3A_910 = arith.addi %add3A_901, %get3A_909 : vector<16xi32>
    %broadcast_in_dim3A_911 = arith.constant 3 : i32
    %broadcast_in_dim3A_912 = vector.broadcast %broadcast_in_dim3A_911 : i32 to vector<16xi32>
    %lt3A_913 = vector.broadcast %arg1 : i32 to vector<16xi32>
    %lt3A_914 = arith.cmpi slt, %broadcast_in_dim3A_912, %lt3A_913 : vector<16xi32>
    %select_n3A_915 = arith.select %lt3A_914, %get3A_909, %broadcast_in_dim3A_1 : vector<16xi1>, vector<16xi32>
    %add3A_916 = arith.addi %add3A_907, %select_n3A_915 : vector<16xi32>
    %get3A_917 = arith.constant 304 : index
    %get3A_918 = tpu.vector_load %arg12[%get3A_917] {strides = array<i32>} : memref<1024xi32, #tpu.memory_space<vmem>>, vector<16xi32>,
    %add3A_919 = arith.addi %add3A_910, %get3A_918 : vector<16xi32>
    %broadcast_in_dim3A_920 = arith.constant 4 : i32
    %broadcast_in_dim3A_921 = vector.broadcast %broadcast_in_dim3A_920 : i32 to vector<16xi32>
    %lt3A_922 = vector.broadcast %arg1 : i32 to vector<16xi32>
    %lt3A_923 = arith.cmpi slt, %broadcast_in_dim3A_921, %lt3A_922 : vector<16xi32>
    %select_n3A_924 = arith.select %lt3A_923, %get3A_918, %broadcast_in_dim3A_1 : vector<16xi1>, vector<16xi32>
    %add3A_925 = arith.addi %add3A_916, %select_n3A_924 : vector<16xi32>
    %get3A_926 = arith.constant 368 : index
    %get3A_927 = tpu.vector_load %arg12[%get3A_926] {strides = array<i32>} : memref<1024xi32, #tpu.memory_space<vmem>>, vector<16xi32>,
    %add3A_928 = arith.addi %add3A_919, %get3A_927 : vector<16xi32>
    %broadcast_in_dim3A_929 = arith.constant 5 : i32
    %broadcast_in_dim3A_930 = vector.broadcast %broadcast_in_dim3A_929 : i32 to vector<16xi32>
    %lt3A_931 = vector.broadcast %arg1 : i32 to vector<16xi32>
    %lt3A_932 = arith.cmpi slt, %broadcast_in_dim3A_930, %lt3A_931 : vector<16xi32>
    %select_n3A_933 = arith.select %lt3A_932, %get3A_927, %broadcast_in_dim3A_1 : vector<16xi1>, vector<16xi32>
    %add3A_934 = arith.addi %add3A_925, %select_n3A_933 : vector<16xi32>
    %get3A_935 = arith.constant 432 : index
    %get3A_936 = tpu.vector_load %arg12[%get3A_935] {strides = array<i32>} : memref<1024xi32, #tpu.memory_space<vmem>>, vector<16xi32>,
    %add3A_937 = arith.addi %add3A_928, %get3A_936 : vector<16xi32>
    %broadcast_in_dim3A_938 = arith.constant 6 : i32
    %broadcast_in_dim3A_939 = vector.broadcast %broadcast_in_dim3A_938 : i32 to vector<16xi32>
    %lt3A_940 = vector.broadcast %arg1 : i32 to vector<16xi32>
    %lt3A_941 = arith.cmpi slt, %broadcast_in_dim3A_939, %lt3A_940 : vector<16xi32>
    %select_n3A_942 = arith.select %lt3A_941, %get3A_936, %broadcast_in_dim3A_1 : vector<16xi1>, vector<16xi32>
    %add3A_943 = arith.addi %add3A_934, %select_n3A_942 : vector<16xi32>
    %get3A_944 = arith.constant 496 : index
    %get3A_945 = tpu.vector_load %arg12[%get3A_944] {strides = array<i32>} : memref<1024xi32, #tpu.memory_space<vmem>>, vector<16xi32>,
    %add3A_946 = arith.addi %add3A_937, %get3A_945 : vector<16xi32>
    %broadcast_in_dim3A_947 = arith.constant 7 : i32
    %broadcast_in_dim3A_948 = vector.broadcast %broadcast_in_dim3A_947 : i32 to vector<16xi32>
    %lt3A_949 = vector.broadcast %arg1 : i32 to vector<16xi32>
    %lt3A_950 = arith.cmpi slt, %broadcast_in_dim3A_948, %lt3A_949 : vector<16xi32>
    %select_n3A_951 = arith.select %lt3A_950, %get3A_945, %broadcast_in_dim3A_1 : vector<16xi1>, vector<16xi32>
    %add3A_952 = arith.addi %add3A_943, %select_n3A_951 : vector<16xi32>
    %get3A_953 = arith.constant 560 : index
    %get3A_954 = tpu.vector_load %arg12[%get3A_953] {strides = array<i32>} : memref<1024xi32, #tpu.memory_space<vmem>>, vector<16xi32>,
    %add3A_955 = arith.addi %add3A_946, %get3A_954 : vector<16xi32>
    %broadcast_in_dim3A_956 = arith.constant 8 : i32
    %broadcast_in_dim3A_957 = vector.broadcast %broadcast_in_dim3A_956 : i32 to vector<16xi32>
    %lt3A_958 = vector.broadcast %arg1 : i32 to vector<16xi32>
    %lt3A_959 = arith.cmpi slt, %broadcast_in_dim3A_957, %lt3A_958 : vector<16xi32>
    %select_n3A_960 = arith.select %lt3A_959, %get3A_954, %broadcast_in_dim3A_1 : vector<16xi1>, vector<16xi32>
    %add3A_961 = arith.addi %add3A_952, %select_n3A_960 : vector<16xi32>
    %get3A_962 = arith.constant 624 : index
    %get3A_963 = tpu.vector_load %arg12[%get3A_962] {strides = array<i32>} : memref<1024xi32, #tpu.memory_space<vmem>>, vector<16xi32>,
    %add3A_964 = arith.addi %add3A_955, %get3A_963 : vector<16xi32>
    %broadcast_in_dim3A_965 = arith.constant 9 : i32
    %broadcast_in_dim3A_966 = vector.broadcast %broadcast_in_dim3A_965 : i32 to vector<16xi32>
    %lt3A_967 = vector.broadcast %arg1 : i32 to vector<16xi32>
    %lt3A_968 = arith.cmpi slt, %broadcast_in_dim3A_966, %lt3A_967 : vector<16xi32>
    %select_n3A_969 = arith.select %lt3A_968, %get3A_963, %broadcast_in_dim3A_1 : vector<16xi1>, vector<16xi32>
    %add3A_970 = arith.addi %add3A_961, %select_n3A_969 : vector<16xi32>
    %get3A_971 = arith.constant 688 : index
    %get3A_972 = tpu.vector_load %arg12[%get3A_971] {strides = array<i32>} : memref<1024xi32, #tpu.memory_space<vmem>>, vector<16xi32>,
    %add3A_973 = arith.addi %add3A_964, %get3A_972 : vector<16xi32>
    %broadcast_in_dim3A_974 = arith.constant 10 : i32
    %broadcast_in_dim3A_975 = vector.broadcast %broadcast_in_dim3A_974 : i32 to vector<16xi32>
    %lt3A_976 = vector.broadcast %arg1 : i32 to vector<16xi32>
    %lt3A_977 = arith.cmpi slt, %broadcast_in_dim3A_975, %lt3A_976 : vector<16xi32>
    %select_n3A_978 = arith.select %lt3A_977, %get3A_972, %broadcast_in_dim3A_1 : vector<16xi1>, vector<16xi32>
    %add3A_979 = arith.addi %add3A_970, %select_n3A_978 : vector<16xi32>
    %get3A_980 = arith.constant 752 : index
    %get3A_981 = tpu.vector_load %arg12[%get3A_980] {strides = array<i32>} : memref<1024xi32, #tpu.memory_space<vmem>>, vector<16xi32>,
    %add3A_982 = arith.addi %add3A_973, %get3A_981 : vector<16xi32>
    %broadcast_in_dim3A_983 = arith.constant 11 : i32
    %broadcast_in_dim3A_984 = vector.broadcast %broadcast_in_dim3A_983 : i32 to vector<16xi32>
    %lt3A_985 = vector.broadcast %arg1 : i32 to vector<16xi32>
    %lt3A_986 = arith.cmpi slt, %broadcast_in_dim3A_984, %lt3A_985 : vector<16xi32>
    %select_n3A_987 = arith.select %lt3A_986, %get3A_981, %broadcast_in_dim3A_1 : vector<16xi1>, vector<16xi32>
    %add3A_988 = arith.addi %add3A_979, %select_n3A_987 : vector<16xi32>
    %get3A_989 = arith.constant 816 : index
    %get3A_990 = tpu.vector_load %arg12[%get3A_989] {strides = array<i32>} : memref<1024xi32, #tpu.memory_space<vmem>>, vector<16xi32>,
    %add3A_991 = arith.addi %add3A_982, %get3A_990 : vector<16xi32>
    %broadcast_in_dim3A_992 = arith.constant 12 : i32
    %broadcast_in_dim3A_993 = vector.broadcast %broadcast_in_dim3A_992 : i32 to vector<16xi32>
    %lt3A_994 = vector.broadcast %arg1 : i32 to vector<16xi32>
    %lt3A_995 = arith.cmpi slt, %broadcast_in_dim3A_993, %lt3A_994 : vector<16xi32>
    %select_n3A_996 = arith.select %lt3A_995, %get3A_990, %broadcast_in_dim3A_1 : vector<16xi1>, vector<16xi32>
    %add3A_997 = arith.addi %add3A_988, %select_n3A_996 : vector<16xi32>
    %get3A_998 = arith.constant 880 : index
    %get3A_999 = tpu.vector_load %arg12[%get3A_998] {strides = array<i32>} : memref<1024xi32, #tpu.memory_space<vmem>>, vector<16xi32>,
    %add3A_1000 = arith.addi %add3A_991, %get3A_999 : vector<16xi32>
    %broadcast_in_dim3A_1001 = arith.constant 13 : i32
    %broadcast_in_dim3A_1002 = vector.broadcast %broadcast_in_dim3A_1001 : i32 to vector<16xi32>
    %lt3A_1003 = vector.broadcast %arg1 : i32 to vector<16xi32>
    %lt3A_1004 = arith.cmpi slt, %broadcast_in_dim3A_1002, %lt3A_1003 : vector<16xi32>
    %select_n3A_1005 = arith.select %lt3A_1004, %get3A_999, %broadcast_in_dim3A_1 : vector<16xi1>, vector<16xi32>
    %add3A_1006 = arith.addi %add3A_997, %select_n3A_1005 : vector<16xi32>
    %get3A_1007 = arith.constant 944 : index
    %get3A_1008 = tpu.vector_load %arg12[%get3A_1007] {strides = array<i32>} : memref<1024xi32, #tpu.memory_space<vmem>>, vector<16xi32>,
    %add3A_1009 = arith.addi %add3A_1000, %get3A_1008 : vector<16xi32>
    %broadcast_in_dim3A_1010 = arith.constant 14 : i32
    %broadcast_in_dim3A_1011 = vector.broadcast %broadcast_in_dim3A_1010 : i32 to vector<16xi32>
    %lt3A_1012 = vector.broadcast %arg1 : i32 to vector<16xi32>
    %lt3A_1013 = arith.cmpi slt, %broadcast_in_dim3A_1011, %lt3A_1012 : vector<16xi32>
    %select_n3A_1014 = arith.select %lt3A_1013, %get3A_1008, %broadcast_in_dim3A_1 : vector<16xi1>, vector<16xi32>
    %add3A_1015 = arith.addi %add3A_1006, %select_n3A_1014 : vector<16xi32>
    %get3A_1016 = arith.constant 1008 : index
    %get3A_1017 = tpu.vector_load %arg12[%get3A_1016] {strides = array<i32>} : memref<1024xi32, #tpu.memory_space<vmem>>, vector<16xi32>,
    %add3A_1018 = arith.addi %add3A_1009, %get3A_1017 : vector<16xi32>
    %broadcast_in_dim3A_1019 = arith.constant 15 : i32
    %broadcast_in_dim3A_1020 = vector.broadcast %broadcast_in_dim3A_1019 : i32 to vector<16xi32>
    %lt3A_1021 = vector.broadcast %arg1 : i32 to vector<16xi32>
    %lt3A_1022 = arith.cmpi slt, %broadcast_in_dim3A_1020, %lt3A_1021 : vector<16xi32>
    %select_n3A_1023 = arith.select %lt3A_1022, %get3A_1017, %broadcast_in_dim3A_1 : vector<16xi1>, vector<16xi32>
    %add3A_1024 = arith.addi %add3A_1015, %select_n3A_1023 : vector<16xi32>
    %swap3A_1025 = arith.constant 48 : index
    %swap3A_1026 = tpu.vector_load %arg14[%swap3A_1025] {strides = array<i32>} : memref<64xi32, #tpu.memory_space<vmem>>, vector<16xi32>,
    tpu.vector_store %arg14[%swap3A_1025], %add3A_1024 {strides = array<i32>} : memref<64xi32, #tpu.memory_space<vmem>>, vector<16xi32>,
    %add3A_1027 = arith.constant 31 : i32
    %add3A_1028 = vector.broadcast %add3A_1027 : i32 to vector<16xi32>
    %add3A_1029 = arith.addi %add3A_1018, %add3A_1028 : vector<16xi32>
    %shift_right_arithmetic3A_1030 = arith.constant 5 : i32
    %shift_right_arithmetic3A_1031 = vector.broadcast %shift_right_arithmetic3A_1030 : i32 to vector<16xi32>
    %shift_right_arithmetic3A_1032 = arith.shrsi %add3A_1029, %shift_right_arithmetic3A_1031 : vector<16xi32>
    %broadcast_in_dim3A_1033 = arith.constant true
    %broadcast_in_dim3A_1034 = vector.broadcast %broadcast_in_dim3A_1033 : i1 to vector<16xi1>
    %masked_cumsum3A_1035 = tpu.scan <sum>, %shift_right_arithmetic3A_1032 masked %broadcast_in_dim3A_1034 : vector<16xi32>, vector<16xi1> -> vector<16xi32>
    %add3A_1036 = vector.broadcast %add3A_860 : i32 to vector<16xi32>
    %add3A_1037 = arith.addi %masked_cumsum3A_1035, %add3A_1036 : vector<16xi32>
    %swap3A_1038 = arith.constant 48 : index
    %swap3A_1039 = tpu.vector_load %arg17[%swap3A_1038] {strides = array<i32>} : memref<64xi32, #tpu.memory_space<vmem>>, vector<16xi32>,
    tpu.vector_store %arg17[%swap3A_1038], %add3A_1037 {strides = array<i32>} : memref<64xi32, #tpu.memory_space<vmem>>, vector<16xi32>,
    %sub3A_1040 = arith.subi %add3A_1037, %shift_right_arithmetic3A_1032 : vector<16xi32>
    %mul3A_1041 = arith.constant 32 : i32
    %mul3A_1042 = vector.broadcast %mul3A_1041 : i32 to vector<16xi32>
    %mul3A_1043 = arith.muli %sub3A_1040, %mul3A_1042 : vector<16xi32>
    %swap3A_1044 = arith.constant 48 : index
    %swap3A_1045 = tpu.vector_load %arg15[%swap3A_1044] {strides = array<i32>} : memref<64xi32, #tpu.memory_space<vmem>>, vector<16xi32>,
    tpu.vector_store %arg15[%swap3A_1044], %mul3A_1043 {strides = array<i32>} : memref<64xi32, #tpu.memory_space<vmem>>, vector<16xi32>,
    %reduce_sum3A_1046 = arith.constant true
    %reduce_sum3A_1047 = vector.broadcast %reduce_sum3A_1046 : i1 to vector<16xi1>
    %reduce_sum3A_1048 = tpu.scan <sum>, %shift_right_arithmetic3A_1032 masked %reduce_sum3A_1047 : vector<16xi32>, vector<16xi1> -> vector<16xi32>
    %reduce_sum3A_1049 = vector.extract %reduce_sum3A_1048[15] : i32 from vector<16xi32>
    %add3A_1050 = arith.addi %add3A_860, %reduce_sum3A_1049 : i32
    %min3A_1051 = arith.constant 1 : i32
    %min3A_1052 = vector.broadcast %min3A_1051 : i32 to vector<16xi32>
    %min3A_1053 = arith.minsi %shift_right_arithmetic3A_1032, %min3A_1052 : vector<16xi32>
    %broadcast_in_dim3A_1054 = arith.constant true
    %broadcast_in_dim3A_1055 = vector.broadcast %broadcast_in_dim3A_1054 : i1 to vector<16xi1>
    %masked_cumsum3A_1056 = tpu.scan <sum>, %min3A_1053 masked %broadcast_in_dim3A_1055 : vector<16xi32>, vector<16xi1> -> vector<16xi32>
    %sub3A_1057 = arith.subi %masked_cumsum3A_1056, %min3A_1053 : vector<16xi32>
    %add3A_1058 = vector.broadcast %add3A_880 : i32 to vector<16xi32>
    %add3A_1059 = arith.addi %sub3A_1057, %add3A_1058 : vector<16xi32>
    %add3A_1060 = arith.constant 48 : i32
    %add3A_1061 = vector.broadcast %add3A_1060 : i32 to vector<16xi32>
    %add3A_1062 = arith.addi %iota3A, %add3A_1061 : vector<16xi32>
    %eq3A_1063 = arith.constant 1 : i32
    %eq3A_1064 = vector.broadcast %eq3A_1063 : i32 to vector<16xi32>
    %eq3A_1065 = arith.cmpi eq, %min3A_1053, %eq3A_1064 : vector<16xi32>
    tpu.vector_store_idx %arg18[%add3A_1059], %add3A_1062 masked %eq3A_1065 : memref<80xi32, #tpu.memory_space<vmem>>[vector<16xi32>], vector<16xi32>, vector<16xi1>
    %reduce_sum3A_1066 = arith.constant true
    %reduce_sum3A_1067 = vector.broadcast %reduce_sum3A_1066 : i1 to vector<16xi1>
    %reduce_sum3A_1068 = tpu.scan <sum>, %min3A_1053 masked %reduce_sum3A_1067 : vector<16xi32>, vector<16xi1> -> vector<16xi32>
    %reduce_sum3A_1069 = vector.extract %reduce_sum3A_1068[15] : i32 from vector<16xi32>
    %add3A_1070 = arith.addi %add3A_880, %reduce_sum3A_1069 : i32
    %add3A_1071 = vector.broadcast %add3A_1070 : i32 to vector<16xi32>
    %add3A_1072 = arith.addi %broadcast_in_dim3A_1, %add3A_1071 : vector<16xi32>
    %swap3A_1073 = arith.constant 64 : index
    %swap3A_1074 = tpu.vector_load %arg18[%swap3A_1073] {strides = array<i32>} : memref<80xi32, #tpu.memory_space<vmem>>, vector<16xi32>,
    tpu.vector_store %arg18[%swap3A_1073], %add3A_1072 {strides = array<i32>} : memref<80xi32, #tpu.memory_space<vmem>>, vector<16xi32>,
    "tpu.trace_stop"() : () -> ()
    "tpu.trace_start"() <{level = 10 : i32, message = "ph_pos"}> : () -> ()
    %scan3A_1075 = arith.constant 0 : i32
    %scan3A_1076 = arith.constant 8 : i32
    %scan3A_1077 = arith.addi %scan3A_1075, %scan3A_1076 : i32
    %scan3A_1078 = arith.constant 1 : i32
    %scan3A_1079:4 = scf.for %scan3A_1121 = %scan3A_1075 to %scan3A_1077 step %scan3A_1078 iter_args(%scan3A_1122 = %broadcast_in_dim3A_1, %scan3A_1123 = %broadcast_in_dim3A_1, %scan3A_1124 = %broadcast_in_dim3A_1, %scan3A_1125 = %broadcast_in_dim3A_1) -> (vector<16xi32>, vector<16xi32>, vector<16xi32>, vector<16xi32>)  : i32 {
      %swap3A_1126 = arith.constant 0 : index
      %swap3A_1127 = tpu.vector_load %arg16[%swap3A_1126] {strides = array<i32>} : memref<64xi32, #tpu.memory_space<vmem>>, vector<16xi32>,
      tpu.vector_store %arg16[%swap3A_1126], %scan3A_1122 {strides = array<i32>} : memref<64xi32, #tpu.memory_space<vmem>>, vector<16xi32>,
      %swap3A_1128 = arith.constant 16 : index
      %swap3A_1129 = tpu.vector_load %arg16[%swap3A_1128] {strides = array<i32>} : memref<64xi32, #tpu.memory_space<vmem>>, vector<16xi32>,
      tpu.vector_store %arg16[%swap3A_1128], %scan3A_1123 {strides = array<i32>} : memref<64xi32, #tpu.memory_space<vmem>>, vector<16xi32>,
      %swap3A_1130 = arith.constant 32 : index
      %swap3A_1131 = tpu.vector_load %arg16[%swap3A_1130] {strides = array<i32>} : memref<64xi32, #tpu.memory_space<vmem>>, vector<16xi32>,
      tpu.vector_store %arg16[%swap3A_1130], %scan3A_1124 {strides = array<i32>} : memref<64xi32, #tpu.memory_space<vmem>>, vector<16xi32>,
      %swap3A_1132 = arith.constant 48 : index
      %swap3A_1133 = tpu.vector_load %arg16[%swap3A_1132] {strides = array<i32>} : memref<64xi32, #tpu.memory_space<vmem>>, vector<16xi32>,
      tpu.vector_store %arg16[%swap3A_1132], %scan3A_1125 {strides = array<i32>} : memref<64xi32, #tpu.memory_space<vmem>>, vector<16xi32>,
      %mul3A_1134 = arith.constant 16 : i32
      %mul3A_1135 = arith.muli %scan3A_1121, %mul3A_1134 : i32
      %get3A_1136 = arith.index_cast %mul3A_1135 : i32 to index
      %get3A_1137 = tpu.vector_load %arg10[%get3A_1136] {strides = array<i32>} : memref<128xi32, #tpu.memory_space<vmem>>, vector<16xi32>,
      %gather3A = tpu.vector_load_idx %arg15[%get3A_1137] : memref<64xi32, #tpu.memory_space<vmem>>[vector<16xi32>], vector<16xi32>,
      %gather3A_1138 = tpu.vector_load_idx %arg14[%get3A_1137] : memref<64xi32, #tpu.memory_space<vmem>>[vector<16xi32>], vector<16xi32>,
      %add3A_1139 = arith.addi %gather3A, %gather3A_1138 : vector<16xi32>
      %gather3A_1140 = tpu.vector_load_idx %arg16[%get3A_1137] : memref<64xi32, #tpu.memory_space<vmem>>[vector<16xi32>], vector<16xi32>,
      %add3A_1141 = arith.addi %add3A_1139, %gather3A_1140 : vector<16xi32>
      %slice3A = vector.extract_strided_slice %get3A_1137 {offsets = [0], sizes = [1], strides = [1]} : vector<16xi32> to vector<1xi32>
      %squeeze3A = vector.extract %slice3A[0] : i32 from vector<1xi32>
      %gt3A = arith.constant 0 : i32
      %gt3A_1142 = vector.broadcast %gt3A : i32 to vector<16xi32>
      %gt3A_1143 = arith.cmpi sgt, %iota3A, %gt3A_1142 : vector<16xi32>
      %eq3A_1144 = vector.broadcast %squeeze3A : i32 to vector<16xi32>
      %eq3A_1145 = arith.cmpi eq, %get3A_1137, %eq3A_1144 : vector<16xi32>
      %and3A_1146 = arith.andi %gt3A_1143, %eq3A_1145 : vector<16xi1>
      %convert_element_type3A_1147 = arith.extui %and3A_1146 : vector<16xi1> to vector<16xi32>
      %add3A_1148 = arith.addi %broadcast_in_dim3A_1, %convert_element_type3A_1147 : vector<16xi32>
      %add3A_1149 = arith.constant 0 : i32
      %add3A_1150 = vector.broadcast %add3A_1149 : i32 to vector<16xi32>
      %add3A_1151 = arith.addi %iota3A, %add3A_1150 : vector<16xi32>
      %eq3A_1152 = vector.broadcast %squeeze3A : i32 to vector<16xi32>
      %eq3A_1153 = arith.cmpi eq, %add3A_1151, %eq3A_1152 : vector<16xi32>
      %convert_element_type3A_1154 = arith.extui %eq3A_1153 : vector<16xi1> to vector<16xi32>
      %add3A_1155 = arith.addi %scan3A_1122, %convert_element_type3A_1154 : vector<16xi32>
      %add3A_1156 = arith.constant 16 : i32
      %add3A_1157 = vector.broadcast %add3A_1156 : i32 to vector<16xi32>
      %add3A_1158 = arith.addi %iota3A, %add3A_1157 : vector<16xi32>
      %eq3A_1159 = vector.broadcast %squeeze3A : i32 to vector<16xi32>
      %eq3A_1160 = arith.cmpi eq, %add3A_1158, %eq3A_1159 : vector<16xi32>
      %convert_element_type3A_1161 = arith.extui %eq3A_1160 : vector<16xi1> to vector<16xi32>
      %add3A_1162 = arith.addi %scan3A_1123, %convert_element_type3A_1161 : vector<16xi32>
      %add3A_1163 = arith.constant 32 : i32
      %add3A_1164 = vector.broadcast %add3A_1163 : i32 to vector<16xi32>
      %add3A_1165 = arith.addi %iota3A, %add3A_1164 : vector<16xi32>
      %eq3A_1166 = vector.broadcast %squeeze3A : i32 to vector<16xi32>
      %eq3A_1167 = arith.cmpi eq, %add3A_1165, %eq3A_1166 : vector<16xi32>
      %convert_element_type3A_1168 = arith.extui %eq3A_1167 : vector<16xi1> to vector<16xi32>
      %add3A_1169 = arith.addi %scan3A_1124, %convert_element_type3A_1168 : vector<16xi32>
      %add3A_1170 = arith.constant 48 : i32
      %add3A_1171 = vector.broadcast %add3A_1170 : i32 to vector<16xi32>
      %add3A_1172 = arith.addi %iota3A, %add3A_1171 : vector<16xi32>
      %eq3A_1173 = vector.broadcast %squeeze3A : i32 to vector<16xi32>
      %eq3A_1174 = arith.cmpi eq, %add3A_1172, %eq3A_1173 : vector<16xi32>
      %convert_element_type3A_1175 = arith.extui %eq3A_1174 : vector<16xi1> to vector<16xi32>
      %add3A_1176 = arith.addi %scan3A_1125, %convert_element_type3A_1175 : vector<16xi32>
      %slice3A_1177 = vector.extract_strided_slice %get3A_1137 {offsets = [1], sizes = [1], strides = [1]} : vector<16xi32> to vector<1xi32>
      %squeeze3A_1178 = vector.extract %slice3A_1177[0] : i32 from vector<1xi32>
      %gt3A_1179 = arith.constant 1 : i32
      %gt3A_1180 = vector.broadcast %gt3A_1179 : i32 to vector<16xi32>
      %gt3A_1181 = arith.cmpi sgt, %iota3A, %gt3A_1180 : vector<16xi32>
      %eq3A_1182 = vector.broadcast %squeeze3A_1178 : i32 to vector<16xi32>
      %eq3A_1183 = arith.cmpi eq, %get3A_1137, %eq3A_1182 : vector<16xi32>
      %and3A_1184 = arith.andi %gt3A_1181, %eq3A_1183 : vector<16xi1>
      %convert_element_type3A_1185 = arith.extui %and3A_1184 : vector<16xi1> to vector<16xi32>
      %add3A_1186 = arith.addi %add3A_1148, %convert_element_type3A_1185 : vector<16xi32>
      %add3A_1187 = arith.constant 0 : i32
      %add3A_1188 = vector.broadcast %add3A_1187 : i32 to vector<16xi32>
      %add3A_1189 = arith.addi %iota3A, %add3A_1188 : vector<16xi32>
      %eq3A_1190 = vector.broadcast %squeeze3A_1178 : i32 to vector<16xi32>
      %eq3A_1191 = arith.cmpi eq, %add3A_1189, %eq3A_1190 : vector<16xi32>
      %convert_element_type3A_1192 = arith.extui %eq3A_1191 : vector<16xi1> to vector<16xi32>
      %add3A_1193 = arith.addi %add3A_1155, %convert_element_type3A_1192 : vector<16xi32>
      %add3A_1194 = arith.constant 16 : i32
      %add3A_1195 = vector.broadcast %add3A_1194 : i32 to vector<16xi32>
      %add3A_1196 = arith.addi %iota3A, %add3A_1195 : vector<16xi32>
      %eq3A_1197 = vector.broadcast %squeeze3A_1178 : i32 to vector<16xi32>
      %eq3A_1198 = arith.cmpi eq, %add3A_1196, %eq3A_1197 : vector<16xi32>
      %convert_element_type3A_1199 = arith.extui %eq3A_1198 : vector<16xi1> to vector<16xi32>
      %add3A_1200 = arith.addi %add3A_1162, %convert_element_type3A_1199 : vector<16xi32>
      %add3A_1201 = arith.constant 32 : i32
      %add3A_1202 = vector.broadcast %add3A_1201 : i32 to vector<16xi32>
      %add3A_1203 = arith.addi %iota3A, %add3A_1202 : vector<16xi32>
      %eq3A_1204 = vector.broadcast %squeeze3A_1178 : i32 to vector<16xi32>
      %eq3A_1205 = arith.cmpi eq, %add3A_1203, %eq3A_1204 : vector<16xi32>
      %convert_element_type3A_1206 = arith.extui %eq3A_1205 : vector<16xi1> to vector<16xi32>
      %add3A_1207 = arith.addi %add3A_1169, %convert_element_type3A_1206 : vector<16xi32>
      %add3A_1208 = arith.constant 48 : i32
      %add3A_1209 = vector.broadcast %add3A_1208 : i32 to vector<16xi32>
      %add3A_1210 = arith.addi %iota3A, %add3A_1209 : vector<16xi32>
      %eq3A_1211 = vector.broadcast %squeeze3A_1178 : i32 to vector<16xi32>
      %eq3A_1212 = arith.cmpi eq, %add3A_1210, %eq3A_1211 : vector<16xi32>
      %convert_element_type3A_1213 = arith.extui %eq3A_1212 : vector<16xi1> to vector<16xi32>
      %add3A_1214 = arith.addi %add3A_1176, %convert_element_type3A_1213 : vector<16xi32>
      %slice3A_1215 = vector.extract_strided_slice %get3A_1137 {offsets = [2], sizes = [1], strides = [1]} : vector<16xi32> to vector<1xi32>
      %squeeze3A_1216 = vector.extract %slice3A_1215[0] : i32 from vector<1xi32>
      %gt3A_1217 = arith.constant 2 : i32
      %gt3A_1218 = vector.broadcast %gt3A_1217 : i32 to vector<16xi32>
      %gt3A_1219 = arith.cmpi sgt, %iota3A, %gt3A_1218 : vector<16xi32>
      %eq3A_1220 = vector.broadcast %squeeze3A_1216 : i32 to vector<16xi32>
      %eq3A_1221 = arith.cmpi eq, %get3A_1137, %eq3A_1220 : vector<16xi32>
      %and3A_1222 = arith.andi %gt3A_1219, %eq3A_1221 : vector<16xi1>
      %convert_element_type3A_1223 = arith.extui %and3A_1222 : vector<16xi1> to vector<16xi32>
      %add3A_1224 = arith.addi %add3A_1186, %convert_element_type3A_1223 : vector<16xi32>
      %add3A_1225 = arith.constant 0 : i32
      %add3A_1226 = vector.broadcast %add3A_1225 : i32 to vector<16xi32>
      %add3A_1227 = arith.addi %iota3A, %add3A_1226 : vector<16xi32>
      %eq3A_1228 = vector.broadcast %squeeze3A_1216 : i32 to vector<16xi32>
      %eq3A_1229 = arith.cmpi eq, %add3A_1227, %eq3A_1228 : vector<16xi32>
      %convert_element_type3A_1230 = arith.extui %eq3A_1229 : vector<16xi1> to vector<16xi32>
      %add3A_1231 = arith.addi %add3A_1193, %convert_element_type3A_1230 : vector<16xi32>
      %add3A_1232 = arith.constant 16 : i32
      %add3A_1233 = vector.broadcast %add3A_1232 : i32 to vector<16xi32>
      %add3A_1234 = arith.addi %iota3A, %add3A_1233 : vector<16xi32>
      %eq3A_1235 = vector.broadcast %squeeze3A_1216 : i32 to vector<16xi32>
      %eq3A_1236 = arith.cmpi eq, %add3A_1234, %eq3A_1235 : vector<16xi32>
      %convert_element_type3A_1237 = arith.extui %eq3A_1236 : vector<16xi1> to vector<16xi32>
      %add3A_1238 = arith.addi %add3A_1200, %convert_element_type3A_1237 : vector<16xi32>
      %add3A_1239 = arith.constant 32 : i32
      %add3A_1240 = vector.broadcast %add3A_1239 : i32 to vector<16xi32>
      %add3A_1241 = arith.addi %iota3A, %add3A_1240 : vector<16xi32>
      %eq3A_1242 = vector.broadcast %squeeze3A_1216 : i32 to vector<16xi32>
      %eq3A_1243 = arith.cmpi eq, %add3A_1241, %eq3A_1242 : vector<16xi32>
      %convert_element_type3A_1244 = arith.extui %eq3A_1243 : vector<16xi1> to vector<16xi32>
      %add3A_1245 = arith.addi %add3A_1207, %convert_element_type3A_1244 : vector<16xi32>
      %add3A_1246 = arith.constant 48 : i32
      %add3A_1247 = vector.broadcast %add3A_1246 : i32 to vector<16xi32>
      %add3A_1248 = arith.addi %iota3A, %add3A_1247 : vector<16xi32>
      %eq3A_1249 = vector.broadcast %squeeze3A_1216 : i32 to vector<16xi32>
      %eq3A_1250 = arith.cmpi eq, %add3A_1248, %eq3A_1249 : vector<16xi32>
      %convert_element_type3A_1251 = arith.extui %eq3A_1250 : vector<16xi1> to vector<16xi32>
      %add3A_1252 = arith.addi %add3A_1214, %convert_element_type3A_1251 : vector<16xi32>
      %slice3A_1253 = vector.extract_strided_slice %get3A_1137 {offsets = [3], sizes = [1], strides = [1]} : vector<16xi32> to vector<1xi32>
      %squeeze3A_1254 = vector.extract %slice3A_1253[0] : i32 from vector<1xi32>
      %gt3A_1255 = arith.constant 3 : i32
      %gt3A_1256 = vector.broadcast %gt3A_1255 : i32 to vector<16xi32>
      %gt3A_1257 = arith.cmpi sgt, %iota3A, %gt3A_1256 : vector<16xi32>
      %eq3A_1258 = vector.broadcast %squeeze3A_1254 : i32 to vector<16xi32>
      %eq3A_1259 = arith.cmpi eq, %get3A_1137, %eq3A_1258 : vector<16xi32>
      %and3A_1260 = arith.andi %gt3A_1257, %eq3A_1259 : vector<16xi1>
      %convert_element_type3A_1261 = arith.extui %and3A_1260 : vector<16xi1> to vector<16xi32>
      %add3A_1262 = arith.addi %add3A_1224, %convert_element_type3A_1261 : vector<16xi32>
      %add3A_1263 = arith.constant 0 : i32
      %add3A_1264 = vector.broadcast %add3A_1263 : i32 to vector<16xi32>
      %add3A_1265 = arith.addi %iota3A, %add3A_1264 : vector<16xi32>
      %eq3A_1266 = vector.broadcast %squeeze3A_1254 : i32 to vector<16xi32>
      %eq3A_1267 = arith.cmpi eq, %add3A_1265, %eq3A_1266 : vector<16xi32>
      %convert_element_type3A_1268 = arith.extui %eq3A_1267 : vector<16xi1> to vector<16xi32>
      %add3A_1269 = arith.addi %add3A_1231, %convert_element_type3A_1268 : vector<16xi32>
      %add3A_1270 = arith.constant 16 : i32
      %add3A_1271 = vector.broadcast %add3A_1270 : i32 to vector<16xi32>
      %add3A_1272 = arith.addi %iota3A, %add3A_1271 : vector<16xi32>
      %eq3A_1273 = vector.broadcast %squeeze3A_1254 : i32 to vector<16xi32>
      %eq3A_1274 = arith.cmpi eq, %add3A_1272, %eq3A_1273 : vector<16xi32>
      %convert_element_type3A_1275 = arith.extui %eq3A_1274 : vector<16xi1> to vector<16xi32>
      %add3A_1276 = arith.addi %add3A_1238, %convert_element_type3A_1275 : vector<16xi32>
      %add3A_1277 = arith.constant 32 : i32
      %add3A_1278 = vector.broadcast %add3A_1277 : i32 to vector<16xi32>
      %add3A_1279 = arith.addi %iota3A, %add3A_1278 : vector<16xi32>
      %eq3A_1280 = vector.broadcast %squeeze3A_1254 : i32 to vector<16xi32>
      %eq3A_1281 = arith.cmpi eq, %add3A_1279, %eq3A_1280 : vector<16xi32>
      %convert_element_type3A_1282 = arith.extui %eq3A_1281 : vector<16xi1> to vector<16xi32>
      %add3A_1283 = arith.addi %add3A_1245, %convert_element_type3A_1282 : vector<16xi32>
      %add3A_1284 = arith.constant 48 : i32
      %add3A_1285 = vector.broadcast %add3A_1284 : i32 to vector<16xi32>
      %add3A_1286 = arith.addi %iota3A, %add3A_1285 : vector<16xi32>
      %eq3A_1287 = vector.broadcast %squeeze3A_1254 : i32 to vector<16xi32>
      %eq3A_1288 = arith.cmpi eq, %add3A_1286, %eq3A_1287 : vector<16xi32>
      %convert_element_type3A_1289 = arith.extui %eq3A_1288 : vector<16xi1> to vector<16xi32>
      %add3A_1290 = arith.addi %add3A_1252, %convert_element_type3A_1289 : vector<16xi32>
      %slice3A_1291 = vector.extract_strided_slice %get3A_1137 {offsets = [4], sizes = [1], strides = [1]} : vector<16xi32> to vector<1xi32>
      %squeeze3A_1292 = vector.extract %slice3A_1291[0] : i32 from vector<1xi32>
      %gt3A_1293 = arith.constant 4 : i32
      %gt3A_1294 = vector.broadcast %gt3A_1293 : i32 to vector<16xi32>
      %gt3A_1295 = arith.cmpi sgt, %iota3A, %gt3A_1294 : vector<16xi32>
      %eq3A_1296 = vector.broadcast %squeeze3A_1292 : i32 to vector<16xi32>
      %eq3A_1297 = arith.cmpi eq, %get3A_1137, %eq3A_1296 : vector<16xi32>
      %and3A_1298 = arith.andi %gt3A_1295, %eq3A_1297 : vector<16xi1>
      %convert_element_type3A_1299 = arith.extui %and3A_1298 : vector<16xi1> to vector<16xi32>
      %add3A_1300 = arith.addi %add3A_1262, %convert_element_type3A_1299 : vector<16xi32>
      %add3A_1301 = arith.constant 0 : i32
      %add3A_1302 = vector.broadcast %add3A_1301 : i32 to vector<16xi32>
      %add3A_1303 = arith.addi %iota3A, %add3A_1302 : vector<16xi32>
      %eq3A_1304 = vector.broadcast %squeeze3A_1292 : i32 to vector<16xi32>
      %eq3A_1305 = arith.cmpi eq, %add3A_1303, %eq3A_1304 : vector<16xi32>
      %convert_element_type3A_1306 = arith.extui %eq3A_1305 : vector<16xi1> to vector<16xi32>
      %add3A_1307 = arith.addi %add3A_1269, %convert_element_type3A_1306 : vector<16xi32>
      %add3A_1308 = arith.constant 16 : i32
      %add3A_1309 = vector.broadcast %add3A_1308 : i32 to vector<16xi32>
      %add3A_1310 = arith.addi %iota3A, %add3A_1309 : vector<16xi32>
      %eq3A_1311 = vector.broadcast %squeeze3A_1292 : i32 to vector<16xi32>
      %eq3A_1312 = arith.cmpi eq, %add3A_1310, %eq3A_1311 : vector<16xi32>
      %convert_element_type3A_1313 = arith.extui %eq3A_1312 : vector<16xi1> to vector<16xi32>
      %add3A_1314 = arith.addi %add3A_1276, %convert_element_type3A_1313 : vector<16xi32>
      %add3A_1315 = arith.constant 32 : i32
      %add3A_1316 = vector.broadcast %add3A_1315 : i32 to vector<16xi32>
      %add3A_1317 = arith.addi %iota3A, %add3A_1316 : vector<16xi32>
      %eq3A_1318 = vector.broadcast %squeeze3A_1292 : i32 to vector<16xi32>
      %eq3A_1319 = arith.cmpi eq, %add3A_1317, %eq3A_1318 : vector<16xi32>
      %convert_element_type3A_1320 = arith.extui %eq3A_1319 : vector<16xi1> to vector<16xi32>
      %add3A_1321 = arith.addi %add3A_1283, %convert_element_type3A_1320 : vector<16xi32>
      %add3A_1322 = arith.constant 48 : i32
      %add3A_1323 = vector.broadcast %add3A_1322 : i32 to vector<16xi32>
      %add3A_1324 = arith.addi %iota3A, %add3A_1323 : vector<16xi32>
      %eq3A_1325 = vector.broadcast %squeeze3A_1292 : i32 to vector<16xi32>
      %eq3A_1326 = arith.cmpi eq, %add3A_1324, %eq3A_1325 : vector<16xi32>
      %convert_element_type3A_1327 = arith.extui %eq3A_1326 : vector<16xi1> to vector<16xi32>
      %add3A_1328 = arith.addi %add3A_1290, %convert_element_type3A_1327 : vector<16xi32>
      %slice3A_1329 = vector.extract_strided_slice %get3A_1137 {offsets = [5], sizes = [1], strides = [1]} : vector<16xi32> to vector<1xi32>
      %squeeze3A_1330 = vector.extract %slice3A_1329[0] : i32 from vector<1xi32>
      %gt3A_1331 = arith.constant 5 : i32
      %gt3A_1332 = vector.broadcast %gt3A_1331 : i32 to vector<16xi32>
      %gt3A_1333 = arith.cmpi sgt, %iota3A, %gt3A_1332 : vector<16xi32>
      %eq3A_1334 = vector.broadcast %squeeze3A_1330 : i32 to vector<16xi32>
      %eq3A_1335 = arith.cmpi eq, %get3A_1137, %eq3A_1334 : vector<16xi32>
      %and3A_1336 = arith.andi %gt3A_1333, %eq3A_1335 : vector<16xi1>
      %convert_element_type3A_1337 = arith.extui %and3A_1336 : vector<16xi1> to vector<16xi32>
      %add3A_1338 = arith.addi %add3A_1300, %convert_element_type3A_1337 : vector<16xi32>
      %add3A_1339 = arith.constant 0 : i32
      %add3A_1340 = vector.broadcast %add3A_1339 : i32 to vector<16xi32>
      %add3A_1341 = arith.addi %iota3A, %add3A_1340 : vector<16xi32>
      %eq3A_1342 = vector.broadcast %squeeze3A_1330 : i32 to vector<16xi32>
      %eq3A_1343 = arith.cmpi eq, %add3A_1341, %eq3A_1342 : vector<16xi32>
      %convert_element_type3A_1344 = arith.extui %eq3A_1343 : vector<16xi1> to vector<16xi32>
      %add3A_1345 = arith.addi %add3A_1307, %convert_element_type3A_1344 : vector<16xi32>
      %add3A_1346 = arith.constant 16 : i32
      %add3A_1347 = vector.broadcast %add3A_1346 : i32 to vector<16xi32>
      %add3A_1348 = arith.addi %iota3A, %add3A_1347 : vector<16xi32>
      %eq3A_1349 = vector.broadcast %squeeze3A_1330 : i32 to vector<16xi32>
      %eq3A_1350 = arith.cmpi eq, %add3A_1348, %eq3A_1349 : vector<16xi32>
      %convert_element_type3A_1351 = arith.extui %eq3A_1350 : vector<16xi1> to vector<16xi32>
      %add3A_1352 = arith.addi %add3A_1314, %convert_element_type3A_1351 : vector<16xi32>
      %add3A_1353 = arith.constant 32 : i32
      %add3A_1354 = vector.broadcast %add3A_1353 : i32 to vector<16xi32>
      %add3A_1355 = arith.addi %iota3A, %add3A_1354 : vector<16xi32>
      %eq3A_1356 = vector.broadcast %squeeze3A_1330 : i32 to vector<16xi32>
      %eq3A_1357 = arith.cmpi eq, %add3A_1355, %eq3A_1356 : vector<16xi32>
      %convert_element_type3A_1358 = arith.extui %eq3A_1357 : vector<16xi1> to vector<16xi32>
      %add3A_1359 = arith.addi %add3A_1321, %convert_element_type3A_1358 : vector<16xi32>
      %add3A_1360 = arith.constant 48 : i32
      %add3A_1361 = vector.broadcast %add3A_1360 : i32 to vector<16xi32>
      %add3A_1362 = arith.addi %iota3A, %add3A_1361 : vector<16xi32>
      %eq3A_1363 = vector.broadcast %squeeze3A_1330 : i32 to vector<16xi32>
      %eq3A_1364 = arith.cmpi eq, %add3A_1362, %eq3A_1363 : vector<16xi32>
      %convert_element_type3A_1365 = arith.extui %eq3A_1364 : vector<16xi1> to vector<16xi32>
      %add3A_1366 = arith.addi %add3A_1328, %convert_element_type3A_1365 : vector<16xi32>
      %slice3A_1367 = vector.extract_strided_slice %get3A_1137 {offsets = [6], sizes = [1], strides = [1]} : vector<16xi32> to vector<1xi32>
      %squeeze3A_1368 = vector.extract %slice3A_1367[0] : i32 from vector<1xi32>
      %gt3A_1369 = arith.constant 6 : i32
      %gt3A_1370 = vector.broadcast %gt3A_1369 : i32 to vector<16xi32>
      %gt3A_1371 = arith.cmpi sgt, %iota3A, %gt3A_1370 : vector<16xi32>
      %eq3A_1372 = vector.broadcast %squeeze3A_1368 : i32 to vector<16xi32>
      %eq3A_1373 = arith.cmpi eq, %get3A_1137, %eq3A_1372 : vector<16xi32>
      %and3A_1374 = arith.andi %gt3A_1371, %eq3A_1373 : vector<16xi1>
      %convert_element_type3A_1375 = arith.extui %and3A_1374 : vector<16xi1> to vector<16xi32>
      %add3A_1376 = arith.addi %add3A_1338, %convert_element_type3A_1375 : vector<16xi32>
      %add3A_1377 = arith.constant 0 : i32
      %add3A_1378 = vector.broadcast %add3A_1377 : i32 to vector<16xi32>
      %add3A_1379 = arith.addi %iota3A, %add3A_1378 : vector<16xi32>
      %eq3A_1380 = vector.broadcast %squeeze3A_1368 : i32 to vector<16xi32>
      %eq3A_1381 = arith.cmpi eq, %add3A_1379, %eq3A_1380 : vector<16xi32>
      %convert_element_type3A_1382 = arith.extui %eq3A_1381 : vector<16xi1> to vector<16xi32>
      %add3A_1383 = arith.addi %add3A_1345, %convert_element_type3A_1382 : vector<16xi32>
      %add3A_1384 = arith.constant 16 : i32
      %add3A_1385 = vector.broadcast %add3A_1384 : i32 to vector<16xi32>
      %add3A_1386 = arith.addi %iota3A, %add3A_1385 : vector<16xi32>
      %eq3A_1387 = vector.broadcast %squeeze3A_1368 : i32 to vector<16xi32>
      %eq3A_1388 = arith.cmpi eq, %add3A_1386, %eq3A_1387 : vector<16xi32>
      %convert_element_type3A_1389 = arith.extui %eq3A_1388 : vector<16xi1> to vector<16xi32>
      %add3A_1390 = arith.addi %add3A_1352, %convert_element_type3A_1389 : vector<16xi32>
      %add3A_1391 = arith.constant 32 : i32
      %add3A_1392 = vector.broadcast %add3A_1391 : i32 to vector<16xi32>
      %add3A_1393 = arith.addi %iota3A, %add3A_1392 : vector<16xi32>
      %eq3A_1394 = vector.broadcast %squeeze3A_1368 : i32 to vector<16xi32>
      %eq3A_1395 = arith.cmpi eq, %add3A_1393, %eq3A_1394 : vector<16xi32>
      %convert_element_type3A_1396 = arith.extui %eq3A_1395 : vector<16xi1> to vector<16xi32>
      %add3A_1397 = arith.addi %add3A_1359, %convert_element_type3A_1396 : vector<16xi32>
      %add3A_1398 = arith.constant 48 : i32
      %add3A_1399 = vector.broadcast %add3A_1398 : i32 to vector<16xi32>
      %add3A_1400 = arith.addi %iota3A, %add3A_1399 : vector<16xi32>
      %eq3A_1401 = vector.broadcast %squeeze3A_1368 : i32 to vector<16xi32>
      %eq3A_1402 = arith.cmpi eq, %add3A_1400, %eq3A_1401 : vector<16xi32>
      %convert_element_type3A_1403 = arith.extui %eq3A_1402 : vector<16xi1> to vector<16xi32>
      %add3A_1404 = arith.addi %add3A_1366, %convert_element_type3A_1403 : vector<16xi32>
      %slice3A_1405 = vector.extract_strided_slice %get3A_1137 {offsets = [7], sizes = [1], strides = [1]} : vector<16xi32> to vector<1xi32>
      %squeeze3A_1406 = vector.extract %slice3A_1405[0] : i32 from vector<1xi32>
      %gt3A_1407 = arith.constant 7 : i32
      %gt3A_1408 = vector.broadcast %gt3A_1407 : i32 to vector<16xi32>
      %gt3A_1409 = arith.cmpi sgt, %iota3A, %gt3A_1408 : vector<16xi32>
      %eq3A_1410 = vector.broadcast %squeeze3A_1406 : i32 to vector<16xi32>
      %eq3A_1411 = arith.cmpi eq, %get3A_1137, %eq3A_1410 : vector<16xi32>
      %and3A_1412 = arith.andi %gt3A_1409, %eq3A_1411 : vector<16xi1>
      %convert_element_type3A_1413 = arith.extui %and3A_1412 : vector<16xi1> to vector<16xi32>
      %add3A_1414 = arith.addi %add3A_1376, %convert_element_type3A_1413 : vector<16xi32>
      %add3A_1415 = arith.constant 0 : i32
      %add3A_1416 = vector.broadcast %add3A_1415 : i32 to vector<16xi32>
      %add3A_1417 = arith.addi %iota3A, %add3A_1416 : vector<16xi32>
      %eq3A_1418 = vector.broadcast %squeeze3A_1406 : i32 to vector<16xi32>
      %eq3A_1419 = arith.cmpi eq, %add3A_1417, %eq3A_1418 : vector<16xi32>
      %convert_element_type3A_1420 = arith.extui %eq3A_1419 : vector<16xi1> to vector<16xi32>
      %add3A_1421 = arith.addi %add3A_1383, %convert_element_type3A_1420 : vector<16xi32>
      %add3A_1422 = arith.constant 16 : i32
      %add3A_1423 = vector.broadcast %add3A_1422 : i32 to vector<16xi32>
      %add3A_1424 = arith.addi %iota3A, %add3A_1423 : vector<16xi32>
      %eq3A_1425 = vector.broadcast %squeeze3A_1406 : i32 to vector<16xi32>
      %eq3A_1426 = arith.cmpi eq, %add3A_1424, %eq3A_1425 : vector<16xi32>
      %convert_element_type3A_1427 = arith.extui %eq3A_1426 : vector<16xi1> to vector<16xi32>
      %add3A_1428 = arith.addi %add3A_1390, %convert_element_type3A_1427 : vector<16xi32>
      %add3A_1429 = arith.constant 32 : i32
      %add3A_1430 = vector.broadcast %add3A_1429 : i32 to vector<16xi32>
      %add3A_1431 = arith.addi %iota3A, %add3A_1430 : vector<16xi32>
      %eq3A_1432 = vector.broadcast %squeeze3A_1406 : i32 to vector<16xi32>
      %eq3A_1433 = arith.cmpi eq, %add3A_1431, %eq3A_1432 : vector<16xi32>
      %convert_element_type3A_1434 = arith.extui %eq3A_1433 : vector<16xi1> to vector<16xi32>
      %add3A_1435 = arith.addi %add3A_1397, %convert_element_type3A_1434 : vector<16xi32>
      %add3A_1436 = arith.constant 48 : i32
      %add3A_1437 = vector.broadcast %add3A_1436 : i32 to vector<16xi32>
      %add3A_1438 = arith.addi %iota3A, %add3A_1437 : vector<16xi32>
      %eq3A_1439 = vector.broadcast %squeeze3A_1406 : i32 to vector<16xi32>
      %eq3A_1440 = arith.cmpi eq, %add3A_1438, %eq3A_1439 : vector<16xi32>
      %convert_element_type3A_1441 = arith.extui %eq3A_1440 : vector<16xi1> to vector<16xi32>
      %add3A_1442 = arith.addi %add3A_1404, %convert_element_type3A_1441 : vector<16xi32>
      %slice3A_1443 = vector.extract_strided_slice %get3A_1137 {offsets = [8], sizes = [1], strides = [1]} : vector<16xi32> to vector<1xi32>
      %squeeze3A_1444 = vector.extract %slice3A_1443[0] : i32 from vector<1xi32>
      %gt3A_1445 = arith.constant 8 : i32
      %gt3A_1446 = vector.broadcast %gt3A_1445 : i32 to vector<16xi32>
      %gt3A_1447 = arith.cmpi sgt, %iota3A, %gt3A_1446 : vector<16xi32>
      %eq3A_1448 = vector.broadcast %squeeze3A_1444 : i32 to vector<16xi32>
      %eq3A_1449 = arith.cmpi eq, %get3A_1137, %eq3A_1448 : vector<16xi32>
      %and3A_1450 = arith.andi %gt3A_1447, %eq3A_1449 : vector<16xi1>
      %convert_element_type3A_1451 = arith.extui %and3A_1450 : vector<16xi1> to vector<16xi32>
      %add3A_1452 = arith.addi %add3A_1414, %convert_element_type3A_1451 : vector<16xi32>
      %add3A_1453 = arith.constant 0 : i32
      %add3A_1454 = vector.broadcast %add3A_1453 : i32 to vector<16xi32>
      %add3A_1455 = arith.addi %iota3A, %add3A_1454 : vector<16xi32>
      %eq3A_1456 = vector.broadcast %squeeze3A_1444 : i32 to vector<16xi32>
      %eq3A_1457 = arith.cmpi eq, %add3A_1455, %eq3A_1456 : vector<16xi32>
      %convert_element_type3A_1458 = arith.extui %eq3A_1457 : vector<16xi1> to vector<16xi32>
      %add3A_1459 = arith.addi %add3A_1421, %convert_element_type3A_1458 : vector<16xi32>
      %add3A_1460 = arith.constant 16 : i32
      %add3A_1461 = vector.broadcast %add3A_1460 : i32 to vector<16xi32>
      %add3A_1462 = arith.addi %iota3A, %add3A_1461 : vector<16xi32>
      %eq3A_1463 = vector.broadcast %squeeze3A_1444 : i32 to vector<16xi32>
      %eq3A_1464 = arith.cmpi eq, %add3A_1462, %eq3A_1463 : vector<16xi32>
      %convert_element_type3A_1465 = arith.extui %eq3A_1464 : vector<16xi1> to vector<16xi32>
      %add3A_1466 = arith.addi %add3A_1428, %convert_element_type3A_1465 : vector<16xi32>
      %add3A_1467 = arith.constant 32 : i32
      %add3A_1468 = vector.broadcast %add3A_1467 : i32 to vector<16xi32>
      %add3A_1469 = arith.addi %iota3A, %add3A_1468 : vector<16xi32>
      %eq3A_1470 = vector.broadcast %squeeze3A_1444 : i32 to vector<16xi32>
      %eq3A_1471 = arith.cmpi eq, %add3A_1469, %eq3A_1470 : vector<16xi32>
      %convert_element_type3A_1472 = arith.extui %eq3A_1471 : vector<16xi1> to vector<16xi32>
      %add3A_1473 = arith.addi %add3A_1435, %convert_element_type3A_1472 : vector<16xi32>
      %add3A_1474 = arith.constant 48 : i32
      %add3A_1475 = vector.broadcast %add3A_1474 : i32 to vector<16xi32>
      %add3A_1476 = arith.addi %iota3A, %add3A_1475 : vector<16xi32>
      %eq3A_1477 = vector.broadcast %squeeze3A_1444 : i32 to vector<16xi32>
      %eq3A_1478 = arith.cmpi eq, %add3A_1476, %eq3A_1477 : vector<16xi32>
      %convert_element_type3A_1479 = arith.extui %eq3A_1478 : vector<16xi1> to vector<16xi32>
      %add3A_1480 = arith.addi %add3A_1442, %convert_element_type3A_1479 : vector<16xi32>
      %slice3A_1481 = vector.extract_strided_slice %get3A_1137 {offsets = [9], sizes = [1], strides = [1]} : vector<16xi32> to vector<1xi32>
      %squeeze3A_1482 = vector.extract %slice3A_1481[0] : i32 from vector<1xi32>
      %gt3A_1483 = arith.constant 9 : i32
      %gt3A_1484 = vector.broadcast %gt3A_1483 : i32 to vector<16xi32>
      %gt3A_1485 = arith.cmpi sgt, %iota3A, %gt3A_1484 : vector<16xi32>
      %eq3A_1486 = vector.broadcast %squeeze3A_1482 : i32 to vector<16xi32>
      %eq3A_1487 = arith.cmpi eq, %get3A_1137, %eq3A_1486 : vector<16xi32>
      %and3A_1488 = arith.andi %gt3A_1485, %eq3A_1487 : vector<16xi1>
      %convert_element_type3A_1489 = arith.extui %and3A_1488 : vector<16xi1> to vector<16xi32>
      %add3A_1490 = arith.addi %add3A_1452, %convert_element_type3A_1489 : vector<16xi32>
      %add3A_1491 = arith.constant 0 : i32
      %add3A_1492 = vector.broadcast %add3A_1491 : i32 to vector<16xi32>
      %add3A_1493 = arith.addi %iota3A, %add3A_1492 : vector<16xi32>
      %eq3A_1494 = vector.broadcast %squeeze3A_1482 : i32 to vector<16xi32>
      %eq3A_1495 = arith.cmpi eq, %add3A_1493, %eq3A_1494 : vector<16xi32>
      %convert_element_type3A_1496 = arith.extui %eq3A_1495 : vector<16xi1> to vector<16xi32>
      %add3A_1497 = arith.addi %add3A_1459, %convert_element_type3A_1496 : vector<16xi32>
      %add3A_1498 = arith.constant 16 : i32
      %add3A_1499 = vector.broadcast %add3A_1498 : i32 to vector<16xi32>
      %add3A_1500 = arith.addi %iota3A, %add3A_1499 : vector<16xi32>
      %eq3A_1501 = vector.broadcast %squeeze3A_1482 : i32 to vector<16xi32>
      %eq3A_1502 = arith.cmpi eq, %add3A_1500, %eq3A_1501 : vector<16xi32>
      %convert_element_type3A_1503 = arith.extui %eq3A_1502 : vector<16xi1> to vector<16xi32>
      %add3A_1504 = arith.addi %add3A_1466, %convert_element_type3A_1503 : vector<16xi32>
      %add3A_1505 = arith.constant 32 : i32
      %add3A_1506 = vector.broadcast %add3A_1505 : i32 to vector<16xi32>
      %add3A_1507 = arith.addi %iota3A, %add3A_1506 : vector<16xi32>
      %eq3A_1508 = vector.broadcast %squeeze3A_1482 : i32 to vector<16xi32>
      %eq3A_1509 = arith.cmpi eq, %add3A_1507, %eq3A_1508 : vector<16xi32>
      %convert_element_type3A_1510 = arith.extui %eq3A_1509 : vector<16xi1> to vector<16xi32>
      %add3A_1511 = arith.addi %add3A_1473, %convert_element_type3A_1510 : vector<16xi32>
      %add3A_1512 = arith.constant 48 : i32
      %add3A_1513 = vector.broadcast %add3A_1512 : i32 to vector<16xi32>
      %add3A_1514 = arith.addi %iota3A, %add3A_1513 : vector<16xi32>
      %eq3A_1515 = vector.broadcast %squeeze3A_1482 : i32 to vector<16xi32>
      %eq3A_1516 = arith.cmpi eq, %add3A_1514, %eq3A_1515 : vector<16xi32>
      %convert_element_type3A_1517 = arith.extui %eq3A_1516 : vector<16xi1> to vector<16xi32>
      %add3A_1518 = arith.addi %add3A_1480, %convert_element_type3A_1517 : vector<16xi32>
      %slice3A_1519 = vector.extract_strided_slice %get3A_1137 {offsets = [10], sizes = [1], strides = [1]} : vector<16xi32> to vector<1xi32>
      %squeeze3A_1520 = vector.extract %slice3A_1519[0] : i32 from vector<1xi32>
      %gt3A_1521 = arith.constant 10 : i32
      %gt3A_1522 = vector.broadcast %gt3A_1521 : i32 to vector<16xi32>
      %gt3A_1523 = arith.cmpi sgt, %iota3A, %gt3A_1522 : vector<16xi32>
      %eq3A_1524 = vector.broadcast %squeeze3A_1520 : i32 to vector<16xi32>
      %eq3A_1525 = arith.cmpi eq, %get3A_1137, %eq3A_1524 : vector<16xi32>
      %and3A_1526 = arith.andi %gt3A_1523, %eq3A_1525 : vector<16xi1>
      %convert_element_type3A_1527 = arith.extui %and3A_1526 : vector<16xi1> to vector<16xi32>
      %add3A_1528 = arith.addi %add3A_1490, %convert_element_type3A_1527 : vector<16xi32>
      %add3A_1529 = arith.constant 0 : i32
      %add3A_1530 = vector.broadcast %add3A_1529 : i32 to vector<16xi32>
      %add3A_1531 = arith.addi %iota3A, %add3A_1530 : vector<16xi32>
      %eq3A_1532 = vector.broadcast %squeeze3A_1520 : i32 to vector<16xi32>
      %eq3A_1533 = arith.cmpi eq, %add3A_1531, %eq3A_1532 : vector<16xi32>
      %convert_element_type3A_1534 = arith.extui %eq3A_1533 : vector<16xi1> to vector<16xi32>
      %add3A_1535 = arith.addi %add3A_1497, %convert_element_type3A_1534 : vector<16xi32>
      %add3A_1536 = arith.constant 16 : i32
      %add3A_1537 = vector.broadcast %add3A_1536 : i32 to vector<16xi32>
      %add3A_1538 = arith.addi %iota3A, %add3A_1537 : vector<16xi32>
      %eq3A_1539 = vector.broadcast %squeeze3A_1520 : i32 to vector<16xi32>
      %eq3A_1540 = arith.cmpi eq, %add3A_1538, %eq3A_1539 : vector<16xi32>
      %convert_element_type3A_1541 = arith.extui %eq3A_1540 : vector<16xi1> to vector<16xi32>
      %add3A_1542 = arith.addi %add3A_1504, %convert_element_type3A_1541 : vector<16xi32>
      %add3A_1543 = arith.constant 32 : i32
      %add3A_1544 = vector.broadcast %add3A_1543 : i32 to vector<16xi32>
      %add3A_1545 = arith.addi %iota3A, %add3A_1544 : vector<16xi32>
      %eq3A_1546 = vector.broadcast %squeeze3A_1520 : i32 to vector<16xi32>
      %eq3A_1547 = arith.cmpi eq, %add3A_1545, %eq3A_1546 : vector<16xi32>
      %convert_element_type3A_1548 = arith.extui %eq3A_1547 : vector<16xi1> to vector<16xi32>
      %add3A_1549 = arith.addi %add3A_1511, %convert_element_type3A_1548 : vector<16xi32>
      %add3A_1550 = arith.constant 48 : i32
      %add3A_1551 = vector.broadcast %add3A_1550 : i32 to vector<16xi32>
      %add3A_1552 = arith.addi %iota3A, %add3A_1551 : vector<16xi32>
      %eq3A_1553 = vector.broadcast %squeeze3A_1520 : i32 to vector<16xi32>
      %eq3A_1554 = arith.cmpi eq, %add3A_1552, %eq3A_1553 : vector<16xi32>
      %convert_element_type3A_1555 = arith.extui %eq3A_1554 : vector<16xi1> to vector<16xi32>
      %add3A_1556 = arith.addi %add3A_1518, %convert_element_type3A_1555 : vector<16xi32>
      %slice3A_1557 = vector.extract_strided_slice %get3A_1137 {offsets = [11], sizes = [1], strides = [1]} : vector<16xi32> to vector<1xi32>
      %squeeze3A_1558 = vector.extract %slice3A_1557[0] : i32 from vector<1xi32>
      %gt3A_1559 = arith.constant 11 : i32
      %gt3A_1560 = vector.broadcast %gt3A_1559 : i32 to vector<16xi32>
      %gt3A_1561 = arith.cmpi sgt, %iota3A, %gt3A_1560 : vector<16xi32>
      %eq3A_1562 = vector.broadcast %squeeze3A_1558 : i32 to vector<16xi32>
      %eq3A_1563 = arith.cmpi eq, %get3A_1137, %eq3A_1562 : vector<16xi32>
      %and3A_1564 = arith.andi %gt3A_1561, %eq3A_1563 : vector<16xi1>
      %convert_element_type3A_1565 = arith.extui %and3A_1564 : vector<16xi1> to vector<16xi32>
      %add3A_1566 = arith.addi %add3A_1528, %convert_element_type3A_1565 : vector<16xi32>
      %add3A_1567 = arith.constant 0 : i32
      %add3A_1568 = vector.broadcast %add3A_1567 : i32 to vector<16xi32>
      %add3A_1569 = arith.addi %iota3A, %add3A_1568 : vector<16xi32>
      %eq3A_1570 = vector.broadcast %squeeze3A_1558 : i32 to vector<16xi32>
      %eq3A_1571 = arith.cmpi eq, %add3A_1569, %eq3A_1570 : vector<16xi32>
      %convert_element_type3A_1572 = arith.extui %eq3A_1571 : vector<16xi1> to vector<16xi32>
      %add3A_1573 = arith.addi %add3A_1535, %convert_element_type3A_1572 : vector<16xi32>
      %add3A_1574 = arith.constant 16 : i32
      %add3A_1575 = vector.broadcast %add3A_1574 : i32 to vector<16xi32>
      %add3A_1576 = arith.addi %iota3A, %add3A_1575 : vector<16xi32>
      %eq3A_1577 = vector.broadcast %squeeze3A_1558 : i32 to vector<16xi32>
      %eq3A_1578 = arith.cmpi eq, %add3A_1576, %eq3A_1577 : vector<16xi32>
      %convert_element_type3A_1579 = arith.extui %eq3A_1578 : vector<16xi1> to vector<16xi32>
      %add3A_1580 = arith.addi %add3A_1542, %convert_element_type3A_1579 : vector<16xi32>
      %add3A_1581 = arith.constant 32 : i32
      %add3A_1582 = vector.broadcast %add3A_1581 : i32 to vector<16xi32>
      %add3A_1583 = arith.addi %iota3A, %add3A_1582 : vector<16xi32>
      %eq3A_1584 = vector.broadcast %squeeze3A_1558 : i32 to vector<16xi32>
      %eq3A_1585 = arith.cmpi eq, %add3A_1583, %eq3A_1584 : vector<16xi32>
      %convert_element_type3A_1586 = arith.extui %eq3A_1585 : vector<16xi1> to vector<16xi32>
      %add3A_1587 = arith.addi %add3A_1549, %convert_element_type3A_1586 : vector<16xi32>
      %add3A_1588 = arith.constant 48 : i32
      %add3A_1589 = vector.broadcast %add3A_1588 : i32 to vector<16xi32>
      %add3A_1590 = arith.addi %iota3A, %add3A_1589 : vector<16xi32>
      %eq3A_1591 = vector.broadcast %squeeze3A_1558 : i32 to vector<16xi32>
      %eq3A_1592 = arith.cmpi eq, %add3A_1590, %eq3A_1591 : vector<16xi32>
      %convert_element_type3A_1593 = arith.extui %eq3A_1592 : vector<16xi1> to vector<16xi32>
      %add3A_1594 = arith.addi %add3A_1556, %convert_element_type3A_1593 : vector<16xi32>
      %slice3A_1595 = vector.extract_strided_slice %get3A_1137 {offsets = [12], sizes = [1], strides = [1]} : vector<16xi32> to vector<1xi32>
      %squeeze3A_1596 = vector.extract %slice3A_1595[0] : i32 from vector<1xi32>
      %gt3A_1597 = arith.constant 12 : i32
      %gt3A_1598 = vector.broadcast %gt3A_1597 : i32 to vector<16xi32>
      %gt3A_1599 = arith.cmpi sgt, %iota3A, %gt3A_1598 : vector<16xi32>
      %eq3A_1600 = vector.broadcast %squeeze3A_1596 : i32 to vector<16xi32>
      %eq3A_1601 = arith.cmpi eq, %get3A_1137, %eq3A_1600 : vector<16xi32>
      %and3A_1602 = arith.andi %gt3A_1599, %eq3A_1601 : vector<16xi1>
      %convert_element_type3A_1603 = arith.extui %and3A_1602 : vector<16xi1> to vector<16xi32>
      %add3A_1604 = arith.addi %add3A_1566, %convert_element_type3A_1603 : vector<16xi32>
      %add3A_1605 = arith.constant 0 : i32
      %add3A_1606 = vector.broadcast %add3A_1605 : i32 to vector<16xi32>
      %add3A_1607 = arith.addi %iota3A, %add3A_1606 : vector<16xi32>
      %eq3A_1608 = vector.broadcast %squeeze3A_1596 : i32 to vector<16xi32>
      %eq3A_1609 = arith.cmpi eq, %add3A_1607, %eq3A_1608 : vector<16xi32>
      %convert_element_type3A_1610 = arith.extui %eq3A_1609 : vector<16xi1> to vector<16xi32>
      %add3A_1611 = arith.addi %add3A_1573, %convert_element_type3A_1610 : vector<16xi32>
      %add3A_1612 = arith.constant 16 : i32
      %add3A_1613 = vector.broadcast %add3A_1612 : i32 to vector<16xi32>
      %add3A_1614 = arith.addi %iota3A, %add3A_1613 : vector<16xi32>
      %eq3A_1615 = vector.broadcast %squeeze3A_1596 : i32 to vector<16xi32>
      %eq3A_1616 = arith.cmpi eq, %add3A_1614, %eq3A_1615 : vector<16xi32>
      %convert_element_type3A_1617 = arith.extui %eq3A_1616 : vector<16xi1> to vector<16xi32>
      %add3A_1618 = arith.addi %add3A_1580, %convert_element_type3A_1617 : vector<16xi32>
      %add3A_1619 = arith.constant 32 : i32
      %add3A_1620 = vector.broadcast %add3A_1619 : i32 to vector<16xi32>
      %add3A_1621 = arith.addi %iota3A, %add3A_1620 : vector<16xi32>
      %eq3A_1622 = vector.broadcast %squeeze3A_1596 : i32 to vector<16xi32>
      %eq3A_1623 = arith.cmpi eq, %add3A_1621, %eq3A_1622 : vector<16xi32>
      %convert_element_type3A_1624 = arith.extui %eq3A_1623 : vector<16xi1> to vector<16xi32>
      %add3A_1625 = arith.addi %add3A_1587, %convert_element_type3A_1624 : vector<16xi32>
      %add3A_1626 = arith.constant 48 : i32
      %add3A_1627 = vector.broadcast %add3A_1626 : i32 to vector<16xi32>
      %add3A_1628 = arith.addi %iota3A, %add3A_1627 : vector<16xi32>
      %eq3A_1629 = vector.broadcast %squeeze3A_1596 : i32 to vector<16xi32>
      %eq3A_1630 = arith.cmpi eq, %add3A_1628, %eq3A_1629 : vector<16xi32>
      %convert_element_type3A_1631 = arith.extui %eq3A_1630 : vector<16xi1> to vector<16xi32>
      %add3A_1632 = arith.addi %add3A_1594, %convert_element_type3A_1631 : vector<16xi32>
      %slice3A_1633 = vector.extract_strided_slice %get3A_1137 {offsets = [13], sizes = [1], strides = [1]} : vector<16xi32> to vector<1xi32>
      %squeeze3A_1634 = vector.extract %slice3A_1633[0] : i32 from vector<1xi32>
      %gt3A_1635 = arith.constant 13 : i32
      %gt3A_1636 = vector.broadcast %gt3A_1635 : i32 to vector<16xi32>
      %gt3A_1637 = arith.cmpi sgt, %iota3A, %gt3A_1636 : vector<16xi32>
      %eq3A_1638 = vector.broadcast %squeeze3A_1634 : i32 to vector<16xi32>
      %eq3A_1639 = arith.cmpi eq, %get3A_1137, %eq3A_1638 : vector<16xi32>
      %and3A_1640 = arith.andi %gt3A_1637, %eq3A_1639 : vector<16xi1>
      %convert_element_type3A_1641 = arith.extui %and3A_1640 : vector<16xi1> to vector<16xi32>
      %add3A_1642 = arith.addi %add3A_1604, %convert_element_type3A_1641 : vector<16xi32>
      %add3A_1643 = arith.constant 0 : i32
      %add3A_1644 = vector.broadcast %add3A_1643 : i32 to vector<16xi32>
      %add3A_1645 = arith.addi %iota3A, %add3A_1644 : vector<16xi32>
      %eq3A_1646 = vector.broadcast %squeeze3A_1634 : i32 to vector<16xi32>
      %eq3A_1647 = arith.cmpi eq, %add3A_1645, %eq3A_1646 : vector<16xi32>
      %convert_element_type3A_1648 = arith.extui %eq3A_1647 : vector<16xi1> to vector<16xi32>
      %add3A_1649 = arith.addi %add3A_1611, %convert_element_type3A_1648 : vector<16xi32>
      %add3A_1650 = arith.constant 16 : i32
      %add3A_1651 = vector.broadcast %add3A_1650 : i32 to vector<16xi32>
      %add3A_1652 = arith.addi %iota3A, %add3A_1651 : vector<16xi32>
      %eq3A_1653 = vector.broadcast %squeeze3A_1634 : i32 to vector<16xi32>
      %eq3A_1654 = arith.cmpi eq, %add3A_1652, %eq3A_1653 : vector<16xi32>
      %convert_element_type3A_1655 = arith.extui %eq3A_1654 : vector<16xi1> to vector<16xi32>
      %add3A_1656 = arith.addi %add3A_1618, %convert_element_type3A_1655 : vector<16xi32>
      %add3A_1657 = arith.constant 32 : i32
      %add3A_1658 = vector.broadcast %add3A_1657 : i32 to vector<16xi32>
      %add3A_1659 = arith.addi %iota3A, %add3A_1658 : vector<16xi32>
      %eq3A_1660 = vector.broadcast %squeeze3A_1634 : i32 to vector<16xi32>
      %eq3A_1661 = arith.cmpi eq, %add3A_1659, %eq3A_1660 : vector<16xi32>
      %convert_element_type3A_1662 = arith.extui %eq3A_1661 : vector<16xi1> to vector<16xi32>
      %add3A_1663 = arith.addi %add3A_1625, %convert_element_type3A_1662 : vector<16xi32>
      %add3A_1664 = arith.constant 48 : i32
      %add3A_1665 = vector.broadcast %add3A_1664 : i32 to vector<16xi32>
      %add3A_1666 = arith.addi %iota3A, %add3A_1665 : vector<16xi32>
      %eq3A_1667 = vector.broadcast %squeeze3A_1634 : i32 to vector<16xi32>
      %eq3A_1668 = arith.cmpi eq, %add3A_1666, %eq3A_1667 : vector<16xi32>
      %convert_element_type3A_1669 = arith.extui %eq3A_1668 : vector<16xi1> to vector<16xi32>
      %add3A_1670 = arith.addi %add3A_1632, %convert_element_type3A_1669 : vector<16xi32>
      %slice3A_1671 = vector.extract_strided_slice %get3A_1137 {offsets = [14], sizes = [1], strides = [1]} : vector<16xi32> to vector<1xi32>
      %squeeze3A_1672 = vector.extract %slice3A_1671[0] : i32 from vector<1xi32>
      %gt3A_1673 = arith.constant 14 : i32
      %gt3A_1674 = vector.broadcast %gt3A_1673 : i32 to vector<16xi32>
      %gt3A_1675 = arith.cmpi sgt, %iota3A, %gt3A_1674 : vector<16xi32>
      %eq3A_1676 = vector.broadcast %squeeze3A_1672 : i32 to vector<16xi32>
      %eq3A_1677 = arith.cmpi eq, %get3A_1137, %eq3A_1676 : vector<16xi32>
      %and3A_1678 = arith.andi %gt3A_1675, %eq3A_1677 : vector<16xi1>
      %convert_element_type3A_1679 = arith.extui %and3A_1678 : vector<16xi1> to vector<16xi32>
      %add3A_1680 = arith.addi %add3A_1642, %convert_element_type3A_1679 : vector<16xi32>
      %add3A_1681 = arith.constant 0 : i32
      %add3A_1682 = vector.broadcast %add3A_1681 : i32 to vector<16xi32>
      %add3A_1683 = arith.addi %iota3A, %add3A_1682 : vector<16xi32>
      %eq3A_1684 = vector.broadcast %squeeze3A_1672 : i32 to vector<16xi32>
      %eq3A_1685 = arith.cmpi eq, %add3A_1683, %eq3A_1684 : vector<16xi32>
      %convert_element_type3A_1686 = arith.extui %eq3A_1685 : vector<16xi1> to vector<16xi32>
      %add3A_1687 = arith.addi %add3A_1649, %convert_element_type3A_1686 : vector<16xi32>
      %add3A_1688 = arith.constant 16 : i32
      %add3A_1689 = vector.broadcast %add3A_1688 : i32 to vector<16xi32>
      %add3A_1690 = arith.addi %iota3A, %add3A_1689 : vector<16xi32>
      %eq3A_1691 = vector.broadcast %squeeze3A_1672 : i32 to vector<16xi32>
      %eq3A_1692 = arith.cmpi eq, %add3A_1690, %eq3A_1691 : vector<16xi32>
      %convert_element_type3A_1693 = arith.extui %eq3A_1692 : vector<16xi1> to vector<16xi32>
      %add3A_1694 = arith.addi %add3A_1656, %convert_element_type3A_1693 : vector<16xi32>
      %add3A_1695 = arith.constant 32 : i32
      %add3A_1696 = vector.broadcast %add3A_1695 : i32 to vector<16xi32>
      %add3A_1697 = arith.addi %iota3A, %add3A_1696 : vector<16xi32>
      %eq3A_1698 = vector.broadcast %squeeze3A_1672 : i32 to vector<16xi32>
      %eq3A_1699 = arith.cmpi eq, %add3A_1697, %eq3A_1698 : vector<16xi32>
      %convert_element_type3A_1700 = arith.extui %eq3A_1699 : vector<16xi1> to vector<16xi32>
      %add3A_1701 = arith.addi %add3A_1663, %convert_element_type3A_1700 : vector<16xi32>
      %add3A_1702 = arith.constant 48 : i32
      %add3A_1703 = vector.broadcast %add3A_1702 : i32 to vector<16xi32>
      %add3A_1704 = arith.addi %iota3A, %add3A_1703 : vector<16xi32>
      %eq3A_1705 = vector.broadcast %squeeze3A_1672 : i32 to vector<16xi32>
      %eq3A_1706 = arith.cmpi eq, %add3A_1704, %eq3A_1705 : vector<16xi32>
      %convert_element_type3A_1707 = arith.extui %eq3A_1706 : vector<16xi1> to vector<16xi32>
      %add3A_1708 = arith.addi %add3A_1670, %convert_element_type3A_1707 : vector<16xi32>
      %slice3A_1709 = vector.extract_strided_slice %get3A_1137 {offsets = [15], sizes = [1], strides = [1]} : vector<16xi32> to vector<1xi32>
      %squeeze3A_1710 = vector.extract %slice3A_1709[0] : i32 from vector<1xi32>
      %gt3A_1711 = arith.constant 15 : i32
      %gt3A_1712 = vector.broadcast %gt3A_1711 : i32 to vector<16xi32>
      %gt3A_1713 = arith.cmpi sgt, %iota3A, %gt3A_1712 : vector<16xi32>
      %eq3A_1714 = vector.broadcast %squeeze3A_1710 : i32 to vector<16xi32>
      %eq3A_1715 = arith.cmpi eq, %get3A_1137, %eq3A_1714 : vector<16xi32>
      %and3A_1716 = arith.andi %gt3A_1713, %eq3A_1715 : vector<16xi1>
      %convert_element_type3A_1717 = arith.extui %and3A_1716 : vector<16xi1> to vector<16xi32>
      %add3A_1718 = arith.addi %add3A_1680, %convert_element_type3A_1717 : vector<16xi32>
      %add3A_1719 = arith.constant 0 : i32
      %add3A_1720 = vector.broadcast %add3A_1719 : i32 to vector<16xi32>
      %add3A_1721 = arith.addi %iota3A, %add3A_1720 : vector<16xi32>
      %eq3A_1722 = vector.broadcast %squeeze3A_1710 : i32 to vector<16xi32>
      %eq3A_1723 = arith.cmpi eq, %add3A_1721, %eq3A_1722 : vector<16xi32>
      %convert_element_type3A_1724 = arith.extui %eq3A_1723 : vector<16xi1> to vector<16xi32>
      %add3A_1725 = arith.addi %add3A_1687, %convert_element_type3A_1724 : vector<16xi32>
      %add3A_1726 = arith.constant 16 : i32
      %add3A_1727 = vector.broadcast %add3A_1726 : i32 to vector<16xi32>
      %add3A_1728 = arith.addi %iota3A, %add3A_1727 : vector<16xi32>
      %eq3A_1729 = vector.broadcast %squeeze3A_1710 : i32 to vector<16xi32>
      %eq3A_1730 = arith.cmpi eq, %add3A_1728, %eq3A_1729 : vector<16xi32>
      %convert_element_type3A_1731 = arith.extui %eq3A_1730 : vector<16xi1> to vector<16xi32>
      %add3A_1732 = arith.addi %add3A_1694, %convert_element_type3A_1731 : vector<16xi32>
      %add3A_1733 = arith.constant 32 : i32
      %add3A_1734 = vector.broadcast %add3A_1733 : i32 to vector<16xi32>
      %add3A_1735 = arith.addi %iota3A, %add3A_1734 : vector<16xi32>
      %eq3A_1736 = vector.broadcast %squeeze3A_1710 : i32 to vector<16xi32>
      %eq3A_1737 = arith.cmpi eq, %add3A_1735, %eq3A_1736 : vector<16xi32>
      %convert_element_type3A_1738 = arith.extui %eq3A_1737 : vector<16xi1> to vector<16xi32>
      %add3A_1739 = arith.addi %add3A_1701, %convert_element_type3A_1738 : vector<16xi32>
      %add3A_1740 = arith.constant 48 : i32
      %add3A_1741 = vector.broadcast %add3A_1740 : i32 to vector<16xi32>
      %add3A_1742 = arith.addi %iota3A, %add3A_1741 : vector<16xi32>
      %eq3A_1743 = vector.broadcast %squeeze3A_1710 : i32 to vector<16xi32>
      %eq3A_1744 = arith.cmpi eq, %add3A_1742, %eq3A_1743 : vector<16xi32>
      %convert_element_type3A_1745 = arith.extui %eq3A_1744 : vector<16xi1> to vector<16xi32>
      %add3A_1746 = arith.addi %add3A_1708, %convert_element_type3A_1745 : vector<16xi32>
      %add3A_1747 = arith.addi %add3A_1141, %add3A_1718 : vector<16xi32>
      %mul3A_1748 = arith.constant 16 : i32
      %mul3A_1749 = arith.muli %scan3A_1121, %mul3A_1748 : i32
      %swap3A_1750 = arith.index_cast %mul3A_1749 : i32 to index
      %swap3A_1751 = tpu.vector_load %arg19[%swap3A_1750] {strides = array<i32>} : memref<128xi32, #tpu.memory_space<vmem>>, vector<16xi32>,
      tpu.vector_store %arg19[%swap3A_1750], %add3A_1747 {strides = array<i32>} : memref<128xi32, #tpu.memory_space<vmem>>, vector<16xi32>,
      scf.yield %add3A_1725, %add3A_1732, %add3A_1739, %add3A_1746 : vector<16xi32>, vector<16xi32>, vector<16xi32>, vector<16xi32>
    }
    %scan3A_1080 = arith.constant 8 : i32
    "tpu.trace_stop"() : () -> ()
    "tpu.trace_start"() <{level = 10 : i32, message = "ph_scatter"}> : () -> ()
    %barrier3A_1081 = arith.constant 0 : index
    tpu.barrier barrier_id(%barrier3A_1081)
    "tpu.region"() ({
      %run_scoped3A = tpu.sem_alloc : memref<!tpu.dma_semaphore, #tpu.memory_space<semaphore_mem>>
      %dma_start3A_1121 = arith.constant 0 : i32
      %dma_start3A_1122 = tpu.memref_slice %arg27[%dma_start3A_1121] : memref<4096xi32, #tpu.memory_space<vmem_shared>> -> memref<4096xi32, #tpu.memory_space<vmem_shared>>
      tpu.enqueue_indirect_dma source(%arg20 : memref<128xi32, #tpu.memory_space<vmem>>) target(%dma_start3A_1122 : memref<4096xi32, #tpu.memory_space<vmem_shared>>) offsets(%arg19 : memref<128xi32, #tpu.memory_space<vmem>>) semaphore(%run_scoped3A : memref<!tpu.dma_semaphore, #tpu.memory_space<semaphore_mem>>)
      %dma_wait3A_1123 = arith.constant 0 : i32
      %dma_wait3A_1124 = tpu.memref_slice %arg27[%dma_wait3A_1123] : memref<4096xi32, #tpu.memory_space<vmem_shared>> -> memref<4096xi32, #tpu.memory_space<vmem_shared>>
      tpu.wait_indirect_dma semaphore(%run_scoped3A : memref<!tpu.dma_semaphore, #tpu.memory_space<semaphore_mem>>) src(%arg20 : memref<128xi32, #tpu.memory_space<vmem>>) dst(%dma_wait3A_1124 : memref<4096xi32, #tpu.memory_space<vmem_shared>>)
      tpu.yield
    }) : () -> ()
    "tpu.region"() ({
      %run_scoped3A = tpu.sem_alloc : memref<!tpu.dma_semaphore, #tpu.memory_space<semaphore_mem>>
      %dma_start3A_1121 = arith.constant 0 : i32
      %dma_start3A_1122 = tpu.memref_slice %arg28[%dma_start3A_1121] : memref<4096xf32, #tpu.memory_space<vmem_shared>> -> memref<4096xf32, #tpu.memory_space<vmem_shared>>
      tpu.enqueue_indirect_dma source(%arg11 : memref<128xf32, #tpu.memory_space<vmem>>) target(%dma_start3A_1122 : memref<4096xf32, #tpu.memory_space<vmem_shared>>) offsets(%arg19 : memref<128xi32, #tpu.memory_space<vmem>>) semaphore(%run_scoped3A : memref<!tpu.dma_semaphore, #tpu.memory_space<semaphore_mem>>)
      %dma_wait3A_1123 = arith.constant 0 : i32
      %dma_wait3A_1124 = tpu.memref_slice %arg28[%dma_wait3A_1123] : memref<4096xf32, #tpu.memory_space<vmem_shared>> -> memref<4096xf32, #tpu.memory_space<vmem_shared>>
      tpu.wait_indirect_dma semaphore(%run_scoped3A : memref<!tpu.dma_semaphore, #tpu.memory_space<semaphore_mem>>) src(%arg11 : memref<128xf32, #tpu.memory_space<vmem>>) dst(%dma_wait3A_1124 : memref<4096xf32, #tpu.memory_space<vmem_shared>>)
      tpu.yield
    }) : () -> ()
    %barrier3A_1082 = arith.constant 0 : index
    tpu.barrier barrier_id(%barrier3A_1082)
    "tpu.trace_stop"() : () -> ()
    "tpu.trace_start"() <{level = 10 : i32, message = "ph_be"}> : () -> ()
    %scan3A_1083 = arith.constant 0 : i32
    %scan3A_1084 = arith.constant 0 : i32
    %scan3A_1085 = arith.constant 8 : i32
    %scan3A_1086 = arith.addi %scan3A_1084, %scan3A_1085 : i32
    %scan3A_1087 = arith.constant 1 : i32
    scf.for %scan3A_1121 = %scan3A_1084 to %scan3A_1086 step %scan3A_1087  : i32 {
      %mul3A_1122 = arith.constant 16 : i32
      %mul3A_1123 = arith.muli %scan3A_1121, %mul3A_1122 : i32
      %add3A_1124 = vector.broadcast %mul3A_1123 : i32 to vector<16xi32>
      %add3A_1125 = arith.addi %iota3A, %add3A_1124 : vector<16xi32>
      %get3A_1126 = arith.constant 0 : index
      %get3A_1127 = tpu.vector_load %arg17[%get3A_1126] {strides = array<i32>} : memref<64xi32, #tpu.memory_space<vmem>>, vector<16xi32>,
      %slice3A = vector.extract_strided_slice %get3A_1127 {offsets = [0], sizes = [1], strides = [1]} : vector<16xi32> to vector<1xi32>
      %squeeze3A = vector.extract %slice3A[0] : i32 from vector<1xi32>
      %ge3A = vector.broadcast %squeeze3A : i32 to vector<16xi32>
      %ge3A_1128 = arith.cmpi sge, %add3A_1125, %ge3A : vector<16xi32>
      %convert_element_type3A_1129 = arith.extui %ge3A_1128 : vector<16xi1> to vector<16xi32>
      %add3A_1130 = arith.addi %broadcast_in_dim3A_1, %convert_element_type3A_1129 : vector<16xi32>
      %slice3A_1131 = vector.extract_strided_slice %get3A_1127 {offsets = [1], sizes = [1], strides = [1]} : vector<16xi32> to vector<1xi32>
      %squeeze3A_1132 = vector.extract %slice3A_1131[0] : i32 from vector<1xi32>
      %ge3A_1133 = vector.broadcast %squeeze3A_1132 : i32 to vector<16xi32>
      %ge3A_1134 = arith.cmpi sge, %add3A_1125, %ge3A_1133 : vector<16xi32>
      %convert_element_type3A_1135 = arith.extui %ge3A_1134 : vector<16xi1> to vector<16xi32>
      %add3A_1136 = arith.addi %add3A_1130, %convert_element_type3A_1135 : vector<16xi32>
      %slice3A_1137 = vector.extract_strided_slice %get3A_1127 {offsets = [2], sizes = [1], strides = [1]} : vector<16xi32> to vector<1xi32>
      %squeeze3A_1138 = vector.extract %slice3A_1137[0] : i32 from vector<1xi32>
      %ge3A_1139 = vector.broadcast %squeeze3A_1138 : i32 to vector<16xi32>
      %ge3A_1140 = arith.cmpi sge, %add3A_1125, %ge3A_1139 : vector<16xi32>
      %convert_element_type3A_1141 = arith.extui %ge3A_1140 : vector<16xi1> to vector<16xi32>
      %add3A_1142 = arith.addi %add3A_1136, %convert_element_type3A_1141 : vector<16xi32>
      %slice3A_1143 = vector.extract_strided_slice %get3A_1127 {offsets = [3], sizes = [1], strides = [1]} : vector<16xi32> to vector<1xi32>
      %squeeze3A_1144 = vector.extract %slice3A_1143[0] : i32 from vector<1xi32>
      %ge3A_1145 = vector.broadcast %squeeze3A_1144 : i32 to vector<16xi32>
      %ge3A_1146 = arith.cmpi sge, %add3A_1125, %ge3A_1145 : vector<16xi32>
      %convert_element_type3A_1147 = arith.extui %ge3A_1146 : vector<16xi1> to vector<16xi32>
      %add3A_1148 = arith.addi %add3A_1142, %convert_element_type3A_1147 : vector<16xi32>
      %slice3A_1149 = vector.extract_strided_slice %get3A_1127 {offsets = [4], sizes = [1], strides = [1]} : vector<16xi32> to vector<1xi32>
      %squeeze3A_1150 = vector.extract %slice3A_1149[0] : i32 from vector<1xi32>
      %ge3A_1151 = vector.broadcast %squeeze3A_1150 : i32 to vector<16xi32>
      %ge3A_1152 = arith.cmpi sge, %add3A_1125, %ge3A_1151 : vector<16xi32>
      %convert_element_type3A_1153 = arith.extui %ge3A_1152 : vector<16xi1> to vector<16xi32>
      %add3A_1154 = arith.addi %add3A_1148, %convert_element_type3A_1153 : vector<16xi32>
      %slice3A_1155 = vector.extract_strided_slice %get3A_1127 {offsets = [5], sizes = [1], strides = [1]} : vector<16xi32> to vector<1xi32>
      %squeeze3A_1156 = vector.extract %slice3A_1155[0] : i32 from vector<1xi32>
      %ge3A_1157 = vector.broadcast %squeeze3A_1156 : i32 to vector<16xi32>
      %ge3A_1158 = arith.cmpi sge, %add3A_1125, %ge3A_1157 : vector<16xi32>
      %convert_element_type3A_1159 = arith.extui %ge3A_1158 : vector<16xi1> to vector<16xi32>
      %add3A_1160 = arith.addi %add3A_1154, %convert_element_type3A_1159 : vector<16xi32>
      %slice3A_1161 = vector.extract_strided_slice %get3A_1127 {offsets = [6], sizes = [1], strides = [1]} : vector<16xi32> to vector<1xi32>
      %squeeze3A_1162 = vector.extract %slice3A_1161[0] : i32 from vector<1xi32>
      %ge3A_1163 = vector.broadcast %squeeze3A_1162 : i32 to vector<16xi32>
      %ge3A_1164 = arith.cmpi sge, %add3A_1125, %ge3A_1163 : vector<16xi32>
      %convert_element_type3A_1165 = arith.extui %ge3A_1164 : vector<16xi1> to vector<16xi32>
      %add3A_1166 = arith.addi %add3A_1160, %convert_element_type3A_1165 : vector<16xi32>
      %slice3A_1167 = vector.extract_strided_slice %get3A_1127 {offsets = [7], sizes = [1], strides = [1]} : vector<16xi32> to vector<1xi32>
      %squeeze3A_1168 = vector.extract %slice3A_1167[0] : i32 from vector<1xi32>
      %ge3A_1169 = vector.broadcast %squeeze3A_1168 : i32 to vector<16xi32>
      %ge3A_1170 = arith.cmpi sge, %add3A_1125, %ge3A_1169 : vector<16xi32>
      %convert_element_type3A_1171 = arith.extui %ge3A_1170 : vector<16xi1> to vector<16xi32>
      %add3A_1172 = arith.addi %add3A_1166, %convert_element_type3A_1171 : vector<16xi32>
      %slice3A_1173 = vector.extract_strided_slice %get3A_1127 {offsets = [8], sizes = [1], strides = [1]} : vector<16xi32> to vector<1xi32>
      %squeeze3A_1174 = vector.extract %slice3A_1173[0] : i32 from vector<1xi32>
      %ge3A_1175 = vector.broadcast %squeeze3A_1174 : i32 to vector<16xi32>
      %ge3A_1176 = arith.cmpi sge, %add3A_1125, %ge3A_1175 : vector<16xi32>
      %convert_element_type3A_1177 = arith.extui %ge3A_1176 : vector<16xi1> to vector<16xi32>
      %add3A_1178 = arith.addi %add3A_1172, %convert_element_type3A_1177 : vector<16xi32>
      %slice3A_1179 = vector.extract_strided_slice %get3A_1127 {offsets = [9], sizes = [1], strides = [1]} : vector<16xi32> to vector<1xi32>
      %squeeze3A_1180 = vector.extract %slice3A_1179[0] : i32 from vector<1xi32>
      %ge3A_1181 = vector.broadcast %squeeze3A_1180 : i32 to vector<16xi32>
      %ge3A_1182 = arith.cmpi sge, %add3A_1125, %ge3A_1181 : vector<16xi32>
      %convert_element_type3A_1183 = arith.extui %ge3A_1182 : vector<16xi1> to vector<16xi32>
      %add3A_1184 = arith.addi %add3A_1178, %convert_element_type3A_1183 : vector<16xi32>
      %slice3A_1185 = vector.extract_strided_slice %get3A_1127 {offsets = [10], sizes = [1], strides = [1]} : vector<16xi32> to vector<1xi32>
      %squeeze3A_1186 = vector.extract %slice3A_1185[0] : i32 from vector<1xi32>
      %ge3A_1187 = vector.broadcast %squeeze3A_1186 : i32 to vector<16xi32>
      %ge3A_1188 = arith.cmpi sge, %add3A_1125, %ge3A_1187 : vector<16xi32>
      %convert_element_type3A_1189 = arith.extui %ge3A_1188 : vector<16xi1> to vector<16xi32>
      %add3A_1190 = arith.addi %add3A_1184, %convert_element_type3A_1189 : vector<16xi32>
      %slice3A_1191 = vector.extract_strided_slice %get3A_1127 {offsets = [11], sizes = [1], strides = [1]} : vector<16xi32> to vector<1xi32>
      %squeeze3A_1192 = vector.extract %slice3A_1191[0] : i32 from vector<1xi32>
      %ge3A_1193 = vector.broadcast %squeeze3A_1192 : i32 to vector<16xi32>
      %ge3A_1194 = arith.cmpi sge, %add3A_1125, %ge3A_1193 : vector<16xi32>
      %convert_element_type3A_1195 = arith.extui %ge3A_1194 : vector<16xi1> to vector<16xi32>
      %add3A_1196 = arith.addi %add3A_1190, %convert_element_type3A_1195 : vector<16xi32>
      %slice3A_1197 = vector.extract_strided_slice %get3A_1127 {offsets = [12], sizes = [1], strides = [1]} : vector<16xi32> to vector<1xi32>
      %squeeze3A_1198 = vector.extract %slice3A_1197[0] : i32 from vector<1xi32>
      %ge3A_1199 = vector.broadcast %squeeze3A_1198 : i32 to vector<16xi32>
      %ge3A_1200 = arith.cmpi sge, %add3A_1125, %ge3A_1199 : vector<16xi32>
      %convert_element_type3A_1201 = arith.extui %ge3A_1200 : vector<16xi1> to vector<16xi32>
      %add3A_1202 = arith.addi %add3A_1196, %convert_element_type3A_1201 : vector<16xi32>
      %slice3A_1203 = vector.extract_strided_slice %get3A_1127 {offsets = [13], sizes = [1], strides = [1]} : vector<16xi32> to vector<1xi32>
      %squeeze3A_1204 = vector.extract %slice3A_1203[0] : i32 from vector<1xi32>
      %ge3A_1205 = vector.broadcast %squeeze3A_1204 : i32 to vector<16xi32>
      %ge3A_1206 = arith.cmpi sge, %add3A_1125, %ge3A_1205 : vector<16xi32>
      %convert_element_type3A_1207 = arith.extui %ge3A_1206 : vector<16xi1> to vector<16xi32>
      %add3A_1208 = arith.addi %add3A_1202, %convert_element_type3A_1207 : vector<16xi32>
      %slice3A_1209 = vector.extract_strided_slice %get3A_1127 {offsets = [14], sizes = [1], strides = [1]} : vector<16xi32> to vector<1xi32>
      %squeeze3A_1210 = vector.extract %slice3A_1209[0] : i32 from vector<1xi32>
      %ge3A_1211 = vector.broadcast %squeeze3A_1210 : i32 to vector<16xi32>
      %ge3A_1212 = arith.cmpi sge, %add3A_1125, %ge3A_1211 : vector<16xi32>
      %convert_element_type3A_1213 = arith.extui %ge3A_1212 : vector<16xi1> to vector<16xi32>
      %add3A_1214 = arith.addi %add3A_1208, %convert_element_type3A_1213 : vector<16xi32>
      %slice3A_1215 = vector.extract_strided_slice %get3A_1127 {offsets = [15], sizes = [1], strides = [1]} : vector<16xi32> to vector<1xi32>
      %squeeze3A_1216 = vector.extract %slice3A_1215[0] : i32 from vector<1xi32>
      %ge3A_1217 = vector.broadcast %squeeze3A_1216 : i32 to vector<16xi32>
      %ge3A_1218 = arith.cmpi sge, %add3A_1125, %ge3A_1217 : vector<16xi32>
      %convert_element_type3A_1219 = arith.extui %ge3A_1218 : vector<16xi1> to vector<16xi32>
      %add3A_1220 = arith.addi %add3A_1214, %convert_element_type3A_1219 : vector<16xi32>
      %get3A_1221 = arith.constant 16 : index
      %get3A_1222 = tpu.vector_load %arg17[%get3A_1221] {strides = array<i32>} : memref<64xi32, #tpu.memory_space<vmem>>, vector<16xi32>,
      %slice3A_1223 = vector.extract_strided_slice %get3A_1222 {offsets = [0], sizes = [1], strides = [1]} : vector<16xi32> to vector<1xi32>
      %squeeze3A_1224 = vector.extract %slice3A_1223[0] : i32 from vector<1xi32>
      %ge3A_1225 = vector.broadcast %squeeze3A_1224 : i32 to vector<16xi32>
      %ge3A_1226 = arith.cmpi sge, %add3A_1125, %ge3A_1225 : vector<16xi32>
      %convert_element_type3A_1227 = arith.extui %ge3A_1226 : vector<16xi1> to vector<16xi32>
      %add3A_1228 = arith.addi %add3A_1220, %convert_element_type3A_1227 : vector<16xi32>
      %slice3A_1229 = vector.extract_strided_slice %get3A_1222 {offsets = [1], sizes = [1], strides = [1]} : vector<16xi32> to vector<1xi32>
      %squeeze3A_1230 = vector.extract %slice3A_1229[0] : i32 from vector<1xi32>
      %ge3A_1231 = vector.broadcast %squeeze3A_1230 : i32 to vector<16xi32>
      %ge3A_1232 = arith.cmpi sge, %add3A_1125, %ge3A_1231 : vector<16xi32>
      %convert_element_type3A_1233 = arith.extui %ge3A_1232 : vector<16xi1> to vector<16xi32>
      %add3A_1234 = arith.addi %add3A_1228, %convert_element_type3A_1233 : vector<16xi32>
      %slice3A_1235 = vector.extract_strided_slice %get3A_1222 {offsets = [2], sizes = [1], strides = [1]} : vector<16xi32> to vector<1xi32>
      %squeeze3A_1236 = vector.extract %slice3A_1235[0] : i32 from vector<1xi32>
      %ge3A_1237 = vector.broadcast %squeeze3A_1236 : i32 to vector<16xi32>
      %ge3A_1238 = arith.cmpi sge, %add3A_1125, %ge3A_1237 : vector<16xi32>
      %convert_element_type3A_1239 = arith.extui %ge3A_1238 : vector<16xi1> to vector<16xi32>
      %add3A_1240 = arith.addi %add3A_1234, %convert_element_type3A_1239 : vector<16xi32>
      %slice3A_1241 = vector.extract_strided_slice %get3A_1222 {offsets = [3], sizes = [1], strides = [1]} : vector<16xi32> to vector<1xi32>
      %squeeze3A_1242 = vector.extract %slice3A_1241[0] : i32 from vector<1xi32>
      %ge3A_1243 = vector.broadcast %squeeze3A_1242 : i32 to vector<16xi32>
      %ge3A_1244 = arith.cmpi sge, %add3A_1125, %ge3A_1243 : vector<16xi32>
      %convert_element_type3A_1245 = arith.extui %ge3A_1244 : vector<16xi1> to vector<16xi32>
      %add3A_1246 = arith.addi %add3A_1240, %convert_element_type3A_1245 : vector<16xi32>
      %slice3A_1247 = vector.extract_strided_slice %get3A_1222 {offsets = [4], sizes = [1], strides = [1]} : vector<16xi32> to vector<1xi32>
      %squeeze3A_1248 = vector.extract %slice3A_1247[0] : i32 from vector<1xi32>
      %ge3A_1249 = vector.broadcast %squeeze3A_1248 : i32 to vector<16xi32>
      %ge3A_1250 = arith.cmpi sge, %add3A_1125, %ge3A_1249 : vector<16xi32>
      %convert_element_type3A_1251 = arith.extui %ge3A_1250 : vector<16xi1> to vector<16xi32>
      %add3A_1252 = arith.addi %add3A_1246, %convert_element_type3A_1251 : vector<16xi32>
      %slice3A_1253 = vector.extract_strided_slice %get3A_1222 {offsets = [5], sizes = [1], strides = [1]} : vector<16xi32> to vector<1xi32>
      %squeeze3A_1254 = vector.extract %slice3A_1253[0] : i32 from vector<1xi32>
      %ge3A_1255 = vector.broadcast %squeeze3A_1254 : i32 to vector<16xi32>
      %ge3A_1256 = arith.cmpi sge, %add3A_1125, %ge3A_1255 : vector<16xi32>
      %convert_element_type3A_1257 = arith.extui %ge3A_1256 : vector<16xi1> to vector<16xi32>
      %add3A_1258 = arith.addi %add3A_1252, %convert_element_type3A_1257 : vector<16xi32>
      %slice3A_1259 = vector.extract_strided_slice %get3A_1222 {offsets = [6], sizes = [1], strides = [1]} : vector<16xi32> to vector<1xi32>
      %squeeze3A_1260 = vector.extract %slice3A_1259[0] : i32 from vector<1xi32>
      %ge3A_1261 = vector.broadcast %squeeze3A_1260 : i32 to vector<16xi32>
      %ge3A_1262 = arith.cmpi sge, %add3A_1125, %ge3A_1261 : vector<16xi32>
      %convert_element_type3A_1263 = arith.extui %ge3A_1262 : vector<16xi1> to vector<16xi32>
      %add3A_1264 = arith.addi %add3A_1258, %convert_element_type3A_1263 : vector<16xi32>
      %slice3A_1265 = vector.extract_strided_slice %get3A_1222 {offsets = [7], sizes = [1], strides = [1]} : vector<16xi32> to vector<1xi32>
      %squeeze3A_1266 = vector.extract %slice3A_1265[0] : i32 from vector<1xi32>
      %ge3A_1267 = vector.broadcast %squeeze3A_1266 : i32 to vector<16xi32>
      %ge3A_1268 = arith.cmpi sge, %add3A_1125, %ge3A_1267 : vector<16xi32>
      %convert_element_type3A_1269 = arith.extui %ge3A_1268 : vector<16xi1> to vector<16xi32>
      %add3A_1270 = arith.addi %add3A_1264, %convert_element_type3A_1269 : vector<16xi32>
      %slice3A_1271 = vector.extract_strided_slice %get3A_1222 {offsets = [8], sizes = [1], strides = [1]} : vector<16xi32> to vector<1xi32>
      %squeeze3A_1272 = vector.extract %slice3A_1271[0] : i32 from vector<1xi32>
      %ge3A_1273 = vector.broadcast %squeeze3A_1272 : i32 to vector<16xi32>
      %ge3A_1274 = arith.cmpi sge, %add3A_1125, %ge3A_1273 : vector<16xi32>
      %convert_element_type3A_1275 = arith.extui %ge3A_1274 : vector<16xi1> to vector<16xi32>
      %add3A_1276 = arith.addi %add3A_1270, %convert_element_type3A_1275 : vector<16xi32>
      %slice3A_1277 = vector.extract_strided_slice %get3A_1222 {offsets = [9], sizes = [1], strides = [1]} : vector<16xi32> to vector<1xi32>
      %squeeze3A_1278 = vector.extract %slice3A_1277[0] : i32 from vector<1xi32>
      %ge3A_1279 = vector.broadcast %squeeze3A_1278 : i32 to vector<16xi32>
      %ge3A_1280 = arith.cmpi sge, %add3A_1125, %ge3A_1279 : vector<16xi32>
      %convert_element_type3A_1281 = arith.extui %ge3A_1280 : vector<16xi1> to vector<16xi32>
      %add3A_1282 = arith.addi %add3A_1276, %convert_element_type3A_1281 : vector<16xi32>
      %slice3A_1283 = vector.extract_strided_slice %get3A_1222 {offsets = [10], sizes = [1], strides = [1]} : vector<16xi32> to vector<1xi32>
      %squeeze3A_1284 = vector.extract %slice3A_1283[0] : i32 from vector<1xi32>
      %ge3A_1285 = vector.broadcast %squeeze3A_1284 : i32 to vector<16xi32>
      %ge3A_1286 = arith.cmpi sge, %add3A_1125, %ge3A_1285 : vector<16xi32>
      %convert_element_type3A_1287 = arith.extui %ge3A_1286 : vector<16xi1> to vector<16xi32>
      %add3A_1288 = arith.addi %add3A_1282, %convert_element_type3A_1287 : vector<16xi32>
      %slice3A_1289 = vector.extract_strided_slice %get3A_1222 {offsets = [11], sizes = [1], strides = [1]} : vector<16xi32> to vector<1xi32>
      %squeeze3A_1290 = vector.extract %slice3A_1289[0] : i32 from vector<1xi32>
      %ge3A_1291 = vector.broadcast %squeeze3A_1290 : i32 to vector<16xi32>
      %ge3A_1292 = arith.cmpi sge, %add3A_1125, %ge3A_1291 : vector<16xi32>
      %convert_element_type3A_1293 = arith.extui %ge3A_1292 : vector<16xi1> to vector<16xi32>
      %add3A_1294 = arith.addi %add3A_1288, %convert_element_type3A_1293 : vector<16xi32>
      %slice3A_1295 = vector.extract_strided_slice %get3A_1222 {offsets = [12], sizes = [1], strides = [1]} : vector<16xi32> to vector<1xi32>
      %squeeze3A_1296 = vector.extract %slice3A_1295[0] : i32 from vector<1xi32>
      %ge3A_1297 = vector.broadcast %squeeze3A_1296 : i32 to vector<16xi32>
      %ge3A_1298 = arith.cmpi sge, %add3A_1125, %ge3A_1297 : vector<16xi32>
      %convert_element_type3A_1299 = arith.extui %ge3A_1298 : vector<16xi1> to vector<16xi32>
      %add3A_1300 = arith.addi %add3A_1294, %convert_element_type3A_1299 : vector<16xi32>
      %slice3A_1301 = vector.extract_strided_slice %get3A_1222 {offsets = [13], sizes = [1], strides = [1]} : vector<16xi32> to vector<1xi32>
      %squeeze3A_1302 = vector.extract %slice3A_1301[0] : i32 from vector<1xi32>
      %ge3A_1303 = vector.broadcast %squeeze3A_1302 : i32 to vector<16xi32>
      %ge3A_1304 = arith.cmpi sge, %add3A_1125, %ge3A_1303 : vector<16xi32>
      %convert_element_type3A_1305 = arith.extui %ge3A_1304 : vector<16xi1> to vector<16xi32>
      %add3A_1306 = arith.addi %add3A_1300, %convert_element_type3A_1305 : vector<16xi32>
      %slice3A_1307 = vector.extract_strided_slice %get3A_1222 {offsets = [14], sizes = [1], strides = [1]} : vector<16xi32> to vector<1xi32>
      %squeeze3A_1308 = vector.extract %slice3A_1307[0] : i32 from vector<1xi32>
      %ge3A_1309 = vector.broadcast %squeeze3A_1308 : i32 to vector<16xi32>
      %ge3A_1310 = arith.cmpi sge, %add3A_1125, %ge3A_1309 : vector<16xi32>
      %convert_element_type3A_1311 = arith.extui %ge3A_1310 : vector<16xi1> to vector<16xi32>
      %add3A_1312 = arith.addi %add3A_1306, %convert_element_type3A_1311 : vector<16xi32>
      %slice3A_1313 = vector.extract_strided_slice %get3A_1222 {offsets = [15], sizes = [1], strides = [1]} : vector<16xi32> to vector<1xi32>
      %squeeze3A_1314 = vector.extract %slice3A_1313[0] : i32 from vector<1xi32>
      %ge3A_1315 = vector.broadcast %squeeze3A_1314 : i32 to vector<16xi32>
      %ge3A_1316 = arith.cmpi sge, %add3A_1125, %ge3A_1315 : vector<16xi32>
      %convert_element_type3A_1317 = arith.extui %ge3A_1316 : vector<16xi1> to vector<16xi32>
      %add3A_1318 = arith.addi %add3A_1312, %convert_element_type3A_1317 : vector<16xi32>
      %get3A_1319 = arith.constant 32 : index
      %get3A_1320 = tpu.vector_load %arg17[%get3A_1319] {strides = array<i32>} : memref<64xi32, #tpu.memory_space<vmem>>, vector<16xi32>,
      %slice3A_1321 = vector.extract_strided_slice %get3A_1320 {offsets = [0], sizes = [1], strides = [1]} : vector<16xi32> to vector<1xi32>
      %squeeze3A_1322 = vector.extract %slice3A_1321[0] : i32 from vector<1xi32>
      %ge3A_1323 = vector.broadcast %squeeze3A_1322 : i32 to vector<16xi32>
      %ge3A_1324 = arith.cmpi sge, %add3A_1125, %ge3A_1323 : vector<16xi32>
      %convert_element_type3A_1325 = arith.extui %ge3A_1324 : vector<16xi1> to vector<16xi32>
      %add3A_1326 = arith.addi %add3A_1318, %convert_element_type3A_1325 : vector<16xi32>
      %slice3A_1327 = vector.extract_strided_slice %get3A_1320 {offsets = [1], sizes = [1], strides = [1]} : vector<16xi32> to vector<1xi32>
      %squeeze3A_1328 = vector.extract %slice3A_1327[0] : i32 from vector<1xi32>
      %ge3A_1329 = vector.broadcast %squeeze3A_1328 : i32 to vector<16xi32>
      %ge3A_1330 = arith.cmpi sge, %add3A_1125, %ge3A_1329 : vector<16xi32>
      %convert_element_type3A_1331 = arith.extui %ge3A_1330 : vector<16xi1> to vector<16xi32>
      %add3A_1332 = arith.addi %add3A_1326, %convert_element_type3A_1331 : vector<16xi32>
      %slice3A_1333 = vector.extract_strided_slice %get3A_1320 {offsets = [2], sizes = [1], strides = [1]} : vector<16xi32> to vector<1xi32>
      %squeeze3A_1334 = vector.extract %slice3A_1333[0] : i32 from vector<1xi32>
      %ge3A_1335 = vector.broadcast %squeeze3A_1334 : i32 to vector<16xi32>
      %ge3A_1336 = arith.cmpi sge, %add3A_1125, %ge3A_1335 : vector<16xi32>
      %convert_element_type3A_1337 = arith.extui %ge3A_1336 : vector<16xi1> to vector<16xi32>
      %add3A_1338 = arith.addi %add3A_1332, %convert_element_type3A_1337 : vector<16xi32>
      %slice3A_1339 = vector.extract_strided_slice %get3A_1320 {offsets = [3], sizes = [1], strides = [1]} : vector<16xi32> to vector<1xi32>
      %squeeze3A_1340 = vector.extract %slice3A_1339[0] : i32 from vector<1xi32>
      %ge3A_1341 = vector.broadcast %squeeze3A_1340 : i32 to vector<16xi32>
      %ge3A_1342 = arith.cmpi sge, %add3A_1125, %ge3A_1341 : vector<16xi32>
      %convert_element_type3A_1343 = arith.extui %ge3A_1342 : vector<16xi1> to vector<16xi32>
      %add3A_1344 = arith.addi %add3A_1338, %convert_element_type3A_1343 : vector<16xi32>
      %slice3A_1345 = vector.extract_strided_slice %get3A_1320 {offsets = [4], sizes = [1], strides = [1]} : vector<16xi32> to vector<1xi32>
      %squeeze3A_1346 = vector.extract %slice3A_1345[0] : i32 from vector<1xi32>
      %ge3A_1347 = vector.broadcast %squeeze3A_1346 : i32 to vector<16xi32>
      %ge3A_1348 = arith.cmpi sge, %add3A_1125, %ge3A_1347 : vector<16xi32>
      %convert_element_type3A_1349 = arith.extui %ge3A_1348 : vector<16xi1> to vector<16xi32>
      %add3A_1350 = arith.addi %add3A_1344, %convert_element_type3A_1349 : vector<16xi32>
      %slice3A_1351 = vector.extract_strided_slice %get3A_1320 {offsets = [5], sizes = [1], strides = [1]} : vector<16xi32> to vector<1xi32>
      %squeeze3A_1352 = vector.extract %slice3A_1351[0] : i32 from vector<1xi32>
      %ge3A_1353 = vector.broadcast %squeeze3A_1352 : i32 to vector<16xi32>
      %ge3A_1354 = arith.cmpi sge, %add3A_1125, %ge3A_1353 : vector<16xi32>
      %convert_element_type3A_1355 = arith.extui %ge3A_1354 : vector<16xi1> to vector<16xi32>
      %add3A_1356 = arith.addi %add3A_1350, %convert_element_type3A_1355 : vector<16xi32>
      %slice3A_1357 = vector.extract_strided_slice %get3A_1320 {offsets = [6], sizes = [1], strides = [1]} : vector<16xi32> to vector<1xi32>
      %squeeze3A_1358 = vector.extract %slice3A_1357[0] : i32 from vector<1xi32>
      %ge3A_1359 = vector.broadcast %squeeze3A_1358 : i32 to vector<16xi32>
      %ge3A_1360 = arith.cmpi sge, %add3A_1125, %ge3A_1359 : vector<16xi32>
      %convert_element_type3A_1361 = arith.extui %ge3A_1360 : vector<16xi1> to vector<16xi32>
      %add3A_1362 = arith.addi %add3A_1356, %convert_element_type3A_1361 : vector<16xi32>
      %slice3A_1363 = vector.extract_strided_slice %get3A_1320 {offsets = [7], sizes = [1], strides = [1]} : vector<16xi32> to vector<1xi32>
      %squeeze3A_1364 = vector.extract %slice3A_1363[0] : i32 from vector<1xi32>
      %ge3A_1365 = vector.broadcast %squeeze3A_1364 : i32 to vector<16xi32>
      %ge3A_1366 = arith.cmpi sge, %add3A_1125, %ge3A_1365 : vector<16xi32>
      %convert_element_type3A_1367 = arith.extui %ge3A_1366 : vector<16xi1> to vector<16xi32>
      %add3A_1368 = arith.addi %add3A_1362, %convert_element_type3A_1367 : vector<16xi32>
      %slice3A_1369 = vector.extract_strided_slice %get3A_1320 {offsets = [8], sizes = [1], strides = [1]} : vector<16xi32> to vector<1xi32>
      %squeeze3A_1370 = vector.extract %slice3A_1369[0] : i32 from vector<1xi32>
      %ge3A_1371 = vector.broadcast %squeeze3A_1370 : i32 to vector<16xi32>
      %ge3A_1372 = arith.cmpi sge, %add3A_1125, %ge3A_1371 : vector<16xi32>
      %convert_element_type3A_1373 = arith.extui %ge3A_1372 : vector<16xi1> to vector<16xi32>
      %add3A_1374 = arith.addi %add3A_1368, %convert_element_type3A_1373 : vector<16xi32>
      %slice3A_1375 = vector.extract_strided_slice %get3A_1320 {offsets = [9], sizes = [1], strides = [1]} : vector<16xi32> to vector<1xi32>
      %squeeze3A_1376 = vector.extract %slice3A_1375[0] : i32 from vector<1xi32>
      %ge3A_1377 = vector.broadcast %squeeze3A_1376 : i32 to vector<16xi32>
      %ge3A_1378 = arith.cmpi sge, %add3A_1125, %ge3A_1377 : vector<16xi32>
      %convert_element_type3A_1379 = arith.extui %ge3A_1378 : vector<16xi1> to vector<16xi32>
      %add3A_1380 = arith.addi %add3A_1374, %convert_element_type3A_1379 : vector<16xi32>
      %slice3A_1381 = vector.extract_strided_slice %get3A_1320 {offsets = [10], sizes = [1], strides = [1]} : vector<16xi32> to vector<1xi32>
      %squeeze3A_1382 = vector.extract %slice3A_1381[0] : i32 from vector<1xi32>
      %ge3A_1383 = vector.broadcast %squeeze3A_1382 : i32 to vector<16xi32>
      %ge3A_1384 = arith.cmpi sge, %add3A_1125, %ge3A_1383 : vector<16xi32>
      %convert_element_type3A_1385 = arith.extui %ge3A_1384 : vector<16xi1> to vector<16xi32>
      %add3A_1386 = arith.addi %add3A_1380, %convert_element_type3A_1385 : vector<16xi32>
      %slice3A_1387 = vector.extract_strided_slice %get3A_1320 {offsets = [11], sizes = [1], strides = [1]} : vector<16xi32> to vector<1xi32>
      %squeeze3A_1388 = vector.extract %slice3A_1387[0] : i32 from vector<1xi32>
      %ge3A_1389 = vector.broadcast %squeeze3A_1388 : i32 to vector<16xi32>
      %ge3A_1390 = arith.cmpi sge, %add3A_1125, %ge3A_1389 : vector<16xi32>
      %convert_element_type3A_1391 = arith.extui %ge3A_1390 : vector<16xi1> to vector<16xi32>
      %add3A_1392 = arith.addi %add3A_1386, %convert_element_type3A_1391 : vector<16xi32>
      %slice3A_1393 = vector.extract_strided_slice %get3A_1320 {offsets = [12], sizes = [1], strides = [1]} : vector<16xi32> to vector<1xi32>
      %squeeze3A_1394 = vector.extract %slice3A_1393[0] : i32 from vector<1xi32>
      %ge3A_1395 = vector.broadcast %squeeze3A_1394 : i32 to vector<16xi32>
      %ge3A_1396 = arith.cmpi sge, %add3A_1125, %ge3A_1395 : vector<16xi32>
      %convert_element_type3A_1397 = arith.extui %ge3A_1396 : vector<16xi1> to vector<16xi32>
      %add3A_1398 = arith.addi %add3A_1392, %convert_element_type3A_1397 : vector<16xi32>
      %slice3A_1399 = vector.extract_strided_slice %get3A_1320 {offsets = [13], sizes = [1], strides = [1]} : vector<16xi32> to vector<1xi32>
      %squeeze3A_1400 = vector.extract %slice3A_1399[0] : i32 from vector<1xi32>
      %ge3A_1401 = vector.broadcast %squeeze3A_1400 : i32 to vector<16xi32>
      %ge3A_1402 = arith.cmpi sge, %add3A_1125, %ge3A_1401 : vector<16xi32>
      %convert_element_type3A_1403 = arith.extui %ge3A_1402 : vector<16xi1> to vector<16xi32>
      %add3A_1404 = arith.addi %add3A_1398, %convert_element_type3A_1403 : vector<16xi32>
      %slice3A_1405 = vector.extract_strided_slice %get3A_1320 {offsets = [14], sizes = [1], strides = [1]} : vector<16xi32> to vector<1xi32>
      %squeeze3A_1406 = vector.extract %slice3A_1405[0] : i32 from vector<1xi32>
      %ge3A_1407 = vector.broadcast %squeeze3A_1406 : i32 to vector<16xi32>
      %ge3A_1408 = arith.cmpi sge, %add3A_1125, %ge3A_1407 : vector<16xi32>
      %convert_element_type3A_1409 = arith.extui %ge3A_1408 : vector<16xi1> to vector<16xi32>
      %add3A_1410 = arith.addi %add3A_1404, %convert_element_type3A_1409 : vector<16xi32>
      %slice3A_1411 = vector.extract_strided_slice %get3A_1320 {offsets = [15], sizes = [1], strides = [1]} : vector<16xi32> to vector<1xi32>
      %squeeze3A_1412 = vector.extract %slice3A_1411[0] : i32 from vector<1xi32>
      %ge3A_1413 = vector.broadcast %squeeze3A_1412 : i32 to vector<16xi32>
      %ge3A_1414 = arith.cmpi sge, %add3A_1125, %ge3A_1413 : vector<16xi32>
      %convert_element_type3A_1415 = arith.extui %ge3A_1414 : vector<16xi1> to vector<16xi32>
      %add3A_1416 = arith.addi %add3A_1410, %convert_element_type3A_1415 : vector<16xi32>
      %get3A_1417 = arith.constant 48 : index
      %get3A_1418 = tpu.vector_load %arg17[%get3A_1417] {strides = array<i32>} : memref<64xi32, #tpu.memory_space<vmem>>, vector<16xi32>,
      %slice3A_1419 = vector.extract_strided_slice %get3A_1418 {offsets = [0], sizes = [1], strides = [1]} : vector<16xi32> to vector<1xi32>
      %squeeze3A_1420 = vector.extract %slice3A_1419[0] : i32 from vector<1xi32>
      %ge3A_1421 = vector.broadcast %squeeze3A_1420 : i32 to vector<16xi32>
      %ge3A_1422 = arith.cmpi sge, %add3A_1125, %ge3A_1421 : vector<16xi32>
      %convert_element_type3A_1423 = arith.extui %ge3A_1422 : vector<16xi1> to vector<16xi32>
      %add3A_1424 = arith.addi %add3A_1416, %convert_element_type3A_1423 : vector<16xi32>
      %slice3A_1425 = vector.extract_strided_slice %get3A_1418 {offsets = [1], sizes = [1], strides = [1]} : vector<16xi32> to vector<1xi32>
      %squeeze3A_1426 = vector.extract %slice3A_1425[0] : i32 from vector<1xi32>
      %ge3A_1427 = vector.broadcast %squeeze3A_1426 : i32 to vector<16xi32>
      %ge3A_1428 = arith.cmpi sge, %add3A_1125, %ge3A_1427 : vector<16xi32>
      %convert_element_type3A_1429 = arith.extui %ge3A_1428 : vector<16xi1> to vector<16xi32>
      %add3A_1430 = arith.addi %add3A_1424, %convert_element_type3A_1429 : vector<16xi32>
      %slice3A_1431 = vector.extract_strided_slice %get3A_1418 {offsets = [2], sizes = [1], strides = [1]} : vector<16xi32> to vector<1xi32>
      %squeeze3A_1432 = vector.extract %slice3A_1431[0] : i32 from vector<1xi32>
      %ge3A_1433 = vector.broadcast %squeeze3A_1432 : i32 to vector<16xi32>
      %ge3A_1434 = arith.cmpi sge, %add3A_1125, %ge3A_1433 : vector<16xi32>
      %convert_element_type3A_1435 = arith.extui %ge3A_1434 : vector<16xi1> to vector<16xi32>
      %add3A_1436 = arith.addi %add3A_1430, %convert_element_type3A_1435 : vector<16xi32>
      %slice3A_1437 = vector.extract_strided_slice %get3A_1418 {offsets = [3], sizes = [1], strides = [1]} : vector<16xi32> to vector<1xi32>
      %squeeze3A_1438 = vector.extract %slice3A_1437[0] : i32 from vector<1xi32>
      %ge3A_1439 = vector.broadcast %squeeze3A_1438 : i32 to vector<16xi32>
      %ge3A_1440 = arith.cmpi sge, %add3A_1125, %ge3A_1439 : vector<16xi32>
      %convert_element_type3A_1441 = arith.extui %ge3A_1440 : vector<16xi1> to vector<16xi32>
      %add3A_1442 = arith.addi %add3A_1436, %convert_element_type3A_1441 : vector<16xi32>
      %slice3A_1443 = vector.extract_strided_slice %get3A_1418 {offsets = [4], sizes = [1], strides = [1]} : vector<16xi32> to vector<1xi32>
      %squeeze3A_1444 = vector.extract %slice3A_1443[0] : i32 from vector<1xi32>
      %ge3A_1445 = vector.broadcast %squeeze3A_1444 : i32 to vector<16xi32>
      %ge3A_1446 = arith.cmpi sge, %add3A_1125, %ge3A_1445 : vector<16xi32>
      %convert_element_type3A_1447 = arith.extui %ge3A_1446 : vector<16xi1> to vector<16xi32>
      %add3A_1448 = arith.addi %add3A_1442, %convert_element_type3A_1447 : vector<16xi32>
      %slice3A_1449 = vector.extract_strided_slice %get3A_1418 {offsets = [5], sizes = [1], strides = [1]} : vector<16xi32> to vector<1xi32>
      %squeeze3A_1450 = vector.extract %slice3A_1449[0] : i32 from vector<1xi32>
      %ge3A_1451 = vector.broadcast %squeeze3A_1450 : i32 to vector<16xi32>
      %ge3A_1452 = arith.cmpi sge, %add3A_1125, %ge3A_1451 : vector<16xi32>
      %convert_element_type3A_1453 = arith.extui %ge3A_1452 : vector<16xi1> to vector<16xi32>
      %add3A_1454 = arith.addi %add3A_1448, %convert_element_type3A_1453 : vector<16xi32>
      %slice3A_1455 = vector.extract_strided_slice %get3A_1418 {offsets = [6], sizes = [1], strides = [1]} : vector<16xi32> to vector<1xi32>
      %squeeze3A_1456 = vector.extract %slice3A_1455[0] : i32 from vector<1xi32>
      %ge3A_1457 = vector.broadcast %squeeze3A_1456 : i32 to vector<16xi32>
      %ge3A_1458 = arith.cmpi sge, %add3A_1125, %ge3A_1457 : vector<16xi32>
      %convert_element_type3A_1459 = arith.extui %ge3A_1458 : vector<16xi1> to vector<16xi32>
      %add3A_1460 = arith.addi %add3A_1454, %convert_element_type3A_1459 : vector<16xi32>
      %slice3A_1461 = vector.extract_strided_slice %get3A_1418 {offsets = [7], sizes = [1], strides = [1]} : vector<16xi32> to vector<1xi32>
      %squeeze3A_1462 = vector.extract %slice3A_1461[0] : i32 from vector<1xi32>
      %ge3A_1463 = vector.broadcast %squeeze3A_1462 : i32 to vector<16xi32>
      %ge3A_1464 = arith.cmpi sge, %add3A_1125, %ge3A_1463 : vector<16xi32>
      %convert_element_type3A_1465 = arith.extui %ge3A_1464 : vector<16xi1> to vector<16xi32>
      %add3A_1466 = arith.addi %add3A_1460, %convert_element_type3A_1465 : vector<16xi32>
      %slice3A_1467 = vector.extract_strided_slice %get3A_1418 {offsets = [8], sizes = [1], strides = [1]} : vector<16xi32> to vector<1xi32>
      %squeeze3A_1468 = vector.extract %slice3A_1467[0] : i32 from vector<1xi32>
      %ge3A_1469 = vector.broadcast %squeeze3A_1468 : i32 to vector<16xi32>
      %ge3A_1470 = arith.cmpi sge, %add3A_1125, %ge3A_1469 : vector<16xi32>
      %convert_element_type3A_1471 = arith.extui %ge3A_1470 : vector<16xi1> to vector<16xi32>
      %add3A_1472 = arith.addi %add3A_1466, %convert_element_type3A_1471 : vector<16xi32>
      %slice3A_1473 = vector.extract_strided_slice %get3A_1418 {offsets = [9], sizes = [1], strides = [1]} : vector<16xi32> to vector<1xi32>
      %squeeze3A_1474 = vector.extract %slice3A_1473[0] : i32 from vector<1xi32>
      %ge3A_1475 = vector.broadcast %squeeze3A_1474 : i32 to vector<16xi32>
      %ge3A_1476 = arith.cmpi sge, %add3A_1125, %ge3A_1475 : vector<16xi32>
      %convert_element_type3A_1477 = arith.extui %ge3A_1476 : vector<16xi1> to vector<16xi32>
      %add3A_1478 = arith.addi %add3A_1472, %convert_element_type3A_1477 : vector<16xi32>
      %slice3A_1479 = vector.extract_strided_slice %get3A_1418 {offsets = [10], sizes = [1], strides = [1]} : vector<16xi32> to vector<1xi32>
      %squeeze3A_1480 = vector.extract %slice3A_1479[0] : i32 from vector<1xi32>
      %ge3A_1481 = vector.broadcast %squeeze3A_1480 : i32 to vector<16xi32>
      %ge3A_1482 = arith.cmpi sge, %add3A_1125, %ge3A_1481 : vector<16xi32>
      %convert_element_type3A_1483 = arith.extui %ge3A_1482 : vector<16xi1> to vector<16xi32>
      %add3A_1484 = arith.addi %add3A_1478, %convert_element_type3A_1483 : vector<16xi32>
      %slice3A_1485 = vector.extract_strided_slice %get3A_1418 {offsets = [11], sizes = [1], strides = [1]} : vector<16xi32> to vector<1xi32>
      %squeeze3A_1486 = vector.extract %slice3A_1485[0] : i32 from vector<1xi32>
      %ge3A_1487 = vector.broadcast %squeeze3A_1486 : i32 to vector<16xi32>
      %ge3A_1488 = arith.cmpi sge, %add3A_1125, %ge3A_1487 : vector<16xi32>
      %convert_element_type3A_1489 = arith.extui %ge3A_1488 : vector<16xi1> to vector<16xi32>
      %add3A_1490 = arith.addi %add3A_1484, %convert_element_type3A_1489 : vector<16xi32>
      %slice3A_1491 = vector.extract_strided_slice %get3A_1418 {offsets = [12], sizes = [1], strides = [1]} : vector<16xi32> to vector<1xi32>
      %squeeze3A_1492 = vector.extract %slice3A_1491[0] : i32 from vector<1xi32>
      %ge3A_1493 = vector.broadcast %squeeze3A_1492 : i32 to vector<16xi32>
      %ge3A_1494 = arith.cmpi sge, %add3A_1125, %ge3A_1493 : vector<16xi32>
      %convert_element_type3A_1495 = arith.extui %ge3A_1494 : vector<16xi1> to vector<16xi32>
      %add3A_1496 = arith.addi %add3A_1490, %convert_element_type3A_1495 : vector<16xi32>
      %slice3A_1497 = vector.extract_strided_slice %get3A_1418 {offsets = [13], sizes = [1], strides = [1]} : vector<16xi32> to vector<1xi32>
      %squeeze3A_1498 = vector.extract %slice3A_1497[0] : i32 from vector<1xi32>
      %ge3A_1499 = vector.broadcast %squeeze3A_1498 : i32 to vector<16xi32>
      %ge3A_1500 = arith.cmpi sge, %add3A_1125, %ge3A_1499 : vector<16xi32>
      %convert_element_type3A_1501 = arith.extui %ge3A_1500 : vector<16xi1> to vector<16xi32>
      %add3A_1502 = arith.addi %add3A_1496, %convert_element_type3A_1501 : vector<16xi32>
      %slice3A_1503 = vector.extract_strided_slice %get3A_1418 {offsets = [14], sizes = [1], strides = [1]} : vector<16xi32> to vector<1xi32>
      %squeeze3A_1504 = vector.extract %slice3A_1503[0] : i32 from vector<1xi32>
      %ge3A_1505 = vector.broadcast %squeeze3A_1504 : i32 to vector<16xi32>
      %ge3A_1506 = arith.cmpi sge, %add3A_1125, %ge3A_1505 : vector<16xi32>
      %convert_element_type3A_1507 = arith.extui %ge3A_1506 : vector<16xi1> to vector<16xi32>
      %add3A_1508 = arith.addi %add3A_1502, %convert_element_type3A_1507 : vector<16xi32>
      %slice3A_1509 = vector.extract_strided_slice %get3A_1418 {offsets = [15], sizes = [1], strides = [1]} : vector<16xi32> to vector<1xi32>
      %squeeze3A_1510 = vector.extract %slice3A_1509[0] : i32 from vector<1xi32>
      %ge3A_1511 = vector.broadcast %squeeze3A_1510 : i32 to vector<16xi32>
      %ge3A_1512 = arith.cmpi sge, %add3A_1125, %ge3A_1511 : vector<16xi32>
      %convert_element_type3A_1513 = arith.extui %ge3A_1512 : vector<16xi1> to vector<16xi32>
      %add3A_1514 = arith.addi %add3A_1508, %convert_element_type3A_1513 : vector<16xi32>
      %min3A_1515 = arith.constant 63 : i32
      %min3A_1516 = vector.broadcast %min3A_1515 : i32 to vector<16xi32>
      %min3A_1517 = arith.minsi %add3A_1514, %min3A_1516 : vector<16xi32>
      %mul3A_1518 = arith.constant 16 : i32
      %mul3A_1519 = arith.muli %scan3A_1121, %mul3A_1518 : i32
      %swap3A_1520 = arith.index_cast %mul3A_1519 : i32 to index
      %swap3A_1521 = tpu.vector_load %arg21[%swap3A_1520] {strides = array<i32>} : memref<128xi32, #tpu.memory_space<vmem>>, vector<16xi32>,
      tpu.vector_store %arg21[%swap3A_1520], %min3A_1517 {strides = array<i32>} : memref<128xi32, #tpu.memory_space<vmem>>, vector<16xi32>,
    }
    %scan3A_1088 = arith.constant 8 : i32
    %eq3A_1089 = arith.constant 0 : i32
    %eq3A_1090 = arith.cmpi eq, %arg1, %eq3A_1089 : i32
    %eq3A_1091 = arith.constant 0 : i32
    %eq3A_1092 = arith.cmpi eq, %arg0, %eq3A_1091 : i32
    %and3A_1093 = arith.andi %eq3A_1090, %eq3A_1092 : i1
    %convert_element_type3A = arith.extui %and3A_1093 : i1 to i32
    %cond3A = arith.constant 0 : i32
    %cond3A_1094 = arith.cmpi ne, %convert_element_type3A, %cond3A : i32
    scf.if %cond3A_1094 {
      "tpu.region"() ({
        %run_scoped3A = tpu.sem_alloc : memref<!tpu.dma_semaphore, #tpu.memory_space<semaphore_mem>>
        tpu.enqueue_dma source(%arg21 : memref<128xi32, #tpu.memory_space<vmem>>) target(%arg7 : memref<128xi32, #tpu.memory_space<hbm>>) target_semaphore(%run_scoped3A : memref<!tpu.dma_semaphore, #tpu.memory_space<semaphore_mem>>)
        tpu.wait_dma2 semaphore(%run_scoped3A : memref<!tpu.dma_semaphore, #tpu.memory_space<semaphore_mem>>) src(%arg21 : memref<128xi32, #tpu.memory_space<vmem>>) dst(%arg7 : memref<128xi32, #tpu.memory_space<hbm>>)
        tpu.yield
      }) : () -> ()
      "tpu.region"() ({
        %run_scoped3A = tpu.sem_alloc : memref<!tpu.dma_semaphore, #tpu.memory_space<semaphore_mem>>
        tpu.enqueue_dma source(%arg18 : memref<80xi32, #tpu.memory_space<vmem>>) target(%arg9 : memref<80xi32, #tpu.memory_space<hbm>>) target_semaphore(%run_scoped3A : memref<!tpu.dma_semaphore, #tpu.memory_space<semaphore_mem>>)
        tpu.wait_dma2 semaphore(%run_scoped3A : memref<!tpu.dma_semaphore, #tpu.memory_space<semaphore_mem>>) src(%arg18 : memref<80xi32, #tpu.memory_space<vmem>>) dst(%arg9 : memref<80xi32, #tpu.memory_space<hbm>>)
        tpu.yield
      }) : () -> ()
    } else {
    }
    %eq3A_1095 = arith.constant 0 : i32
    %eq3A_1096 = arith.cmpi eq, %arg0, %eq3A_1095 : i32
    %convert_element_type3A_1097 = arith.extui %eq3A_1096 : i1 to i32
    %cond3A_1098 = arith.constant 0 : i32
    %cond3A_1099 = arith.cmpi ne, %convert_element_type3A_1097, %cond3A_1098 : i32
    scf.if %cond3A_1099 {
      "tpu.region"() ({
        %run_scoped3A = tpu.sem_alloc : memref<!tpu.dma_semaphore, #tpu.memory_space<semaphore_mem>>
        %dma_start3A_1125 = tpu.memref_slice %arg8[%mul3A_0] : memref<2048xi32, #tpu.memory_space<hbm>> -> memref<128xi32, #tpu.memory_space<hbm>>
        %dma_start3A_1126 = tpu.memref_slice %arg8[%mul3A_0] : memref<2048xi32, #tpu.memory_space<hbm>> -> memref<128xi32, #tpu.memory_space<hbm>>
        tpu.enqueue_dma source(%arg19 : memref<128xi32, #tpu.memory_space<vmem>>) target(%dma_start3A_1126 : memref<128xi32, #tpu.memory_space<hbm>>) target_semaphore(%run_scoped3A : memref<!tpu.dma_semaphore, #tpu.memory_space<semaphore_mem>>)
        %dma_wait3A_1127 = tpu.memref_slice %arg8[%mul3A_0] : memref<2048xi32, #tpu.memory_space<hbm>> -> memref<128xi32, #tpu.memory_space<hbm>>
        %dma_wait3A_1128 = tpu.memref_slice %arg8[%mul3A_0] : memref<2048xi32, #tpu.memory_space<hbm>> -> memref<128xi32, #tpu.memory_space<hbm>>
        tpu.wait_dma2 semaphore(%run_scoped3A : memref<!tpu.dma_semaphore, #tpu.memory_space<semaphore_mem>>) src(%arg19 : memref<128xi32, #tpu.memory_space<vmem>>) dst(%dma_wait3A_1128 : memref<128xi32, #tpu.memory_space<hbm>>)
        tpu.yield
      }) : () -> ()
      %mul3A_1121 = arith.constant 256 : i32
      %mul3A_1122 = arith.muli %arg1, %mul3A_1121 : i32
      %mul3A_1123 = arith.constant 256 : i32
      %mul3A_1124 = arith.muli %arg1, %mul3A_1123 : i32
      "tpu.region"() ({
        %run_scoped3A = tpu.sem_alloc : memref<!tpu.dma_semaphore, #tpu.memory_space<semaphore_mem>>
        %dma_start3A_1125 = tpu.memref_slice %arg6[%mul3A_1124] : memref<4096xf32, #tpu.memory_space<hbm>> -> memref<256xf32, #tpu.memory_space<hbm>>
        %dma_start3A_1126 = tpu.memref_slice %arg28[%mul3A_1122] : memref<4096xf32, #tpu.memory_space<vmem_shared>> -> memref<256xf32, #tpu.memory_space<vmem_shared>>
        tpu.enqueue_dma source(%dma_start3A_1126 : memref<256xf32, #tpu.memory_space<vmem_shared>>) target(%dma_start3A_1125 : memref<256xf32, #tpu.memory_space<hbm>>) target_semaphore(%run_scoped3A : memref<!tpu.dma_semaphore, #tpu.memory_space<semaphore_mem>>)
        %dma_wait3A_1127 = tpu.memref_slice %arg6[%mul3A_1124] : memref<4096xf32, #tpu.memory_space<hbm>> -> memref<256xf32, #tpu.memory_space<hbm>>
        %dma_wait3A_1128 = tpu.memref_slice %arg28[%mul3A_1122] : memref<4096xf32, #tpu.memory_space<vmem_shared>> -> memref<256xf32, #tpu.memory_space<vmem_shared>>
        tpu.wait_dma2 semaphore(%run_scoped3A : memref<!tpu.dma_semaphore, #tpu.memory_space<semaphore_mem>>) src(%dma_wait3A_1128 : memref<256xf32, #tpu.memory_space<vmem_shared>>) dst(%dma_wait3A_1127 : memref<256xf32, #tpu.memory_space<hbm>>)
        tpu.yield
      }) : () -> ()
    } else {
    }
    "tpu.trace_stop"() : () -> ()
    "tpu.trace_start"() <{level = 10 : i32, message = "ph_xgather"}> : () -> ()
    %mul3A_1100 = arith.constant 2 : i32
    %mul3A_1101 = arith.muli %arg1, %mul3A_1100 : i32
    %add3A_1102 = arith.addi %mul3A_1101, %arg0 : i32
    %mul3A_1103 = arith.constant 128 : i32
    %mul3A_1104 = arith.muli %add3A_1102, %mul3A_1103 : i32
    %add3A_1105 = arith.constant 0 : i32
    %add3A_1106 = arith.addi %mul3A_1104, %add3A_1105 : i32
    "tpu.region"() ({
      %run_scoped3A = tpu.sem_alloc : memref<!tpu.dma_semaphore, #tpu.memory_space<semaphore_mem>>
      %dma_start3A_1121 = tpu.memref_slice %arg27[%add3A_1106] : memref<4096xi32, #tpu.memory_space<vmem_shared>> -> memref<64xi32, #tpu.memory_space<vmem_shared>>
      %dma_start3A_1122 = tpu.memref_slice %arg27[%add3A_1106] : memref<4096xi32, #tpu.memory_space<vmem_shared>> -> memref<64xi32, #tpu.memory_space<vmem_shared>>
      tpu.enqueue_dma source(%dma_start3A_1122 : memref<64xi32, #tpu.memory_space<vmem_shared>>) target(%arg24 : memref<64xi32, #tpu.memory_space<vmem>>) target_semaphore(%run_scoped3A : memref<!tpu.dma_semaphore, #tpu.memory_space<semaphore_mem>>)
      %dma_wait3A_1123 = tpu.memref_slice %arg27[%add3A_1106] : memref<4096xi32, #tpu.memory_space<vmem_shared>> -> memref<64xi32, #tpu.memory_space<vmem_shared>>
      %dma_wait3A_1124 = tpu.memref_slice %arg27[%add3A_1106] : memref<4096xi32, #tpu.memory_space<vmem_shared>> -> memref<64xi32, #tpu.memory_space<vmem_shared>>
      tpu.wait_dma2 semaphore(%run_scoped3A : memref<!tpu.dma_semaphore, #tpu.memory_space<semaphore_mem>>) src(%dma_wait3A_1124 : memref<64xi32, #tpu.memory_space<vmem_shared>>) dst(%arg24 : memref<64xi32, #tpu.memory_space<vmem>>)
      tpu.yield
    }) : () -> ()
    %dma_start3A = arith.constant 0 : i32
    %dma_start3A_1107 = arith.constant 0 : i32
    %dma_start3A_1108 = tpu.memref_slice %arg4[%dma_start3A, %dma_start3A_1107] : memref<2048x768xf32, #tpu.memory_space<hbm>> -> memref<2048x768xf32, #tpu.memory_space<hbm>>
    tpu.enqueue_indirect_dma source(%dma_start3A_1108 : memref<2048x768xf32, #tpu.memory_space<hbm>>) target(%arg25 : memref<64x768xf32, #tpu.memory_space<vmem>>) offsets(%arg24 : memref<64xi32, #tpu.memory_space<vmem>>) semaphore(%arg29 : memref<!tpu.dma_semaphore, #tpu.memory_space<semaphore_mem>>)
    %dma_wait3A = arith.constant 0 : i32
    %dma_wait3A_1109 = arith.constant 0 : i32
    %dma_wait3A_1110 = tpu.memref_slice %arg4[%dma_wait3A, %dma_wait3A_1109] : memref<2048x768xf32, #tpu.memory_space<hbm>> -> memref<2048x768xf32, #tpu.memory_space<hbm>>
    tpu.wait_indirect_dma semaphore(%arg29 : memref<!tpu.dma_semaphore, #tpu.memory_space<semaphore_mem>>) src(%dma_wait3A_1110 : memref<2048x768xf32, #tpu.memory_space<hbm>>) dst(%arg25 : memref<64x768xf32, #tpu.memory_space<vmem>>)
    "tpu.region"() ({
      %run_scoped3A = tpu.sem_alloc : memref<!tpu.dma_semaphore, #tpu.memory_space<semaphore_mem>>
      %dma_start3A_1121 = arith.constant 0 : i32
      %dma_start3A_1122 = tpu.memref_slice %arg5[%add3A_1106, %dma_start3A_1121] : memref<4096x768xf32, #tpu.memory_space<hbm>> -> memref<64x768xf32, #tpu.memory_space<hbm>>
      %dma_start3A_1123 = arith.constant 0 : i32
      %dma_start3A_1124 = tpu.memref_slice %arg5[%add3A_1106, %dma_start3A_1123] : memref<4096x768xf32, #tpu.memory_space<hbm>> -> memref<64x768xf32, #tpu.memory_space<hbm>>
      tpu.enqueue_dma source(%arg25 : memref<64x768xf32, #tpu.memory_space<vmem>>) target(%dma_start3A_1124 : memref<64x768xf32, #tpu.memory_space<hbm>>) target_semaphore(%run_scoped3A : memref<!tpu.dma_semaphore, #tpu.memory_space<semaphore_mem>>)
      %dma_wait3A_1125 = arith.constant 0 : i32
      %dma_wait3A_1126 = tpu.memref_slice %arg5[%add3A_1106, %dma_wait3A_1125] : memref<4096x768xf32, #tpu.memory_space<hbm>> -> memref<64x768xf32, #tpu.memory_space<hbm>>
      %dma_wait3A_1127 = arith.constant 0 : i32
      %dma_wait3A_1128 = tpu.memref_slice %arg5[%add3A_1106, %dma_wait3A_1127] : memref<4096x768xf32, #tpu.memory_space<hbm>> -> memref<64x768xf32, #tpu.memory_space<hbm>>
      tpu.wait_dma2 semaphore(%run_scoped3A : memref<!tpu.dma_semaphore, #tpu.memory_space<semaphore_mem>>) src(%arg25 : memref<64x768xf32, #tpu.memory_space<vmem>>) dst(%dma_wait3A_1128 : memref<64x768xf32, #tpu.memory_space<hbm>>)
      tpu.yield
    }) : () -> ()
    %mul3A_1111 = arith.constant 128 : i32
    %mul3A_1112 = arith.muli %add3A_1102, %mul3A_1111 : i32
    %add3A_1113 = arith.constant 64 : i32
    %add3A_1114 = arith.addi %mul3A_1112, %add3A_1113 : i32
    "tpu.region"() ({
      %run_scoped3A = tpu.sem_alloc : memref<!tpu.dma_semaphore, #tpu.memory_space<semaphore_mem>>
      %dma_start3A_1121 = tpu.memref_slice %arg27[%add3A_1114] : memref<4096xi32, #tpu.memory_space<vmem_shared>> -> memref<64xi32, #tpu.memory_space<vmem_shared>>
      %dma_start3A_1122 = tpu.memref_slice %arg27[%add3A_1114] : memref<4096xi32, #tpu.memory_space<vmem_shared>> -> memref<64xi32, #tpu.memory_space<vmem_shared>>
      tpu.enqueue_dma source(%dma_start3A_1122 : memref<64xi32, #tpu.memory_space<vmem_shared>>) target(%arg24 : memref<64xi32, #tpu.memory_space<vmem>>) target_semaphore(%run_scoped3A : memref<!tpu.dma_semaphore, #tpu.memory_space<semaphore_mem>>)
      %dma_wait3A_1123 = tpu.memref_slice %arg27[%add3A_1114] : memref<4096xi32, #tpu.memory_space<vmem_shared>> -> memref<64xi32, #tpu.memory_space<vmem_shared>>
      %dma_wait3A_1124 = tpu.memref_slice %arg27[%add3A_1114] : memref<4096xi32, #tpu.memory_space<vmem_shared>> -> memref<64xi32, #tpu.memory_space<vmem_shared>>
      tpu.wait_dma2 semaphore(%run_scoped3A : memref<!tpu.dma_semaphore, #tpu.memory_space<semaphore_mem>>) src(%dma_wait3A_1124 : memref<64xi32, #tpu.memory_space<vmem_shared>>) dst(%arg24 : memref<64xi32, #tpu.memory_space<vmem>>)
      tpu.yield
    }) : () -> ()
    %dma_start3A_1115 = arith.constant 0 : i32
    %dma_start3A_1116 = arith.constant 0 : i32
    %dma_start3A_1117 = tpu.memref_slice %arg4[%dma_start3A_1115, %dma_start3A_1116] : memref<2048x768xf32, #tpu.memory_space<hbm>> -> memref<2048x768xf32, #tpu.memory_space<hbm>>
    tpu.enqueue_indirect_dma source(%dma_start3A_1117 : memref<2048x768xf32, #tpu.memory_space<hbm>>) target(%arg25 : memref<64x768xf32, #tpu.memory_space<vmem>>) offsets(%arg24 : memref<64xi32, #tpu.memory_space<vmem>>) semaphore(%arg29 : memref<!tpu.dma_semaphore, #tpu.memory_space<semaphore_mem>>)
    %dma_wait3A_1118 = arith.constant 0 : i32
    %dma_wait3A_1119 = arith.constant 0 : i32
    %dma_wait3A_1120 = tpu.memref_slice %arg4[%dma_wait3A_1118, %dma_wait3A_1119] : memref<2048x768xf32, #tpu.memory_space<hbm>> -> memref<2048x768xf32, #tpu.memory_space<hbm>>
    tpu.wait_indirect_dma semaphore(%arg29 : memref<!tpu.dma_semaphore, #tpu.memory_space<semaphore_mem>>) src(%dma_wait3A_1120 : memref<2048x768xf32, #tpu.memory_space<hbm>>) dst(%arg25 : memref<64x768xf32, #tpu.memory_space<vmem>>)
    "tpu.region"() ({
      %run_scoped3A = tpu.sem_alloc : memref<!tpu.dma_semaphore, #tpu.memory_space<semaphore_mem>>
      %dma_start3A_1121 = arith.constant 0 : i32
      %dma_start3A_1122 = tpu.memref_slice %arg5[%add3A_1114, %dma_start3A_1121] : memref<4096x768xf32, #tpu.memory_space<hbm>> -> memref<64x768xf32, #tpu.memory_space<hbm>>
      %dma_start3A_1123 = arith.constant 0 : i32
      %dma_start3A_1124 = tpu.memref_slice %arg5[%add3A_1114, %dma_start3A_1123] : memref<4096x768xf32, #tpu.memory_space<hbm>> -> memref<64x768xf32, #tpu.memory_space<hbm>>
      tpu.enqueue_dma source(%arg25 : memref<64x768xf32, #tpu.memory_space<vmem>>) target(%dma_start3A_1124 : memref<64x768xf32, #tpu.memory_space<hbm>>) target_semaphore(%run_scoped3A : memref<!tpu.dma_semaphore, #tpu.memory_space<semaphore_mem>>)
      %dma_wait3A_1125 = arith.constant 0 : i32
      %dma_wait3A_1126 = tpu.memref_slice %arg5[%add3A_1114, %dma_wait3A_1125] : memref<4096x768xf32, #tpu.memory_space<hbm>> -> memref<64x768xf32, #tpu.memory_space<hbm>>
      %dma_wait3A_1127 = arith.constant 0 : i32
      %dma_wait3A_1128 = tpu.memref_slice %arg5[%add3A_1114, %dma_wait3A_1127] : memref<4096x768xf32, #tpu.memory_space<hbm>> -> memref<64x768xf32, #tpu.memory_space<hbm>>
      tpu.wait_dma2 semaphore(%run_scoped3A : memref<!tpu.dma_semaphore, #tpu.memory_space<semaphore_mem>>) src(%arg25 : memref<64x768xf32, #tpu.memory_space<vmem>>) dst(%dma_wait3A_1128 : memref<64x768xf32, #tpu.memory_space<hbm>>)
      tpu.yield
    }) : () -> ()
    "tpu.trace_stop"() : () -> ()
    return
  }
}

#map = affine_map<(d0, d1) -> (0)>
#map1 = affine_map<(d0, d1) -> (0, 0)>
module attributes {stable_mosaic.version = 14 : i64} {
  func.func @_sc_unpermute(%arg0: i32, %arg1: i32, %arg2: memref<2048xi32, #tpu.memory_space<hbm>>, %arg3: memref<4096x768xf32, #tpu.memory_space<hbm>>, %arg4: memref<2048x768xf32, #tpu.memory_space<hbm>>, %arg5: memref<64xi32, #tpu.memory_space<vmem>>, %arg6: memref<64x768xf32, #tpu.memory_space<vmem>>, %arg7: memref<!tpu.dma_semaphore, #tpu.memory_space<semaphore_mem>>) attributes {dimension_semantics = [#tpu.dimension_semantics<core_parallel>, #tpu.dimension_semantics<subcore_parallel>], iteration_bounds = array<i64: 2, 16>, scalar_prefetch = 0 : i64, scratch_operands = 3 : i64, tpu.core_type = #tpu.core_type<sc_vector_subcore>, window_params = [{transform_indices = #map}, {transform_indices = #map1}, {transform_indices = #map1}]} {
    %mul3A = arith.constant 2 : i32
    %mul3A_0 = arith.muli %arg1, %mul3A : i32
    %add3A = arith.addi %mul3A_0, %arg0 : i32
    %mul3A_1 = arith.constant 64 : i32
    %mul3A_2 = arith.muli %add3A, %mul3A_1 : i32
    "tpu.region"() ({
      %run_scoped3A = tpu.sem_alloc : memref<!tpu.dma_semaphore, #tpu.memory_space<semaphore_mem>>
      %dma_start3A_7 = tpu.memref_slice %arg2[%mul3A_2] : memref<2048xi32, #tpu.memory_space<hbm>> -> memref<64xi32, #tpu.memory_space<hbm>>
      %dma_start3A_8 = tpu.memref_slice %arg2[%mul3A_2] : memref<2048xi32, #tpu.memory_space<hbm>> -> memref<64xi32, #tpu.memory_space<hbm>>
      tpu.enqueue_dma source(%dma_start3A_8 : memref<64xi32, #tpu.memory_space<hbm>>) target(%arg5 : memref<64xi32, #tpu.memory_space<vmem>>) target_semaphore(%run_scoped3A : memref<!tpu.dma_semaphore, #tpu.memory_space<semaphore_mem>>)
      %dma_wait3A_9 = tpu.memref_slice %arg2[%mul3A_2] : memref<2048xi32, #tpu.memory_space<hbm>> -> memref<64xi32, #tpu.memory_space<hbm>>
      %dma_wait3A_10 = tpu.memref_slice %arg2[%mul3A_2] : memref<2048xi32, #tpu.memory_space<hbm>> -> memref<64xi32, #tpu.memory_space<hbm>>
      tpu.wait_dma2 semaphore(%run_scoped3A : memref<!tpu.dma_semaphore, #tpu.memory_space<semaphore_mem>>) src(%dma_wait3A_10 : memref<64xi32, #tpu.memory_space<hbm>>) dst(%arg5 : memref<64xi32, #tpu.memory_space<vmem>>)
      tpu.yield
    }) : () -> ()
    %dma_start3A = arith.constant 0 : i32
    %dma_start3A_3 = arith.constant 0 : i32
    %dma_start3A_4 = tpu.memref_slice %arg3[%dma_start3A, %dma_start3A_3] : memref<4096x768xf32, #tpu.memory_space<hbm>> -> memref<4096x768xf32, #tpu.memory_space<hbm>>
    tpu.enqueue_indirect_dma source(%dma_start3A_4 : memref<4096x768xf32, #tpu.memory_space<hbm>>) target(%arg6 : memref<64x768xf32, #tpu.memory_space<vmem>>) offsets(%arg5 : memref<64xi32, #tpu.memory_space<vmem>>) semaphore(%arg7 : memref<!tpu.dma_semaphore, #tpu.memory_space<semaphore_mem>>)
    %dma_wait3A = arith.constant 0 : i32
    %dma_wait3A_5 = arith.constant 0 : i32
    %dma_wait3A_6 = tpu.memref_slice %arg3[%dma_wait3A, %dma_wait3A_5] : memref<4096x768xf32, #tpu.memory_space<hbm>> -> memref<4096x768xf32, #tpu.memory_space<hbm>>
    tpu.wait_indirect_dma semaphore(%arg7 : memref<!tpu.dma_semaphore, #tpu.memory_space<semaphore_mem>>) src(%dma_wait3A_6 : memref<4096x768xf32, #tpu.memory_space<hbm>>) dst(%arg6 : memref<64x768xf32, #tpu.memory_space<vmem>>)
    "tpu.region"() ({
      %run_scoped3A = tpu.sem_alloc : memref<!tpu.dma_semaphore, #tpu.memory_space<semaphore_mem>>
      %dma_start3A_7 = arith.constant 0 : i32
      %dma_start3A_8 = tpu.memref_slice %arg4[%mul3A_2, %dma_start3A_7] : memref<2048x768xf32, #tpu.memory_space<hbm>> -> memref<64x768xf32, #tpu.memory_space<hbm>>
      %dma_start3A_9 = arith.constant 0 : i32
      %dma_start3A_10 = tpu.memref_slice %arg4[%mul3A_2, %dma_start3A_9] : memref<2048x768xf32, #tpu.memory_space<hbm>> -> memref<64x768xf32, #tpu.memory_space<hbm>>
      tpu.enqueue_dma source(%arg6 : memref<64x768xf32, #tpu.memory_space<vmem>>) target(%dma_start3A_10 : memref<64x768xf32, #tpu.memory_space<hbm>>) target_semaphore(%run_scoped3A : memref<!tpu.dma_semaphore, #tpu.memory_space<semaphore_mem>>)
      %dma_wait3A_11 = arith.constant 0 : i32
      %dma_wait3A_12 = tpu.memref_slice %arg4[%mul3A_2, %dma_wait3A_11] : memref<2048x768xf32, #tpu.memory_space<hbm>> -> memref<64x768xf32, #tpu.memory_space<hbm>>
      %dma_wait3A_13 = arith.constant 0 : i32
      %dma_wait3A_14 = tpu.memref_slice %arg4[%mul3A_2, %dma_wait3A_13] : memref<2048x768xf32, #tpu.memory_space<hbm>> -> memref<64x768xf32, #tpu.memory_space<hbm>>
      tpu.wait_dma2 semaphore(%run_scoped3A : memref<!tpu.dma_semaphore, #tpu.memory_space<semaphore_mem>>) src(%arg6 : memref<64x768xf32, #tpu.memory_space<vmem>>) dst(%dma_wait3A_14 : memref<64x768xf32, #tpu.memory_space<hbm>>)
      tpu.yield
    }) : () -> ()
    return
  }
}

module attributes {stable_mosaic.version = 14 : i64} {
  func.func @_gate_kernel(%arg0: i32, %arg1: memref<256x768xf32, #tpu.memory_space<vmem>>, %arg2: memref<64x768xf32, #tpu.memory_space<vmem>>, %arg3: memref<1x64xf32, #tpu.memory_space<vmem>>, %arg4: memref<256x1xi32, #tpu.memory_space<vmem>>, %arg5: memref<256x1xf32, #tpu.memory_space<vmem>>) attributes {dimension_semantics = [#tpu.dimension_semantics<arbitrary>], iteration_bounds = array<i64: 8>, scalar_prefetch = 0 : i64, scratch_operands = 0 : i64, tpu.core_type = #tpu.core_type<tc>, window_params = [{transform_indices = @transform_0, window_bounds = array<i64: 256, 768>}, {pipeline_mode = #tpu.pipeline_mode<synchronous>, transform_indices = @transform_1, window_bounds = array<i64: 64, 768>}, {pipeline_mode = #tpu.pipeline_mode<synchronous>, transform_indices = @transform_2, window_bounds = array<i64: 1, 64>}, {transform_indices = @transform_3, window_bounds = array<i64: 256, 1>}, {transform_indices = @transform_4, window_bounds = array<i64: 256, 1>}]} {
    %get3A = arith.constant 0 : index
    %get3A_0 = arith.constant 0 : index
    %get3A_1 = vector.load %arg1[%get3A, %get3A_0] : memref<256x768xf32, #tpu.memory_space<vmem>>, vector<256x768xf32>
    %get3A_2 = arith.constant 0 : index
    %get3A_3 = arith.constant 0 : index
    %get3A_4 = vector.load %arg2[%get3A_2, %get3A_3] : memref<64x768xf32, #tpu.memory_space<vmem>>, vector<64x768xf32>
    %dot_general3A = arith.constant dense<0.000000e+00> : vector<256x64xf32>
    %dot_general3A_5 = tpu.matmul %get3A_1, %get3A_4, %dot_general3A {dimension_numbers = #tpu.dot_dimension_numbers<[1], [1], [0], [0], [0, 0, 1, 0], [], []>, transpose_lhs_hint = false} : vector<256x768xf32>, vector<64x768xf32>, vector<256x64xf32> -> vector<256x64xf32>
    %get3A_6 = arith.constant 0 : index
    %get3A_7 = arith.constant 0 : index
    %get3A_8 = vector.load %arg3[%get3A_6, %get3A_7] : memref<1x64xf32, #tpu.memory_space<vmem>>, vector<1x64xf32>
    %add3A = vector.broadcast %get3A_8 : vector<1x64xf32> to vector<256x64xf32>
    %add3A_9 = arith.addf %dot_general3A_5, %add3A : vector<256x64xf32>
    %logistic3A = arith.negf %add3A_9 : vector<256x64xf32>
    %logistic3A_10 = math.exp %logistic3A : vector<256x64xf32>
    %logistic3A_11 = arith.constant 1.000000e+00 : f32
    %logistic3A_12 = vector.broadcast %logistic3A_11 : f32 to vector<256x64xf32>
    %logistic3A_13 = arith.addf %logistic3A_12, %logistic3A_10 : vector<256x64xf32>
    %logistic3A_14 = arith.divf %logistic3A_12, %logistic3A_13 : vector<256x64xf32>
    %reduce_max3A = arith.constant dense<0xFF800000> : vector<256xf32>
    %reduce_max3A_15 = vector.multi_reduction <maximumf>, %logistic3A_14, %reduce_max3A [1] : vector<256x64xf32> to vector<256xf32>
    %broadcast_in_dim3A = vector.shape_cast %reduce_max3A_15 : vector<256xf32> to vector<256x1xf32>
    %iota3A = tpu.iota {dimensions = array<i32: 1>} : vector<256x64xi32>
    %eq3A = vector.broadcast %broadcast_in_dim3A : vector<256x1xf32> to vector<256x64xf32>
    %eq3A_16 = arith.cmpf oeq, %logistic3A_14, %eq3A : vector<256x64xf32>
    %jit3A = arith.constant 64 : i32
    %broadcast_in_dim3A_17 = vector.broadcast %jit3A : i32 to vector<256x64xi32>
    %select_n3A = arith.select %eq3A_16, %iota3A, %broadcast_in_dim3A_17 : vector<256x64xi1>, vector<256x64xi32>
    %reduce_min3A = arith.constant dense<2147483647> : vector<256xi32>
    %reduce_min3A_18 = vector.multi_reduction <minsi>, %select_n3A, %reduce_min3A [1] : vector<256x64xi32> to vector<256xi32>
    %broadcast_in_dim3A_19 = vector.shape_cast %reduce_min3A_18 : vector<256xi32> to vector<256x1xi32>
    %swap3A = arith.constant 0 : index
    %swap3A_20 = arith.constant 0 : index
    %swap3A_21 = vector.load %arg4[%swap3A, %swap3A_20] : memref<256x1xi32, #tpu.memory_space<vmem>>, vector<256x1xi32>
    tpu.vector_store %arg4[%swap3A, %swap3A_20], %broadcast_in_dim3A_19 {strides = array<i32>} : memref<256x1xi32, #tpu.memory_space<vmem>>, vector<256x1xi32>,
    %add3A_22 = arith.constant 9.99999997E-7 : f32
    %add3A_23 = vector.broadcast %add3A_22 : f32 to vector<256x1xf32>
    %add3A_24 = arith.addf %broadcast_in_dim3A, %add3A_23 : vector<256x1xf32>
    %div3A = arith.divf %broadcast_in_dim3A, %add3A_24 : vector<256x1xf32>
    %swap3A_25 = arith.constant 0 : index
    %swap3A_26 = arith.constant 0 : index
    %swap3A_27 = vector.load %arg5[%swap3A_25, %swap3A_26] : memref<256x1xf32, #tpu.memory_space<vmem>>, vector<256x1xf32>
    tpu.vector_store %arg5[%swap3A_25, %swap3A_26], %div3A {strides = array<i32>} : memref<256x1xf32, #tpu.memory_space<vmem>>, vector<256x1xf32>,
    return
  }
  func.func @transform_0(%arg0: i32) -> (i32, i32) {
    %c0_i32 = arith.constant 0 : i32
    %c0_i32_0 = arith.constant 0 : i32
    return %arg0, %c0_i32 : i32, i32
  }
  func.func @transform_1(%arg0: i32) -> (i32, i32) {
    %c0_i32 = arith.constant 0 : i32
    %c0_i32_0 = arith.constant 0 : i32
    %c0_i32_1 = arith.constant 0 : i32
    return %c0_i32, %c0_i32_0 : i32, i32
  }
  func.func @transform_2(%arg0: i32) -> (i32, i32) {
    %c0_i32 = arith.constant 0 : i32
    %c0_i32_0 = arith.constant 0 : i32
    %c0_i32_1 = arith.constant 0 : i32
    return %c0_i32, %c0_i32_0 : i32, i32
  }
  func.func @transform_3(%arg0: i32) -> (i32, i32) {
    %c0_i32 = arith.constant 0 : i32
    %c0_i32_0 = arith.constant 0 : i32
    return %arg0, %c0_i32 : i32, i32
  }
  func.func @transform_4(%arg0: i32) -> (i32, i32) {
    %c0_i32 = arith.constant 0 : i32
    %c0_i32_0 = arith.constant 0 : i32
    return %arg0, %c0_i32 : i32, i32
  }
}

module attributes {stable_mosaic.version = 14 : i64} {
  func.func @_ffn_kernel(%arg0: i32, %arg1: memref<128xi32, #tpu.memory_space<smem>>, %arg2: memref<80xi32, #tpu.memory_space<smem>>, %arg3: memref<4096x768xf32, #tpu.memory_space<any>>, %arg4: memref<64x768x128xf32, #tpu.memory_space<any>>, %arg5: memref<64x128x768xf32, #tpu.memory_space<any>>, %arg6: memref<4096x1xf32, #tpu.memory_space<any>>, %arg7: memref<4096x768xf32, #tpu.memory_space<any>>, %arg8: memref<4096x768xf32, #tpu.memory_space<vmem>>, %arg9: memref<4096x768xf32, #tpu.memory_space<vmem>>, %arg10: memref<4096x1xf32, #tpu.memory_space<vmem>>, %arg11: memref<3x768x128xf32, #tpu.memory_space<vmem>>, %arg12: memref<3x128x768xf32, #tpu.memory_space<vmem>>, %arg13: memref<8x!tpu.dma_semaphore, #tpu.memory_space<semaphore_mem>>, %arg14: memref<!tpu.dma_semaphore, #tpu.memory_space<semaphore_mem>>, %arg15: memref<3x2x!tpu.dma_semaphore, #tpu.memory_space<semaphore_mem>>, %arg16: memref<!tpu.dma_semaphore, #tpu.memory_space<semaphore_mem>>) attributes {dimension_semantics = [#tpu.dimension_semantics<arbitrary>], iteration_bounds = array<i64: 1>, scalar_prefetch = 2 : i64, scratch_operands = 9 : i64, tpu.core_type = #tpu.core_type<tc>, window_params = [{}, {}, {}, {}, {}]} {
    %get3A = arith.constant 64 : index
    %get3A_0 = memref.load %arg2[%get3A] : memref<80xi32, #tpu.memory_space<smem>>
    %dma_start3A = arith.constant 0 : i32
    %dma_start3A_1 = tpu.memref_slice %arg13[%dma_start3A] : memref<8x!tpu.dma_semaphore, #tpu.memory_space<semaphore_mem>> -> memref<1x!tpu.dma_semaphore, #tpu.memory_space<semaphore_mem>>
    %dma_start3A_2 = tpu.memref_squeeze %dma_start3A_1 : memref<1x!tpu.dma_semaphore, #tpu.memory_space<semaphore_mem>> -> memref<!tpu.dma_semaphore, #tpu.memory_space<semaphore_mem>>
    %dma_start3A_3 = arith.constant 0 : i32
    %dma_start3A_4 = arith.constant 0 : i32
    %dma_start3A_5 = tpu.memref_slice %arg8[%dma_start3A_3, %dma_start3A_4] : memref<4096x768xf32, #tpu.memory_space<vmem>> -> memref<512x768xf32, #tpu.memory_space<vmem>>
    %dma_start3A_6 = arith.constant 0 : i32
    %dma_start3A_7 = arith.constant 0 : i32
    %dma_start3A_8 = tpu.memref_slice %arg3[%dma_start3A_6, %dma_start3A_7] : memref<4096x768xf32, #tpu.memory_space<any>> -> memref<512x768xf32, #tpu.memory_space<any>>
    tpu.enqueue_dma source(%dma_start3A_8 : memref<512x768xf32, #tpu.memory_space<any>>) target(%dma_start3A_5 : memref<512x768xf32, #tpu.memory_space<vmem>>) target_semaphore(%dma_start3A_2 : memref<!tpu.dma_semaphore, #tpu.memory_space<semaphore_mem>>)
    %dma_start3A_9 = arith.constant 1 : i32
    %dma_start3A_10 = tpu.memref_slice %arg13[%dma_start3A_9] : memref<8x!tpu.dma_semaphore, #tpu.memory_space<semaphore_mem>> -> memref<1x!tpu.dma_semaphore, #tpu.memory_space<semaphore_mem>>
    %dma_start3A_11 = tpu.memref_squeeze %dma_start3A_10 : memref<1x!tpu.dma_semaphore, #tpu.memory_space<semaphore_mem>> -> memref<!tpu.dma_semaphore, #tpu.memory_space<semaphore_mem>>
    %dma_start3A_12 = arith.constant 512 : i32
    %dma_start3A_13 = arith.constant 0 : i32
    %dma_start3A_14 = tpu.memref_slice %arg8[%dma_start3A_12, %dma_start3A_13] : memref<4096x768xf32, #tpu.memory_space<vmem>> -> memref<512x768xf32, #tpu.memory_space<vmem>>
    %dma_start3A_15 = arith.constant 512 : i32
    %dma_start3A_16 = arith.constant 0 : i32
    %dma_start3A_17 = tpu.memref_slice %arg3[%dma_start3A_15, %dma_start3A_16] : memref<4096x768xf32, #tpu.memory_space<any>> -> memref<512x768xf32, #tpu.memory_space<any>>
    tpu.enqueue_dma source(%dma_start3A_17 : memref<512x768xf32, #tpu.memory_space<any>>) target(%dma_start3A_14 : memref<512x768xf32, #tpu.memory_space<vmem>>) target_semaphore(%dma_start3A_11 : memref<!tpu.dma_semaphore, #tpu.memory_space<semaphore_mem>>)
    %dma_start3A_18 = arith.constant 2 : i32
    %dma_start3A_19 = tpu.memref_slice %arg13[%dma_start3A_18] : memref<8x!tpu.dma_semaphore, #tpu.memory_space<semaphore_mem>> -> memref<1x!tpu.dma_semaphore, #tpu.memory_space<semaphore_mem>>
    %dma_start3A_20 = tpu.memref_squeeze %dma_start3A_19 : memref<1x!tpu.dma_semaphore, #tpu.memory_space<semaphore_mem>> -> memref<!tpu.dma_semaphore, #tpu.memory_space<semaphore_mem>>
    %dma_start3A_21 = arith.constant 1024 : i32
    %dma_start3A_22 = arith.constant 0 : i32
    %dma_start3A_23 = tpu.memref_slice %arg8[%dma_start3A_21, %dma_start3A_22] : memref<4096x768xf32, #tpu.memory_space<vmem>> -> memref<512x768xf32, #tpu.memory_space<vmem>>
    %dma_start3A_24 = arith.constant 1024 : i32
    %dma_start3A_25 = arith.constant 0 : i32
    %dma_start3A_26 = tpu.memref_slice %arg3[%dma_start3A_24, %dma_start3A_25] : memref<4096x768xf32, #tpu.memory_space<any>> -> memref<512x768xf32, #tpu.memory_space<any>>
    tpu.enqueue_dma source(%dma_start3A_26 : memref<512x768xf32, #tpu.memory_space<any>>) target(%dma_start3A_23 : memref<512x768xf32, #tpu.memory_space<vmem>>) target_semaphore(%dma_start3A_20 : memref<!tpu.dma_semaphore, #tpu.memory_space<semaphore_mem>>)
    %dma_start3A_27 = arith.constant 3 : i32
    %dma_start3A_28 = tpu.memref_slice %arg13[%dma_start3A_27] : memref<8x!tpu.dma_semaphore, #tpu.memory_space<semaphore_mem>> -> memref<1x!tpu.dma_semaphore, #tpu.memory_space<semaphore_mem>>
    %dma_start3A_29 = tpu.memref_squeeze %dma_start3A_28 : memref<1x!tpu.dma_semaphore, #tpu.memory_space<semaphore_mem>> -> memref<!tpu.dma_semaphore, #tpu.memory_space<semaphore_mem>>
    %dma_start3A_30 = arith.constant 1536 : i32
    %dma_start3A_31 = arith.constant 0 : i32
    %dma_start3A_32 = tpu.memref_slice %arg8[%dma_start3A_30, %dma_start3A_31] : memref<4096x768xf32, #tpu.memory_space<vmem>> -> memref<512x768xf32, #tpu.memory_space<vmem>>
    %dma_start3A_33 = arith.constant 1536 : i32
    %dma_start3A_34 = arith.constant 0 : i32
    %dma_start3A_35 = tpu.memref_slice %arg3[%dma_start3A_33, %dma_start3A_34] : memref<4096x768xf32, #tpu.memory_space<any>> -> memref<512x768xf32, #tpu.memory_space<any>>
    tpu.enqueue_dma source(%dma_start3A_35 : memref<512x768xf32, #tpu.memory_space<any>>) target(%dma_start3A_32 : memref<512x768xf32, #tpu.memory_space<vmem>>) target_semaphore(%dma_start3A_29 : memref<!tpu.dma_semaphore, #tpu.memory_space<semaphore_mem>>)
    %dma_start3A_36 = arith.constant 4 : i32
    %dma_start3A_37 = tpu.memref_slice %arg13[%dma_start3A_36] : memref<8x!tpu.dma_semaphore, #tpu.memory_space<semaphore_mem>> -> memref<1x!tpu.dma_semaphore, #tpu.memory_space<semaphore_mem>>
    %dma_start3A_38 = tpu.memref_squeeze %dma_start3A_37 : memref<1x!tpu.dma_semaphore, #tpu.memory_space<semaphore_mem>> -> memref<!tpu.dma_semaphore, #tpu.memory_space<semaphore_mem>>
    %dma_start3A_39 = arith.constant 2048 : i32
    %dma_start3A_40 = arith.constant 0 : i32
    %dma_start3A_41 = tpu.memref_slice %arg8[%dma_start3A_39, %dma_start3A_40] : memref<4096x768xf32, #tpu.memory_space<vmem>> -> memref<512x768xf32, #tpu.memory_space<vmem>>
    %dma_start3A_42 = arith.constant 2048 : i32
    %dma_start3A_43 = arith.constant 0 : i32
    %dma_start3A_44 = tpu.memref_slice %arg3[%dma_start3A_42, %dma_start3A_43] : memref<4096x768xf32, #tpu.memory_space<any>> -> memref<512x768xf32, #tpu.memory_space<any>>
    tpu.enqueue_dma source(%dma_start3A_44 : memref<512x768xf32, #tpu.memory_space<any>>) target(%dma_start3A_41 : memref<512x768xf32, #tpu.memory_space<vmem>>) target_semaphore(%dma_start3A_38 : memref<!tpu.dma_semaphore, #tpu.memory_space<semaphore_mem>>)
    %dma_start3A_45 = arith.constant 5 : i32
    %dma_start3A_46 = tpu.memref_slice %arg13[%dma_start3A_45] : memref<8x!tpu.dma_semaphore, #tpu.memory_space<semaphore_mem>> -> memref<1x!tpu.dma_semaphore, #tpu.memory_space<semaphore_mem>>
    %dma_start3A_47 = tpu.memref_squeeze %dma_start3A_46 : memref<1x!tpu.dma_semaphore, #tpu.memory_space<semaphore_mem>> -> memref<!tpu.dma_semaphore, #tpu.memory_space<semaphore_mem>>
    %dma_start3A_48 = arith.constant 2560 : i32
    %dma_start3A_49 = arith.constant 0 : i32
    %dma_start3A_50 = tpu.memref_slice %arg8[%dma_start3A_48, %dma_start3A_49] : memref<4096x768xf32, #tpu.memory_space<vmem>> -> memref<512x768xf32, #tpu.memory_space<vmem>>
    %dma_start3A_51 = arith.constant 2560 : i32
    %dma_start3A_52 = arith.constant 0 : i32
    %dma_start3A_53 = tpu.memref_slice %arg3[%dma_start3A_51, %dma_start3A_52] : memref<4096x768xf32, #tpu.memory_space<any>> -> memref<512x768xf32, #tpu.memory_space<any>>
    tpu.enqueue_dma source(%dma_start3A_53 : memref<512x768xf32, #tpu.memory_space<any>>) target(%dma_start3A_50 : memref<512x768xf32, #tpu.memory_space<vmem>>) target_semaphore(%dma_start3A_47 : memref<!tpu.dma_semaphore, #tpu.memory_space<semaphore_mem>>)
    %dma_start3A_54 = arith.constant 6 : i32
    %dma_start3A_55 = tpu.memref_slice %arg13[%dma_start3A_54] : memref<8x!tpu.dma_semaphore, #tpu.memory_space<semaphore_mem>> -> memref<1x!tpu.dma_semaphore, #tpu.memory_space<semaphore_mem>>
    %dma_start3A_56 = tpu.memref_squeeze %dma_start3A_55 : memref<1x!tpu.dma_semaphore, #tpu.memory_space<semaphore_mem>> -> memref<!tpu.dma_semaphore, #tpu.memory_space<semaphore_mem>>
    %dma_start3A_57 = arith.constant 3072 : i32
    %dma_start3A_58 = arith.constant 0 : i32
    %dma_start3A_59 = tpu.memref_slice %arg8[%dma_start3A_57, %dma_start3A_58] : memref<4096x768xf32, #tpu.memory_space<vmem>> -> memref<512x768xf32, #tpu.memory_space<vmem>>
    %dma_start3A_60 = arith.constant 3072 : i32
    %dma_start3A_61 = arith.constant 0 : i32
    %dma_start3A_62 = tpu.memref_slice %arg3[%dma_start3A_60, %dma_start3A_61] : memref<4096x768xf32, #tpu.memory_space<any>> -> memref<512x768xf32, #tpu.memory_space<any>>
    tpu.enqueue_dma source(%dma_start3A_62 : memref<512x768xf32, #tpu.memory_space<any>>) target(%dma_start3A_59 : memref<512x768xf32, #tpu.memory_space<vmem>>) target_semaphore(%dma_start3A_56 : memref<!tpu.dma_semaphore, #tpu.memory_space<semaphore_mem>>)
    %dma_start3A_63 = arith.constant 7 : i32
    %dma_start3A_64 = tpu.memref_slice %arg13[%dma_start3A_63] : memref<8x!tpu.dma_semaphore, #tpu.memory_space<semaphore_mem>> -> memref<1x!tpu.dma_semaphore, #tpu.memory_space<semaphore_mem>>
    %dma_start3A_65 = tpu.memref_squeeze %dma_start3A_64 : memref<1x!tpu.dma_semaphore, #tpu.memory_space<semaphore_mem>> -> memref<!tpu.dma_semaphore, #tpu.memory_space<semaphore_mem>>
    %dma_start3A_66 = arith.constant 3584 : i32
    %dma_start3A_67 = arith.constant 0 : i32
    %dma_start3A_68 = tpu.memref_slice %arg8[%dma_start3A_66, %dma_start3A_67] : memref<4096x768xf32, #tpu.memory_space<vmem>> -> memref<512x768xf32, #tpu.memory_space<vmem>>
    %dma_start3A_69 = arith.constant 3584 : i32
    %dma_start3A_70 = arith.constant 0 : i32
    %dma_start3A_71 = tpu.memref_slice %arg3[%dma_start3A_69, %dma_start3A_70] : memref<4096x768xf32, #tpu.memory_space<any>> -> memref<512x768xf32, #tpu.memory_space<any>>
    tpu.enqueue_dma source(%dma_start3A_71 : memref<512x768xf32, #tpu.memory_space<any>>) target(%dma_start3A_68 : memref<512x768xf32, #tpu.memory_space<vmem>>) target_semaphore(%dma_start3A_65 : memref<!tpu.dma_semaphore, #tpu.memory_space<semaphore_mem>>)
    tpu.enqueue_dma source(%arg6 : memref<4096x1xf32, #tpu.memory_space<any>>) target(%arg10 : memref<4096x1xf32, #tpu.memory_space<vmem>>) target_semaphore(%arg14 : memref<!tpu.dma_semaphore, #tpu.memory_space<semaphore_mem>>)
    %get3A_72 = arith.constant 0 : index
    %get3A_73 = memref.load %arg2[%get3A_72] : memref<80xi32, #tpu.memory_space<smem>>
    %dma_start3A_74 = arith.constant 0 : i32
    %dma_start3A_75 = arith.constant 0 : i32
    %dma_start3A_76 = arith.constant 0 : i32
    %dma_start3A_77 = tpu.memref_slice %arg15[%dma_start3A_75, %dma_start3A_76] : memref<3x2x!tpu.dma_semaphore, #tpu.memory_space<semaphore_mem>> -> memref<1x1x!tpu.dma_semaphore, #tpu.memory_space<semaphore_mem>>
    %dma_start3A_78 = tpu.memref_squeeze %dma_start3A_77 : memref<1x1x!tpu.dma_semaphore, #tpu.memory_space<semaphore_mem>> -> memref<!tpu.dma_semaphore, #tpu.memory_space<semaphore_mem>>
    %dma_start3A_79 = arith.constant 0 : i32
    %dma_start3A_80 = arith.constant 0 : i32
    %dma_start3A_81 = tpu.memref_slice %arg11[%dma_start3A_74, %dma_start3A_79, %dma_start3A_80] : memref<3x768x128xf32, #tpu.memory_space<vmem>> -> memref<1x768x128xf32, #tpu.memory_space<vmem>>
    %dma_start3A_82 = tpu.memref_squeeze %dma_start3A_81 : memref<1x768x128xf32, #tpu.memory_space<vmem>> -> memref<768x128xf32, #tpu.memory_space<vmem>>
    %dma_start3A_83 = arith.constant 0 : i32
    %dma_start3A_84 = arith.constant 0 : i32
    %dma_start3A_85 = tpu.memref_slice %arg4[%get3A_73, %dma_start3A_83, %dma_start3A_84] : memref<64x768x128xf32, #tpu.memory_space<any>> -> memref<1x768x128xf32, #tpu.memory_space<any>>
    %dma_start3A_86 = tpu.memref_squeeze %dma_start3A_85 : memref<1x768x128xf32, #tpu.memory_space<any>> -> memref<768x128xf32, #tpu.memory_space<any>>
    tpu.enqueue_dma source(%dma_start3A_86 : memref<768x128xf32, #tpu.memory_space<any>>) target(%dma_start3A_82 : memref<768x128xf32, #tpu.memory_space<vmem>>) target_semaphore(%dma_start3A_78 : memref<!tpu.dma_semaphore, #tpu.memory_space<semaphore_mem>>)
    %dma_start3A_87 = arith.constant 0 : i32
    %dma_start3A_88 = arith.constant 0 : i32
    %dma_start3A_89 = arith.constant 1 : i32
    %dma_start3A_90 = tpu.memref_slice %arg15[%dma_start3A_88, %dma_start3A_89] : memref<3x2x!tpu.dma_semaphore, #tpu.memory_space<semaphore_mem>> -> memref<1x1x!tpu.dma_semaphore, #tpu.memory_space<semaphore_mem>>
    %dma_start3A_91 = tpu.memref_squeeze %dma_start3A_90 : memref<1x1x!tpu.dma_semaphore, #tpu.memory_space<semaphore_mem>> -> memref<!tpu.dma_semaphore, #tpu.memory_space<semaphore_mem>>
    %dma_start3A_92 = arith.constant 0 : i32
    %dma_start3A_93 = arith.constant 0 : i32
    %dma_start3A_94 = tpu.memref_slice %arg12[%dma_start3A_87, %dma_start3A_92, %dma_start3A_93] : memref<3x128x768xf32, #tpu.memory_space<vmem>> -> memref<1x128x768xf32, #tpu.memory_space<vmem>>
    %dma_start3A_95 = tpu.memref_squeeze %dma_start3A_94 : memref<1x128x768xf32, #tpu.memory_space<vmem>> -> memref<128x768xf32, #tpu.memory_space<vmem>>
    %dma_start3A_96 = arith.constant 0 : i32
    %dma_start3A_97 = arith.constant 0 : i32
    %dma_start3A_98 = tpu.memref_slice %arg5[%get3A_73, %dma_start3A_96, %dma_start3A_97] : memref<64x128x768xf32, #tpu.memory_space<any>> -> memref<1x128x768xf32, #tpu.memory_space<any>>
    %dma_start3A_99 = tpu.memref_squeeze %dma_start3A_98 : memref<1x128x768xf32, #tpu.memory_space<any>> -> memref<128x768xf32, #tpu.memory_space<any>>
    tpu.enqueue_dma source(%dma_start3A_99 : memref<128x768xf32, #tpu.memory_space<any>>) target(%dma_start3A_95 : memref<128x768xf32, #tpu.memory_space<vmem>>) target_semaphore(%dma_start3A_91 : memref<!tpu.dma_semaphore, #tpu.memory_space<semaphore_mem>>)
    %gt3A = arith.constant 1 : i32
    %gt3A_100 = arith.cmpi sgt, %get3A_0, %gt3A : i32
    %convert_element_type3A = arith.extui %gt3A_100 : i1 to i32
    %cond3A = arith.constant 0 : i32
    %cond3A_101 = arith.cmpi ne, %convert_element_type3A, %cond3A : i32
    scf.if %cond3A_101 {
      %get3A_156 = arith.constant 1 : index
      %get3A_157 = memref.load %arg2[%get3A_156] : memref<80xi32, #tpu.memory_space<smem>>
      %dma_start3A_158 = arith.constant 1 : i32
      %dma_start3A_159 = arith.constant 1 : i32
      %dma_start3A_160 = arith.constant 0 : i32
      %dma_start3A_161 = tpu.memref_slice %arg15[%dma_start3A_159, %dma_start3A_160] : memref<3x2x!tpu.dma_semaphore, #tpu.memory_space<semaphore_mem>> -> memref<1x1x!tpu.dma_semaphore, #tpu.memory_space<semaphore_mem>>
      %dma_start3A_162 = tpu.memref_squeeze %dma_start3A_161 : memref<1x1x!tpu.dma_semaphore, #tpu.memory_space<semaphore_mem>> -> memref<!tpu.dma_semaphore, #tpu.memory_space<semaphore_mem>>
      %dma_start3A_163 = arith.constant 0 : i32
      %dma_start3A_164 = arith.constant 0 : i32
      %dma_start3A_165 = tpu.memref_slice %arg11[%dma_start3A_158, %dma_start3A_163, %dma_start3A_164] : memref<3x768x128xf32, #tpu.memory_space<vmem>> -> memref<1x768x128xf32, #tpu.memory_space<vmem>>
      %dma_start3A_166 = tpu.memref_squeeze %dma_start3A_165 : memref<1x768x128xf32, #tpu.memory_space<vmem>> -> memref<768x128xf32, #tpu.memory_space<vmem>>
      %dma_start3A_167 = arith.constant 0 : i32
      %dma_start3A_168 = arith.constant 0 : i32
      %dma_start3A_169 = tpu.memref_slice %arg4[%get3A_157, %dma_start3A_167, %dma_start3A_168] : memref<64x768x128xf32, #tpu.memory_space<any>> -> memref<1x768x128xf32, #tpu.memory_space<any>>
      %dma_start3A_170 = tpu.memref_squeeze %dma_start3A_169 : memref<1x768x128xf32, #tpu.memory_space<any>> -> memref<768x128xf32, #tpu.memory_space<any>>
      tpu.enqueue_dma source(%dma_start3A_170 : memref<768x128xf32, #tpu.memory_space<any>>) target(%dma_start3A_166 : memref<768x128xf32, #tpu.memory_space<vmem>>) target_semaphore(%dma_start3A_162 : memref<!tpu.dma_semaphore, #tpu.memory_space<semaphore_mem>>)
      %dma_start3A_171 = arith.constant 1 : i32
      %dma_start3A_172 = arith.constant 1 : i32
      %dma_start3A_173 = arith.constant 1 : i32
      %dma_start3A_174 = tpu.memref_slice %arg15[%dma_start3A_172, %dma_start3A_173] : memref<3x2x!tpu.dma_semaphore, #tpu.memory_space<semaphore_mem>> -> memref<1x1x!tpu.dma_semaphore, #tpu.memory_space<semaphore_mem>>
      %dma_start3A_175 = tpu.memref_squeeze %dma_start3A_174 : memref<1x1x!tpu.dma_semaphore, #tpu.memory_space<semaphore_mem>> -> memref<!tpu.dma_semaphore, #tpu.memory_space<semaphore_mem>>
      %dma_start3A_176 = arith.constant 0 : i32
      %dma_start3A_177 = arith.constant 0 : i32
      %dma_start3A_178 = tpu.memref_slice %arg12[%dma_start3A_171, %dma_start3A_176, %dma_start3A_177] : memref<3x128x768xf32, #tpu.memory_space<vmem>> -> memref<1x128x768xf32, #tpu.memory_space<vmem>>
      %dma_start3A_179 = tpu.memref_squeeze %dma_start3A_178 : memref<1x128x768xf32, #tpu.memory_space<vmem>> -> memref<128x768xf32, #tpu.memory_space<vmem>>
      %dma_start3A_180 = arith.constant 0 : i32
      %dma_start3A_181 = arith.constant 0 : i32
      %dma_start3A_182 = tpu.memref_slice %arg5[%get3A_157, %dma_start3A_180, %dma_start3A_181] : memref<64x128x768xf32, #tpu.memory_space<any>> -> memref<1x128x768xf32, #tpu.memory_space<any>>
      %dma_start3A_183 = tpu.memref_squeeze %dma_start3A_182 : memref<1x128x768xf32, #tpu.memory_space<any>> -> memref<128x768xf32, #tpu.memory_space<any>>
      tpu.enqueue_dma source(%dma_start3A_183 : memref<128x768xf32, #tpu.memory_space<any>>) target(%dma_start3A_179 : memref<128x768xf32, #tpu.memory_space<vmem>>) target_semaphore(%dma_start3A_175 : memref<!tpu.dma_semaphore, #tpu.memory_space<semaphore_mem>>)
    } else {
    }
    tpu.wait_dma2 semaphore(%arg14 : memref<!tpu.dma_semaphore, #tpu.memory_space<semaphore_mem>>) src(%arg6 : memref<4096x1xf32, #tpu.memory_space<any>>) dst(%arg10 : memref<4096x1xf32, #tpu.memory_space<vmem>>)
    %scan3A = arith.constant -1 : i32
    %scan3A_102 = arith.constant 2 : i32
    %scan3A_103 = arith.constant 0 : i32
    %scan3A_104 = arith.constant 128 : i32
    %scan3A_105 = arith.addi %scan3A_103, %scan3A_104 : i32
    %scan3A_106 = arith.constant 1 : i32
    %scan3A_107:2 = scf.for %scan3A_156 = %scan3A_103 to %scan3A_105 step %scan3A_106 iter_args(%scan3A_157 = %scan3A, %scan3A_158 = %scan3A_102) -> (i32, i32)  : i32 {
      %get3A_159 = arith.index_cast %scan3A_156 : i32 to index
      %get3A_160 = memref.load %arg1[%get3A_159] : memref<128xi32, #tpu.memory_space<smem>>
      %sub3A = arith.constant 1 : i32
      %sub3A_161 = arith.subi %scan3A_156, %sub3A : i32
      %max3A = arith.constant 0 : i32
      %max3A_162 = arith.maxsi %sub3A_161, %max3A : i32
      %get3A_163 = arith.index_cast %max3A_162 : i32 to index
      %get3A_164 = memref.load %arg1[%get3A_163] : memref<128xi32, #tpu.memory_space<smem>>
      %eq3A = arith.constant 0 : i32
      %eq3A_165 = arith.cmpi eq, %scan3A_156, %eq3A : i32
      %ne3A = arith.cmpi ne, %get3A_160, %get3A_164 : i32
      %or3A = arith.ori %eq3A_165, %ne3A : i1
      %add3A = arith.constant 1 : i32
      %add3A_166 = arith.addi %scan3A_157, %add3A : i32
      %select_n3A = arith.select %or3A, %add3A_166, %scan3A_157 : i32
      %eq3A_167 = arith.constant 2 : i32
      %eq3A_168 = arith.cmpi eq, %scan3A_158, %eq3A_167 : i32
      %add3A_169 = arith.constant 1 : i32
      %add3A_170 = arith.addi %scan3A_158, %add3A_169 : i32
      %jit3A = arith.constant 0 : i32
      %select_n3A_171 = arith.select %eq3A_168, %jit3A, %add3A_170 : i32
      %select_n3A_172 = arith.select %or3A, %select_n3A_171, %scan3A_158 : i32
      %and3A = arith.constant 15 : i32
      %and3A_173 = arith.andi %scan3A_156, %and3A : i32
      %eq3A_174 = arith.constant 0 : i32
      %eq3A_175 = arith.cmpi eq, %and3A_173, %eq3A_174 : i32
      %convert_element_type3A_176 = arith.extui %eq3A_175 : i1 to i32
      %cond3A_177 = arith.constant 0 : i32
      %cond3A_178 = arith.cmpi ne, %convert_element_type3A_176, %cond3A_177 : i32
      scf.if %cond3A_178 {
        %shift_right_arithmetic3A = arith.constant 4 : i32
        %shift_right_arithmetic3A_224 = arith.shrsi %scan3A_156, %shift_right_arithmetic3A : i32
        %mul3A_225 = arith.constant 512 : i32
        %mul3A_226 = arith.muli %shift_right_arithmetic3A_224, %mul3A_225 : i32
        %mul3A_227 = arith.constant 512 : i32
        %mul3A_228 = arith.muli %shift_right_arithmetic3A_224, %mul3A_227 : i32
        %dma_wait3A_229 = tpu.memref_slice %arg13[%shift_right_arithmetic3A_224] : memref<8x!tpu.dma_semaphore, #tpu.memory_space<semaphore_mem>> -> memref<1x!tpu.dma_semaphore, #tpu.memory_space<semaphore_mem>>
        %dma_wait3A_230 = tpu.memref_squeeze %dma_wait3A_229 : memref<1x!tpu.dma_semaphore, #tpu.memory_space<semaphore_mem>> -> memref<!tpu.dma_semaphore, #tpu.memory_space<semaphore_mem>>
        %dma_wait3A_231 = arith.constant 0 : i32
        %dma_wait3A_232 = tpu.memref_slice %arg8[%mul3A_228, %dma_wait3A_231] : memref<4096x768xf32, #tpu.memory_space<vmem>> -> memref<512x768xf32, #tpu.memory_space<vmem>>
        %dma_wait3A_233 = arith.constant 0 : i32
        %dma_wait3A_234 = tpu.memref_slice %arg3[%mul3A_226, %dma_wait3A_233] : memref<4096x768xf32, #tpu.memory_space<any>> -> memref<512x768xf32, #tpu.memory_space<any>>
        tpu.wait_dma2 semaphore(%dma_wait3A_230 : memref<!tpu.dma_semaphore, #tpu.memory_space<semaphore_mem>>) src(%dma_wait3A_234 : memref<512x768xf32, #tpu.memory_space<any>>) dst(%dma_wait3A_232 : memref<512x768xf32, #tpu.memory_space<vmem>>)
      } else {
      }
      %lt3A = arith.cmpi slt, %select_n3A, %get3A_0 : i32
      %and3A_179 = arith.andi %or3A, %lt3A : i1
      %convert_element_type3A_180 = arith.extui %and3A_179 : i1 to i32
      %cond3A_181 = arith.constant 0 : i32
      %cond3A_182 = arith.cmpi ne, %convert_element_type3A_180, %cond3A_181 : i32
      scf.if %cond3A_182 {
        %dma_wait3A_224 = arith.constant 0 : i32
        %dma_wait3A_225 = tpu.memref_slice %arg15[%select_n3A_172, %dma_wait3A_224] : memref<3x2x!tpu.dma_semaphore, #tpu.memory_space<semaphore_mem>> -> memref<1x1x!tpu.dma_semaphore, #tpu.memory_space<semaphore_mem>>
        %dma_wait3A_226 = tpu.memref_squeeze %dma_wait3A_225 : memref<1x1x!tpu.dma_semaphore, #tpu.memory_space<semaphore_mem>> -> memref<!tpu.dma_semaphore, #tpu.memory_space<semaphore_mem>>
        %dma_wait3A_227 = arith.constant 0 : i32
        %dma_wait3A_228 = arith.constant 0 : i32
        %dma_wait3A_229 = tpu.memref_slice %arg11[%select_n3A_172, %dma_wait3A_227, %dma_wait3A_228] : memref<3x768x128xf32, #tpu.memory_space<vmem>> -> memref<1x768x128xf32, #tpu.memory_space<vmem>>
        %dma_wait3A_230 = tpu.memref_squeeze %dma_wait3A_229 : memref<1x768x128xf32, #tpu.memory_space<vmem>> -> memref<768x128xf32, #tpu.memory_space<vmem>>
        %dma_wait3A_231 = arith.constant 0 : i32
        %dma_wait3A_232 = arith.constant 0 : i32
        %dma_wait3A_233 = tpu.memref_slice %arg4[%get3A_160, %dma_wait3A_231, %dma_wait3A_232] : memref<64x768x128xf32, #tpu.memory_space<any>> -> memref<1x768x128xf32, #tpu.memory_space<any>>
        %dma_wait3A_234 = tpu.memref_squeeze %dma_wait3A_233 : memref<1x768x128xf32, #tpu.memory_space<any>> -> memref<768x128xf32, #tpu.memory_space<any>>
        tpu.wait_dma2 semaphore(%dma_wait3A_226 : memref<!tpu.dma_semaphore, #tpu.memory_space<semaphore_mem>>) src(%dma_wait3A_234 : memref<768x128xf32, #tpu.memory_space<any>>) dst(%dma_wait3A_230 : memref<768x128xf32, #tpu.memory_space<vmem>>)
        %dma_wait3A_235 = arith.constant 1 : i32
        %dma_wait3A_236 = tpu.memref_slice %arg15[%select_n3A_172, %dma_wait3A_235] : memref<3x2x!tpu.dma_semaphore, #tpu.memory_space<semaphore_mem>> -> memref<1x1x!tpu.dma_semaphore, #tpu.memory_space<semaphore_mem>>
        %dma_wait3A_237 = tpu.memref_squeeze %dma_wait3A_236 : memref<1x1x!tpu.dma_semaphore, #tpu.memory_space<semaphore_mem>> -> memref<!tpu.dma_semaphore, #tpu.memory_space<semaphore_mem>>
        %dma_wait3A_238 = arith.constant 0 : i32
        %dma_wait3A_239 = arith.constant 0 : i32
        %dma_wait3A_240 = tpu.memref_slice %arg12[%select_n3A_172, %dma_wait3A_238, %dma_wait3A_239] : memref<3x128x768xf32, #tpu.memory_space<vmem>> -> memref<1x128x768xf32, #tpu.memory_space<vmem>>
        %dma_wait3A_241 = tpu.memref_squeeze %dma_wait3A_240 : memref<1x128x768xf32, #tpu.memory_space<vmem>> -> memref<128x768xf32, #tpu.memory_space<vmem>>
        %dma_wait3A_242 = arith.constant 0 : i32
        %dma_wait3A_243 = arith.constant 0 : i32
        %dma_wait3A_244 = tpu.memref_slice %arg5[%get3A_160, %dma_wait3A_242, %dma_wait3A_243] : memref<64x128x768xf32, #tpu.memory_space<any>> -> memref<1x128x768xf32, #tpu.memory_space<any>>
        %dma_wait3A_245 = tpu.memref_squeeze %dma_wait3A_244 : memref<1x128x768xf32, #tpu.memory_space<any>> -> memref<128x768xf32, #tpu.memory_space<any>>
        tpu.wait_dma2 semaphore(%dma_wait3A_237 : memref<!tpu.dma_semaphore, #tpu.memory_space<semaphore_mem>>) src(%dma_wait3A_245 : memref<128x768xf32, #tpu.memory_space<any>>) dst(%dma_wait3A_241 : memref<128x768xf32, #tpu.memory_space<vmem>>)
        %add3A_246 = arith.constant 2 : i32
        %add3A_247 = arith.addi %select_n3A, %add3A_246 : i32
        %lt3A_248 = arith.cmpi slt, %add3A_247, %get3A_0 : i32
        %convert_element_type3A_249 = arith.extui %lt3A_248 : i1 to i32
        %cond3A_250 = arith.constant 0 : i32
        %cond3A_251 = arith.cmpi ne, %convert_element_type3A_249, %cond3A_250 : i32
        scf.if %cond3A_251 {
          %eq3A_252 = arith.constant 0 : i32
          %eq3A_253 = arith.cmpi eq, %select_n3A_172, %eq3A_252 : i32
          %sub3A_254 = arith.constant 1 : i32
          %sub3A_255 = arith.subi %select_n3A_172, %sub3A_254 : i32
          %jit3A_256 = arith.constant 2 : i32
          %select_n3A_257 = arith.select %eq3A_253, %jit3A_256, %sub3A_255 : i32
          %get3A_258 = arith.index_cast %add3A_247 : i32 to index
          %get3A_259 = memref.load %arg2[%get3A_258] : memref<80xi32, #tpu.memory_space<smem>>
          %dma_start3A_260 = arith.constant 0 : i32
          %dma_start3A_261 = tpu.memref_slice %arg15[%select_n3A_257, %dma_start3A_260] : memref<3x2x!tpu.dma_semaphore, #tpu.memory_space<semaphore_mem>> -> memref<1x1x!tpu.dma_semaphore, #tpu.memory_space<semaphore_mem>>
          %dma_start3A_262 = tpu.memref_squeeze %dma_start3A_261 : memref<1x1x!tpu.dma_semaphore, #tpu.memory_space<semaphore_mem>> -> memref<!tpu.dma_semaphore, #tpu.memory_space<semaphore_mem>>
          %dma_start3A_263 = arith.constant 0 : i32
          %dma_start3A_264 = arith.constant 0 : i32
          %dma_start3A_265 = tpu.memref_slice %arg11[%select_n3A_257, %dma_start3A_263, %dma_start3A_264] : memref<3x768x128xf32, #tpu.memory_space<vmem>> -> memref<1x768x128xf32, #tpu.memory_space<vmem>>
          %dma_start3A_266 = tpu.memref_squeeze %dma_start3A_265 : memref<1x768x128xf32, #tpu.memory_space<vmem>> -> memref<768x128xf32, #tpu.memory_space<vmem>>
          %dma_start3A_267 = arith.constant 0 : i32
          %dma_start3A_268 = arith.constant 0 : i32
          %dma_start3A_269 = tpu.memref_slice %arg4[%get3A_259, %dma_start3A_267, %dma_start3A_268] : memref<64x768x128xf32, #tpu.memory_space<any>> -> memref<1x768x128xf32, #tpu.memory_space<any>>
          %dma_start3A_270 = tpu.memref_squeeze %dma_start3A_269 : memref<1x768x128xf32, #tpu.memory_space<any>> -> memref<768x128xf32, #tpu.memory_space<any>>
          tpu.enqueue_dma source(%dma_start3A_270 : memref<768x128xf32, #tpu.memory_space<any>>) target(%dma_start3A_266 : memref<768x128xf32, #tpu.memory_space<vmem>>) target_semaphore(%dma_start3A_262 : memref<!tpu.dma_semaphore, #tpu.memory_space<semaphore_mem>>)
          %dma_start3A_271 = arith.constant 1 : i32
          %dma_start3A_272 = tpu.memref_slice %arg15[%select_n3A_257, %dma_start3A_271] : memref<3x2x!tpu.dma_semaphore, #tpu.memory_space<semaphore_mem>> -> memref<1x1x!tpu.dma_semaphore, #tpu.memory_space<semaphore_mem>>
          %dma_start3A_273 = tpu.memref_squeeze %dma_start3A_272 : memref<1x1x!tpu.dma_semaphore, #tpu.memory_space<semaphore_mem>> -> memref<!tpu.dma_semaphore, #tpu.memory_space<semaphore_mem>>
          %dma_start3A_274 = arith.constant 0 : i32
          %dma_start3A_275 = arith.constant 0 : i32
          %dma_start3A_276 = tpu.memref_slice %arg12[%select_n3A_257, %dma_start3A_274, %dma_start3A_275] : memref<3x128x768xf32, #tpu.memory_space<vmem>> -> memref<1x128x768xf32, #tpu.memory_space<vmem>>
          %dma_start3A_277 = tpu.memref_squeeze %dma_start3A_276 : memref<1x128x768xf32, #tpu.memory_space<vmem>> -> memref<128x768xf32, #tpu.memory_space<vmem>>
          %dma_start3A_278 = arith.constant 0 : i32
          %dma_start3A_279 = arith.constant 0 : i32
          %dma_start3A_280 = tpu.memref_slice %arg5[%get3A_259, %dma_start3A_278, %dma_start3A_279] : memref<64x128x768xf32, #tpu.memory_space<any>> -> memref<1x128x768xf32, #tpu.memory_space<any>>
          %dma_start3A_281 = tpu.memref_squeeze %dma_start3A_280 : memref<1x128x768xf32, #tpu.memory_space<any>> -> memref<128x768xf32, #tpu.memory_space<any>>
          tpu.enqueue_dma source(%dma_start3A_281 : memref<128x768xf32, #tpu.memory_space<any>>) target(%dma_start3A_277 : memref<128x768xf32, #tpu.memory_space<vmem>>) target_semaphore(%dma_start3A_273 : memref<!tpu.dma_semaphore, #tpu.memory_space<semaphore_mem>>)
        } else {
        }
      } else {
      }
      %mul3A = arith.constant 32 : i32
      %mul3A_183 = arith.muli %scan3A_156, %mul3A : i32
      %get3A_184 = arith.index_cast %mul3A_183 : i32 to index
      %get3A_185 = arith.constant 0 : index
      %get3A_186 = vector.load %arg8[%get3A_184, %get3A_185] : memref<4096x768xf32, #tpu.memory_space<vmem>>, vector<32x768xf32>
      %get3A_187 = arith.index_cast %select_n3A_172 : i32 to index
      %get3A_188 = arith.constant 0 : index
      %get3A_189 = arith.constant 0 : index
      %get3A_190 = vector.load %arg11[%get3A_187, %get3A_188, %get3A_189] : memref<3x768x128xf32, #tpu.memory_space<vmem>>, vector<1x768x128xf32>
      %get3A_191 = vector.shape_cast %get3A_190 : vector<1x768x128xf32> to vector<768x128xf32>
      %dot_general3A = arith.constant dense<0.000000e+00> : vector<32x128xf32>
      %dot_general3A_192 = tpu.matmul %get3A_186, %get3A_191, %dot_general3A {dimension_numbers = #tpu.dot_dimension_numbers<[1], [0], [0], [1], [0, 0, 1, 1], [], []>, transpose_lhs_hint = false} : vector<32x768xf32>, vector<768x128xf32>, vector<32x128xf32> -> vector<32x128xf32>
      %logistic3A = arith.negf %dot_general3A_192 : vector<32x128xf32>
      %logistic3A_193 = math.exp %logistic3A : vector<32x128xf32>
      %logistic3A_194 = arith.constant 1.000000e+00 : f32
      %logistic3A_195 = vector.broadcast %logistic3A_194 : f32 to vector<32x128xf32>
      %logistic3A_196 = arith.addf %logistic3A_195, %logistic3A_193 : vector<32x128xf32>
      %logistic3A_197 = arith.divf %logistic3A_195, %logistic3A_196 : vector<32x128xf32>
      %mul3A_198 = arith.mulf %dot_general3A_192, %logistic3A_197 : vector<32x128xf32>
      %get3A_199 = arith.index_cast %select_n3A_172 : i32 to index
      %get3A_200 = arith.constant 0 : index
      %get3A_201 = arith.constant 0 : index
      %get3A_202 = vector.load %arg12[%get3A_199, %get3A_200, %get3A_201] : memref<3x128x768xf32, #tpu.memory_space<vmem>>, vector<1x128x768xf32>
      %get3A_203 = vector.shape_cast %get3A_202 : vector<1x128x768xf32> to vector<128x768xf32>
      %dot_general3A_204 = arith.constant dense<0.000000e+00> : vector<32x768xf32>
      %dot_general3A_205 = tpu.matmul %mul3A_198, %get3A_203, %dot_general3A_204 {dimension_numbers = #tpu.dot_dimension_numbers<[1], [0], [0], [1], [0, 0, 1, 1], [], []>, transpose_lhs_hint = false} : vector<32x128xf32>, vector<128x768xf32>, vector<32x768xf32> -> vector<32x768xf32>
      %mul3A_206 = arith.constant 32 : i32
      %mul3A_207 = arith.muli %scan3A_156, %mul3A_206 : i32
      %get3A_208 = arith.index_cast %mul3A_207 : i32 to index
      %get3A_209 = arith.constant 0 : index
      %get3A_210 = vector.load %arg10[%get3A_208, %get3A_209] : memref<4096x1xf32, #tpu.memory_space<vmem>>, vector<32x1xf32>
      %mul3A_211 = vector.broadcast %get3A_210 : vector<32x1xf32> to vector<32x768xf32>
      %mul3A_212 = arith.mulf %dot_general3A_205, %mul3A_211 : vector<32x768xf32>
      %mul3A_213 = arith.constant 32 : i32
      %mul3A_214 = arith.muli %scan3A_156, %mul3A_213 : i32
      %swap3A = arith.index_cast %mul3A_214 : i32 to index
      %swap3A_215 = arith.constant 0 : index
      %swap3A_216 = vector.load %arg9[%swap3A, %swap3A_215] : memref<4096x768xf32, #tpu.memory_space<vmem>>, vector<32x768xf32>
      tpu.vector_store %arg9[%swap3A, %swap3A_215], %mul3A_212 {strides = array<i32>} : memref<4096x768xf32, #tpu.memory_space<vmem>>, vector<32x768xf32>,
      %and3A_217 = arith.constant 15 : i32
      %and3A_218 = arith.andi %scan3A_156, %and3A_217 : i32
      %eq3A_219 = arith.constant 15 : i32
      %eq3A_220 = arith.cmpi eq, %and3A_218, %eq3A_219 : i32
      %convert_element_type3A_221 = arith.extui %eq3A_220 : i1 to i32
      %cond3A_222 = arith.constant 0 : i32
      %cond3A_223 = arith.cmpi ne, %convert_element_type3A_221, %cond3A_222 : i32
      scf.if %cond3A_223 {
        %shift_right_arithmetic3A = arith.constant 4 : i32
        %shift_right_arithmetic3A_224 = arith.shrsi %scan3A_156, %shift_right_arithmetic3A : i32
        %mul3A_225 = arith.constant 512 : i32
        %mul3A_226 = arith.muli %shift_right_arithmetic3A_224, %mul3A_225 : i32
        %mul3A_227 = arith.constant 512 : i32
        %mul3A_228 = arith.muli %shift_right_arithmetic3A_224, %mul3A_227 : i32
        %dma_start3A_229 = arith.constant 0 : i32
        %dma_start3A_230 = tpu.memref_slice %arg7[%mul3A_228, %dma_start3A_229] : memref<4096x768xf32, #tpu.memory_space<any>> -> memref<512x768xf32, #tpu.memory_space<any>>
        %dma_start3A_231 = arith.constant 0 : i32
        %dma_start3A_232 = tpu.memref_slice %arg9[%mul3A_226, %dma_start3A_231] : memref<4096x768xf32, #tpu.memory_space<vmem>> -> memref<512x768xf32, #tpu.memory_space<vmem>>
        tpu.enqueue_dma source(%dma_start3A_232 : memref<512x768xf32, #tpu.memory_space<vmem>>) target(%dma_start3A_230 : memref<512x768xf32, #tpu.memory_space<any>>) target_semaphore(%arg16 : memref<!tpu.dma_semaphore, #tpu.memory_space<semaphore_mem>>)
      } else {
      }
      scf.yield %select_n3A, %select_n3A_172 : i32, i32
    }
    %scan3A_108 = arith.constant 128 : i32
    %dma_wait3A = arith.constant 0 : i32
    %dma_wait3A_109 = arith.constant 0 : i32
    %dma_wait3A_110 = tpu.memref_slice %arg7[%dma_wait3A, %dma_wait3A_109] : memref<4096x768xf32, #tpu.memory_space<any>> -> memref<512x768xf32, #tpu.memory_space<any>>
    %dma_wait3A_111 = arith.constant 0 : i32
    %dma_wait3A_112 = arith.constant 0 : i32
    %dma_wait3A_113 = tpu.memref_slice %arg9[%dma_wait3A_111, %dma_wait3A_112] : memref<4096x768xf32, #tpu.memory_space<vmem>> -> memref<512x768xf32, #tpu.memory_space<vmem>>
    tpu.wait_dma2 semaphore(%arg16 : memref<!tpu.dma_semaphore, #tpu.memory_space<semaphore_mem>>) src(%dma_wait3A_113 : memref<512x768xf32, #tpu.memory_space<vmem>>) dst(%dma_wait3A_110 : memref<512x768xf32, #tpu.memory_space<any>>)
    %dma_wait3A_114 = arith.constant 512 : i32
    %dma_wait3A_115 = arith.constant 0 : i32
    %dma_wait3A_116 = tpu.memref_slice %arg7[%dma_wait3A_114, %dma_wait3A_115] : memref<4096x768xf32, #tpu.memory_space<any>> -> memref<512x768xf32, #tpu.memory_space<any>>
    %dma_wait3A_117 = arith.constant 512 : i32
    %dma_wait3A_118 = arith.constant 0 : i32
    %dma_wait3A_119 = tpu.memref_slice %arg9[%dma_wait3A_117, %dma_wait3A_118] : memref<4096x768xf32, #tpu.memory_space<vmem>> -> memref<512x768xf32, #tpu.memory_space<vmem>>
    tpu.wait_dma2 semaphore(%arg16 : memref<!tpu.dma_semaphore, #tpu.memory_space<semaphore_mem>>) src(%dma_wait3A_119 : memref<512x768xf32, #tpu.memory_space<vmem>>) dst(%dma_wait3A_116 : memref<512x768xf32, #tpu.memory_space<any>>)
    %dma_wait3A_120 = arith.constant 1024 : i32
    %dma_wait3A_121 = arith.constant 0 : i32
    %dma_wait3A_122 = tpu.memref_slice %arg7[%dma_wait3A_120, %dma_wait3A_121] : memref<4096x768xf32, #tpu.memory_space<any>> -> memref<512x768xf32, #tpu.memory_space<any>>
    %dma_wait3A_123 = arith.constant 1024 : i32
    %dma_wait3A_124 = arith.constant 0 : i32
    %dma_wait3A_125 = tpu.memref_slice %arg9[%dma_wait3A_123, %dma_wait3A_124] : memref<4096x768xf32, #tpu.memory_space<vmem>> -> memref<512x768xf32, #tpu.memory_space<vmem>>
    tpu.wait_dma2 semaphore(%arg16 : memref<!tpu.dma_semaphore, #tpu.memory_space<semaphore_mem>>) src(%dma_wait3A_125 : memref<512x768xf32, #tpu.memory_space<vmem>>) dst(%dma_wait3A_122 : memref<512x768xf32, #tpu.memory_space<any>>)
    %dma_wait3A_126 = arith.constant 1536 : i32
    %dma_wait3A_127 = arith.constant 0 : i32
    %dma_wait3A_128 = tpu.memref_slice %arg7[%dma_wait3A_126, %dma_wait3A_127] : memref<4096x768xf32, #tpu.memory_space<any>> -> memref<512x768xf32, #tpu.memory_space<any>>
    %dma_wait3A_129 = arith.constant 1536 : i32
    %dma_wait3A_130 = arith.constant 0 : i32
    %dma_wait3A_131 = tpu.memref_slice %arg9[%dma_wait3A_129, %dma_wait3A_130] : memref<4096x768xf32, #tpu.memory_space<vmem>> -> memref<512x768xf32, #tpu.memory_space<vmem>>
    tpu.wait_dma2 semaphore(%arg16 : memref<!tpu.dma_semaphore, #tpu.memory_space<semaphore_mem>>) src(%dma_wait3A_131 : memref<512x768xf32, #tpu.memory_space<vmem>>) dst(%dma_wait3A_128 : memref<512x768xf32, #tpu.memory_space<any>>)
    %dma_wait3A_132 = arith.constant 2048 : i32
    %dma_wait3A_133 = arith.constant 0 : i32
    %dma_wait3A_134 = tpu.memref_slice %arg7[%dma_wait3A_132, %dma_wait3A_133] : memref<4096x768xf32, #tpu.memory_space<any>> -> memref<512x768xf32, #tpu.memory_space<any>>
    %dma_wait3A_135 = arith.constant 2048 : i32
    %dma_wait3A_136 = arith.constant 0 : i32
    %dma_wait3A_137 = tpu.memref_slice %arg9[%dma_wait3A_135, %dma_wait3A_136] : memref<4096x768xf32, #tpu.memory_space<vmem>> -> memref<512x768xf32, #tpu.memory_space<vmem>>
    tpu.wait_dma2 semaphore(%arg16 : memref<!tpu.dma_semaphore, #tpu.memory_space<semaphore_mem>>) src(%dma_wait3A_137 : memref<512x768xf32, #tpu.memory_space<vmem>>) dst(%dma_wait3A_134 : memref<512x768xf32, #tpu.memory_space<any>>)
    %dma_wait3A_138 = arith.constant 2560 : i32
    %dma_wait3A_139 = arith.constant 0 : i32
    %dma_wait3A_140 = tpu.memref_slice %arg7[%dma_wait3A_138, %dma_wait3A_139] : memref<4096x768xf32, #tpu.memory_space<any>> -> memref<512x768xf32, #tpu.memory_space<any>>
    %dma_wait3A_141 = arith.constant 2560 : i32
    %dma_wait3A_142 = arith.constant 0 : i32
    %dma_wait3A_143 = tpu.memref_slice %arg9[%dma_wait3A_141, %dma_wait3A_142] : memref<4096x768xf32, #tpu.memory_space<vmem>> -> memref<512x768xf32, #tpu.memory_space<vmem>>
    tpu.wait_dma2 semaphore(%arg16 : memref<!tpu.dma_semaphore, #tpu.memory_space<semaphore_mem>>) src(%dma_wait3A_143 : memref<512x768xf32, #tpu.memory_space<vmem>>) dst(%dma_wait3A_140 : memref<512x768xf32, #tpu.memory_space<any>>)
    %dma_wait3A_144 = arith.constant 3072 : i32
    %dma_wait3A_145 = arith.constant 0 : i32
    %dma_wait3A_146 = tpu.memref_slice %arg7[%dma_wait3A_144, %dma_wait3A_145] : memref<4096x768xf32, #tpu.memory_space<any>> -> memref<512x768xf32, #tpu.memory_space<any>>
    %dma_wait3A_147 = arith.constant 3072 : i32
    %dma_wait3A_148 = arith.constant 0 : i32
    %dma_wait3A_149 = tpu.memref_slice %arg9[%dma_wait3A_147, %dma_wait3A_148] : memref<4096x768xf32, #tpu.memory_space<vmem>> -> memref<512x768xf32, #tpu.memory_space<vmem>>
    tpu.wait_dma2 semaphore(%arg16 : memref<!tpu.dma_semaphore, #tpu.memory_space<semaphore_mem>>) src(%dma_wait3A_149 : memref<512x768xf32, #tpu.memory_space<vmem>>) dst(%dma_wait3A_146 : memref<512x768xf32, #tpu.memory_space<any>>)
    %dma_wait3A_150 = arith.constant 3584 : i32
    %dma_wait3A_151 = arith.constant 0 : i32
    %dma_wait3A_152 = tpu.memref_slice %arg7[%dma_wait3A_150, %dma_wait3A_151] : memref<4096x768xf32, #tpu.memory_space<any>> -> memref<512x768xf32, #tpu.memory_space<any>>
    %dma_wait3A_153 = arith.constant 3584 : i32
    %dma_wait3A_154 = arith.constant 0 : i32
    %dma_wait3A_155 = tpu.memref_slice %arg9[%dma_wait3A_153, %dma_wait3A_154] : memref<4096x768xf32, #tpu.memory_space<vmem>> -> memref<512x768xf32, #tpu.memory_space<vmem>>
    tpu.wait_dma2 semaphore(%arg16 : memref<!tpu.dma_semaphore, #tpu.memory_space<semaphore_mem>>) src(%dma_wait3A_155 : memref<512x768xf32, #tpu.memory_space<vmem>>) dst(%dma_wait3A_152 : memref<512x768xf32, #tpu.memory_space<any>>)
    return
  }
}

</mosaic_0001>

<sc_bundles>
// kernel: kernel.6.cloned.1.call-start
scs
__scs_entry_jumppad:
0x0: {  	(pc) =	sbr.rel $0x88, $3  }
0x1: {  	(tag) =	ssettag $0x0;
	lr =	simm.s32 $0x1  }
0x2: {  	[smem:$0x3F9C] =	sst lr;
	_ =	strace $0xD0000000  }
0x3: {  	_ = 	snop  }
0x4: {  	_ = 	snop  }
0x5: {  	_ = 	snop  }
0x6: {  	_ = 	snop  }
0x7: {  	_ = 	snop  }
__scs_overlays_trampoline_lowered:
0x8: {  	[smem:$0x3FAB] =	sst s0  }
0x9: {  	[smem:$0x3FAC] =	sst s1  }
0xa: {  	[smem:$0x3FAD] =	sst s2  }
0xb: {  	[smem:$0x3FAE] =	sst s3  }
0xc: {  	[smem:$0x3FAF] =	sst s4  }
0xd: {  	[smem:$0x3FB0] =	sst s5  }
0xe: {  	[smem:$0x3FB1] =	sst s6  }
0xf: {  	[smem:$0x3FB2] =	sst s7  }
0x10: {  	[smem:$0x3FB3] =	sst s8  }
0x11: {  	[smem:$0x3FB4] =	sst s9;
	s0 =	simm.s32 @!p0 $0x0  }
0x12: {  	s1 =	sld [smem:$0x3F9A];
	s0 =	simm.s32 @p0 $0x1  }
0x13: {  	[smem:$0x3FB5] =	sst s0;
	s0 =	simm.s32 @!p1 $0x0  }
0x14: {  	s2 =	sld [smem:$0x3F99];
	s0 =	simm.s32 @p1 $0x1  }
0x15: {  	[smem:$0x3FB6] =	sst s0;
	s0 =	simm.s32 @!p2 $0x0  }
0x16: {  	s3 =	sld [smem:$0x3FDB];
	s0 =	simm.s32 @p2 $0x1  }
0x17: {  	s4 =	simm.s32 $0x1BF5;
	[smem:$0x3FB8] =	sst s0  }
0x18: {  	s0 =	sld [smem:$0x3F9B];
	_ =	swait.ge [sflag:s4], $0x0  }
0x19: {  	s7 =	sld [smem:$0x3F9C]  }
0x1a: {  	s8 =	sadd.s32 $0xFFFFE003, lr  }
0x1b: {  	s9 =	sadd.s32 $0xFFFFFEF7, lr;
	s5 =	simm.s32 $0xFFFFFFFF;
	p2 =	slt.u32 s8, $0xFFFFF086  }
0x1c: {  	p1 =	slt.u32 s9, $0xF7A;
	s5 =	simm.s32 @!p2 $0x0  }
0x1d: {  	s5 =	simm.s32 @p1 $0x1;
	p0 =	seq.s32 s7, s2  }
0x1e: {  	s7 =	smul.u32 @!p0 $0xF7A, s2;
	p2 =	seq.s32 @!p0 s5, $0x0  }
0x1f: {  	s9 =	smul.u32 $0xF7A, s1;
	s8 =	simm.s32 @!p0 $0x1BF5;
	p2 =	por !p2, p0  }
0x20: {  	[sflag:s8] =	ssyncset.s32 @!p0 $0xFFFFF086;
	s6 =	sadd.s32 @!p0 s3, s7;
	s7 =	simm.s32 @!p0 $0x108  }
0x21: {  	s3 =	sadd.s32 s3, s9;
	s6 =	sadd.s32 @!p0 $0x88, s6;
	s7 =	simm.s32 @p2 $0x1082  }
0x22: {  	[simem:s7], [sflag:s8] =	dma.local @!p0 [hbm:s6], $0xF7A  }
0x23: {  	s9 =	sor.u32 $0xD0000000, s2;
	s6 =	simm.s32 $0x108;
	_ =	swait.ge @!p0 [sflag:s8], $0x0  }
0x24: {  	s3 =	sadd.s32 $0x88, s3;
	s6 =	simm.s32 @!p1 $0x1082;
	[sflag:s4] =	ssyncset.s32 $0xFFFFF086  }
0x25: {  	[simem:s6], [sflag:s4] =	dma.local [hbm:s3], $0xF7A  }
0x26: {  	[smem:$0x3F9C] =	sst s1;
	(tag) =	ssettag s2;
	_ =	strace s9  }
0x27: {  	s1 =	sld [smem:$0x3FAC]  }
0x28: {  	s2 =	sld [smem:$0x3FAD]  }
0x29: {  	s4 =	sld [smem:$0x3FAF]  }
0x2a: {  	p0 =	seq.s32 s5, $0x0;
	s5 =	sld [smem:$0x3FB0]  }
0x2b: {  	s6 =	sld [smem:$0x3FB1]  }
0x2c: {  	s7 =	sld [smem:$0x3FB2]  }
0x2d: {  	s3 =	simm.s32 $0x108;
	s8 =	sld [smem:$0x3FB3]  }
0x2e: {  	s3 =	simm.s32 @!p0 $0x1082;
	s9 =	sld [smem:$0x3FB4]  }
0x2f: {  	lr =	sadd.s32 s0, s3;
	s0 =	sld [smem:$0x3FAB]  }
0x30: {  	s3 =	sld [smem:$0x3FAE]  }
0x31: {  	[smem:$0x3FB7] =	sst s10  }
0x32: {  	s10 =	sld [smem:$0x3FB5];
	_ =	sdelay $0x3  }
0x33: {  	p0 =	seq.s32 s10, $0x1;
	s10 =	sld [smem:$0x3FB7];
	_ =	sdelay $0x3  }
0x34: {  	[smem:$0x3FB7] =	sst s10  }
0x35: {  	s10 =	sld [smem:$0x3FB6];
	_ =	sdelay $0x3  }
0x36: {  	p1 =	seq.s32 s10, $0x1;
	s10 =	sld [smem:$0x3FB7];
	_ =	sdelay $0x3  }
0x37: {  	[smem:$0x3FB7] =	sst s10  }
0x38: {  	s10 =	sld [smem:$0x3FB8]  }
0x39: {  	_ = 	snop;
	(pc) =	sbr.ind lr, $3  }
0x3a: {  	_ = 	snop  }
0x3b: {  	_ = 	snop  }
0x3c: {  	p2 =	seq.s32 s10, $0x1;
	s10 =	sld [smem:$0x3FB7]  }
0x3d: {  	_ =	shalt  }
0x3e: {  	_ =	shalt  }
0x3f: {  	_ =	shalt  }
0x40: {  	_ =	shalt  }
0x41: {  	_ =	shalt  }
0x42: {  	_ =	shalt  }
0x43: {  	_ =	shalt  }
0x44: {  	_ =	shalt  }
0x45: {  	_ =	shalt  }
0x46: {  	_ =	shalt  }
0x47: {  	_ =	shalt  }
0x48: {  	_ =	shalt  }
0x49: {  	_ =	shalt  }
0x4a: {  	_ =	shalt  }
0x4b: {  	_ =	shalt  }
0x4c: {  	_ =	shalt  }
0x4d: {  	_ =	shalt  }
0x4e: {  	_ =	shalt  }
0x4f: {  	_ =	shalt  }
0x50: {  	_ =	shalt  }
0x51: {  	_ =	shalt  }
0x52: {  	_ =	shalt  }
0x53: {  	_ =	shalt  }
0x54: {  	_ =	shalt  }
0x55: {  	_ =	shalt  }
0x56: {  	_ =	shalt  }
0x57: {  	_ =	shalt  }
0x58: {  	_ =	shalt  }
0x59: {  	_ =	shalt  }
0x5a: {  	_ =	shalt  }
0x5b: {  	_ =	shalt  }
0x5c: {  	_ =	shalt  }
0x5d: {  	_ =	shalt  }
0x5e: {  	_ =	shalt  }
0x5f: {  	_ =	shalt  }
0x60: {  	_ =	shalt  }
0x61: {  	_ =	shalt  }
0x62: {  	_ =	shalt  }
0x63: {  	_ =	shalt  }
0x64: {  	_ =	shalt  }
0x65: {  	_ =	shalt  }
0x66: {  	_ =	shalt  }
0x67: {  	_ =	shalt  }
0x68: {  	_ =	shalt  }
0x69: {  	_ =	shalt  }
0x6a: {  	_ =	shalt  }
0x6b: {  	_ =	shalt  }
0x6c: {  	_ =	shalt  }
0x6d: {  	_ =	shalt  }
0x6e: {  	_ =	shalt  }
0x6f: {  	_ =	shalt  }
0x70: {  	_ =	shalt  }
0x71: {  	_ =	shalt  }
0x72: {  	_ =	shalt  }
0x73: {  	_ =	shalt  }
0x74: {  	_ =	shalt  }
0x75: {  	_ =	shalt  }
0x76: {  	_ =	shalt  }
0x77: {  	_ =	shalt  }
0x78: {  	_ =	shalt  }
0x79: {  	_ =	shalt  }
0x7a: {  	_ =	shalt  }
0x7b: {  	_ =	shalt  }
0x7c: {  	_ =	shalt  }
0x7d: {  	_ =	shalt  }
0x7e: {  	_ =	shalt  }
0x7f: {  	_ =	shalt  }
0x80: {  	_ =	shalt  }
0x81: {  	_ =	shalt  }
0x82: {  	_ =	shalt  }
0x83: {  	_ =	shalt  }
0x84: {  	_ =	shalt  }
0x85: {  	_ =	shalt  }
0x86: {  	_ =	shalt  }
0x87: {  	_ =	shalt  }
.Lfunc_end0:
.L_simem_size_0:
called_computation_lowered:
.L_overlay_start_0:
0x88: {  	s2 =	sld [smem:$0x3FD9]  }
0x89: {  	s3 =	sld [smem:$0x3FFE];
	_ =	sdelay $0x1  }
0x8a: {  	s1 =	srdreg.scid  }
0x8b: {  	s0 =	sand.u32 $0x1, s1  }
0x8c: {  	s17 =	sshll.u32 s0, $0xA;
	s2 =	sadd.s32 s3, s2  }
0x8d: {  	s2 =	sadd.s32 s2, s17  }
0x8e: {  	[smem:$0x3FC3] =	sst s2  }
0x8f: {  	_ = 	snop  }
0x90: {  	s2 =	sld [smem:$0x3FC9]  }
0x91: {  	s18 =	sld [smem:$0x3FD0];
	(tm) =	ssettm $0x1  }
0x92: {  	s4 =	sld [smem:$0x3FFB];
	_ =	sdelay $0x3  }
0x93: {  	_ =	strace s4  }
0x94: {  	s4 =	sld [smem:$0x3FFC];
	_ =	sdelay $0x3  }
0x95: {  	_ =	strace s4  }
0x96: {  	s4 =	sld [smem:$0x3FFD];
	_ =	sdelay $0x3  }
0x97: {  	_ =	strace s4  }
0x98: {  	_ =	strace $0x8FFFFFFF  }
0x99: {  	s19 =	sld [smem:$0x3FDB];
	_ =	sdelay $0x1  }
0x9a: {  	s5 =	simm.s32 $_scs_section_size  }
0x9b: {  	s6 =	simm.s32 $_size__tile_overlayer_lowered;
	s7 =	simm.s32 $_tile_overlayer_lowered  }
0x9c: {  	s22 =	simm.s32 $0x1BFF;
	s21 =	sshll.u32 s7, $0x1;
	s4 =	sadd.s32 s5, s19  }
0x9d: {  	s8 =	simm.s32 $0x0;
	s20 =	sshll.u32 s6, $0x1;
	s6 =	sadd.s32 s21, s4  }
0x9e: {  	[timem:s8], [sflag:s22] =	dma.local [hbm:s6], s20  }
0x9f: {  	_ =	swait.ge [sflag:s22], s20  }
0xa0: {  	s5 =	ssub.s32 $0x0, s20;
	[sflag:s22] =	ssyncset.done $0x0  }
0xa1: {  	[sflag:s22] =	ssyncadd.s32 s5;
	_ =	sdelay $0x1  }
0xa2: {  	s23 =	simm.s32 $0x1B8B  }
0xa3: {  	_ =	swait.ge [sflag:s23], $0x1  }
0xa4: {  	[sflag:s23] =	ssyncset.done $0x0  }
0xa5: {  	s25 =	simm.s32 $0x1B8E;
	s24 =	sld [smem:$0x3FFE];
	[sflag:s23] =	ssyncadd.s32 $0xFFFFFFFF  }
0xa6: {  	s26 =	simm.s32 $execute0_lowered;
	[smem:$0x3FD2] =	sst s25  }
0xa7: {  	s6 =	sshll.u32 s26, $0x1;
	_ =	strace $0x80000046;
	[dreg:$0x1] =	wrdreg $0xFFFFFFFF  }
0xa8: {  	s28 =	simm.s32 $_size_execute0_lowered;
	s4 =	sadd.s32 s4, s6;
	[dreg:$0x0] =	wrdreg $0x0  }
0xa9: {  	s6 =	sshll.u32 s28, $0x1;
	[dreg:$0x2] =	wrdreg s4  }
0xaa: {  	[dreg:$0x3] =	wrdreg s6  }
0xab: {  	[dreg:$0x4] =	wrdreg $0xC0  }
0xac: {  	_ =	task [dreg:s8], $0x5FFFF  }
0xad: {  	[dreg:$0x1] =	wrdreg $0xFFFFFFFF  }
0xae: {  	[dreg:$0x0] =	wrdreg $0x60  }
0xaf: {  	[dreg:$0x2] =	wrdreg s18  }
0xb0: {  	[dreg:$0x3] =	wrdreg s24  }
0xb1: {  	[dreg:$0x4] =	wrdreg s2  }
0xb2: {  	[dreg:$0x5] =	wrdreg $0xCC000  }
0xb3: {  	[dreg:$0x6] =	wrdreg $0xCC400  }
0xb4: {  	[dreg:$0x7] =	wrdreg $0xCD400  }
0xb5: {  	[dreg:$0x8] =	wrdreg $0x9  }
0xb6: {  	_ =	task.clear_ibuf [dreg:s8], $0x9FFFF;
	_ =	strace $0x90000046  }
0xb7: {  	s29 =	simm.s32 $0x9;
	_ =	strace $0x80000050  }
0xb8: {  	_ =	swait.ge [sflag:s29], $0x1  }
0xb9: {  	[sflag:s29] =	ssyncadd.s32 $0xFFFFFFFF  }
0xba: {  	_ =	strace $0x90000050  }
0xbb: {  	_ =	sfence  }
0xbc: {  	s30 =	sld [smem:$0x0];
	_ =	sdelay $0x2  }
0xbd: {  	s31 =	sshll.u32 s1, $0xD;
	s1 =	sshrl.u32 s1, $0x2  }
0xbe: {  	s3 =	sand.u32 $0x4000, s31;
	s1 =	sadd.s32 s1, s30  }
0xbf: {  	s0 =	sor.u32 s3, s0;
	s1 =	sshll.u32 s1, $0x11  }
0xc0: {  	s0 =	sor.u32 s1, s0  }
0xc1: {  	s0 =	sadd.s32 $0x8F2B, s0  }
0xc2: {  	[sflag:s0] =	ssyncadd.remote.s32 $0x1  }
0xc3: {  	_ =	sfence.sel $0xFFFF  }
0xc4: {  	[dreg:$0x0] =	wrdreg $0xFFFFFFFF;
	(pc) =	sbr.abs _section_cstart, $3  }
0xc5: {  	[dreg:$0x1] =	wrdreg $0xFFFFFFFF  }
0xc6: {  	_ =	task.clear_ibuf [dreg:s8], $0x2FFFF;
	_ =	strace $0x9FFFFFFF  }
0xc7: {  	(tm) =	ssettm $0x7FFFFFFF  }
tec
execute0_lowered:
.L_overlay_start_1:
0x0: {  	(tag) =	ssettag $0x1  }
0x1: {  	s7 =	rddreg [dreg:$0x0]  }
0x2: {  	s3 =	rddreg [dreg:$0x1]  }
0x3: {  	s1 =	rddreg [dreg:$0x2]  }
0x4: {  	s18 =	rddreg [dreg:$0x3]  }
0x5: {  	s19 =	rddreg [dreg:$0x4]  }
0x6: {  	s20 =	rddreg [dreg:$0x5]  }
0x7: {  	s6 =	simm.s32 $0x0;
	s21 =	stileid.u32;
	s0 =	srdreg.scid  }
0x8: {  	[smem:$0x7FF] =	sst s6;
	s2 =	sadd.s32 $0xE00, s3;
	s4 =	sshll.u32 s21, $0x5  }
0x9: {  	s0 =	sand.u32 $0x1, s0;
	s8 =	sshll.u32 s21, $0x4;
	s5 =	sadd.s32 $0x60E00, s3  }
0xa: {  	_ =	strace $0x80000047;
	s4 =	sadd.s32 s4, s3;
	s9 =	ssub.s32 $0x2, s0  }
0xb: {  	[dreg:$0x7] =	wrdreg s5;
	s5 =	sadd.s32 s8, s3;
	s7 =	sadd.s32 s7, s8  }
0xc: {  	s3 =	sadd.s32 $0x61000, s3;
	[dreg:$0x9] =	wrdreg s7;
	s7 =	sshll.u32 s21, $0x8  }
0xd: {  	v0 =	vlaneseq.u32;
	s10 =	sshrl.u32 s9, $0x1;
	[dreg:$0x8] =	wrdreg s3;
	s26 =	sor.u32 $0x10, s7  }
0xe: {  	s3 =	ssub.s32 s9, s10;
	s9 =	sshll.u32 s21, $0x7;
	s16 =	sor.u32 $0x90, s7;
	v1 =	vor.u32 s26, v0  }
0xf: {  	s22 =	sor.u32 $0xA0, s7;
	v9 =	vor.u32 s16, v0;
	s16 =	sor.u32 $0x20, s9;
	v1 =	vand.u32 $0x71F, v1  }
0x10: {  	s31 =	sor.u32 $0x20, s7;
	v18 =	vor.u32 s22, v0;
	s22 =	sor.u32 $0x30, s9;
	[tilespmem:$0x1FE00] =	vst v1;
	v1 =	vor.u32 s16, v0  }
0x11: {  	s23 =	sor.u32 $0xB0, s7;
	v2 =	vor.u32 s31, v0;
	[tilespmem:$0x1FE10] =	vst v1;
	v1 =	vor.u32 s22, v0  }
0x12: {  	s24 =	sor.u32 $0xC0, s7;
	v19 =	vor.u32 s23, v0;
	s23 =	sor.u32 $0x40, s9;
	[tilespmem:$0x1FE20] =	vst v1;
	v1 =	vand.u32 $0x72F, v2  }
0x13: {  	s11 =	sor.u32 $0x30, s7;
	v20 =	vor.u32 s24, v0;
	s24 =	sor.u32 $0x50, s9;
	[tilespmem:$0x1FE30] =	vst v1;
	v1 =	vor.u32 s23, v0  }
0x14: {  	s12 =	sor.u32 $0x40, s7;
	v3 =	vor.u32 s11, v0;
	[tilespmem:$0x1FE40] =	vst v1;
	v1 =	vor.u32 s24, v0  }
0x15: {  	s13 =	sor.u32 $0x50, s7;
	v4 =	vor.u32 s12, v0;
	[tilespmem:$0x1FE50] =	vst v1;
	v1 =	vand.u32 $0x73F, v3  }
0x16: {  	s14 =	sor.u32 $0x60, s7;
	v5 =	vor.u32 s13, v0;
	[tilespmem:$0x1FE60] =	vst v1;
	v1 =	vand.u32 $0x74F, v4  }
0x17: {  	s25 =	sadd.s32 $0xA00, s5;
	s17 =	sor.u32 $0x70, s7;
	v6 =	vor.u32 s14, v0;
	[tilespmem:$0x1FE70] =	vst v1;
	v1 =	vand.u32 $0x75F, v5  }
0x18: {  	[dreg:$0xa] =	wrdreg s25;
	s25 =	sor.u32 $0xD0, s7;
	v7 =	vor.u32 s17, v0;
	[tilespmem:$0x1FE80] =	vst v1;
	v1 =	vand.u32 $0x76F, v6  }
0x19: {  	s15 =	sor.u32 $0x80, s7;
	v21 =	vor.u32 s25, v0;
	s25 =	sor.u32 $0x60, s9;
	[tilespmem:$0x1FE90] =	vst v1;
	v1 =	vand.u32 $0x77F, v7  }
0x1a: {  	v8 =	vor.u32 s15, v0;
	[tilespmem:$0x1FEA0] =	vst v1;
	v1 =	vor.u32 s25, v0  }
0x1b: {  	[tilespmem:$0x1FEB0] =	vst v1;
	v1 =	vand.u32 $0x78F, v8  }
0x1c: {  	[tilespmem:$0x1FEC0] =	vst v1;
	v1 =	vand.u32 $0x79F, v9  }
0x1d: {  	[tilespmem:$0x1FED0] =	vst v1;
	v1 =	vand.u32 $0x7AF, v18  }
0x1e: {  	[tilespmem:$0x1FEE0] =	vst v1;
	v1 =	vand.u32 $0x7BF, v19  }
0x1f: {  	[tilespmem:$0x1FEF0] =	vst v1;
	v1 =	vand.u32 $0x7CF, v20  }
0x20: {  	[tilespmem:$0x1FF00] =	vst v1;
	v1 =	vmov s21  }
0x21: {  	v2 =	vimm.s32 $0x0;
	vm0 =	veq.s32 v1, $0xF  }
0x22: {  	v2 =	vsel vm0, $0xFFFFFFFF, v2  }
0x23: {  	vm14 =	vgt.u32 v1, $0xD;
	[tilespmem:$0x1FF10] =	vst v2;
	v2 =	vimm.s32 $0x0  }
0x24: {  	v2 =	vsel vm14, $0xFFFFFFFF, v2  }
0x25: {  	vm15 =	vgt.u32 v1, $0xC;
	[tilespmem:$0x1FF20] =	vst v2;
	v2 =	vimm.s32 $0x0  }
0x26: {  	v2 =	vsel vm15, $0xFFFFFFFF, v2  }
0x27: {  	vm4 =	vgt.u32 v1, $0xB;
	[tilespmem:$0x1FF30] =	vst v2;
	v2 =	vimm.s32 $0x0  }
0x28: {  	v2 =	vsel vm4, $0xFFFFFFFF, v2  }
0x29: {  	s29 =	simm.s32 $0x6400;
	s30 =	simm.s32 $0x9C00;
	vm5 =	vgt.u32 v1, $0xA;
	[tilespmem:$0x1FF40] =	vst v2;
	v2 =	vimm.s32 $0x0  }
0x2a: {  	s28 =	simm.s32 $0xA400;
	p1 =	sne.s32 s0, $0x0;
	s5 =	sadd.s32 $0x61200, s5;
	v2 =	vsel vm5, $0xFFFFFFFF, v2  }
0x2b: {  	s8 =	simm.s32 $0xAC00;
	s4 =	sadd.s32 $0xC00, s4;
	[dreg:$0xd] =	wrdreg s5;
	vm6 =	vgt.u32 v1, $0x9;
	[tilespmem:$0x1FF50] =	vst v2;
	v2 =	vimm.s32 $0x0  }
0x2c: {  	s10 =	sadd.s32 s7, s19;
	[dreg:$0xe] =	wrdreg s4;
	s5 =	simm.s32 $0x2;
	v2 =	vsel vm6, $0xFFFFFFFF, v2  }
0x2d: {  	s4 =	simm.s32 $0x0;
	s26 =	sor.u32 $0xE0, s7;
	s31 =	sor.u32 $0xF0, s7;
	vm7 =	vgt.u32 v1, $0x8;
	[tilespmem:$0x1FF60] =	vst v2;
	v2 =	vimm.s32 $0x0  }
0x2e: {  	v10 =	vor.u32 s7, v0;
	s15 =	sor.u32 $0x10, s9;
	s14 =	sor.u32 $0x70, s9;
	s17 =	sshll.u32 s0, $0x7;
	v2 =	vsel vm7, $0xFFFFFFFF, v2  }
0x2f: {  	[dreg:$0xc] =	wrdreg s10;
	v22 =	vor.u32 s26, v0;
	s26 =	sshrl.u32 s7, $0x2;
	s13 =	sor.u32 s17, s7;
	vm8 =	vgt.u32 v1, $0x7;
	[tilespmem:$0x1FF70] =	vst v2;
	v2 =	vimm.s32 $0x0  }
0x30: {  	v63 =	vor.u32 s15, v0;
	s7 =	sadd.s32 s7, s20;
	v24 =	vor.u32 s14, v0;
	s14 =	simm.s32 $0x2400;
	s15 =	simm.s32 $0x2C00;
	v2 =	vsel vm8, $0xFFFFFFFF, v2  }
0x31: {  	v23 =	vor.u32 s31, v0;
	s31 =	sadd.s32 s26, s18;
	[dreg:$0x14] =	wrdreg s7;
	s16 =	sshrl.u32 s13, $0x3;
	vm9 =	vgt.u32 v1, $0x6;
	[tilespmem:$0x1FF80] =	vst v2;
	v2 =	vimm.s32 $0x0  }
0x32: {  	s17 =	sor.u32 $0x40, s13;
	s18 =	sor.u32 s0, s21;
	s0 =	simm.s32 $0x580;
	v2 =	vsel vm9, $0xFFFFFFFF, v2  }
0x33: {  	[dreg:$0xb] =	wrdreg s31;
	s7 =	smul.u32 $0x300, s16;
	s20 =	sshrl.u32 s17, $0x3;
	vm10 =	vgt.u32 v1, $0x5;
	[tilespmem:$0x1FF90] =	vst v2;
	v2 =	vimm.s32 $0x0  }
0x34: {  	s26 =	sadd.s32 s17, s19;
	s31 =	smax.u32 s3, $0x1;
	p0 =	sne.s32 s18, $0x0;
	v2 =	vsel vm10, $0xFFFFFFFF, v2  }
0x35: {  	v11 =	vor.u32 s9, v0;
	s3 =	simm.s32 $0x80;
	s16 =	simm.s32 $0x3400;
	[dreg:$0x12] =	wrdreg s26;
	vm11 =	vgt.u32 v1, $0x4;
	[tilespmem:$0x1FFA0] =	vst v2;
	v2 =	vimm.s32 $0x0  }
0x36: {  	[tilespmem:$0x1FDD0] =	vst v11;
	s18 =	simm.s32 $0x3C00;
	s22 =	smul.u32 $0x300, s20;
	[dreg:$0x13] =	wrdreg s31;
	v2 =	vsel vm11, $0xFFFFFFFF, v2  }
0x37: {  	v10 =	vand.u32 $0x70F, v10;
	s26 =	simm.s32 $0x5C00;
	s23 =	sadd.s32 s13, s19;
	s19 =	simm.s32 $0x4C00;
	vm12 =	vgt.u32 v1, $0x3;
	[tilespmem:$0x1FFB0] =	vst v2;
	v2 =	vimm.s32 $0x0  }
0x38: {  	v25 =	vimm.f32 $0.0e+00;
	v27 =	vor.u32 $0x10, v0;
	[tilespmem:$0x1FDE0] =	vst v10;
	s13 =	simm.s32 $0x9400;
	[dreg:$0xf] =	wrdreg s23;
	s24 =	sadd.s32 $0x100, s1;
	v2 =	vsel vm12, $0xFFFFFFFF, v2  }
0x39: {  	s1 =	sadd.s32 $0x200, s1;
	s23 =	simm.s32 $0x1;
	[dreg:$0x15] =	wrdreg s24;
	vm13 =	vgt.u32 v1, $0x2;
	vm14 =	vgt.u32 v1, $0x1;
	[tilespmem:$0x1FFC0] =	vst v2;
	v2 =	vimm.s32 $0x0  }
0x3a: {  	[tilespmem:$0x1FDF0] =	vst v63;
	[dreg:$0x16] =	wrdreg s1;
	s1 =	simm.s32 $0x600;
	s25 =	sadd.s32 s2, s7;
	vm15 =	veq.s32 v1, $0x0;
	v1 =	vimm.s32 $0x0;
	v2 =	vsel vm13, $0xFFFFFFFF, v2  }
0x3b: {  	v28 =	vor.u32 $0x20, v0;
	s24 =	simm.s32 $0x8C00;
	s2 =	sadd.s32 s2, s22;
	[dreg:$0x10] =	wrdreg s25;
	v1 =	vsel vm15, $0xFFFFFFFF, v1;
	[tilespmem:$0x1FFD0] =	vst v2;
	v2 =	vimm.s32 $0x0  }
0x3c: {  	v29 =	vor.u32 $0x30, v0;
	v21 =	vand.u32 $0x7DF, v21;
	s7 =	simm.s32 $0xC00;
	s22 =	simm.s32 $0x6C00;
	[dreg:$0x11] =	wrdreg s2;
	[tilespmem:$0x1FFF0] =	vst v1;
	v2 =	vsel vm14, $0xFFFFFFFF, v2  }
0x3d: {  	v26 =	vimm.s32 $0x0;
	v22 =	vand.u32 $0x7EF, v22;
	v23 =	vand.u32 $0x7FF, v23;
	s2 =	simm.s32 $0x680;
	s25 =	simm.s32 $0x7400;
	s21 =	simm.s32 $0x5400;
	[tilespmem:$0x1FFE0] =	vst v2  }
.LBB2_1:
0x3e: {  	[dreg:$0x17] =	wrdreg s4  }
0x3f: {  	_ =	strace $0x80000048  }
0x40: {  	s9 =	rddreg [dreg:$0x9]  }
0x41: {  	[tilespmem:s6], [sflag:$0x2] =	stream.linear.gather [hbm4b:s9+s6], $0x80, $0x200038;
	[tilespmem:$0xCE40] =	vst v63  }
0x42: {  	_ =	swait.ge [sflag:s5], $0x80  }
0x43: {  	[sflag:s5] =	ssyncset.done $0x0  }
0x44: {  	s20 =	rddreg [dreg:$0xa];
	[sflag:s5] =	ssyncadd.s32 $0xFFFFFF80  }
0x45: {  	[tilespmem:s3], [sflag:$0x2] =	stream.linear.gather [hbm4b:s20+s6], $0x80, $0x200038;
	[tilespmem:$0xCE40] =	vst v63  }
0x46: {  	_ =	swait.ge [sflag:s5], $0x80  }
0x47: {  	[sflag:s5] =	ssyncset.done $0x0  }
0x48: {  	[sflag:s5] =	ssyncadd.s32 $0xFFFFFF80  }
0x49: {  	_ =	strace $0x90000048  }
0x4a: {  	v1 =	vld [tilespmem:$0x1FDE0];
	_ =	sdelay $0x4  }
0x4b: {  	[tilespmem:$0x980] =	vst v1;
	v1 =	vld [tilespmem:$0x1FE00];
	_ =	sdelay $0x4  }
0x4c: {  	[tilespmem:$0x990] =	vst v1;
	v1 =	vld [tilespmem:$0x1FE30];
	_ =	sdelay $0x4  }
0x4d: {  	[tilespmem:$0x9A0] =	vst v1;
	v1 =	vld [tilespmem:$0x1FE60];
	_ =	sdelay $0x4  }
0x4e: {  	[tilespmem:$0x9B0] =	vst v1;
	v1 =	vld [tilespmem:$0x1FE70];
	_ =	sdelay $0x4  }
0x4f: {  	[tilespmem:$0x9C0] =	vst v1;
	v1 =	vld [tilespmem:$0x1FE80];
	_ =	sdelay $0x4  }
0x50: {  	[tilespmem:$0x9D0] =	vst v1;
	v1 =	vld [tilespmem:$0x1FE90];
	_ =	sdelay $0x4  }
0x51: {  	[tilespmem:$0x9E0] =	vst v1;
	v1 =	vld [tilespmem:$0x1FEA0];
	_ =	sdelay $0x4  }
0x52: {  	[tilespmem:$0x9F0] =	vst v1;
	v1 =	vld [tilespmem:$0x1FEC0];
	_ =	sdelay $0x4  }
0x53: {  	[tilespmem:$0xA00] =	vst v1;
	v1 =	vld [tilespmem:$0x1FED0];
	_ =	sdelay $0x4  }
0x54: {  	[tilespmem:$0xA10] =	vst v1;
	v1 =	vld [tilespmem:$0x1FEE0];
	_ =	sdelay $0x4  }
0x55: {  	[tilespmem:$0xA20] =	vst v1;
	v1 =	vld [tilespmem:$0x1FEF0];
	_ =	sdelay $0x4  }
0x56: {  	[tilespmem:$0xA30] =	vst v1;
	v1 =	vld [tilespmem:$0x1FF00];
	_ =	sdelay $0x4  }
0x57: {  	[tilespmem:$0xA40] =	vst v1;
	v1 =	vld [tilespmem:$0x1FDD0];
	_ =	sdelay $0x4  }
0x58: {  	[tilespmem:$0x880] =	vst v1;
	v1 =	vld [tilespmem:$0x1FDF0];
	_ =	sdelay $0x4  }
0x59: {  	[tilespmem:$0x890] =	vst v1;
	v1 =	vld [tilespmem:$0x1FE10]  }
0x5a: {  	[tilespmem:$0xA80] =	vst v25  }
0x5b: {  	[tilespmem:$0xA90] =	vst v25  }
0x5c: {  	[tilespmem:$0xAA0] =	vst v25  }
0x5d: {  	[tilespmem:$0xAB0] =	vst v25  }
0x5e: {  	[tilespmem:$0x8A0] =	vst v1;
	v1 =	vld [tilespmem:$0x1FE20]  }
0x5f: {  	[tilespmem:$0xAC0] =	vst v25  }
0x60: {  	[tilespmem:$0xAD0] =	vst v25  }
0x61: {  	[tilespmem:$0xAE0] =	vst v25  }
0x62: {  	[tilespmem:$0xAF0] =	vst v25  }
0x63: {  	[tilespmem:$0x8B0] =	vst v1;
	v1 =	vld [tilespmem:$0x1FE40]  }
0x64: {  	[tilespmem:$0xB00] =	vst v25  }
0x65: {  	[tilespmem:$0xB10] =	vst v25  }
0x66: {  	[tilespmem:$0xB20] =	vst v25  }
0x67: {  	[tilespmem:$0xB30] =	vst v25  }
0x68: {  	[tilespmem:$0x8C0] =	vst v1;
	v1 =	vld [tilespmem:$0x1FE50]  }
0x69: {  	[tilespmem:$0xB40] =	vst v25  }
0x6a: {  	[tilespmem:$0xA50] =	vst v21  }
0x6b: {  	[tilespmem:$0xB50] =	vst v25  }
0x6c: {  	[tilespmem:$0xA60] =	vst v22  }
0x6d: {  	[tilespmem:$0x8D0] =	vst v1;
	v1 =	vld [tilespmem:$0x1FEB0]  }
0x6e: {  	[tilespmem:$0xB60] =	vst v25  }
0x6f: {  	[tilespmem:$0xA70] =	vst v23  }
0x70: {  	[tilespmem:$0xB70] =	vst v25  }
0x71: {  	[tilespmem:$0x8F0] =	vst v24  }
0x72: {  	[tilespmem:$0x8E0] =	vst v1  }
0x73: {  	s31 =	simm.s32 $0x0;
	_ =	strace $0x80000049  }
0x74: {  	v1 =	vld [tilespmem:s31+$0x0];
	_ =	sdelay $0x4  }
0x75: {  	v2 =	vbroadcast v1, $0xE  }
0x76: {  	v3 =	vbroadcast v1, $0xF;
	v4 =	vbroadcast v1, $0xC  }
0x77: {  	v5 =	vbroadcast v1, $0xD;
	v6 =	vbroadcast v1, $0xA  }
0x78: {  	v7 =	vbroadcast v1, $0xB;
	v8 =	vbroadcast v1, $0x8  }
0x79: {  	v9 =	vbroadcast v1, $0x9;
	v45 =	vbroadcast v1, $0x6  }
0x7a: {  	v46 =	vbroadcast v1, $0x7;
	v47 =	vbroadcast v1, $0x4  }
0x7b: {  	v54 =	vbroadcast v1, $0x5;
	v10 =	vbroadcast v1, $0x2  }
0x7c: {  	v11 =	vbroadcast v1, $0x3;
	v12 =	vbroadcast v1, $0x0  }
0x7d: {  	v13 =	vbroadcast v1, $0x1;
	v1 =	vimm.s32 $0x0;
	vm1 =	veq.s32 v4, v28  }
0x7e: {  	vm0 =	veq.s32 v3, v0;
	v1 =	vsel vm1, $0xFFFFFFFF, v1  }
0x7f: {  	v50 =	vsel vm0, $0x1, v26;
	vm0 =	veq.s32 v7, v27;
	[tilespmem:$0x1FD20] =	vst v1;
	v1 =	vimm.s32 $0x0  }
0x80: {  	vm2 =	veq.s32 v3, v27;
	v1 =	vsel vm0, $0xFFFFFFFF, v1  }
0x81: {  	v30 =	vsel vm2, $0x1, v26;
	vm2 =	veq.s32 v6, v0;
	[tilespmem:$0x1FD30] =	vst v1;
	v1 =	vimm.s32 $0x0  }
0x82: {  	vm4 =	veq.s32 v2, v0;
	v1 =	vsel vm2, $0xFFFFFFFF, v1  }
0x83: {  	v52 =	vsel vm4, $0x1, v26;
	vm4 =	veq.s32 v6, v29;
	[tilespmem:$0x1FD40] =	vst v1;
	v1 =	vimm.s32 $0x0  }
0x84: {  	v1 =	vsel vm4, $0xFFFFFFFF, v1  }
0x85: {  	vm3 =	veq.s32 v3, v28;
	vm5 =	veq.s32 v2, v27;
	vm6 =	veq.s32 v3, v29;
	[tilespmem:$0x1FD60] =	vst v1;
	v1 =	vld [tilespmem:$0x1FD20]  }
0x86: {  	vm7 =	veq.s32 v5, v0;
	vm8 =	veq.s32 v2, v28;
	vm9 =	veq.s32 v2, v29  }
0x87: {  	vm10 =	veq.s32 v5, v27;
	vm11 =	veq.s32 v5, v28;
	vm12 =	veq.s32 v5, v29  }
0x88: {  	vm13 =	veq.s32 v4, v0;
	vm14 =	veq.s32 v4, v27;
	vm15 =	veq.s32 v6, v27  }
0x89: {  	vm1 =	veq.s32 v7, v0;
	v31 =	vsel vm3, $0x1, v26;
	vm3 =	veq.s32 v7, v28  }
0x8a: {  	v32 =	vsel vm6, $0x1, v26;
	v62 =	vsel vm1, $0x1, v26;
	vm1 =	vnez.u8 v1;
	v1 =	vld [tilespmem:$0x1FD30]  }
0x8b: {  	v34 =	vsel vm5, $0x1, v26;
	v35 =	vsel vm8, $0x1, v26;
	vm8 =	veq.s32 v6, v28  }
0x8c: {  	v33 =	vsel vm9, $0x1, v26;
	v57 =	vsel vm7, $0x1, v26;
	v36 =	vsel vm10, $0x1, v26  }
0x8d: {  	vm5 =	veq.s32 v9, v27;
	v37 =	vsel vm11, $0x1, v26;
	vm2 =	veq.s32 v7, v29  }
0x8e: {  	vm9 =	veq.s32 v9, v28;
	v61 =	vsel vm13, $0x1, v26;
	v44 =	vsel vm2, $0x1, v26  }
0x8f: {  	vm2 =	veq.s32 v46, v29;
	vm10 =	vnez.u8 v1;
	v1 =	vimm.s32 $0x0  }
0x90: {  	vm6 =	veq.s32 v8, v0;
	v39 =	vsel vm14, $0x1, v26;
	v1 =	vsel vm2, $0xFFFFFFFF, v1  }
0x91: {  	vm11 =	veq.s32 v8, v27;
	v38 =	vsel vm12, $0x1, v26;
	vm7 =	veq.s32 v9, v29;
	[tilespmem:$0x1FD90] =	vst v1;
	v1 =	vld [tilespmem:$0x1FD40]  }
0x92: {  	vm12 =	veq.s32 v46, v0;
	vm13 =	veq.s32 v46, v27;
	vm14 =	veq.s32 v46, v28  }
0x93: {  	v48 =	vsel vm15, $0x1, v26;
	vm15 =	veq.s32 v45, v29;
	v43 =	vsel vm3, $0x1, v26  }
0x94: {  	v49 =	vsel vm8, $0x1, v26;
	v53 =	vsel vm5, $0x1, v26;
	v55 =	vsel vm9, $0x1, v26  }
0x95: {  	v56 =	vsel vm7, $0x1, v26;
	vm3 =	veq.s32 v54, v28;
	v58 =	vsel vm11, $0x1, v26  }
0x96: {  	v63 =	vsel vm13, $0x1, v26;
	vm5 =	veq.s32 v11, v28;
	vm2 =	vnez.u8 v1  }
0x97: {  	v1 =	vimm.s32 $0x0;
	v3 =	vsel vm2, $0x1, v26;
	vm2 =	veq.s32 v45, v0  }
0x98: {  	vm7 =	veq.s32 v11, v29;
	vm8 =	veq.s32 v10, v28;
	v1 =	vsel vm2, $0xFFFFFFFF, v1  }
0x99: {  	vm0 =	veq.s32 v4, v29;
	vm2 =	veq.s32 v45, v27;
	[tilespmem:$0x1FDA0] =	vst v1;
	v1 =	vimm.s32 $0x0  }
0x9a: {  	vm11 =	veq.s32 v13, v27;
	v41 =	vsel vm0, $0x1, v26;
	v1 =	vsel vm2, $0xFFFFFFFF, v1  }
0x9b: {  	vm0 =	veq.s32 v8, v29;
	vm2 =	veq.s32 v45, v28;
	[tilespmem:$0x1FDB0] =	vst v1;
	v1 =	vimm.s32 $0x0  }
0x9c: {  	vm9 =	veq.s32 v13, v29;
	v60 =	vsel vm0, $0x1, v26;
	v1 =	vsel vm2, $0xFFFFFFFF, v1  }
0x9d: {  	vm0 =	veq.s32 v10, v0;
	vm2 =	veq.s32 v54, v27;
	[tilespmem:$0x1FDC0] =	vst v1;
	v1 =	vimm.s32 $0x0  }
0x9e: {  	vm13 =	veq.s32 v12, v27;
	v5 =	vsel vm0, $0x1, v26;
	v1 =	vsel vm2, $0xFFFFFFFF, v1  }
0x9f: {  	vm0 =	veq.s32 v11, v0;
	v46 =	vimm.s32 $0x0;
	vm4 =	veq.s32 v9, v0;
	[tilespmem:$0x1FD50] =	vst v1;
	v1 =	vld [tilespmem:$0x1FD60]  }
0xa0: {  	v6 =	vsel vm0, $0x1, v26;
	v7 =	vsel vm4, $0x1, v26;
	vm4 =	veq.s32 v11, v27  }
0xa1: {  	v40 =	vsel vm1, $0x1, v26;
	vm1 =	veq.s32 v8, v28;
	v8 =	vsel vm6, $0x1, v26  }
0xa2: {  	vm6 =	veq.s32 v47, v0;
	v59 =	vsel vm1, $0x1, v26;
	vm1 =	veq.s32 v47, v28  }
0xa3: {  	v9 =	vsel vm6, $0x1, v26;
	v42 =	vsel vm10, $0x1, v26;
	vm10 =	veq.s32 v54, v0  }
0xa4: {  	vm6 =	veq.s32 v10, v27;
	v11 =	vsel vm10, $0x1, v26;
	vm2 =	vnez.u8 v1  }
0xa5: {  	v1 =	vimm.s32 $0x0;
	v51 =	vsel vm2, $0x1, v26;
	vm2 =	veq.s32 v12, v0  }
0xa6: {  	v1 =	vsel vm3, $0xFFFFFFFF, v1;
	vm3 =	veq.s32 v13, v0;
	v2 =	vsel vm2, $0x1, v26  }
0xa7: {  	vm10 =	veq.s32 v10, v29;
	v4 =	vsel vm3, $0x1, v26;
	v19 =	vadd.s32 v2, v26;
	v2 =	vld [tilespmem:$0x1FD90]  }
0xa8: {  	v10 =	vld [tilespmem:$0x1FDA0];
	v45 =	vimm.s32 $0x0;
	vm2 =	veq.s32 v54, v29;
	v4 =	vadd.s32 v4, v19  }
0xa9: {  	[tilespmem:$0x1FD70] =	vst v1;
	v1 =	vimm.s32 $0x0;
	v54 =	vsel vm12, $0x1, v26;
	v5 =	vadd.s32 v5, v4;
	v4 =	vld [tilespmem:$0x1FDB0]  }
0xaa: {  	vm3 =	veq.s32 v47, v29;
	vm12 =	veq.s32 v13, v28;
	v6 =	vadd.s32 v6, v5;
	v5 =	vld [tilespmem:$0x1FDC0]  }
0xab: {  	v1 =	vsel vm2, $0xFFFFFFFF, v1;
	vm2 =	veq.s32 v47, v27;
	v47 =	vimm.s32 $0x0  }
0xac: {  	[tilespmem:$0x1FD80] =	vst v1;
	v1 =	vsel vm14, $0x1, v26;
	vm14 =	veq.s32 v12, v29;
	vm0 =	vnez.u8 v2  }
0xad: {  	v9 =	vadd.s32 v9, v6;
	v2 =	vsel vm0, $0x1, v26;
	vm0 =	vnez.u8 v10  }
0xae: {  	v6 =	vsel vm15, $0x1, v26;
	v10 =	vsel vm0, $0x1, v26;
	vm0 =	vnez.u8 v4  }
0xaf: {  	v9 =	vadd.s32 v11, v9;
	v4 =	vsel vm0, $0x1, v26;
	vm0 =	vnez.u8 v5  }
0xb0: {  	s9 =	simm.s32 $0x40;
	vm15 =	veq.s32 v12, v28;
	v9 =	vadd.s32 v10, v9;
	v5 =	vsel vm0, $0x1, v26  }
.LBB2_2:
0xb1: {  	v9 =	vadd.s32 v54, v9;
	v12 =	vsel vm2, $0x1, v26;
	v14 =	vsel vm3, $0x1, v26  }
0xb2: {  	v10 =	vld [tilespmem:$0x1FD50];
	v15 =	vsel vm5, $0x1, v26;
	v16 =	vsel vm7, $0x1, v26;
	v17 =	vsel vm10, $0x1, v26  }
0xb3: {  	v18 =	vsel vm12, $0x1, v26;
	v19 =	vsel vm9, $0x1, v26;
	v20 =	vsel vm14, $0x1, v26  }
0xb4: {  	v11 =	vld [tilespmem:$0x1FD70];
	v8 =	vadd.s32 v8, v9;
	v9 =	vsel vm1, $0x1, v26;
	v20 =	vadd.s32 v20, v46  }
0xb5: {  	v7 =	vadd.s32 v7, v8;
	v8 =	vsel vm4, $0x1, v26;
	v19 =	vadd.s32 v19, v20  }
0xb6: {  	v3 =	vadd.s32 v3, v7;
	v7 =	vsel vm6, $0x1, v26;
	v17 =	vadd.s32 v17, v19  }
0xb7: {  	v13 =	vld [tilespmem:$0x1FD80];
	v3 =	vadd.s32 v62, v3;
	v62 =	vsel vm8, $0x1, v26;
	vm0 =	vnez.u8 v10  }
0xb8: {  	v3 =	vadd.s32 v61, v3;
	v61 =	vsel vm11, $0x1, v26;
	v10 =	vsel vm0, $0x1, v26  }
0xb9: {  	vm0 =	vnez.u8 v11;
	v3 =	vadd.s32 v57, v3;
	v57 =	vsel vm13, $0x1, v26  }
0xba: {  	v11 =	vsel vm0, $0x1, v26;
	v3 =	vadd.s32 v52, v3;
	v52 =	vsel vm15, $0x1, v26  }
0xbb: {  	v54 =	vadd.s32 v50, v3;
	v3 =	vadd.s32 v57, v47;
	v45 =	vadd.s32 v52, v45  }
0xbc: {  	vm0 =	vnez.u8 v13;
	v3 =	vadd.s32 v61, v3;
	v18 =	vadd.s32 v18, v45  }
0xbd: {  	v13 =	vsel vm0, $0x1, v26;
	v3 =	vadd.s32 v7, v3;
	v7 =	vadd.s32 v62, v18  }
0xbe: {  	v3 =	vadd.s32 v8, v3;
	v7 =	vadd.s32 v15, v7;
	v8 =	vadd.s32 v16, v17  }
0xbf: {  	v3 =	vadd.s32 v12, v3;
	v7 =	vadd.s32 v9, v7;
	v8 =	vadd.s32 v14, v8  }
0xc0: {  	v3 =	vadd.s32 v10, v3;
	v7 =	vadd.s32 v11, v7;
	v8 =	vadd.s32 v13, v8  }
0xc1: {  	v3 =	vadd.s32 v4, v3;
	v4 =	vadd.s32 v5, v7;
	v5 =	vadd.s32 v6, v8  }
0xc2: {  	v2 =	vadd.s32 v2, v5  }
0xc3: {  	v2 =	vadd.s32 v60, v2  }
0xc4: {  	s10 =	sshra.s32 s9, $0x2;
	v1 =	vadd.s32 v1, v4;
	v2 =	vadd.s32 v56, v2  }
0xc5: {  	v4 =	vld [tilespmem:s10+$0x0];
	v1 =	vadd.s32 v59, v1;
	v2 =	vadd.s32 v51, v2  }
0xc6: {  	v1 =	vadd.s32 v55, v1;
	v2 =	vadd.s32 v44, v2  }
0xc7: {  	v1 =	vadd.s32 v49, v1;
	v2 =	vadd.s32 v41, v2  }
0xc8: {  	v61 =	vimm.s32 $0x0;
	v1 =	vadd.s32 v43, v1;
	v2 =	vadd.s32 v38, v2  }
0xc9: {  	v62 =	vimm.s32 $0x0;
	v1 =	vadd.s32 v40, v1;
	v2 =	vadd.s32 v33, v2  }
0xca: {  	v1 =	vadd.s32 v37, v1;
	v46 =	vadd.s32 v32, v2;
	v2 =	vbroadcast v4, $0xF  }
0xcb: {  	v3 =	vadd.s32 v63, v3;
	v60 =	vimm.s32 $0x0;
	v1 =	vadd.s32 v35, v1  }
0xcc: {  	v45 =	vadd.s32 v31, v1;
	v1 =	vbroadcast v4, $0xE;
	vm0 =	veq.s32 v2, v27  }
0xcd: {  	v63 =	vimm.s32 $0x0;
	v17 =	vsel vm0, $0xFFFFFFFF, v60;
	vm0 =	veq.s32 v2, v28  }
0xce: {  	v5 =	vbroadcast v4, $0xD;
	[tilespmem:$0x1FA50] =	vst v17;
	v17 =	vsel vm0, $0xFFFFFFFF, v61;
	vm0 =	veq.s32 v1, v0  }
0xcf: {  	vm2 =	veq.s32 v2, v0;
	[tilespmem:$0x1FA70] =	vst v17;
	v17 =	vsel vm0, $0xFFFFFFFF, v62;
	vm0 =	veq.s32 v1, v27  }
0xd0: {  	[tilespmem:$0x1FA60] =	vst v17;
	v17 =	vsel vm0, $0xFFFFFFFF, v63;
	vm0 =	veq.s32 v2, v29;
	v2 =	vimm.s32 $0x0  }
0xd1: {  	v2 =	vsel vm0, $0xFFFFFFFF, v2  }
0xd2: {  	v3 =	vadd.s32 v58, v3;
	vm0 =	veq.s32 v5, v0;
	[tilespmem:$0x1FA80] =	vst v2;
	v2 =	vimm.s32 $0x0  }
0xd3: {  	v3 =	vadd.s32 v53, v3;
	v2 =	vsel vm0, $0xFFFFFFFF, v2  }
0xd4: {  	v3 =	vadd.s32 v48, v3;
	vm0 =	veq.s32 v1, v28;
	[tilespmem:$0x1FAC0] =	vst v2;
	v2 =	vimm.s32 $0x0  }
0xd5: {  	v2 =	vsel vm0, $0xFFFFFFFF, v2;
	vm0 =	veq.s32 v1, v29;
	v1 =	vimm.s32 $0x0  }
0xd6: {  	v3 =	vadd.s32 v42, v3;
	v1 =	vsel vm0, $0xFFFFFFFF, v1  }
0xd7: {  	v3 =	vadd.s32 v39, v3;
	vm0 =	veq.s32 v5, v27;
	[tilespmem:$0x1FAB0] =	vst v1;
	v1 =	vimm.s32 $0x0  }
0xd8: {  	v3 =	vadd.s32 v36, v3;
	v1 =	vsel vm0, $0xFFFFFFFF, v1  }
0xd9: {  	v3 =	vadd.s32 v34, v3;
	vm0 =	veq.s32 v5, v28;
	[tilespmem:$0x1FAD0] =	vst v1;
	v1 =	vimm.s32 $0x0  }
0xda: {  	v47 =	vadd.s32 v30, v3;
	v1 =	vsel vm0, $0xFFFFFFFF, v1  }
0xdb: {  	v3 =	vbroadcast v4, $0xC;
	vm0 =	veq.s32 v5, v29;
	[tilespmem:$0x1FAE0] =	vst v1;
	v1 =	vimm.s32 $0x0  }
0xdc: {  	v1 =	vsel vm0, $0xFFFFFFFF, v1  }
0xdd: {  	vm0 =	veq.s32 v3, v0;
	[tilespmem:$0x1FB10] =	vst v1;
	v1 =	vimm.s32 $0x0  }
0xde: {  	v1 =	vsel vm0, $0xFFFFFFFF, v1  }
0xdf: {  	vm0 =	veq.s32 v3, v27;
	[tilespmem:$0x1FAF0] =	vst v1;
	v1 =	vimm.s32 $0x0  }
0xe0: {  	v1 =	vsel vm0, $0xFFFFFFFF, v1  }
0xe1: {  	v7 =	vbroadcast v4, $0xB;
	vm0 =	veq.s32 v3, v28;
	[tilespmem:$0x1FB00] =	vst v1;
	v1 =	vimm.s32 $0x0  }
0xe2: {  	v1 =	vsel vm0, $0xFFFFFFFF, v1  }
0xe3: {  	vm0 =	veq.s32 v7, v0;
	[tilespmem:$0x1FB30] =	vst v1;
	v1 =	vimm.s32 $0x0  }
0xe4: {  	v1 =	vsel vm0, $0xFFFFFFFF, v1  }
0xe5: {  	vm0 =	veq.s32 v7, v27;
	[tilespmem:$0x1FB20] =	vst v1;
	v1 =	vimm.s32 $0x0  }
0xe6: {  	v1 =	vsel vm0, $0xFFFFFFFF, v1  }
0xe7: {  	v6 =	vbroadcast v4, $0xA;
	vm0 =	veq.s32 v3, v29;
	[tilespmem:$0x1FB50] =	vst v1;
	v1 =	vimm.s32 $0x0  }
0xe8: {  	v1 =	vsel vm0, $0xFFFFFFFF, v1  }
0xe9: {  	vm0 =	veq.s32 v6, v0;
	[tilespmem:$0x1FB40] =	vst v1;
	v1 =	vimm.s32 $0x0  }
0xea: {  	v1 =	vsel vm0, $0xFFFFFFFF, v1  }
0xeb: {  	vm0 =	veq.s32 v7, v28;
	[tilespmem:$0x1FB80] =	vst v1;
	v1 =	vimm.s32 $0x0  }
0xec: {  	v1 =	vsel vm0, $0xFFFFFFFF, v1  }
0xed: {  	vm0 =	veq.s32 v7, v29;
	[tilespmem:$0x1FB60] =	vst v1;
	v1 =	vimm.s32 $0x0  }
0xee: {  	v1 =	vsel vm0, $0xFFFFFFFF, v1  }
0xef: {  	vm0 =	veq.s32 v6, v28;
	[tilespmem:$0x1FB70] =	vst v1;
	v1 =	vimm.s32 $0x0  }
0xf0: {  	v1 =	vsel vm0, $0xFFFFFFFF, v1  }
0xf1: {  	v9 =	vbroadcast v4, $0x9;
	vm0 =	veq.s32 v6, v29;
	[tilespmem:$0x1FB90] =	vst v1;
	v1 =	vimm.s32 $0x0  }
0xf2: {  	v1 =	vsel vm0, $0xFFFFFFFF, v1  }
0xf3: {  	vm0 =	veq.s32 v9, v0;
	[tilespmem:$0x1FBC0] =	vst v1;
	v1 =	vimm.s32 $0x0  }
0xf4: {  	v1 =	vsel vm0, $0xFFFFFFFF, v1  }
0xf5: {  	vm0 =	veq.s32 v9, v27;
	[tilespmem:$0x1FBA0] =	vst v1;
	v1 =	vimm.s32 $0x0  }
0xf6: {  	v1 =	vsel vm0, $0xFFFFFFFF, v1  }
0xf7: {  	v8 =	vbroadcast v4, $0x8;
	vm0 =	veq.s32 v9, v28;
	[tilespmem:$0x1FBB0] =	vst v1;
	v1 =	vimm.s32 $0x0  }
0xf8: {  	v1 =	vsel vm0, $0xFFFFFFFF, v1  }
0xf9: {  	vm0 =	veq.s32 v8, v0;
	[tilespmem:$0x1FBE0] =	vst v1;
	v1 =	vimm.s32 $0x0  }
0xfa: {  	v1 =	vsel vm0, $0xFFFFFFFF, v1  }
0xfb: {  	vm0 =	veq.s32 v8, v27;
	[tilespmem:$0x1FBD0] =	vst v1;
	v1 =	vimm.s32 $0x0  }
0xfc: {  	v1 =	vsel vm0, $0xFFFFFFFF, v1  }
0xfd: {  	v11 =	vbroadcast v4, $0x7;
	vm0 =	veq.s32 v9, v29;
	[tilespmem:$0x1FC10] =	vst v1;
	v1 =	vimm.s32 $0x0  }
0xfe: {  	v1 =	vsel vm0, $0xFFFFFFFF, v1  }
0xff: {  	vm0 =	veq.s32 v11, v0;
	[tilespmem:$0x1FBF0] =	vst v1;
	v1 =	vimm.s32 $0x0  }
0x100: {  	v1 =	vsel vm0, $0xFFFFFFFF, v1  }
0x101: {  	vm0 =	veq.s32 v8, v28;
	[tilespmem:$0x1FC70] =	vst v1;
	v1 =	vimm.s32 $0x0  }
0x102: {  	v1 =	vsel vm0, $0xFFFFFFFF, v1  }
0x103: {  	vm0 =	veq.s32 v8, v29;
	[tilespmem:$0x1FC30] =	vst v1;
	v1 =	vimm.s32 $0x0  }
0x104: {  	v1 =	vsel vm0, $0xFFFFFFFF, v1  }
0x105: {  	vm0 =	veq.s32 v11, v27;
	[tilespmem:$0x1FC50] =	vst v1;
	v1 =	vimm.s32 $0x0  }
0x106: {  	v1 =	vsel vm0, $0xFFFFFFFF, v1  }
0x107: {  	vm0 =	veq.s32 v11, v28;
	[tilespmem:$0x1FC90] =	vst v1;
	v1 =	vimm.s32 $0x0  }
0x108: {  	v1 =	vsel vm0, $0xFFFFFFFF, v1  }
0x109: {  	v10 =	vbroadcast v4, $0x6;
	vm0 =	veq.s32 v11, v29;
	[tilespmem:$0x1FCB0] =	vst v1;
	v1 =	vimm.s32 $0x0  }
0x10a: {  	v1 =	vsel vm0, $0xFFFFFFFF, v1  }
0x10b: {  	vm0 =	veq.s32 v10, v0;
	[tilespmem:$0x1FCD0] =	vst v1;
	v1 =	vimm.s32 $0x0  }
0x10c: {  	v1 =	vsel vm0, $0xFFFFFFFF, v1  }
0x10d: {  	vm0 =	veq.s32 v10, v27;
	[tilespmem:$0x1FCE0] =	vst v1;
	v1 =	vimm.s32 $0x0  }
0x10e: {  	v1 =	vsel vm0, $0xFFFFFFFF, v1  }
0x10f: {  	v56 =	vbroadcast v4, $0x5;
	vm0 =	veq.s32 v10, v28;
	[tilespmem:$0x1FCF0] =	vst v1;
	v1 =	vimm.s32 $0x0  }
0x110: {  	v1 =	vsel vm0, $0xFFFFFFFF, v1  }
0x111: {  	vm0 =	veq.s32 v56, v0;
	[tilespmem:$0x1FD00] =	vst v1;
	v1 =	vimm.s32 $0x0  }
0x112: {  	v1 =	vsel vm0, $0xFFFFFFFF, v1  }
0x113: {  	vm0 =	veq.s32 v56, v27;
	[tilespmem:$0x1FCC0] =	vst v1;
	v1 =	vimm.s32 $0x0  }
0x114: {  	v1 =	vsel vm0, $0xFFFFFFFF, v1  }
0x115: {  	v55 =	vbroadcast v4, $0x4;
	vm0 =	veq.s32 v10, v29;
	[tilespmem:$0x1FD50] =	vst v1;
	v1 =	vimm.s32 $0x0  }
0x116: {  	v1 =	vsel vm0, $0xFFFFFFFF, v1  }
0x117: {  	vm0 =	veq.s32 v55, v0;
	[tilespmem:$0x1FD10] =	vst v1;
	v1 =	vimm.s32 $0x0  }
0x118: {  	v1 =	vsel vm0, $0xFFFFFFFF, v1  }
0x119: {  	vm0 =	veq.s32 v56, v28;
	[tilespmem:$0x1FCA0] =	vst v1;
	v1 =	vimm.s32 $0x0  }
0x11a: {  	v1 =	vsel vm0, $0xFFFFFFFF, v1  }
0x11b: {  	vm0 =	veq.s32 v56, v29;
	[tilespmem:$0x1FD70] =	vst v1;
	v1 =	vimm.s32 $0x0  }
0x11c: {  	v1 =	vsel vm0, $0xFFFFFFFF, v1  }
0x11d: {  	vm0 =	veq.s32 v55, v27;
	[tilespmem:$0x1FD80] =	vst v1;
	v1 =	vimm.s32 $0x0  }
0x11e: {  	v1 =	vsel vm0, $0xFFFFFFFF, v1  }
0x11f: {  	vm0 =	veq.s32 v55, v28;
	[tilespmem:$0x1FC20] =	vst v1;
	v1 =	vimm.s32 $0x0  }
0x120: {  	v1 =	vsel vm0, $0xFFFFFFFF, v1  }
0x121: {  	v58 =	vbroadcast v4, $0x3;
	vm0 =	veq.s32 v55, v29;
	[tilespmem:$0x1FC00] =	vst v1;
	v1 =	vimm.s32 $0x0  }
0x122: {  	v1 =	vsel vm0, $0xFFFFFFFF, v1  }
0x123: {  	v57 =	vbroadcast v4, $0x2;
	vm0 =	veq.s32 v58, v0;
	[tilespmem:$0x1FC40] =	vst v1;
	v1 =	vimm.s32 $0x0  }
0x124: {  	v1 =	vsel vm0, $0xFFFFFFFF, v1  }
0x125: {  	vm0 =	veq.s32 v57, v0;
	[tilespmem:$0x1FC80] =	vst v1;
	v1 =	vimm.s32 $0x0  }
0x126: {  	v1 =	vsel vm0, $0xFFFFFFFF, v1  }
0x127: {  	[tilespmem:$0x1FC60] =	vst v1;
	v1 =	vld [tilespmem:$0x1FA50];
	_ =	sdelay $0x4  }
0x128: {  	v50 =	vsel vm2, $0x1, v26;
	vm2 =	vnez.u8 v1;
	v1 =	vld [tilespmem:$0x1FA60];
	_ =	sdelay $0x4  }
0x129: {  	v30 =	vsel vm2, $0x1, v26;
	vm2 =	vnez.u8 v1;
	v1 =	vld [tilespmem:$0x1FA70];
	_ =	sdelay $0x4  }
0x12a: {  	v52 =	vsel vm2, $0x1, v26;
	vm2 =	vnez.u8 v1;
	v1 =	vld [tilespmem:$0x1FA80];
	_ =	sdelay $0x3  }
0x12b: {  	[tilespmem:$0x1FA90] =	vst v17  }
0x12c: {  	v31 =	vsel vm2, $0x1, v26;
	vm2 =	vnez.u8 v1;
	v1 =	vld [tilespmem:$0x1FA90];
	_ =	sdelay $0x3  }
0x12d: {  	[tilespmem:$0x1FAA0] =	vst v2  }
0x12e: {  	v32 =	vsel vm2, $0x1, v26;
	vm2 =	vnez.u8 v1;
	v1 =	vld [tilespmem:$0x1FAA0];
	_ =	sdelay $0x4  }
0x12f: {  	v34 =	vsel vm2, $0x1, v26;
	vm2 =	vnez.u8 v1;
	v1 =	vld [tilespmem:$0x1FAB0];
	_ =	sdelay $0x4  }
0x130: {  	v35 =	vsel vm2, $0x1, v26;
	vm2 =	vnez.u8 v1;
	v1 =	vld [tilespmem:$0x1FAC0];
	_ =	sdelay $0x4  }
0x131: {  	v33 =	vsel vm2, $0x1, v26;
	vm2 =	vnez.u8 v1;
	v1 =	vld [tilespmem:$0x1FAD0];
	_ =	sdelay $0x3  }
0x132: {  	vm6 =	veq.s32 v57, v27;
	vm8 =	veq.s32 v57, v28  }
0x133: {  	vm10 =	veq.s32 v57, v29;
	v57 =	vsel vm2, $0x1, v26;
	vm2 =	vnez.u8 v1;
	v1 =	vld [tilespmem:$0x1FAE0];
	_ =	sdelay $0x4  }
0x134: {  	v36 =	vsel vm2, $0x1, v26;
	vm2 =	vnez.u8 v1;
	v1 =	vld [tilespmem:$0x1FAF0];
	_ =	sdelay $0x4  }
0x135: {  	v37 =	vsel vm2, $0x1, v26;
	vm2 =	vnez.u8 v1;
	v1 =	vld [tilespmem:$0x1FB00];
	_ =	sdelay $0x4  }
0x136: {  	v61 =	vsel vm2, $0x1, v26;
	vm2 =	vnez.u8 v1;
	v1 =	vld [tilespmem:$0x1FB10];
	_ =	sdelay $0x4  }
0x137: {  	v39 =	vsel vm2, $0x1, v26;
	vm2 =	vnez.u8 v1;
	v1 =	vld [tilespmem:$0x1FB20];
	_ =	sdelay $0x4  }
0x138: {  	v38 =	vsel vm2, $0x1, v26;
	vm2 =	vnez.u8 v1;
	v1 =	vld [tilespmem:$0x1FB30];
	_ =	sdelay $0x4  }
0x139: {  	v62 =	vsel vm2, $0x1, v26;
	vm2 =	vnez.u8 v1;
	v1 =	vld [tilespmem:$0x1FB40];
	_ =	sdelay $0x4  }
0x13a: {  	v40 =	vsel vm2, $0x1, v26;
	vm2 =	vnez.u8 v1;
	v1 =	vld [tilespmem:$0x1FB50];
	_ =	sdelay $0x4  }
0x13b: {  	v41 =	vsel vm2, $0x1, v26;
	vm2 =	vnez.u8 v1;
	v1 =	vld [tilespmem:$0x1FB60];
	_ =	sdelay $0x4  }
0x13c: {  	v42 =	vsel vm2, $0x1, v26;
	vm2 =	vnez.u8 v1;
	v1 =	vld [tilespmem:$0x1FB70];
	_ =	sdelay $0x4  }
0x13d: {  	v43 =	vsel vm2, $0x1, v26;
	vm2 =	vnez.u8 v1;
	v1 =	vld [tilespmem:$0x1FB80];
	_ =	sdelay $0x4  }
0x13e: {  	v44 =	vsel vm2, $0x1, v26;
	vm2 =	vnez.u8 v1;
	v1 =	vld [tilespmem:$0x1FB90];
	_ =	sdelay $0x4  }
0x13f: {  	v3 =	vsel vm2, $0x1, v26;
	vm2 =	vnez.u8 v1;
	v1 =	vld [tilespmem:$0x1FBA0];
	_ =	sdelay $0x4  }
0x140: {  	v49 =	vsel vm2, $0x1, v26;
	vm2 =	vnez.u8 v1;
	v1 =	vld [tilespmem:$0x1FBB0];
	_ =	sdelay $0x4  }
0x141: {  	v7 =	vsel vm2, $0x1, v26;
	vm2 =	vnez.u8 v1;
	v1 =	vld [tilespmem:$0x1FBC0];
	_ =	sdelay $0x4  }
0x142: {  	v53 =	vsel vm2, $0x1, v26;
	vm2 =	vnez.u8 v1;
	v1 =	vld [tilespmem:$0x1FBD0];
	_ =	sdelay $0x4  }
0x143: {  	v51 =	vsel vm2, $0x1, v26;
	vm2 =	vnez.u8 v1;
	v1 =	vld [tilespmem:$0x1FBE0];
	_ =	sdelay $0x3  }
0x144: {  	v2 =	vld [tilespmem:$0x1FC00]  }
0x145: {  	v8 =	vsel vm2, $0x1, v26;
	vm2 =	vnez.u8 v1;
	v1 =	vld [tilespmem:$0x1FBF0];
	_ =	sdelay $0x1  }
0x146: {  	v59 =	vbroadcast v4, $0x0;
	_ =	sdelay $0x1  }
0x147: {  	vm1 =	veq.s32 v59, v0;
	v55 =	vsel vm2, $0x1, v26  }
0x148: {  	vm2 =	vnez.u8 v1;
	v1 =	vsel vm1, $0x1, v26;
	vm1 =	vnez.u8 v2;
	v2 =	vld [tilespmem:$0x1FC10];
	_ =	sdelay $0x4  }
0x149: {  	v56 =	vsel vm2, $0x1, v26;
	vm2 =	vnez.u8 v2;
	v2 =	vld [tilespmem:$0x1FC20];
	_ =	sdelay $0x3  }
0x14a: {  	vm4 =	veq.s32 v58, v27;
	vm5 =	veq.s32 v58, v28  }
0x14b: {  	vm7 =	veq.s32 v58, v29;
	v58 =	vsel vm2, $0x1, v26;
	vm2 =	vnez.u8 v2;
	v2 =	vld [tilespmem:$0x1FC30];
	_ =	sdelay $0x3  }
0x14c: {  	vm3 =	veq.s32 v6, v27  }
0x14d: {  	v48 =	vsel vm3, $0x1, v26;
	vm3 =	vnez.u8 v2;
	v2 =	vld [tilespmem:$0x1FC40]  }
0x14e: {  	v4 =	vbroadcast v4, $0x1  }
0x14f: {  	vm13 =	veq.s32 v59, v27;
	vm15 =	veq.s32 v59, v28  }
0x150: {  	vm14 =	veq.s32 v59, v29;
	vm11 =	veq.s32 v4, v27;
	vm12 =	veq.s32 v4, v28  }
0x151: {  	vm9 =	veq.s32 v4, v29;
	vm0 =	veq.s32 v4, v0;
	v1 =	vadd.s32 v1, v54  }
0x152: {  	v4 =	vld [tilespmem:$0x1FC50];
	v59 =	vsel vm3, $0x1, v26;
	vm3 =	vnez.u8 v2;
	v2 =	vsel vm0, $0x1, v26  }
0x153: {  	v1 =	vadd.s32 v2, v1;
	v2 =	vld [tilespmem:$0x1FC60];
	_ =	sdelay $0x3  }
0x154: {  	vm0 =	vnez.u8 v4  }
0x155: {  	v60 =	vsel vm0, $0x1, v26;
	vm0 =	vnez.u8 v2  }
0x156: {  	v4 =	vld [tilespmem:$0x1FC70];
	v2 =	vsel vm0, $0x1, v26  }
0x157: {  	v1 =	vadd.s32 v2, v1;
	v2 =	vld [tilespmem:$0x1FC80];
	_ =	sdelay $0x3  }
0x158: {  	vm0 =	vnez.u8 v4  }
0x159: {  	v54 =	vsel vm0, $0x1, v26;
	vm0 =	vnez.u8 v2  }
0x15a: {  	v4 =	vld [tilespmem:$0x1FC90];
	v2 =	vsel vm0, $0x1, v26  }
0x15b: {  	v2 =	vadd.s32 v2, v1;
	v1 =	vld [tilespmem:$0x1FCA0];
	_ =	sdelay $0x3  }
0x15c: {  	vm0 =	vnez.u8 v4  }
0x15d: {  	v63 =	vsel vm0, $0x1, v26;
	vm0 =	vnez.u8 v1  }
0x15e: {  	v1 =	vld [tilespmem:$0x1FCB0];
	v4 =	vsel vm0, $0x1, v26  }
0x15f: {  	v4 =	vadd.s32 v4, v2;
	v2 =	vld [tilespmem:$0x1FCC0];
	_ =	sdelay $0x3  }
0x160: {  	vm0 =	vnez.u8 v1  }
0x161: {  	v1 =	vsel vm0, $0x1, v26;
	vm0 =	vnez.u8 v2  }
0x162: {  	v2 =	vld [tilespmem:$0x1FCD0];
	v5 =	vsel vm0, $0x1, v26  }
0x163: {  	v5 =	vadd.s32 v5, v4;
	v4 =	vld [tilespmem:$0x1FCE0];
	_ =	sdelay $0x3  }
0x164: {  	vm0 =	vnez.u8 v2  }
0x165: {  	v2 =	vsel vm0, $0x1, v26;
	vm0 =	vnez.u8 v4  }
0x166: {  	v4 =	vld [tilespmem:$0x1FCF0];
	v6 =	vsel vm0, $0x1, v26  }
0x167: {  	v9 =	vadd.s32 v6, v5;
	v5 =	vld [tilespmem:$0x1FD00]  }
0x168: {  	v6 =	vld [tilespmem:$0x1FD10]  }
0x169: {  	p2 =	sne.s32 s9, $0x1C0  }
.Ltmp0:
0x16a: {  	_ = 	snop;
	(pc) =	sbr.rel @p2 .LBB2_2-.Ltmp0, $4  }
0x16b: {  	vm0 =	vnez.u8 v4  }
0x16c: {  	v4 =	vsel vm0, $0x1, v26;
	vm0 =	vnez.u8 v5  }
0x16d: {  	v5 =	vsel vm0, $0x1, v26;
	vm0 =	vnez.u8 v6  }
0x16e: {  	s9 =	sadd.s32 $0x40, s9;
	v6 =	vsel vm0, $0x1, v26  }
0x16f: {  	v12 =	vsel vm2, $0x1, v26;
	v14 =	vsel vm1, $0x1, v26;
	v9 =	vadd.s32 v54, v9  }
0x170: {  	v15 =	vsel vm3, $0x1, v26;
	v16 =	vsel vm4, $0x1, v26;
	v17 =	vsel vm6, $0x1, v26  }
0x171: {  	v10 =	vld [tilespmem:$0x1FD50];
	v18 =	vsel vm8, $0x1, v26;
	v19 =	vsel vm11, $0x1, v26;
	v20 =	vsel vm12, $0x1, v26  }
0x172: {  	v54 =	vsel vm13, $0x1, v26;
	v8 =	vadd.s32 v8, v9;
	v9 =	vsel vm5, $0x1, v26  }
0x173: {  	v11 =	vld [tilespmem:$0x1FD70];
	v47 =	vadd.s32 v54, v47;
	v7 =	vadd.s32 v7, v8;
	v8 =	vsel vm7, $0x1, v26  }
0x174: {  	v19 =	vadd.s32 v19, v47;
	v3 =	vadd.s32 v3, v7;
	v7 =	vsel vm10, $0x1, v26  }
0x175: {  	v13 =	vld [tilespmem:$0x1FD80];
	v17 =	vadd.s32 v17, v19;
	v3 =	vadd.s32 v62, v3;
	v62 =	vsel vm15, $0x1, v26  }
0x176: {  	v16 =	vadd.s32 v16, v17;
	vm0 =	vnez.u8 v10;
	v3 =	vadd.s32 v61, v3  }
0x177: {  	v61 =	vsel vm9, $0x1, v26;
	v45 =	vadd.s32 v62, v45;
	v12 =	vadd.s32 v12, v16  }
0x178: {  	v10 =	vsel vm0, $0x1, v26;
	vm0 =	vnez.u8 v11;
	v3 =	vadd.s32 v57, v3  }
0x179: {  	v57 =	vsel vm14, $0x1, v26;
	v20 =	vadd.s32 v20, v45;
	v11 =	vsel vm0, $0x1, v26  }
0x17a: {  	vm0 =	vnez.u8 v13;
	v3 =	vadd.s32 v52, v3;
	v46 =	vadd.s32 v57, v46  }
0x17b: {  	v18 =	vadd.s32 v18, v20;
	v19 =	vadd.s32 v10, v12;
	v62 =	vadd.s32 v61, v46  }
0x17c: {  	v13 =	vsel vm0, $0x1, v26;
	v9 =	vadd.s32 v9, v18;
	v7 =	vadd.s32 v7, v62  }
0x17d: {  	v3 =	vadd.s32 v50, v3;
	v18 =	vadd.s32 v14, v9;
	v7 =	vadd.s32 v8, v7  }
0x17e: {  	v4 =	vadd.s32 v4, v19;
	v8 =	vadd.s32 v11, v18;
	v7 =	vadd.s32 v15, v7  }
0x17f: {  	v4 =	vadd.s32 v63, v4;
	v5 =	vadd.s32 v5, v8;
	v7 =	vadd.s32 v13, v7  }
0x180: {  	v4 =	vadd.s32 v58, v4;
	v1 =	vadd.s32 v1, v5;
	v6 =	vadd.s32 v6, v7  }
0x181: {  	v4 =	vadd.s32 v53, v4;
	v1 =	vadd.s32 v59, v1;
	v2 =	vadd.s32 v2, v6  }
0x182: {  	v4 =	vadd.s32 v48, v4;
	v1 =	vadd.s32 v55, v1;
	v2 =	vadd.s32 v60, v2  }
0x183: {  	v4 =	vadd.s32 v42, v4;
	v1 =	vadd.s32 v49, v1;
	v2 =	vadd.s32 v56, v2  }
0x184: {  	v4 =	vadd.s32 v39, v4;
	v1 =	vadd.s32 v43, v1;
	v2 =	vadd.s32 v51, v2  }
0x185: {  	v4 =	vadd.s32 v36, v4;
	v1 =	vadd.s32 v40, v1;
	v2 =	vadd.s32 v44, v2  }
0x186: {  	v4 =	vadd.s32 v34, v4;
	v1 =	vadd.s32 v37, v1;
	v2 =	vadd.s32 v41, v2  }
0x187: {  	[tilespmem:$0x500] =	vst v3;
	v4 =	vadd.s32 v30, v4;
	v1 =	vadd.s32 v35, v1;
	v2 =	vadd.s32 v38, v2  }
0x188: {  	[tilespmem:$0x510] =	vst v4;
	v1 =	vadd.s32 v31, v1;
	v2 =	vadd.s32 v33, v2  }
0x189: {  	[tilespmem:$0x520] =	vst v1;
	v2 =	vadd.s32 v32, v2  }
0x18a: {  	[tilespmem:$0x530] =	vst v2  }
0x18b: {  	_ =	strace $0x90000049  }
0x18c: {  	_ =	strace $0x8000004A  }
0x18d: {  	s10 =	simm.s32 $0x500;
	s9 =	rddreg [dreg:$0xb]  }
0x18e: {  	[spmem:s9] =	stream.linear.scatter [tilespmem:s10], [sflag:$0x2], $0x40, $0x200038;
	[tilespmem:$0xCE40] =	vst v63  }
0x18f: {  	_ =	swait.ge [sflag:s5], $0x40  }
0x190: {  	[sflag:s5] =	ssyncset.done $0x0  }
0x191: {  	s4 =	simm.s32 $0x980;
	s31 =	rddreg [dreg:$0xc];
	[sflag:s5] =	ssyncadd.s32 $0xFFFFFFC0  }
0x192: {  	[spmem:s31] =	stream.linear.scatter [tilespmem:s4], [sflag:$0x2], $0x100, $0x200038;
	[tilespmem:$0xCE40] =	vst v63  }
0x193: {  	_ =	swait.ge [sflag:s5], $0x100  }
0x194: {  	[sflag:s5] =	ssyncset.done $0x0  }
0x195: {  	s11 =	simm.s32 $0xA80;
	s4 =	rddreg [dreg:$0x14];
	[sflag:s5] =	ssyncadd.s32 $0xFFFFFF00  }
0x196: {  	[spmem:s4] =	stream.linear.scatter [tilespmem:s11], [sflag:$0x2], $0x100, $0x200038;
	[tilespmem:$0xCE40] =	vst v63  }
0x197: {  	_ =	swait.ge [sflag:s5], $0x100  }
0x198: {  	[sflag:s5] =	ssyncset.done $0x0  }
0x199: {  	[sflag:s5] =	ssyncadd.s32 $0xFFFFFF00  }
0x19a: {  	[bflag:$0x0] =	sbarrier.arrive $0xFFFF  }
0x19b: {  	s17 =	simm.s32 $0x100;
	s12 =	rddreg [dreg:$0x3]  }
0x19c: {  	[tilespmem:s17], [sflag:$0x2] =	stream.linear.gather [spmem:s12], $0x400, $0x200038;
	[tilespmem:$0xCE40] =	vst v63  }
0x19d: {  	_ =	swait.ge [sflag:s5], $0x400  }
0x19e: {  	[sflag:s5] =	ssyncset.done $0x0  }
0x19f: {  	[sflag:s5] =	ssyncadd.s32 $0xFFFFFC00  }
0x1a0: {  	_ =	strace $0x9000004A  }
0x1a1: {  	_ =	strace $0x8000004B  }
0x1a2: {  	v1 =	vld [tilespmem:$0x100]  }
0x1a3: {  	v49 =	vld [tilespmem:$0x1FFF0]  }
0x1a4: {  	v50 =	vld [tilespmem:$0x1FFE0]  }
0x1a5: {  	v2 =	vld [tilespmem:$0x140];
	_ =	sdelay $0x3  }
0x1a6: {  	vm15 =	vnez.u8 v49;
	vm14 =	vnez.u8 v50  }
0x1a7: {  	v39 =	vadd.s32 v2, v1;
	v1 =	vsel vm15, $0x0, v1;
	v2 =	vnsel vm14, $0x0, v2  }
0x1a8: {  	v1 =	vadd.s32 v1, v2;
	v2 =	vld [tilespmem:$0x1FFD0]  }
0x1a9: {  	v3 =	vld [tilespmem:$0x180];
	_ =	sdelay $0x3  }
0x1aa: {  	vm13 =	vnez.u8 v2  }
0x1ab: {  	v2 =	vnsel vm13, $0x0, v3  }
0x1ac: {  	v1 =	vadd.s32 v2, v1;
	v2 =	vld [tilespmem:$0x1FFC0]  }
0x1ad: {  	v4 =	vld [tilespmem:$0x1C0];
	_ =	sdelay $0x3  }
0x1ae: {  	vm12 =	vnez.u8 v2  }
0x1af: {  	v2 =	vnsel vm12, $0x0, v4  }
0x1b0: {  	v1 =	vadd.s32 v2, v1;
	v2 =	vld [tilespmem:$0x1FFB0]  }
0x1b1: {  	v5 =	vld [tilespmem:$0x200];
	_ =	sdelay $0x3  }
0x1b2: {  	vm11 =	vnez.u8 v2  }
0x1b3: {  	v2 =	vnsel vm11, $0x0, v5  }
0x1b4: {  	v1 =	vadd.s32 v2, v1;
	v2 =	vld [tilespmem:$0x1FFA0]  }
0x1b5: {  	v37 =	vld [tilespmem:$0x240];
	_ =	sdelay $0x3  }
0x1b6: {  	vm10 =	vnez.u8 v2  }
0x1b7: {  	v2 =	vnsel vm10, $0x0, v37  }
0x1b8: {  	v1 =	vadd.s32 v2, v1;
	v2 =	vld [tilespmem:$0x1FF90]  }
0x1b9: {  	v38 =	vld [tilespmem:$0x280];
	_ =	sdelay $0x3  }
0x1ba: {  	vm9 =	vnez.u8 v2  }
0x1bb: {  	v2 =	vnsel vm9, $0x0, v38  }
0x1bc: {  	v1 =	vadd.s32 v2, v1;
	v2 =	vld [tilespmem:$0x1FF80]  }
0x1bd: {  	v40 =	vld [tilespmem:$0x2C0];
	_ =	sdelay $0x3  }
0x1be: {  	vm8 =	vnez.u8 v2  }
0x1bf: {  	v2 =	vnsel vm8, $0x0, v40  }
0x1c0: {  	v1 =	vadd.s32 v2, v1;
	v2 =	vld [tilespmem:$0x1FF70]  }
0x1c1: {  	v41 =	vld [tilespmem:$0x300];
	_ =	sdelay $0x3  }
0x1c2: {  	vm7 =	vnez.u8 v2  }
0x1c3: {  	v2 =	vnsel vm7, $0x0, v41  }
0x1c4: {  	v1 =	vadd.s32 v2, v1;
	v2 =	vld [tilespmem:$0x1FF60]  }
0x1c5: {  	v42 =	vld [tilespmem:$0x340];
	_ =	sdelay $0x3  }
0x1c6: {  	vm6 =	vnez.u8 v2  }
0x1c7: {  	v2 =	vnsel vm6, $0x0, v42  }
0x1c8: {  	v1 =	vadd.s32 v2, v1;
	v2 =	vld [tilespmem:$0x1FF50]  }
0x1c9: {  	v43 =	vld [tilespmem:$0x380];
	_ =	sdelay $0x3  }
0x1ca: {  	vm5 =	vnez.u8 v2  }
0x1cb: {  	v2 =	vnsel vm5, $0x0, v43  }
0x1cc: {  	v1 =	vadd.s32 v2, v1;
	v2 =	vld [tilespmem:$0x1FF40]  }
0x1cd: {  	v44 =	vld [tilespmem:$0x3C0]  }
0x1ce: {  	v8 =	vadd.s32 v3, v39  }
0x1cf: {  	v8 =	vadd.s32 v4, v8  }
0x1d0: {  	v8 =	vadd.s32 v5, v8  }
0x1d1: {  	v8 =	vadd.s32 v37, v8;
	vm4 =	vnez.u8 v2  }
0x1d2: {  	v45 =	vld [tilespmem:$0x400];
	v8 =	vadd.s32 v38, v8;
	v2 =	vnsel vm4, $0x0, v44  }
0x1d3: {  	v8 =	vadd.s32 v40, v8;
	v1 =	vadd.s32 v2, v1;
	v2 =	vld [tilespmem:$0x1FF30]  }
0x1d4: {  	v46 =	vld [tilespmem:$0x440];
	v8 =	vadd.s32 v41, v8  }
0x1d5: {  	v47 =	vld [tilespmem:$0x480];
	v8 =	vadd.s32 v42, v8  }
0x1d6: {  	v48 =	vld [tilespmem:$0x4C0];
	v8 =	vadd.s32 v43, v8  }
0x1d7: {  	v8 =	vadd.s32 v44, v8  }
0x1d8: {  	v8 =	vadd.s32 v45, v8;
	vm3 =	vnez.u8 v2  }
0x1d9: {  	v8 =	vadd.s32 v46, v8;
	v2 =	vnsel vm3, $0x0, v45  }
0x1da: {  	v8 =	vadd.s32 v47, v8;
	v1 =	vadd.s32 v2, v1;
	v2 =	vld [tilespmem:$0x1FF20]  }
0x1db: {  	v3 =	vadd.s32 v48, v8  }
0x1dc: {  	v3 =	vadd.s32 $0x1F, v3  }
0x1dd: {  	v3 =	vshra.s32 v3, $0x5  }
0x1de: {  	vm0 =	vlt.s32 v3, $0x1  }
0x1df: {  	(xrf0) =	vadd.scan.msk.s32 $0xffff, v3;
	v4 =	vnsel vm0, $0x1, v3;
	vm2 =	vnez.u8 v2  }
0x1e0: {  	(xrf0) =	vadd.scan.msk.s32 $0xffff, v4;
	v2 =	vnsel vm2, $0x0, v46  }
0x1e1: {  	v1 =	vadd.s32 v2, v1;
	v2 =	vld [tilespmem:$0x1FF10];
	_ =	sdelay $0x1  }
0x1e2: {  	v30 =	vimm.s32 $0x0  }
0x1e3: {  	[tilespmem:$0x780] =	vst v30  }
0x1e4: {  	[tilespmem:$0x790] =	vst v30;
	v5, _, _ =	vpop (xrf0)  }
0x1e5: {  	[tilespmem:$0x7A0] =	vst v30;
	vm0 =	vgt.s32 v3, $0x0;
	v51, _, _ =	vpop (xrf0);
	vm1 =	vnez.u8 v2  }
0x1e6: {  	[tilespmem:$0x7B0] =	vst v30;
	v4 =	vsub.s32 v51, v4;
	v2 =	vnsel vm1, $0x0, v47  }
0x1e7: {  	[tilespmem:$0x7C0] =	vst v30;
	v1 =	vadd.s32 v2, v1  }
0x1e8: {  	[tilespmem:$0x580] =	vst v1;
	v1 =	vsub.s32 v5, v3  }
0x1e9: {  	[tilespmem:$0x700] =	vst v5;
	v1 =	vshll.u32 v1, $0x5  }
0x1ea: {  	s4 =	simm.s32 $0x780;
	[tilespmem:$0x600] =	vst v1  }
0x1eb: {  	[tilespmem:v4+s4+$0x0] =	vst.idx.msk vm0, v0  }
0x1ec: {  	v1 =	vld [tilespmem:$0x110]  }
0x1ed: {  	v2 =	vld [tilespmem:$0x150]  }
0x1ee: {  	v3 =	vld [tilespmem:$0x190]  }
0x1ef: {  	v4 =	vld [tilespmem:$0x1D0]  }
0x1f0: {  	v52 =	vld [tilespmem:$0x210]  }
0x1f1: {  	v53 =	vld [tilespmem:$0x250]  }
0x1f2: {  	v54 =	vld [tilespmem:$0x290];
	v55 =	vadd.s32 v2, v1  }
0x1f3: {  	v56 =	vld [tilespmem:$0x2D0];
	v10 =	vadd.s32 v3, v55  }
0x1f4: {  	v57 =	vld [tilespmem:$0x310];
	v10 =	vadd.s32 v4, v10  }
0x1f5: {  	v58 =	vld [tilespmem:$0x350];
	v10 =	vadd.s32 v52, v10  }
0x1f6: {  	v59 =	vld [tilespmem:$0x390];
	v10 =	vadd.s32 v53, v10  }
0x1f7: {  	v60 =	vld [tilespmem:$0x3D0];
	v10 =	vadd.s32 v54, v10  }
0x1f8: {  	v61 =	vld [tilespmem:$0x410];
	v10 =	vadd.s32 v56, v10  }
0x1f9: {  	v62 =	vld [tilespmem:$0x450];
	v10 =	vadd.s32 v57, v10  }
0x1fa: {  	v63 =	vld [tilespmem:$0x490];
	v10 =	vadd.s32 v58, v10  }
0x1fb: {  	v32 =	vld [tilespmem:$0x4D0];
	v10 =	vadd.s32 v59, v10  }
0x1fc: {  	v10 =	vadd.s32 v60, v10  }
0x1fd: {  	v10 =	vadd.s32 v61, v10  }
0x1fe: {  	v1 =	vsel vm15, $0x0, v1;
	v2 =	vnsel vm14, $0x0, v2;
	v10 =	vadd.s32 v62, v10  }
0x1ff: {  	v1 =	vadd.s32 v1, v2;
	v2 =	vnsel vm13, $0x0, v3;
	v3 =	vadd.s32 v63, v10  }
0x200: {  	v1 =	vadd.s32 v2, v1;
	v2 =	vnsel vm12, $0x0, v4;
	v3 =	vadd.s32 v32, v3  }
0x201: {  	v1 =	vadd.s32 v2, v1;
	v2 =	vnsel vm11, $0x0, v52;
	v3 =	vadd.s32 $0x1F, v3  }
0x202: {  	v1 =	vadd.s32 v2, v1;
	v2 =	vnsel vm10, $0x0, v53;
	v3 =	vshra.s32 v3, $0x5  }
0x203: {  	v1 =	vadd.s32 v2, v1;
	v2 =	vnsel vm9, $0x0, v54;
	vm0 =	vlt.s32 v3, $0x1  }
0x204: {  	v1 =	vadd.s32 v2, v1;
	v2 =	vnsel vm8, $0x0, v56;
	(xrf0) =	vadd.scan.msk.s32 $0xffff, v3;
	v4 =	vnsel vm0, $0x1, v3  }
0x205: {  	v1 =	vadd.s32 v2, v1;
	v2 =	vnsel vm7, $0x0, v57;
	(xrf0) =	vadd.scan.msk.s32 $0xffff, v4  }
0x206: {  	v1 =	vadd.s32 v2, v1;
	v2 =	vnsel vm6, $0x0, v58  }
0x207: {  	v1 =	vadd.s32 v2, v1;
	v2 =	vnsel vm5, $0x0, v59  }
0x208: {  	v1 =	vadd.s32 v2, v1;
	v2 =	vnsel vm4, $0x0, v60  }
0x209: {  	v33 =	vbroadcast v51, $0xF;
	v1 =	vadd.s32 v2, v1;
	v2 =	vnsel vm3, $0x0, v61  }
0x20a: {  	v35 =	vbroadcast v5, $0xF;
	v1 =	vadd.s32 v2, v1;
	v34, _, _ =	vpop (xrf0)  }
0x20b: {  	v2 =	vnsel vm2, $0x0, v62;
	vm0 =	vgt.s32 v3, $0x0;
	v4 =	vsub.s32 v33, v4;
	v36, _, _ =	vpop (xrf0)  }
0x20c: {  	v1 =	vadd.s32 v2, v1;
	v2 =	vnsel vm1, $0x0, v63;
	v4 =	vadd.s32 v36, v4  }
0x20d: {  	v1 =	vadd.s32 v2, v1;
	v2 =	vadd.s32 v35, v34  }
0x20e: {  	[tilespmem:$0x590] =	vst v1;
	v1 =	vsub.s32 v2, v3  }
0x20f: {  	[tilespmem:$0x710] =	vst v2;
	v1 =	vshll.u32 v1, $0x5  }
0x210: {  	[tilespmem:$0x610] =	vst v1  }
0x211: {  	[tilespmem:v4+s4+$0x0] =	vst.idx.msk vm0, v27  }
0x212: {  	v1 =	vld [tilespmem:$0x120]  }
0x213: {  	v2 =	vld [tilespmem:$0x160]  }
0x214: {  	v3 =	vld [tilespmem:$0x1A0]  }
0x215: {  	v4 =	vld [tilespmem:$0x1E0]  }
0x216: {  	v37 =	vld [tilespmem:$0x220]  }
0x217: {  	v38 =	vld [tilespmem:$0x260]  }
0x218: {  	v39 =	vld [tilespmem:$0x2A0];
	v40 =	vadd.s32 v2, v1  }
0x219: {  	v41 =	vld [tilespmem:$0x2E0];
	v12 =	vadd.s32 v3, v40  }
0x21a: {  	v42 =	vld [tilespmem:$0x320];
	v12 =	vadd.s32 v4, v12  }
0x21b: {  	v43 =	vld [tilespmem:$0x360];
	v12 =	vadd.s32 v37, v12  }
0x21c: {  	v44 =	vld [tilespmem:$0x3A0];
	v12 =	vadd.s32 v38, v12  }
0x21d: {  	(v2sf) =	vpush v5, $0xF;
	v5 =	vld [tilespmem:$0x3E0];
	v12 =	vadd.s32 v39, v12  }
0x21e: {  	(v2sf) =	vpush v51, $0xF;
	v45 =	vld [tilespmem:$0x420];
	v12 =	vadd.s32 v41, v12  }
0x21f: {  	(v2sf) =	vpush v34, $0xF;
	v46 =	vld [tilespmem:$0x460];
	v12 =	vadd.s32 v42, v12  }
0x220: {  	(v2sf) =	vpush v36, $0xF;
	v47 =	vld [tilespmem:$0x4A0];
	v12 =	vadd.s32 v43, v12  }
0x221: {  	v48 =	vld [tilespmem:$0x4E0];
	v12 =	vadd.s32 v44, v12  }
0x222: {  	v1 =	vsel vm15, $0x0, v1;
	v2 =	vnsel vm14, $0x0, v2;
	v12 =	vadd.s32 v5, v12  }
0x223: {  	v1 =	vadd.s32 v1, v2;
	v2 =	vnsel vm13, $0x0, v3;
	v12 =	vadd.s32 v45, v12  }
0x224: {  	v1 =	vadd.s32 v2, v1;
	v2 =	vnsel vm12, $0x0, v4;
	v12 =	vadd.s32 v46, v12  }
0x225: {  	v1 =	vadd.s32 v2, v1;
	v2 =	vnsel vm11, $0x0, v37;
	v3 =	vadd.s32 v47, v12  }
0x226: {  	v1 =	vadd.s32 v2, v1;
	v2 =	vnsel vm10, $0x0, v38;
	v3 =	vadd.s32 v48, v3  }
0x227: {  	v1 =	vadd.s32 v2, v1;
	v2 =	vnsel vm9, $0x0, v39;
	v3 =	vadd.s32 $0x1F, v3  }
0x228: {  	v1 =	vadd.s32 v2, v1;
	v2 =	vnsel vm8, $0x0, v41;
	v3 =	vshra.s32 v3, $0x5  }
0x229: {  	v1 =	vadd.s32 v2, v1;
	v2 =	vnsel vm7, $0x0, v42;
	vm0 =	vlt.s32 v3, $0x1  }
0x22a: {  	v1 =	vadd.s32 v2, v1;
	v2 =	vnsel vm6, $0x0, v43;
	(xrf0) =	vadd.scan.msk.s32 $0xffff, v3;
	v4 =	vnsel vm0, $0x1, v3  }
0x22b: {  	v1 =	vadd.s32 v2, v1;
	v2 =	vnsel vm5, $0x0, v44;
	(xrf0) =	vadd.scan.msk.s32 $0xffff, v4  }
0x22c: {  	s20 =	spop (v2sf);
	v1 =	vadd.s32 v2, v1;
	v2 =	vnsel vm4, $0x0, v5  }
0x22d: {  	s31 =	spop (v2sf);
	v1 =	vadd.s32 v2, v1;
	v2 =	vnsel vm3, $0x0, v45  }
0x22e: {  	s11 =	spop (v2sf)  }
0x22f: {  	s12 =	spop (v2sf)  }
0x230: {  	s9 =	sadd.s32 s31, s12;
	v1 =	vadd.s32 v2, v1;
	v2, _, _ =	vpop (xrf0)  }
0x231: {  	v5 =	vnsel vm2, $0x0, v46;
	vm0 =	vgt.s32 v3, $0x0;
	v4 =	vsub.s32 s9, v4;
	v49, _, _ =	vpop (xrf0)  }
0x232: {  	s10 =	sadd.s32 s20, s11;
	v1 =	vadd.s32 v5, v1;
	v5 =	vnsel vm1, $0x0, v47;
	v4 =	vadd.s32 v49, v4  }
0x233: {  	v1 =	vadd.s32 v5, v1;
	v5 =	vadd.s32 s10, v2  }
0x234: {  	[tilespmem:$0x5A0] =	vst v1;
	v1 =	vsub.s32 v5, v3  }
0x235: {  	[tilespmem:$0x720] =	vst v5;
	v1 =	vshll.u32 v1, $0x5  }
0x236: {  	[tilespmem:$0x620] =	vst v1  }
0x237: {  	[tilespmem:v4+s4+$0x0] =	vst.idx.msk vm0, v28  }
0x238: {  	v1 =	vld [tilespmem:$0x130]  }
0x239: {  	v3 =	vld [tilespmem:$0x170]  }
0x23a: {  	v4 =	vld [tilespmem:$0x1B0]  }
0x23b: {  	v5 =	vld [tilespmem:$0x1F0]  }
0x23c: {  	v50 =	vld [tilespmem:$0x230]  }
0x23d: {  	v51 =	vld [tilespmem:$0x270]  }
0x23e: {  	v52 =	vld [tilespmem:$0x2B0];
	v53 =	vadd.s32 v3, v1  }
0x23f: {  	v54 =	vld [tilespmem:$0x2F0];
	v10 =	vadd.s32 v4, v53  }
0x240: {  	v55 =	vld [tilespmem:$0x330];
	v10 =	vadd.s32 v5, v10  }
0x241: {  	v56 =	vld [tilespmem:$0x370];
	v10 =	vadd.s32 v50, v10  }
0x242: {  	v57 =	vld [tilespmem:$0x3B0];
	v10 =	vadd.s32 v51, v10  }
0x243: {  	v58 =	vld [tilespmem:$0x3F0];
	v10 =	vadd.s32 v52, v10  }
0x244: {  	v59 =	vld [tilespmem:$0x430];
	v10 =	vadd.s32 v54, v10  }
0x245: {  	v60 =	vld [tilespmem:$0x470];
	v10 =	vadd.s32 v55, v10  }
0x246: {  	v61 =	vld [tilespmem:$0x4B0];
	v10 =	vadd.s32 v56, v10  }
0x247: {  	v62 =	vld [tilespmem:$0x4F0];
	v10 =	vadd.s32 v57, v10  }
0x248: {  	v10 =	vadd.s32 v58, v10  }
0x249: {  	v10 =	vadd.s32 v59, v10  }
0x24a: {  	v10 =	vadd.s32 v60, v10  }
0x24b: {  	v10 =	vadd.s32 v61, v10  }
0x24c: {  	v10 =	vadd.s32 v62, v10  }
0x24d: {  	v10 =	vadd.s32 $0x1F, v10  }
0x24e: {  	v10 =	vshra.s32 v10, $0x5  }
0x24f: {  	vm0 =	vlt.s32 v10, $0x1  }
0x250: {  	(xrf0) =	vadd.scan.msk.s32 $0xffff, v10;
	v63 =	vnsel vm0, $0x1, v10  }
0x251: {  	(v2sf) =	vpush v2, $0xF;
	(xrf0) =	vadd.scan.msk.s32 $0xffff, v63  }
0x252: {  	(v2sf) =	vpush v49, $0xF;
	_ =	sdelay $0x3  }
0x253: {  	v1 =	vsel vm15, $0x0, v1;
	v3 =	vnsel vm14, $0x0, v3;
	v2, _, _ =	vpop (xrf0)  }
0x254: {  	v1 =	vadd.s32 v1, v3;
	v3 =	vnsel vm13, $0x0, v4;
	v4, _, _ =	vpop (xrf0)  }
0x255: {  	v1 =	vadd.s32 v3, v1;
	v3 =	vnsel vm12, $0x0, v5;
	(v2sf) =	vpush v4, $0xF  }
0x256: {  	v1 =	vadd.s32 v3, v1;
	v3 =	vnsel vm11, $0x0, v50  }
0x257: {  	v1 =	vadd.s32 v3, v1;
	v3 =	vnsel vm10, $0x0, v51  }
0x258: {  	v1 =	vadd.s32 v3, v1;
	v3 =	vnsel vm9, $0x0, v52  }
0x259: {  	v1 =	vadd.s32 v3, v1;
	v3 =	vnsel vm8, $0x0, v54  }
0x25a: {  	v1 =	vadd.s32 v3, v1;
	v3 =	vnsel vm7, $0x0, v55  }
0x25b: {  	v1 =	vadd.s32 v3, v1;
	v3 =	vnsel vm6, $0x0, v56  }
0x25c: {  	v1 =	vadd.s32 v3, v1;
	v3 =	vnsel vm5, $0x0, v57  }
0x25d: {  	s17 =	spop (v2sf);
	v1 =	vadd.s32 v3, v1;
	v3 =	vnsel vm4, $0x0, v58  }
0x25e: {  	s20 =	spop (v2sf);
	v1 =	vadd.s32 v3, v1;
	v3 =	vnsel vm3, $0x0, v59  }
0x25f: {  	s9 =	sadd.s32 s9, s20;
	v1 =	vadd.s32 v3, v1  }
0x260: {  	v3 =	vnsel vm2, $0x0, v60;
	vm0 =	vgt.s32 v10, $0x0;
	v5 =	vsub.s32 s9, v63  }
0x261: {  	s10 =	sadd.s32 s10, s17;
	v1 =	vadd.s32 v3, v1;
	v3 =	vnsel vm1, $0x0, v61;
	v4 =	vadd.s32 v4, v5  }
0x262: {  	v1 =	vadd.s32 v3, v1;
	v2 =	vadd.s32 s10, v2  }
0x263: {  	[tilespmem:$0x5B0] =	vst v1;
	v1 =	vsub.s32 v2, v10  }
0x264: {  	vm14 =	vcmask $0x3F30;
	vm15 =	vcmask $0x3F34;
	[tilespmem:$0x730] =	vst v2;
	v1 =	vshll.u32 v1, $0x5;
	s31 =	spop (v2sf)  }
0x265: {  	vm13 =	vcmask $0x3F2C;
	vm12 =	vcmask $0x3F28;
	vm11 =	vcmask $0x3F24;
	[tilespmem:$0x630] =	vst v1;
	s9 =	sadd.s32 s9, s31  }
0x266: {  	vm10 =	vcmask $0x3F20;
	vm9 =	vcmask $0x3F1C;
	[tilespmem:v4+s4+$0x0] =	vst.idx.msk vm0, v29;
	v1 =	vmov s9  }
0x267: {  	vm8 =	vcmask $0x3F18;
	vm7 =	vcmask $0x3F14;
	vm6 =	vcmask $0x3F10;
	[tilespmem:$0x7C0] =	vst v1  }
0x268: {  	vm5 =	vcmask $0x3F0C;
	vm4 =	vcmask $0x3F38;
	vm3 =	vcmask $0x3F3C;
	_ =	strace $0x9000004B  }
0x269: {  	v3 =	vimm.s32 $0x0;
	v2 =	vimm.s32 $0x0;
	s9 =	simm.s32 $0x0;
	v1 =	vimm.s32 $0x0;
	_ =	strace $0x8000004C  }
.LBB2_4:
0x26a: {  	[tilespmem:$0x680] =	vst v3  }
0x26b: {  	[tilespmem:$0x690] =	vst v2  }
0x26c: {  	[tilespmem:$0x6A0] =	vst v1  }
0x26d: {  	[tilespmem:$0x6B0] =	vst v30;
	s10 =	sshra.s32 s9, $0x2  }
0x26e: {  	v31 =	vld [tilespmem:s10+$0x0];
	_ =	sdelay $0x4  }
0x26f: {  	v4 =	vbroadcast v31, $0x0;
	v5 =	vbroadcast v31, $0x1  }
0x270: {  	v9 =	vbroadcast v31, $0x2;
	v13 =	vbroadcast v31, $0x3  }
0x271: {  	v17 =	vbroadcast v31, $0x4;
	v38 =	vbroadcast v31, $0x5  }
0x272: {  	v42 =	vbroadcast v31, $0x6;
	v63 =	vbroadcast v31, $0x7  }
0x273: {  	vm1 =	vcmask $0x3F04;
	v47 =	vbroadcast v31, $0x8;
	v50 =	vbroadcast v31, $0x9  }
0x274: {  	v54 =	vbroadcast v31, $0xA;
	vm0 =	veq.s32 v31, v4;
	vm2 =	veq.s32 v4, v27  }
0x275: {  	vm0 =	vmand vm0, vm1;
	vm1 =	veq.s32 v4, v0;
	v7 =	vsel vm2, $0x1, v26  }
0x276: {  	vm2 =	veq.s32 v31, v5;
	v32 =	vsel vm0, $0x1, v26;
	v6 =	vsel vm1, $0x1, v26  }
0x277: {  	vm0 =	veq.s32 v4, v28;
	vm1 =	veq.s32 v4, v29;
	v2 =	vadd.s32 v7, v2  }
0x278: {  	v4 =	vsel vm0, $0x1, v26;
	v8 =	vsel vm1, $0x1, v26;
	vm0 =	vcmask $0x3F08  }
0x279: {  	vm1 =	veq.s32 v5, v0;
	v3 =	vadd.s32 v6, v3;
	vm0 =	vmand vm2, vm0  }
0x27a: {  	vm2 =	veq.s32 v5, v27;
	v10 =	vsel vm1, $0x1, v26;
	vm1 =	veq.s32 v5, v29  }
0x27b: {  	v1 =	vadd.s32 v4, v1;
	v8 =	vadd.s32 v8, v30;
	v33 =	vsel vm0, $0x1, v26  }
0x27c: {  	v11 =	vsel vm2, $0x1, v26;
	vm0 =	veq.s32 v5, v28;
	vm2 =	veq.s32 v31, v9  }
0x27d: {  	v12 =	vsel vm1, $0x1, v26;
	vm1 =	veq.s32 v9, v0;
	v3 =	vadd.s32 v10, v3  }
0x27e: {  	v5 =	vsel vm0, $0x1, v26;
	vm0 =	vmand vm2, vm5;
	vm2 =	veq.s32 v9, v27  }
0x27f: {  	v14 =	vsel vm1, $0x1, v26;
	vm1 =	veq.s32 v9, v29;
	v2 =	vadd.s32 v11, v2  }
0x280: {  	v34 =	vsel vm0, $0x1, v26;
	v15 =	vsel vm2, $0x1, v26;
	vm0 =	veq.s32 v9, v28  }
0x281: {  	vm2 =	veq.s32 v31, v13;
	v16 =	vsel vm1, $0x1, v26;
	vm1 =	veq.s32 v13, v0  }
0x282: {  	v1 =	vadd.s32 v5, v1;
	v5 =	vadd.s32 v12, v8;
	v3 =	vadd.s32 v14, v3  }
0x283: {  	v56 =	vsel vm0, $0x1, v26;
	vm0 =	vmand vm2, vm6;
	vm2 =	veq.s32 v13, v27  }
0x284: {  	v18 =	vsel vm1, $0x1, v26;
	vm1 =	veq.s32 v13, v29;
	v35 =	vsel vm0, $0x1, v26  }
0x285: {  	v19 =	vsel vm2, $0x1, v26;
	vm0 =	veq.s32 v13, v28;
	vm2 =	veq.s32 v31, v17  }
0x286: {  	v2 =	vadd.s32 v15, v2;
	v57 =	vsel vm0, $0x1, v26;
	vm0 =	vmand vm2, vm7  }
0x287: {  	v5 =	vadd.s32 v16, v5;
	vm2 =	veq.s32 v17, v27;
	v36 =	vsel vm0, $0x1, v26  }
0x288: {  	v40 =	vsel vm2, $0x1, v26;
	vm0 =	veq.s32 v17, v28;
	vm2 =	veq.s32 v31, v38  }
0x289: {  	v20 =	vsel vm1, $0x1, v26;
	v58 =	vsel vm0, $0x1, v26;
	vm0 =	vmand vm2, vm8  }
0x28a: {  	vm1 =	veq.s32 v17, v0;
	v37 =	vsel vm0, $0x1, v26;
	vm0 =	veq.s32 v38, v0  }
0x28b: {  	v9 =	vadd.s32 v56, v1;
	v59 =	vsel vm0, $0x1, v26;
	vm0 =	veq.s32 v38, v27  }
0x28c: {  	v3 =	vadd.s32 v18, v3;
	v60 =	vsel vm0, $0x1, v26;
	vm0 =	veq.s32 v38, v28  }
0x28d: {  	v39 =	vsel vm1, $0x1, v26;
	v4 =	vsel vm0, $0x1, v26;
	vm0 =	veq.s32 v38, v29  }
0x28e: {  	vm1 =	veq.s32 v17, v29;
	v38 =	vsel vm0, $0x1, v26;
	vm0 =	veq.s32 v31, v42  }
0x28f: {  	v2 =	vadd.s32 v19, v2;
	v5 =	vadd.s32 v20, v5;
	vm0 =	vmand vm0, vm9  }
0x290: {  	v41 =	vsel vm1, $0x1, v26;
	v30 =	vsel vm0, $0x1, v26;
	vm0 =	veq.s32 v42, v0  }
0x291: {  	v9 =	vadd.s32 v57, v9;
	v61 =	vsel vm0, $0x1, v26;
	vm0 =	veq.s32 v42, v27  }
0x292: {  	v3 =	vadd.s32 v39, v3;
	v62 =	vsel vm0, $0x1, v26;
	vm0 =	veq.s32 v42, v28  }
0x293: {  	v19 =	vadd.s32 v40, v2;
	v43 =	vsel vm0, $0x1, v26;
	vm0 =	veq.s32 v42, v29  }
0x294: {  	v5 =	vadd.s32 v41, v5;
	v44 =	vsel vm0, $0x1, v26;
	vm0 =	veq.s32 v31, v63  }
0x295: {  	v9 =	vadd.s32 v58, v9;
	v3 =	vadd.s32 v59, v3;
	vm0 =	vmand vm0, vm10  }
0x296: {  	v59 =	vbroadcast v31, $0xB;
	v1 =	vsel vm0, $0x1, v26;
	vm0 =	veq.s32 v63, v0  }
0x297: {  	v7 =	vadd.s32 v60, v19;
	v45 =	vsel vm0, $0x1, v26;
	vm0 =	veq.s32 v63, v27  }
0x298: {  	v4 =	vadd.s32 v4, v9;
	v46 =	vsel vm0, $0x1, v26;
	vm0 =	veq.s32 v63, v28  }
0x299: {  	v5 =	vadd.s32 v38, v5;
	v48 =	vsel vm0, $0x1, v26;
	vm0 =	veq.s32 v63, v29  }
0x29a: {  	v3 =	vadd.s32 v61, v3;
	v11 =	vsel vm0, $0x1, v26;
	vm0 =	veq.s32 v31, v47  }
0x29b: {  	v7 =	vadd.s32 v62, v7;
	v4 =	vadd.s32 v43, v4;
	vm0 =	vmand vm0, vm11  }
0x29c: {  	v43 =	vbroadcast v31, $0xD;
	v2 =	vsel vm0, $0x1, v26;
	vm0 =	veq.s32 v47, v0  }
0x29d: {  	v5 =	vadd.s32 v44, v5;
	v49 =	vsel vm0, $0x1, v26;
	vm0 =	veq.s32 v47, v27  }
0x29e: {  	v3 =	vadd.s32 v45, v3;
	v20 =	vsel vm0, $0x1, v26;
	vm0 =	veq.s32 v47, v28  }
0x29f: {  	v44 =	vld.idx.msk [tilespmem:v31+s1+$0x0], $0xffff;
	v7 =	vadd.s32 v46, v7;
	v51 =	vsel vm0, $0x1, v26;
	vm0 =	veq.s32 v47, v29  }
0x2a0: {  	v63 =	vbroadcast v31, $0xC;
	v46 =	vld.idx.msk [tilespmem:v31+s0+$0x0], $0xffff;
	v18 =	vsel vm0, $0x1, v26;
	vm0 =	veq.s32 v31, v50  }
0x2a1: {  	v4 =	vadd.s32 v48, v4;
	v5 =	vadd.s32 v11, v5;
	vm0 =	vmand vm0, vm12  }
0x2a2: {  	v3 =	vadd.s32 v49, v3;
	v8 =	vsel vm0, $0x1, v26;
	vm0 =	veq.s32 v50, v0  }
0x2a3: {  	v48 =	vld.idx.msk [tilespmem:v31+s2+$0x0], $0xffff;
	v7 =	vadd.s32 v20, v7;
	v52 =	vsel vm0, $0x1, v26;
	vm0 =	veq.s32 v50, v27  }
0x2a4: {  	v4 =	vadd.s32 v51, v4;
	v5 =	vadd.s32 v18, v5;
	v53 =	vsel vm0, $0x1, v26  }
0x2a5: {  	vm0 =	veq.s32 v50, v28;
	v3 =	vadd.s32 v52, v3;
	v52 =	vadd.s32 v44, v46  }
0x2a6: {  	v55 =	vsel vm0, $0x1, v26;
	vm0 =	veq.s32 v50, v29;
	v7 =	vadd.s32 v53, v7  }
0x2a7: {  	v53 =	vbroadcast v31, $0xE;
	v56 =	vsel vm0, $0x1, v26;
	vm0 =	veq.s32 v31, v54  }
0x2a8: {  	v9 =	vadd.s32 v48, v52;
	v4 =	vadd.s32 v55, v4;
	vm0 =	vmand vm0, vm13  }
0x2a9: {  	v9 =	vadd.s32 v33, v9;
	v13 =	vsel vm0, $0x1, v26;
	vm0 =	veq.s32 v54, v0  }
0x2aa: {  	v5 =	vadd.s32 v56, v5;
	v57 =	vsel vm0, $0x1, v26;
	vm0 =	veq.s32 v54, v27  }
0x2ab: {  	v9 =	vadd.s32 v32, v9;
	v58 =	vsel vm0, $0x1, v26;
	vm0 =	veq.s32 v54, v28  }
0x2ac: {  	v9 =	vadd.s32 v34, v9;
	v60 =	vsel vm0, $0x1, v26;
	vm0 =	veq.s32 v54, v29  }
0x2ad: {  	v9 =	vadd.s32 v35, v9;
	v19 =	vsel vm0, $0x1, v26;
	vm0 =	veq.s32 v31, v59  }
0x2ae: {  	v3 =	vadd.s32 v57, v3;
	v9 =	vadd.s32 v36, v9;
	vm0 =	vmand vm0, vm14  }
0x2af: {  	v7 =	vadd.s32 v58, v7;
	v6 =	vsel vm0, $0x1, v26;
	vm0 =	veq.s32 v59, v0  }
0x2b0: {  	v9 =	vadd.s32 v37, v9;
	v61 =	vsel vm0, $0x1, v26;
	vm0 =	veq.s32 v59, v27  }
0x2b1: {  	v4 =	vadd.s32 v60, v4;
	v62 =	vsel vm0, $0x1, v26;
	vm0 =	veq.s32 v59, v28  }
0x2b2: {  	v9 =	vadd.s32 v30, v9;
	v38 =	vsel vm0, $0x1, v26;
	vm0 =	veq.s32 v59, v29  }
0x2b3: {  	v60 =	vbroadcast v31, $0xF;
	v39 =	vsel vm0, $0x1, v26;
	vm0 =	veq.s32 v31, v63  }
0x2b4: {  	v5 =	vadd.s32 v19, v5;
	v1 =	vadd.s32 v1, v9;
	vm0 =	vmand vm0, vm15  }
0x2b5: {  	v1 =	vadd.s32 v2, v1;
	v40 =	vsel vm0, $0x1, v26;
	vm0 =	veq.s32 v63, v0  }
0x2b6: {  	v1 =	vadd.s32 v8, v1;
	v41 =	vsel vm0, $0x1, v26;
	vm0 =	veq.s32 v63, v27  }
0x2b7: {  	v3 =	vadd.s32 v61, v3;
	v42 =	vsel vm0, $0x1, v26;
	vm0 =	veq.s32 v63, v28  }
0x2b8: {  	v1 =	vadd.s32 v13, v1;
	v45 =	vsel vm0, $0x1, v26;
	vm0 =	veq.s32 v63, v29  }
0x2b9: {  	v7 =	vadd.s32 v62, v7;
	v47 =	vsel vm0, $0x1, v26;
	vm0 =	veq.s32 v31, v43  }
0x2ba: {  	v1 =	vadd.s32 v6, v1;
	v4 =	vadd.s32 v38, v4;
	vm0 =	vmand vm0, vm4  }
0x2bb: {  	v5 =	vadd.s32 v39, v5;
	v49 =	vsel vm0, $0x1, v26;
	vm0 =	veq.s32 v43, v0  }
0x2bc: {  	v1 =	vadd.s32 v40, v1;
	v50 =	vsel vm0, $0x1, v26;
	vm0 =	veq.s32 v43, v27  }
0x2bd: {  	v3 =	vadd.s32 v41, v3;
	v51 =	vsel vm0, $0x1, v26;
	vm0 =	veq.s32 v43, v28  }
0x2be: {  	v7 =	vadd.s32 v42, v7;
	v54 =	vsel vm0, $0x1, v26;
	vm0 =	veq.s32 v43, v29  }
0x2bf: {  	v4 =	vadd.s32 v45, v4;
	v55 =	vsel vm0, $0x1, v26;
	vm0 =	veq.s32 v31, v53  }
0x2c0: {  	v5 =	vadd.s32 v47, v5;
	v1 =	vadd.s32 v49, v1;
	vm0 =	vmand vm0, vm3  }
0x2c1: {  	v3 =	vadd.s32 v50, v3;
	v56 =	vsel vm0, $0x1, v26;
	vm0 =	veq.s32 v53, v0  }
0x2c2: {  	v7 =	vadd.s32 v51, v7;
	v57 =	vsel vm0, $0x1, v26;
	vm0 =	veq.s32 v53, v27  }
0x2c3: {  	v4 =	vadd.s32 v54, v4;
	v58 =	vsel vm0, $0x1, v26;
	vm0 =	veq.s32 v53, v28  }
0x2c4: {  	v5 =	vadd.s32 v55, v5;
	v59 =	vsel vm0, $0x1, v26;
	vm0 =	veq.s32 v53, v29  }
0x2c5: {  	p2 =	sne.s32 s9, $0x1C0;
	v63 =	vadd.s32 v56, v1;
	v2 =	vsel vm0, $0x1, v26;
	vm0 =	veq.s32 v60, v0  }
.Ltmp1:
0x2c6: {  	v5 =	vadd.s32 v2, v5;
	v2 =	vsel vm0, $0x1, v26;
	vm0 =	veq.s32 v60, v27;
	(pc) =	sbr.rel @p2 .LBB2_4-.Ltmp1, $4  }
0x2c7: {  	v3 =	vadd.s32 v57, v3;
	v61 =	vsel vm0, $0x1, v26;
	vm0 =	veq.s32 v60, v28  }
0x2c8: {  	v7 =	vadd.s32 v58, v7;
	v62 =	vsel vm0, $0x1, v26;
	vm0 =	veq.s32 v60, v29  }
0x2c9: {  	v4 =	vadd.s32 v59, v4;
	v3 =	vadd.s32 v2, v3;
	v9 =	vsel vm0, $0x1, v26  }
0x2ca: {  	s9 =	sadd.s32 $0x40, s9;
	[tilespmem:s10+$0x800] =	vst v63;
	v2 =	vadd.s32 v61, v7;
	v1 =	vadd.s32 v62, v4;
	v30 =	vadd.s32 v9, v5  }
0x2cb: {  	_ =	strace $0x9000004C  }
0x2cc: {  	_ =	strace $0x8000004D  }
0x2cd: {  	[bflag:$0x0] =	sbarrier.arrive $0xFFFF  }
0x2ce: {  	s10 =	simm.s32 $0x800;
	s11 =	simm.s32 $0x880;
	s9 =	rddreg [dreg:$0x4]  }
0x2cf: {  	[spmem:s9] =	stream.indirect.scatter [tilespmem:s11], [sflag:$0x2], $0x1, s10, s3, $0x2000b8;
	[tilespmem:$0xCE40] =	vst v63  }
0x2d0: {  	_ =	swait.ge [sflag:s5], $0x80  }
0x2d1: {  	[sflag:s5] =	ssyncset.done $0x0  }
0x2d2: {  	[sflag:s5] =	ssyncadd.s32 $0xFFFFFF80  }
0x2d3: {  	s20 =	rddreg [dreg:$0x5]  }
0x2d4: {  	[spmem:s20] =	stream.indirect.scatter [tilespmem:s3], [sflag:$0x2], $0x1, s10, s3, $0x2000b8;
	[tilespmem:$0xCE40] =	vst v63  }
0x2d5: {  	_ =	swait.ge [sflag:s5], $0x80  }
0x2d6: {  	[sflag:s5] =	ssyncset.done $0x0  }
0x2d7: {  	[sflag:s5] =	ssyncadd.s32 $0xFFFFFF80  }
0x2d8: {  	[bflag:$0x0] =	sbarrier.arrive $0xFFFF  }
0x2d9: {  	_ =	strace $0x9000004D  }
0x2da: {  	_ =	strace $0x8000004E  }
0x2db: {  	v1 =	vld [tilespmem:$0x700];
	_ =	sdelay $0x2  }
0x2dc: {  	v30 =	vld [tilespmem:$0x730];
	_ =	sdelay $0x1  }
0x2dd: {  	v3 =	vbroadcast v1, $0x8  }
0x2de: {  	v4 =	vbroadcast v1, $0xE;
	v5 =	vbroadcast v1, $0x0  }
0x2df: {  	v6 =	vbroadcast v1, $0x2;
	v7 =	vbroadcast v1, $0x1  }
0x2e0: {  	v2 =	vld [tilespmem:$0x710];
	v8 =	vbroadcast v1, $0x7;
	v32 =	vbroadcast v30, $0xE  }
0x2e1: {  	v57 =	vbroadcast v1, $0x6;
	v9 =	vbroadcast v1, $0xA  }
0x2e2: {  	v11 =	vbroadcast v1, $0xD;
	v12 =	vbroadcast v30, $0x0  }
0x2e3: {  	v61 =	vbroadcast v1, $0x3;
	v62 =	vbroadcast v1, $0x5  }
0x2e4: {  	v14 =	vbroadcast v1, $0x9;
	v35 =	vbroadcast v1, $0xC  }
0x2e5: {  	v15 =	vbroadcast v2, $0x7;
	v36 =	vbroadcast v1, $0xB  }
0x2e6: {  	v16 =	vbroadcast v1, $0xF;
	v1 =	vbroadcast v1, $0x4  }
0x2e7: {  	v37 =	vbroadcast v2, $0xC;
	v39 =	vbroadcast v2, $0x1  }
0x2e8: {  	v33 =	vld [tilespmem:$0x720];
	v43 =	vbroadcast v2, $0x3;
	v20 =	vbroadcast v2, $0x4  }
0x2e9: {  	s31 =	simm.s32 $0x0;
	v46 =	vbroadcast v2, $0x5;
	v49 =	vbroadcast v2, $0x8  }
0x2ea: {  	v31 =	vor.u32 s31, v0;
	v50 =	vbroadcast v2, $0x9;
	v51 =	vbroadcast v2, $0xA  }
0x2eb: {  	v52 =	vbroadcast v2, $0xB;
	vm0 =	vge.s32 v31, v3;
	vm1 =	vge.s32 v31, v5  }
0x2ec: {  	v3 =	vbroadcast v2, $0x2;
	vm2 =	vge.s32 v31, v7;
	vm3 =	vge.s32 v31, v6  }
0x2ed: {  	vm11 =	vge.s32 v31, v8;
	v8 =	vbroadcast v33, $0x1;
	vm14 =	vge.s32 v31, v12  }
0x2ee: {  	vm13 =	vge.s32 v31, v57;
	vm15 =	vge.s32 v31, v11;
	v12 =	vbroadcast v33, $0x0  }
0x2ef: {  	vm12 =	vge.s32 v31, v62;
	vm4 =	vge.s32 v31, v35;
	vm5 =	vge.s32 v31, v4  }
0x2f0: {  	vm6 =	vge.s32 v31, v14;
	vm7 =	vge.s32 v31, v1;
	vm8 =	vge.s32 v31, v16  }
0x2f1: {  	vm9 =	vge.s32 v31, v39;
	vm10 =	vge.s32 v31, v61;
	v39 =	vbroadcast v33, $0xB  }
0x2f2: {  	v58 =	vsel vm1, $0x1, v26;
	v59 =	vsel vm3, $0x1, v26;
	v10 =	vsel vm2, $0x1, v26  }
0x2f3: {  	v60 =	vsel vm0, $0x1, v26;
	v63 =	vsel vm11, $0x1, v26;
	v13 =	vsel vm13, $0x1, v26  }
0x2f4: {  	vm11 =	vge.s32 v31, v9;
	v38 =	vsel vm7, $0x1, v26;
	vm0 =	vge.s32 v31, v36  }
0x2f5: {  	v40 =	vsel vm6, $0x1, v26;
	v41 =	vsel vm4, $0x1, v26;
	v17 =	vsel vm15, $0x1, v26  }
0x2f6: {  	v42 =	vsel vm5, $0x1, v26;
	v18 =	vsel vm10, $0x1, v26;
	v19 =	vsel vm8, $0x1, v26  }
0x2f7: {  	v45 =	vsel vm9, $0x1, v26;
	v34 =	vsel vm12, $0x1, v26;
	vm12 =	vge.s32 v31, v20  }
0x2f8: {  	vm4 =	vge.s32 v31, v15;
	vm5 =	vge.s32 v31, v49;
	vm6 =	vge.s32 v31, v50  }
0x2f9: {  	vm7 =	vge.s32 v31, v51;
	vm8 =	vge.s32 v31, v52;
	v6 =	vadd.s32 v10, v58  }
0x2fa: {  	vm9 =	vge.s32 v31, v37;
	v36 =	vbroadcast v33, $0x8;
	v6 =	vadd.s32 v59, v6  }
0x2fb: {  	vm13 =	vge.s32 v31, v3;
	v3 =	vbroadcast v2, $0x0;
	v6 =	vadd.s32 v18, v6  }
0x2fc: {  	v37 =	vbroadcast v33, $0xA;
	v51 =	vbroadcast v33, $0xF;
	v6 =	vadd.s32 v38, v6  }
0x2fd: {  	vm15 =	vge.s32 v31, v3;
	v3 =	vbroadcast v2, $0x6;
	v6 =	vadd.s32 v34, v6  }
0x2fe: {  	v1 =	vsel vm11, $0x1, v26;
	vm11 =	vge.s32 v31, v43;
	v6 =	vadd.s32 v13, v6  }
0x2ff: {  	v44 =	vsel vm15, $0x1, v26;
	vm15 =	vge.s32 v31, v3;
	v3 =	vadd.s32 v63, v6  }
0x300: {  	v47 =	vsel vm12, $0x1, v26;
	v53 =	vsel vm0, $0x1, v26;
	v3 =	vadd.s32 v60, v3  }
0x301: {  	v15 =	vsel vm4, $0x1, v26;
	v54 =	vsel vm5, $0x1, v26;
	v3 =	vadd.s32 v40, v3  }
0x302: {  	v55 =	vsel vm6, $0x1, v26;
	v56 =	vsel vm7, $0x1, v26;
	v1 =	vadd.s32 v1, v3  }
0x303: {  	v57 =	vsel vm8, $0x1, v26;
	v58 =	vbroadcast v2, $0xD;
	v1 =	vadd.s32 v53, v1  }
0x304: {  	vm7 =	vge.s32 v31, v8;
	v35 =	vsel vm13, $0x1, v26;
	v1 =	vadd.s32 v41, v1  }
0x305: {  	v20 =	vsel vm11, $0x1, v26;
	vm13 =	vge.s32 v31, v46;
	v1 =	vadd.s32 v17, v1  }
0x306: {  	v59 =	vbroadcast v2, $0xE;
	vm8 =	vge.s32 v31, v51;
	v1 =	vadd.s32 v42, v1  }
0x307: {  	v48 =	vsel vm13, $0x1, v26;
	v2 =	vbroadcast v2, $0xF;
	v1 =	vadd.s32 v19, v1  }
0x308: {  	vm10 =	vge.s32 v31, v58;
	v58 =	vbroadcast v30, $0x6;
	v1 =	vadd.s32 v44, v1  }
0x309: {  	vm11 =	vge.s32 v31, v59;
	v61 =	vsel vm10, $0x1, v26;
	v1 =	vadd.s32 v45, v1  }
0x30a: {  	v59 =	vbroadcast v30, $0x7;
	v62 =	vsel vm11, $0x1, v26;
	v1 =	vadd.s32 v35, v1  }
0x30b: {  	vm12 =	vge.s32 v31, v2;
	v2 =	vbroadcast v33, $0x2;
	v1 =	vadd.s32 v20, v1  }
0x30c: {  	v34 =	vbroadcast v33, $0x3;
	v63 =	vsel vm12, $0x1, v26;
	v1 =	vadd.s32 v47, v1  }
0x30d: {  	vm13 =	vge.s32 v31, v2;
	v3 =	vsel vm15, $0x1, v26;
	v1 =	vadd.s32 v48, v1  }
0x30e: {  	v2 =	vbroadcast v33, $0x5;
	vm1 =	vge.s32 v31, v34;
	v1 =	vadd.s32 v3, v1  }
0x30f: {  	vm12 =	vge.s32 v31, v36;
	v60 =	vsel vm9, $0x1, v26;
	v1 =	vadd.s32 v15, v1  }
0x310: {  	vm3 =	vge.s32 v31, v2;
	v2 =	vbroadcast v33, $0x7;
	v1 =	vadd.s32 v54, v1  }
0x311: {  	v46 =	vsel vm12, $0x1, v26;
	vm15 =	vge.s32 v31, v12;
	v1 =	vadd.s32 v55, v1  }
0x312: {  	vm6 =	vge.s32 v31, v2;
	v2 =	vsel vm13, $0x1, v26;
	v1 =	vadd.s32 v56, v1  }
0x313: {  	v40 =	vsel vm15, $0x1, v26;
	v53 =	vbroadcast v30, $0x1;
	v1 =	vadd.s32 v57, v1  }
0x314: {  	vm15 =	vge.s32 v31, v37;
	v41 =	vsel vm3, $0x1, v26;
	v1 =	vadd.s32 v60, v1  }
0x315: {  	v43 =	vsel vm6, $0x1, v26;
	vm9 =	vge.s32 v31, v53;
	v1 =	vadd.s32 v61, v1  }
0x316: {  	v44 =	vbroadcast v33, $0xC;
	v3 =	vbroadcast v33, $0x6;
	v1 =	vadd.s32 v62, v1  }
0x317: {  	v45 =	vsel vm7, $0x1, v26;
	v35 =	vbroadcast v33, $0x4;
	v1 =	vadd.s32 v63, v1  }
0x318: {  	vm4 =	vge.s32 v31, v3;
	v3 =	vbroadcast v33, $0x9;
	v1 =	vadd.s32 v40, v1  }
0x319: {  	vm2 =	vge.s32 v31, v35;
	v47 =	vbroadcast v33, $0xD;
	v1 =	vadd.s32 v45, v1  }
0x31a: {  	vm13 =	vge.s32 v31, v3;
	v3 =	vsel vm1, $0x1, v26;
	v1 =	vadd.s32 v2, v1  }
0x31b: {  	vm5 =	vge.s32 v31, v44;
	v38 =	vsel vm2, $0x1, v26;
	v1 =	vadd.s32 v3, v1  }
0x31c: {  	v50 =	vsel vm5, $0x1, v26;
	vm6 =	vge.s32 v31, v47;
	v1 =	vadd.s32 v38, v1  }
0x31d: {  	v54 =	vsel vm8, $0x1, v26;
	v42 =	vsel vm4, $0x1, v26;
	v1 =	vadd.s32 v41, v1  }
0x31e: {  	vm4 =	vge.s32 v31, v39;
	v55 =	vbroadcast v30, $0x2;
	v1 =	vadd.s32 v42, v1  }
0x31f: {  	v49 =	vsel vm4, $0x1, v26;
	v56 =	vbroadcast v30, $0x3;
	v1 =	vadd.s32 v43, v1  }
0x320: {  	v48 =	vsel vm13, $0x1, v26;
	v57 =	vbroadcast v30, $0x4;
	v1 =	vadd.s32 v46, v1  }
0x321: {  	v2 =	vsel vm15, $0x1, v26;
	v3 =	vbroadcast v33, $0xE;
	v1 =	vadd.s32 v48, v1  }
0x322: {  	vm10 =	vge.s32 v31, v55;
	vm11 =	vge.s32 v31, v56;
	v1 =	vadd.s32 v2, v1  }
0x323: {  	v60 =	vbroadcast v30, $0x9;
	vm7 =	vge.s32 v31, v3;
	v1 =	vadd.s32 v49, v1  }
0x324: {  	v3 =	vsel vm6, $0x1, v26;
	v2 =	vbroadcast v30, $0x5;
	v1 =	vadd.s32 v50, v1  }
0x325: {  	vm12 =	vge.s32 v31, v57;
	v52 =	vsel vm7, $0x1, v26;
	v1 =	vadd.s32 v3, v1  }
0x326: {  	v61 =	vbroadcast v30, $0xB;
	vm13 =	vge.s32 v31, v2;
	v1 =	vadd.s32 v52, v1  }
0x327: {  	v2 =	vbroadcast v30, $0x8;
	v3 =	vsel vm14, $0x1, v26;
	v1 =	vadd.s32 v54, v1  }
0x328: {  	v62 =	vbroadcast v30, $0xD;
	v1 =	vadd.s32 v3, v1;
	v3 =	vsel vm9, $0x1, v26  }
0x329: {  	vm8 =	vge.s32 v31, v2;
	v2 =	vsel vm10, $0x1, v26;
	v1 =	vadd.s32 v3, v1  }
0x32a: {  	vm15 =	vge.s32 v31, v59;
	v1 =	vadd.s32 v2, v1;
	v2 =	vsel vm11, $0x1, v26  }
0x32b: {  	vm14 =	vge.s32 v31, v58;
	v1 =	vadd.s32 v2, v1;
	v2 =	vsel vm12, $0x1, v26  }
0x32c: {  	vm9 =	vge.s32 v31, v60;
	v1 =	vadd.s32 v2, v1;
	v2 =	vsel vm13, $0x1, v26  }
0x32d: {  	v3 =	vbroadcast v30, $0xA;
	v1 =	vadd.s32 v2, v1;
	v2 =	vsel vm14, $0x1, v26  }
0x32e: {  	vm11 =	vge.s32 v31, v61;
	v1 =	vadd.s32 v2, v1;
	v2 =	vsel vm15, $0x1, v26  }
0x32f: {  	vm10 =	vge.s32 v31, v3;
	v1 =	vadd.s32 v2, v1;
	v2 =	vsel vm8, $0x1, v26  }
0x330: {  	v3 =	vbroadcast v30, $0xC;
	v1 =	vadd.s32 v2, v1;
	v2 =	vsel vm9, $0x1, v26  }
0x331: {  	vm13 =	vge.s32 v31, v62;
	v1 =	vadd.s32 v2, v1;
	v2 =	vsel vm10, $0x1, v26  }
0x332: {  	vm12 =	vge.s32 v31, v3;
	v1 =	vadd.s32 v2, v1;
	v2 =	vsel vm11, $0x1, v26  }
0x333: {  	v3 =	vbroadcast v30, $0xF;
	v1 =	vadd.s32 v2, v1;
	v2 =	vsel vm12, $0x1, v26  }
0x334: {  	vm14 =	vge.s32 v31, v32;
	v1 =	vadd.s32 v2, v1;
	v2 =	vsel vm13, $0x1, v26  }
0x335: {  	v63 =	vsel vm14, $0x1, v26;
	vm15 =	vge.s32 v31, v3;
	v1 =	vadd.s32 v2, v1  }
0x336: {  	v2 =	vsel vm15, $0x1, v26;
	v1 =	vadd.s32 v63, v1  }
0x337: {  	s9 =	simm.s32 $0x900;
	s11 =	simm.s32 $0x900;
	s10 =	simm.s32 $0x10;
	v1 =	vadd.s32 v2, v1  }
.LBB2_6:
0x338: {  	p2 =	sne.s32 s10, $0x70  }
0x339: {  	v1 =	vmin.u32 v1, $0x3F;
	s9 =	sadd.s32 $0x10, s9;
	s12 =	smov.u32 s10;
	s10 =	sadd.s32 $0x10, s10  }
0x33a: {  	[tilespmem:s11+$0x0] =	vst v1;
	s11 =	smov.u32 s9  }
0x33b: {  	v3 =	vld [tilespmem:$0x700]  }
0x33c: {  	v31 =	vld [tilespmem:$0x730];
	_ =	sdelay $0x1  }
0x33d: {  	v1 =	vld [tilespmem:$0x710]  }
0x33e: {  	v30 =	vor.u32 s12, v0  }
0x33f: {  	v2 =	vbroadcast v3, $0x8;
	v4 =	vbroadcast v3, $0xE  }
0x340: {  	v5 =	vbroadcast v3, $0x0;
	v6 =	vbroadcast v3, $0x2;
	v33 =	vld [tilespmem:$0x720]  }
0x341: {  	v7 =	vbroadcast v3, $0x1;
	v8 =	vbroadcast v3, $0x7;
	vm0 =	vge.s32 v30, v2  }
0x342: {  	v32 =	vbroadcast v31, $0xE;
	vm1 =	vge.s32 v30, v5;
	v5 =	vbroadcast v1, $0x2  }
0x343: {  	vm2 =	vge.s32 v30, v7;
	vm3 =	vge.s32 v30, v6;
	v2 =	vbroadcast v3, $0x6  }
0x344: {  	v9 =	vbroadcast v3, $0xA;
	v6 =	vsel vm1, $0x1, v26;
	v7 =	vsel vm3, $0x1, v26  }
0x345: {  	v11 =	vbroadcast v3, $0xD;
	v12 =	vbroadcast v31, $0x0;
	v10 =	vsel vm2, $0x1, v26  }
0x346: {  	vm1 =	vge.s32 v30, v8;
	v6 =	vadd.s32 v10, v6;
	v34 =	vbroadcast v33, $0x1  }
0x347: {  	vm14 =	vge.s32 v30, v12;
	v6 =	vadd.s32 v7, v6;
	v7 =	vsel vm0, $0x1, v26  }
0x348: {  	v8 =	vbroadcast v3, $0x3;
	vm3 =	vge.s32 v30, v11;
	vm0 =	vge.s32 v30, v2  }
0x349: {  	v10 =	vbroadcast v3, $0x5;
	v11 =	vsel vm1, $0x1, v26;
	v2 =	vbroadcast v33, $0x0  }
0x34a: {  	v13 =	vbroadcast v3, $0x9;
	v12 =	vsel vm0, $0x1, v26;
	vm0 =	vge.s32 v30, v9  }
0x34b: {  	vm1 =	vge.s32 v30, v10;
	v9 =	vbroadcast v3, $0xC;
	v10 =	vbroadcast v1, $0x7  }
0x34c: {  	v14 =	vbroadcast v3, $0xB;
	v15 =	vbroadcast v3, $0xF;
	vm2 =	vge.s32 v30, v5  }
0x34d: {  	vm5 =	vge.s32 v30, v4;
	v3 =	vbroadcast v3, $0x4;
	vm4 =	vge.s32 v30, v9  }
0x34e: {  	vm6 =	vge.s32 v30, v13;
	v4 =	vbroadcast v1, $0x0;
	v5 =	vbroadcast v1, $0xC  }
0x34f: {  	vm8 =	vge.s32 v30, v15;
	vm7 =	vge.s32 v30, v3;
	v3 =	vsel vm0, $0x1, v26  }
0x350: {  	v13 =	vbroadcast v1, $0x1;
	vm0 =	vge.s32 v30, v14;
	v9 =	vsel vm7, $0x1, v26  }
0x351: {  	v16 =	vsel vm3, $0x1, v26;
	v14 =	vsel vm6, $0x1, v26;
	v15 =	vsel vm4, $0x1, v26  }
0x352: {  	vm3 =	vge.s32 v30, v4;
	v4 =	vbroadcast v1, $0x6;
	vm4 =	vge.s32 v30, v13  }
0x353: {  	vm6 =	vge.s32 v30, v8;
	v8 =	vsel vm5, $0x1, v26;
	v13 =	vbroadcast v1, $0x3  }
0x354: {  	v18 =	vsel vm8, $0x1, v26;
	v19 =	vbroadcast v1, $0x4;
	v17 =	vsel vm6, $0x1, v26  }
0x355: {  	v6 =	vadd.s32 v17, v6;
	v17 =	vsel vm3, $0x1, v26;
	vm3 =	vge.s32 v30, v13  }
0x356: {  	v6 =	vadd.s32 v9, v6;
	v9 =	vsel vm4, $0x1, v26;
	v13 =	vbroadcast v1, $0x5  }
0x357: {  	v35 =	vsel vm2, $0x1, v26;
	v20 =	vsel vm1, $0x1, v26;
	vm1 =	vge.s32 v30, v19  }
0x358: {  	v6 =	vadd.s32 v20, v6;
	v19 =	vsel vm3, $0x1, v26;
	vm2 =	vge.s32 v30, v13  }
0x359: {  	v6 =	vadd.s32 v12, v6;
	v12 =	vsel vm1, $0x1, v26;
	vm1 =	vge.s32 v30, v4  }
0x35a: {  	v4 =	vadd.s32 v11, v6;
	v6 =	vsel vm2, $0x1, v26;
	vm2 =	vge.s32 v30, v10  }
0x35b: {  	v10 =	vbroadcast v1, $0x9;
	v4 =	vadd.s32 v7, v4;
	v7 =	vbroadcast v1, $0x8  }
0x35c: {  	v13 =	vbroadcast v1, $0xB;
	v11 =	vbroadcast v1, $0xA;
	v4 =	vadd.s32 v14, v4  }
0x35d: {  	v3 =	vadd.s32 v3, v4;
	v4 =	vsel vm1, $0x1, v26;
	vm1 =	vge.s32 v30, v7  }
0x35e: {  	v14 =	vsel vm2, $0x1, v26;
	v7 =	vsel vm0, $0x1, v26;
	vm0 =	vge.s32 v30, v10  }
0x35f: {  	v3 =	vadd.s32 v7, v3;
	v7 =	vsel vm1, $0x1, v26;
	vm1 =	vge.s32 v30, v11  }
0x360: {  	v10 =	vsel vm0, $0x1, v26;
	vm0 =	vge.s32 v30, v13;
	v3 =	vadd.s32 v15, v3  }
0x361: {  	v11 =	vsel vm1, $0x1, v26;
	vm1 =	vge.s32 v30, v5;
	v3 =	vadd.s32 v16, v3  }
0x362: {  	v5 =	vsel vm0, $0x1, v26;
	v3 =	vadd.s32 v8, v3;
	v8 =	vbroadcast v1, $0xD  }
0x363: {  	v13 =	vbroadcast v1, $0xE;
	v1 =	vbroadcast v1, $0xF;
	v3 =	vadd.s32 v18, v3  }
0x364: {  	v15 =	vsel vm1, $0x1, v26;
	v3 =	vadd.s32 v17, v3;
	vm0 =	vge.s32 v30, v8  }
0x365: {  	v3 =	vadd.s32 v9, v3;
	v8 =	vsel vm0, $0x1, v26;
	vm0 =	vge.s32 v30, v13  }
0x366: {  	v3 =	vadd.s32 v35, v3;
	v9 =	vsel vm0, $0x1, v26;
	vm0 =	vge.s32 v30, v1  }
0x367: {  	v13 =	vbroadcast v33, $0x2;
	v1 =	vadd.s32 v19, v3;
	v3 =	vsel vm0, $0x1, v26  }
0x368: {  	v16 =	vbroadcast v33, $0x4;
	v1 =	vadd.s32 v12, v1;
	v12 =	vbroadcast v33, $0x3  }
0x369: {  	vm0 =	vge.s32 v30, v13;
	v1 =	vadd.s32 v6, v1;
	v6 =	vbroadcast v33, $0x5  }
0x36a: {  	vm2 =	vge.s32 v30, v16;
	v1 =	vadd.s32 v4, v1;
	vm1 =	vge.s32 v30, v12  }
0x36b: {  	v4 =	vbroadcast v33, $0x6;
	v1 =	vadd.s32 v14, v1;
	vm3 =	vge.s32 v30, v6  }
0x36c: {  	v6 =	vbroadcast v33, $0x7;
	v1 =	vadd.s32 v7, v1;
	v7 =	vbroadcast v33, $0x8  }
0x36d: {  	vm4 =	vge.s32 v30, v4;
	v4 =	vbroadcast v33, $0x9;
	v1 =	vadd.s32 v10, v1  }
0x36e: {  	vm5 =	vge.s32 v30, v2;
	vm6 =	vge.s32 v30, v6;
	v1 =	vadd.s32 v11, v1  }
0x36f: {  	vm7 =	vge.s32 v30, v34;
	vm8 =	vge.s32 v30, v7;
	v1 =	vadd.s32 v5, v1  }
0x370: {  	v2 =	vsel vm0, $0x1, v26;
	vm0 =	vge.s32 v30, v4;
	v1 =	vadd.s32 v15, v1  }
0x371: {  	v4 =	vsel vm1, $0x1, v26;
	v5 =	vbroadcast v33, $0xA;
	v1 =	vadd.s32 v8, v1  }
0x372: {  	v6 =	vsel vm2, $0x1, v26;
	v7 =	vbroadcast v33, $0xB;
	v1 =	vadd.s32 v9, v1  }
0x373: {  	v8 =	vsel vm5, $0x1, v26;
	vm1 =	vge.s32 v30, v5;
	v9 =	vsel vm3, $0x1, v26  }
0x374: {  	vm2 =	vge.s32 v30, v7;
	v1 =	vadd.s32 v3, v1;
	v3 =	vsel vm4, $0x1, v26  }
0x375: {  	v7 =	vbroadcast v33, $0xC;
	v5 =	vsel vm6, $0x1, v26;
	v1 =	vadd.s32 v8, v1  }
0x376: {  	v11 =	vbroadcast v33, $0xD;
	v10 =	vsel vm8, $0x1, v26;
	v8 =	vsel vm7, $0x1, v26  }
0x377: {  	v1 =	vadd.s32 v8, v1;
	v8 =	vsel vm0, $0x1, v26;
	vm0 =	vge.s32 v30, v7  }
0x378: {  	v1 =	vadd.s32 v2, v1;
	v2 =	vsel vm1, $0x1, v26;
	vm1 =	vge.s32 v30, v11  }
0x379: {  	v7 =	vbroadcast v33, $0xE;
	v1 =	vadd.s32 v4, v1;
	v4 =	vsel vm2, $0x1, v26  }
0x37a: {  	v11 =	vbroadcast v33, $0xF;
	v1 =	vadd.s32 v6, v1;
	v6 =	vsel vm0, $0x1, v26  }
0x37b: {  	vm0 =	vge.s32 v30, v7;
	v1 =	vadd.s32 v9, v1;
	v9 =	vsel vm1, $0x1, v26  }
0x37c: {  	v1 =	vadd.s32 v3, v1;
	v3 =	vsel vm0, $0x1, v26;
	vm0 =	vge.s32 v30, v11  }
0x37d: {  	v7 =	vbroadcast v31, $0x1;
	v1 =	vadd.s32 v5, v1;
	v5 =	vsel vm0, $0x1, v26  }
0x37e: {  	v11 =	vbroadcast v31, $0x3;
	v1 =	vadd.s32 v10, v1;
	v10 =	vbroadcast v31, $0x2  }
0x37f: {  	vm0 =	vge.s32 v30, v7;
	v7 =	vbroadcast v31, $0x4;
	v1 =	vadd.s32 v8, v1  }
0x380: {  	vm2 =	vge.s32 v30, v11;
	v1 =	vadd.s32 v2, v1;
	vm1 =	vge.s32 v30, v10  }
0x381: {  	vm3 =	vge.s32 v30, v7;
	v2 =	vbroadcast v31, $0x5;
	v1 =	vadd.s32 v4, v1  }
0x382: {  	v4 =	vbroadcast v31, $0x6;
	v1 =	vadd.s32 v6, v1;
	v6 =	vbroadcast v31, $0x7  }
0x383: {  	vm4 =	vge.s32 v30, v2;
	v2 =	vbroadcast v31, $0x8;
	v1 =	vadd.s32 v9, v1  }
0x384: {  	vm5 =	vge.s32 v30, v4;
	v1 =	vadd.s32 v3, v1;
	v3 =	vsel vm14, $0x1, v26  }
0x385: {  	v4 =	vbroadcast v31, $0x9;
	vm6 =	vge.s32 v30, v6;
	v1 =	vadd.s32 v5, v1  }
0x386: {  	v1 =	vadd.s32 v3, v1;
	v3 =	vsel vm0, $0x1, v26;
	vm0 =	vge.s32 v30, v2  }
0x387: {  	v2 =	vsel vm1, $0x1, v26;
	vm1 =	vge.s32 v30, v4;
	v1 =	vadd.s32 v3, v1  }
0x388: {  	v3 =	vbroadcast v31, $0xA;
	v1 =	vadd.s32 v2, v1;
	v2 =	vsel vm2, $0x1, v26  }
0x389: {  	v4 =	vbroadcast v31, $0xB;
	v1 =	vadd.s32 v2, v1;
	v2 =	vsel vm3, $0x1, v26  }
0x38a: {  	vm2 =	vge.s32 v30, v3;
	v1 =	vadd.s32 v2, v1;
	v2 =	vsel vm4, $0x1, v26  }
0x38b: {  	vm3 =	vge.s32 v30, v4;
	v1 =	vadd.s32 v2, v1;
	v2 =	vsel vm5, $0x1, v26  }
0x38c: {  	v3 =	vbroadcast v31, $0xC;
	v1 =	vadd.s32 v2, v1;
	v2 =	vsel vm6, $0x1, v26  }
0x38d: {  	v4 =	vbroadcast v31, $0xD;
	v1 =	vadd.s32 v2, v1;
	v2 =	vsel vm0, $0x1, v26  }
0x38e: {  	vm0 =	vge.s32 v30, v3;
	v1 =	vadd.s32 v2, v1;
	v2 =	vsel vm1, $0x1, v26  }
0x38f: {  	vm1 =	vge.s32 v30, v4;
	v1 =	vadd.s32 v2, v1;
	v2 =	vsel vm2, $0x1, v26  }
0x390: {  	vm2 =	vge.s32 v30, v32;
	v1 =	vadd.s32 v2, v1;
	v2 =	vsel vm3, $0x1, v26  }
.Ltmp2:
0x391: {  	v3 =	vbroadcast v31, $0xF;
	v1 =	vadd.s32 v2, v1;
	v2 =	vsel vm0, $0x1, v26;
	(pc) =	sbr.rel @p2 .LBB2_6-.Ltmp2, $4  }
0x392: {  	v4 =	vsel vm2, $0x1, v26;
	v1 =	vadd.s32 v2, v1;
	v2 =	vsel vm1, $0x1, v26  }
0x393: {  	vm0 =	vge.s32 v30, v3;
	v1 =	vadd.s32 v2, v1  }
0x394: {  	v2 =	vsel vm0, $0x1, v26;
	v1 =	vadd.s32 v4, v1  }
0x395: {  	v1 =	vadd.s32 v2, v1  }
0x396: {  	v1 =	vmin.u32 v1, $0x3F  }
0x397: {  	s9 =	simm.s32 @!p0 $0x0;
	s10 =	simm.s32 @!p0 $0x900;
	[tilespmem:s11+$0x0] =	vst v1;
	s11 =	rddreg [dreg:$0x7]  }
0x398: {  	[hbm4b:s11+s9] =	stream.linear.scatter @!p0 [tilespmem:s10], [sflag:$0x2], $0x80, $0x200038;
	[tilespmem:$0xCE40] =	vst v63  }
0x399: {  	s10 =	simm.s32 @!p0 $0x2  }
0x39a: {  	_ =	swait.ge @!p0 [sflag:s10], $0x80  }
0x39b: {  	[sflag:s10] =	ssyncset.done @!p0 $0x0  }
0x39c: {  	s11 =	simm.s32 @!p0 $0x780;
	s12 =	rddreg [dreg:$0x8];
	[sflag:s10] =	ssyncadd.s32 @!p0 $0xFFFFFF80  }
0x39d: {  	[hbm4b:s12+s9] =	stream.linear.scatter @!p0 [tilespmem:s11], [sflag:$0x2], $0x80, $0x200038;
	[tilespmem:$0xCE40] =	vst v63  }
0x39e: {  	_ =	swait.ge @!p0 [sflag:s10], $0x80  }
0x39f: {  	s9 =	simm.s32 @!p1 $0x0;
	[sflag:s10] =	ssyncset.done @!p0 $0x0  }
0x3a0: {  	s11 =	rddreg [dreg:$0xd];
	[sflag:s10] =	ssyncadd.s32 @!p0 $0xFFFFFF80;
	s10 =	simm.s32 @!p1 $0x800  }
0x3a1: {  	[hbm4b:s11+s9] =	stream.linear.scatter @!p1 [tilespmem:s10], [sflag:$0x2], $0x80, $0x200038;
	[tilespmem:$0xCE40] =	vst v63  }
0x3a2: {  	s9 =	simm.s32 @!p1 $0x2;
	s10 =	stileid.u32  }
0x3a3: {  	_ =	swait.ge @!p1 [sflag:s9], $0x80;
	s10 =	sshll.u32 @!p1 s10, $0x6  }
0x3a4: {  	[sflag:s9] =	ssyncset.done @!p1 $0x0;
	s10 =	sor.u32 @!p1 $0x1C02, s10;
	s3 =	rddreg [dreg:$0x14]  }
0x3a5: {  	s12 =	rddreg [dreg:$0xe];
	[sflag:s9] =	ssyncadd.s32 @!p1 $0xFFFFFF80;
	s11 =	sshrl.u32 @!p1 s3, $0x3  }
0x3a6: {  	[hbm:s12], [sflag:s10] =	dma.local @!p1 [spmem:s11], $0x20  }
0x3a7: {  	_ =	swait.ge @!p1 [sflag:s9], $0x20  }
0x3a8: {  	[sflag:s9] =	ssyncset.done @!p1 $0x0  }
0x3a9: {  	[sflag:s9] =	ssyncadd.s32 @!p1 $0xFFFFFFE0  }
0x3aa: {  	_ =	strace $0x9000004E  }
0x3ab: {  	_ =	strace $0x8000004F  }
0x3ac: {  	s0 =	simm.s32 $0xB80;
	s12 =	rddreg [dreg:$0xf]  }
0x3ad: {  	[tilespmem:s0], [sflag:$0x2] =	stream.linear.gather [spmem:s12], $0x40, $0x200038;
	[tilespmem:$0xCE40] =	vst v63  }
0x3ae: {  	_ =	swait.ge [sflag:s5], $0x40  }
0x3af: {  	[sflag:s5] =	ssyncset.done $0x0  }
0x3b0: {  	[sflag:s5] =	ssyncadd.s32 $0xFFFFFFC0  }
0x3b1: {  	v1 =	vld [tilespmem:$0xB80];
	_ =	sdelay $0x4  }
0x3b2: {  	v2 =	vshrl.u32 v1, $0x3  }
0x3b3: {  	v2 =	vmul.u32 $0x30, v2  }
0x3b4: {  	v1 =	vand.u32 $0x7, v1  }
0x3b5: {  	v3 =	vshrl.u32 v0, $0x3;
	v1 =	vor.u32 v1, v2;
	v2 =	vand.u32 $0x7, v0  }
0x3b6: {  	v3 =	vmul.u32 $0x8, v3;
	v4 =	vperm.xlane v1, v2;
	_ =	sdelay $0x1  }
0x3b7: {  	v4 =	vadd.s32 v3, v4;
	_ =	sdelay $0x2  }
0x3b8: {  	v5 =	vor.u32 $0x8, v0  }
0x3b9: {  	vm0 =	vmmov $0xffff;
	s17 =	rddreg [dreg:$0x2];
	v1 =	vperm.xlane v1, v5  }
0x3ba: {  	[tilespmem:s7], [sflag:$0x1] =	stream.indirect_vreg.gather [hbm4b:s17+s6], $0x80, v4, vm0, $0x2000b8;
	[tilespmem:$0xCE40] =	vst v63  }
0x3bb: {  	s11 =	simm.s32 $0x1400;
	s20 =	rddreg [dreg:$0x15];
	v1 =	vadd.s32 v3, v1  }
0x3bc: {  	[tilespmem:s11], [sflag:$0x1] =	stream.indirect_vreg.gather [hbm4b:s20+s6], $0x80, v4, vm0, $0x2000b8;
	[tilespmem:$0xCE40] =	vst v63  }
0x3bd: {  	s12 =	simm.s32 $0x1C00;
	s31 =	rddreg [dreg:$0x16]  }
0x3be: {  	[tilespmem:s12], [sflag:$0x1] =	stream.indirect_vreg.gather [hbm4b:s31+s6], $0x80, v4, vm0, $0x2000b8;
	[tilespmem:$0xCE40] =	vst v63  }
0x3bf: {  	_ = 	snop  }
0x3c0: {  	[tilespmem:s14], [sflag:$0x1] =	stream.indirect_vreg.gather [hbm4b:s17+s6], $0x80, v1, vm0, $0x2000b8;
	[tilespmem:$0xCE40] =	vst v63  }
0x3c1: {  	_ = 	snop  }
0x3c2: {  	[tilespmem:s15], [sflag:$0x1] =	stream.indirect_vreg.gather [hbm4b:s20+s6], $0x80, v1, vm0, $0x2000b8;
	[tilespmem:$0xCE40] =	vst v63  }
0x3c3: {  	_ = 	snop  }
0x3c4: {  	[tilespmem:s16], [sflag:$0x1] =	stream.indirect_vreg.gather [hbm4b:s31+s6], $0x80, v1, vm0, $0x2000b8;
	[tilespmem:$0xCE40] =	vst v63  }
0x3c5: {  	v1 =	vld [tilespmem:$0xB90];
	_ =	sdelay $0x4  }
0x3c6: {  	v57 =	vshrl.u32 v1, $0x3  }
0x3c7: {  	v4 =	vmul.u32 $0x30, v57  }
0x3c8: {  	v1 =	vand.u32 $0x7, v1  }
0x3c9: {  	v1 =	vor.u32 v1, v4  }
0x3ca: {  	v4 =	vperm.xlane v1, v2;
	_ =	sdelay $0x1  }
0x3cb: {  	v4 =	vadd.s32 v3, v4;
	_ =	sdelay $0x3  }
0x3cc: {  	v1 =	vperm.xlane v1, v5  }
0x3cd: {  	[tilespmem:s18], [sflag:$0x1] =	stream.indirect_vreg.gather [hbm4b:s17+s6], $0x80, v4, vm0, $0x2000b8;
	[tilespmem:$0xCE40] =	vst v63  }
0x3ce: {  	s4 =	simm.s32 $0x4400;
	v1 =	vadd.s32 v3, v1  }
0x3cf: {  	[tilespmem:s4], [sflag:$0x1] =	stream.indirect_vreg.gather [hbm4b:s20+s6], $0x80, v4, vm0, $0x2000b8;
	[tilespmem:$0xCE40] =	vst v63  }
0x3d0: {  	_ = 	snop  }
0x3d1: {  	[tilespmem:s19], [sflag:$0x1] =	stream.indirect_vreg.gather [hbm4b:s31+s6], $0x80, v4, vm0, $0x2000b8;
	[tilespmem:$0xCE40] =	vst v63  }
0x3d2: {  	_ = 	snop  }
0x3d3: {  	[tilespmem:s21], [sflag:$0x1] =	stream.indirect_vreg.gather [hbm4b:s17+s6], $0x80, v1, vm0, $0x2000b8;
	[tilespmem:$0xCE40] =	vst v63  }
0x3d4: {  	_ = 	snop  }
0x3d5: {  	[tilespmem:s26], [sflag:$0x1] =	stream.indirect_vreg.gather [hbm4b:s20+s6], $0x80, v1, vm0, $0x2000b8;
	[tilespmem:$0xCE40] =	vst v63  }
0x3d6: {  	_ = 	snop  }
0x3d7: {  	[tilespmem:s29], [sflag:$0x1] =	stream.indirect_vreg.gather [hbm4b:s31+s6], $0x80, v1, vm0, $0x2000b8;
	[tilespmem:$0xCE40] =	vst v63  }
0x3d8: {  	v1 =	vld [tilespmem:$0xBA0];
	_ =	sdelay $0x4  }
0x3d9: {  	v58 =	vshrl.u32 v1, $0x3  }
0x3da: {  	v4 =	vmul.u32 $0x30, v58  }
0x3db: {  	v1 =	vand.u32 $0x7, v1  }
0x3dc: {  	v1 =	vor.u32 v1, v4  }
0x3dd: {  	v4 =	vperm.xlane v1, v2;
	_ =	sdelay $0x1  }
0x3de: {  	v4 =	vadd.s32 v3, v4;
	_ =	sdelay $0x3  }
0x3df: {  	v1 =	vperm.xlane v1, v5  }
0x3e0: {  	[tilespmem:s22], [sflag:$0x1] =	stream.indirect_vreg.gather [hbm4b:s17+s6], $0x80, v4, vm0, $0x2000b8;
	[tilespmem:$0xCE40] =	vst v63  }
0x3e1: {  	v1 =	vadd.s32 v3, v1  }
0x3e2: {  	[tilespmem:s25], [sflag:$0x1] =	stream.indirect_vreg.gather [hbm4b:s20+s6], $0x80, v4, vm0, $0x2000b8;
	[tilespmem:$0xCE40] =	vst v63  }
0x3e3: {  	s3 =	simm.s32 $0x7C00  }
0x3e4: {  	[tilespmem:s3], [sflag:$0x1] =	stream.indirect_vreg.gather [hbm4b:s31+s6], $0x80, v4, vm0, $0x2000b8;
	[tilespmem:$0xCE40] =	vst v63  }
0x3e5: {  	s0 =	simm.s32 $0x0;
	s5 =	simm.s32 $0x8400  }
0x3e6: {  	[tilespmem:s5], [sflag:$0x1] =	stream.indirect_vreg.gather [hbm4b:s17+s0], $0x80, v1, vm0, $0x2000b8;
	[tilespmem:$0xCE40] =	vst v63  }
0x3e7: {  	_ = 	snop  }
0x3e8: {  	[tilespmem:s24], [sflag:$0x1] =	stream.indirect_vreg.gather [hbm4b:s20+s0], $0x80, v1, vm0, $0x2000b8;
	[tilespmem:$0xCE40] =	vst v63  }
0x3e9: {  	_ = 	snop  }
0x3ea: {  	[tilespmem:s13], [sflag:$0x1] =	stream.indirect_vreg.gather [hbm4b:s31+s0], $0x80, v1, vm0, $0x2000b8;
	[tilespmem:$0xCE40] =	vst v63  }
0x3eb: {  	v1 =	vld [tilespmem:$0xBB0];
	_ =	sdelay $0x4  }
0x3ec: {  	v59 =	vshrl.u32 v1, $0x3  }
0x3ed: {  	v4 =	vmul.u32 $0x30, v59  }
0x3ee: {  	v1 =	vand.u32 $0x7, v1  }
0x3ef: {  	v1 =	vor.u32 v1, v4  }
0x3f0: {  	v4 =	vperm.xlane v1, v2;
	_ =	sdelay $0x1  }
0x3f1: {  	v4 =	vadd.s32 v3, v4;
	_ =	sdelay $0x3  }
0x3f2: {  	v1 =	vperm.xlane v1, v5  }
0x3f3: {  	[tilespmem:s30], [sflag:$0x1] =	stream.indirect_vreg.gather [hbm4b:s17+s0], $0x80, v4, vm0, $0x2000b8;
	[tilespmem:$0xCE40] =	vst v63  }
0x3f4: {  	v1 =	vadd.s32 v3, v1  }
0x3f5: {  	[tilespmem:s28], [sflag:$0x1] =	stream.indirect_vreg.gather [hbm4b:s20+s0], $0x80, v4, vm0, $0x2000b8;
	[tilespmem:$0xCE40] =	vst v63  }
0x3f6: {  	_ = 	snop  }
0x3f7: {  	[tilespmem:s8], [sflag:$0x1] =	stream.indirect_vreg.gather [hbm4b:s31+s0], $0x80, v4, vm0, $0x2000b8;
	[tilespmem:$0xCE40] =	vst v63  }
0x3f8: {  	s1 =	simm.s32 $0xB400  }
0x3f9: {  	[tilespmem:s1], [sflag:$0x1] =	stream.indirect_vreg.gather [hbm4b:s17+s0], $0x80, v1, vm0, $0x2000b8;
	[tilespmem:$0xCE40] =	vst v63  }
0x3fa: {  	s10 =	simm.s32 $0xBC00  }
0x3fb: {  	[tilespmem:s10], [sflag:$0x1] =	stream.indirect_vreg.gather [hbm4b:s20+s0], $0x80, v1, vm0, $0x2000b8;
	[tilespmem:$0xCE40] =	vst v63  }
0x3fc: {  	s2 =	simm.s32 $0xC400  }
0x3fd: {  	[tilespmem:s2], [sflag:$0x1] =	stream.indirect_vreg.gather [hbm4b:s31+s0], $0x80, v1, vm0, $0x2000b8;
	[tilespmem:$0xCE40] =	vst v63  }
0x3fe: {  	_ =	swait.ge [sflag:s23], $0xC000  }
0x3ff: {  	[sflag:s23] =	ssyncset.done $0x0  }
0x400: {  	s6 =	simm.s32 $0x2;
	s9 =	rddreg [dreg:$0x10];
	[sflag:s23] =	ssyncadd.s32 $0xFFFF4000  }
0x401: {  	[hbm4b:s9+s0] =	stream.linear.scatter [tilespmem:s7], [sflag:$0x2], $0xC000, $0x200038;
	[tilespmem:$0xCE40] =	vst v63  }
0x402: {  	_ =	swait.ge [sflag:s6], $0xC000  }
0x403: {  	[sflag:s6] =	ssyncset.done $0x0  }
0x404: {  	s0 =	simm.s32 $0xB80;
	s9 =	rddreg [dreg:$0x12];
	[sflag:s6] =	ssyncadd.s32 $0xFFFF4000  }
0x405: {  	[tilespmem:s0], [sflag:$0x2] =	stream.linear.gather [spmem:s9], $0x40, $0x200038;
	[tilespmem:$0xCE40] =	vst v63  }
0x406: {  	_ =	swait.ge [sflag:s6], $0x40  }
0x407: {  	[sflag:s6] =	ssyncset.done $0x0  }
0x408: {  	[sflag:s6] =	ssyncadd.s32 $0xFFFFFFC0  }
0x409: {  	v1 =	vld [tilespmem:$0xB80];
	_ =	sdelay $0x4  }
0x40a: {  	v60 =	vshrl.u32 v1, $0x3  }
0x40b: {  	v4 =	vmul.u32 $0x30, v60  }
0x40c: {  	v1 =	vand.u32 $0x7, v1  }
0x40d: {  	v1 =	vor.u32 v1, v4  }
0x40e: {  	v4 =	vperm.xlane v1, v2;
	_ =	sdelay $0x1  }
0x40f: {  	v4 =	vadd.s32 v3, v4;
	_ =	sdelay $0x3  }
0x410: {  	s6 =	simm.s32 $0x0;
	v1 =	vperm.xlane v1, v5  }
0x411: {  	[tilespmem:s7], [sflag:$0x1] =	stream.indirect_vreg.gather [hbm4b:s17+s6], $0x80, v4, vm0, $0x2000b8;
	[tilespmem:$0xCE40] =	vst v63  }
0x412: {  	v1 =	vadd.s32 v3, v1  }
0x413: {  	[tilespmem:s11], [sflag:$0x1] =	stream.indirect_vreg.gather [hbm4b:s20+s6], $0x80, v4, vm0, $0x2000b8;
	[tilespmem:$0xCE40] =	vst v63  }
0x414: {  	_ = 	snop  }
0x415: {  	[tilespmem:s12], [sflag:$0x1] =	stream.indirect_vreg.gather [hbm4b:s31+s6], $0x80, v4, vm0, $0x2000b8;
	[tilespmem:$0xCE40] =	vst v63  }
0x416: {  	_ = 	snop  }
0x417: {  	[tilespmem:s14], [sflag:$0x1] =	stream.indirect_vreg.gather [hbm4b:s17+s6], $0x80, v1, vm0, $0x2000b8;
	[tilespmem:$0xCE40] =	vst v63  }
0x418: {  	_ = 	snop  }
0x419: {  	[tilespmem:s15], [sflag:$0x1] =	stream.indirect_vreg.gather [hbm4b:s20+s6], $0x80, v1, vm0, $0x2000b8;
	[tilespmem:$0xCE40] =	vst v63  }
0x41a: {  	_ = 	snop  }
0x41b: {  	[tilespmem:s16], [sflag:$0x1] =	stream.indirect_vreg.gather [hbm4b:s31+s6], $0x80, v1, vm0, $0x2000b8;
	[tilespmem:$0xCE40] =	vst v63  }
0x41c: {  	v1 =	vld [tilespmem:$0xB90];
	_ =	sdelay $0x4  }
0x41d: {  	v61 =	vshrl.u32 v1, $0x3  }
0x41e: {  	v4 =	vmul.u32 $0x30, v61  }
0x41f: {  	v1 =	vand.u32 $0x7, v1  }
0x420: {  	v1 =	vor.u32 v1, v4  }
0x421: {  	v4 =	vperm.xlane v1, v2;
	_ =	sdelay $0x1  }
0x422: {  	v4 =	vadd.s32 v3, v4;
	_ =	sdelay $0x3  }
0x423: {  	v1 =	vperm.xlane v1, v5  }
0x424: {  	[tilespmem:s18], [sflag:$0x1] =	stream.indirect_vreg.gather [hbm4b:s17+s6], $0x80, v4, vm0, $0x2000b8;
	[tilespmem:$0xCE40] =	vst v63  }
0x425: {  	v1 =	vadd.s32 v3, v1  }
0x426: {  	[tilespmem:s4], [sflag:$0x1] =	stream.indirect_vreg.gather [hbm4b:s20+s6], $0x80, v4, vm0, $0x2000b8;
	[tilespmem:$0xCE40] =	vst v63  }
0x427: {  	_ = 	snop  }
0x428: {  	[tilespmem:s19], [sflag:$0x1] =	stream.indirect_vreg.gather [hbm4b:s31+s6], $0x80, v4, vm0, $0x2000b8;
	[tilespmem:$0xCE40] =	vst v63  }
0x429: {  	_ = 	snop  }
0x42a: {  	[tilespmem:s21], [sflag:$0x1] =	stream.indirect_vreg.gather [hbm4b:s17+s6], $0x80, v1, vm0, $0x2000b8;
	[tilespmem:$0xCE40] =	vst v63  }
0x42b: {  	_ = 	snop  }
0x42c: {  	[tilespmem:s26], [sflag:$0x1] =	stream.indirect_vreg.gather [hbm4b:s20+s6], $0x80, v1, vm0, $0x2000b8;
	[tilespmem:$0xCE40] =	vst v63  }
0x42d: {  	_ = 	snop  }
0x42e: {  	[tilespmem:s29], [sflag:$0x1] =	stream.indirect_vreg.gather [hbm4b:s31+s6], $0x80, v1, vm0, $0x2000b8;
	[tilespmem:$0xCE40] =	vst v63  }
0x42f: {  	v1 =	vld [tilespmem:$0xBA0];
	_ =	sdelay $0x4  }
0x430: {  	v62 =	vshrl.u32 v1, $0x3  }
0x431: {  	v4 =	vmul.u32 $0x30, v62  }
0x432: {  	v1 =	vand.u32 $0x7, v1  }
0x433: {  	v1 =	vor.u32 v1, v4  }
0x434: {  	v4 =	vperm.xlane v1, v2;
	_ =	sdelay $0x1  }
0x435: {  	v4 =	vadd.s32 v3, v4;
	_ =	sdelay $0x3  }
0x436: {  	v1 =	vperm.xlane v1, v5  }
0x437: {  	[tilespmem:s22], [sflag:$0x1] =	stream.indirect_vreg.gather [hbm4b:s17+s6], $0x80, v4, vm0, $0x2000b8;
	[tilespmem:$0xCE40] =	vst v63  }
0x438: {  	v1 =	vadd.s32 v3, v1  }
0x439: {  	[tilespmem:s25], [sflag:$0x1] =	stream.indirect_vreg.gather [hbm4b:s20+s6], $0x80, v4, vm0, $0x2000b8;
	[tilespmem:$0xCE40] =	vst v63  }
0x43a: {  	_ = 	snop  }
0x43b: {  	[tilespmem:s3], [sflag:$0x1] =	stream.indirect_vreg.gather [hbm4b:s31+s6], $0x80, v4, vm0, $0x2000b8;
	[tilespmem:$0xCE40] =	vst v63  }
0x43c: {  	_ = 	snop  }
0x43d: {  	[tilespmem:s5], [sflag:$0x1] =	stream.indirect_vreg.gather [hbm4b:s17+s6], $0x80, v1, vm0, $0x2000b8;
	[tilespmem:$0xCE40] =	vst v63  }
0x43e: {  	_ = 	snop  }
0x43f: {  	[tilespmem:s24], [sflag:$0x1] =	stream.indirect_vreg.gather [hbm4b:s20+s6], $0x80, v1, vm0, $0x2000b8;
	[tilespmem:$0xCE40] =	vst v63  }
0x440: {  	_ = 	snop  }
0x441: {  	[tilespmem:s13], [sflag:$0x1] =	stream.indirect_vreg.gather [hbm4b:s31+s6], $0x80, v1, vm0, $0x2000b8;
	[tilespmem:$0xCE40] =	vst v63  }
0x442: {  	v1 =	vld [tilespmem:$0xBB0];
	_ =	sdelay $0x4  }
0x443: {  	v63 =	vshrl.u32 v1, $0x3  }
0x444: {  	v4 =	vmul.u32 $0x30, v63  }
0x445: {  	v1 =	vand.u32 $0x7, v1  }
0x446: {  	v1 =	vor.u32 v1, v4  }
0x447: {  	v2 =	vperm.xlane v1, v2;
	_ =	sdelay $0x1  }
0x448: {  	v2 =	vadd.s32 v3, v2;
	_ =	sdelay $0x3  }
0x449: {  	v1 =	vperm.xlane v1, v5  }
0x44a: {  	[tilespmem:s30], [sflag:$0x1] =	stream.indirect_vreg.gather [hbm4b:s17+s6], $0x80, v2, vm0, $0x2000b8;
	[tilespmem:$0xCE40] =	vst v63  }
0x44b: {  	v1 =	vadd.s32 v3, v1  }
0x44c: {  	[tilespmem:s28], [sflag:$0x1] =	stream.indirect_vreg.gather [hbm4b:s20+s6], $0x80, v2, vm0, $0x2000b8;
	[tilespmem:$0xCE40] =	vst v63  }
0x44d: {  	_ = 	snop  }
0x44e: {  	[tilespmem:s8], [sflag:$0x1] =	stream.indirect_vreg.gather [hbm4b:s31+s6], $0x80, v2, vm0, $0x2000b8;
	[tilespmem:$0xCE40] =	vst v63  }
0x44f: {  	_ = 	snop  }
0x450: {  	[tilespmem:s1], [sflag:$0x1] =	stream.indirect_vreg.gather [hbm4b:s17+s6], $0x80, v1, vm0, $0x2000b8;
	[tilespmem:$0xCE40] =	vst v63  }
0x451: {  	_ = 	snop  }
0x452: {  	[tilespmem:s10], [sflag:$0x1] =	stream.indirect_vreg.gather [hbm4b:s20+s6], $0x80, v1, vm0, $0x2000b8;
	[tilespmem:$0xCE40] =	vst v63  }
0x453: {  	_ = 	snop  }
0x454: {  	[tilespmem:s2], [sflag:$0x1] =	stream.indirect_vreg.gather [hbm4b:s31+s6], $0x80, v1, vm0, $0x2000b8;
	[tilespmem:$0xCE40] =	vst v63  }
0x455: {  	_ =	swait.ge [sflag:s23], $0xC000  }
0x456: {  	[sflag:s23] =	ssyncset.done $0x0  }
0x457: {  	s5 =	simm.s32 $0x2;
	s17 =	rddreg [dreg:$0x11];
	[sflag:s23] =	ssyncadd.s32 $0xFFFF4000  }
0x458: {  	[hbm4b:s17+s6] =	stream.linear.scatter [tilespmem:s7], [sflag:$0x2], $0xC000, $0x200038;
	[tilespmem:$0xCE40] =	vst v63  }
0x459: {  	_ =	swait.ge [sflag:s5], $0xC000  }
0x45a: {  	s20 =	rddreg [dreg:$0x17]  }
0x45b: {  	s31 =	rddreg [dreg:$0x13];
	s4 =	sadd.s32 $0x1, s20  }
0x45c: {  	p2 =	sne.s32 s4, s31  }
.Ltmp3:
0x45d: {  	_ = 	snop;
	(pc) =	sbr.rel @p2 .LBB2_1-.Ltmp3, $4  }
0x45e: {  	_ = 	snop  }
0x45f: {  	[sflag:s5] =	ssyncset.done $0x0  }
0x460: {  	s0 =	simm.s32 $0x580;
	s3 =	simm.s32 $0x80;
	[sflag:s5] =	ssyncadd.s32 $0xFFFF4000  }
0x461: {  	s1 =	simm.s32 $0x600;
	s2 =	simm.s32 $0x680;
	_ =	strace $0x9000004F  }
0x462: {  	_ =	sfence.sel $0x180000  }
0x463: {  	[bflag:$0x0] =	sbarrier.arrive $0xFFFF  }
0x464: {  	_ =	strace $0x90000047  }
0x465: {  	s0 =	stileid.u32;
	[bflag:$0x2] =	sbarrier.arrive $0xFFFF  }
0x466: {  	p0 =	sne.s32 s0, $0x0;
	s0 =	rddreg [dreg:$0x6]  }
0x467: {  	s0 =	sadd.s32 @!p0 $0x100000, s0  }
0x468: {  	[sflag:s0] =	ssyncadd.tile.s32 @!p0 $0x1;
	_ =	shalt  }
.Lfunc_end2:
_tile_overlayer_lowered:
.L_overlay_start_2:
0x469: {  	(tag) =	ssettag $0x2  }
0x46a: {  	s0 =	rddreg [dreg:$0x0];
	s2 =	stileid.u32  }
0x46b: {  	s1 =	rddreg [dreg:$0x1];
	p0 =	sne.s32 s2, $0x0  }
0x46c: {  	s3 =	rddreg [dreg:$0x2];
	[bflag:$0x3] =	sbarrier.arrive $0xFFFF;
	s2 =	simm.s32 @!p0 $0x1C02  }
0x46d: {  	[timem:s3], [sflag:s2] =	dma.local @!p0 [hbm:s0], s1  }
0x46e: {  	s0 =	simm.s32 @!p0 $0x2  }
0x46f: {  	_ =	swait.ge @!p0 [sflag:s0], s1  }
0x470: {  	s1 =	ssub.s32 @!p0 $0x0, s1;
	[sflag:s0] =	ssyncset.done @!p0 $0x0  }
0x471: {  	[sflag:s0] =	ssyncadd.s32 @!p0 s1  }
0x472: {  	[bflag:$0x3] =	sbarrier.arrive $0xFFFF  }
0x473: {  	_ =	shalt  }

// kernel: kernel.9.cloned.1.call-start
scs
__scs_entry_jumppad:
0x0: {  	(pc) =	sbr.rel $0x88, $3  }
0x1: {  	(tag) =	ssettag $0x0;
	lr =	simm.s32 $0x1  }
0x2: {  	[smem:$0x3F9C] =	sst lr;
	_ =	strace $0xD0000000  }
0x3: {  	_ = 	snop  }
0x4: {  	_ = 	snop  }
0x5: {  	_ = 	snop  }
0x6: {  	_ = 	snop  }
0x7: {  	_ = 	snop  }
__scs_overlays_trampoline_lowered:
0x8: {  	[smem:$0x3FAB] =	sst s0  }
0x9: {  	[smem:$0x3FAC] =	sst s1  }
0xa: {  	[smem:$0x3FAD] =	sst s2  }
0xb: {  	[smem:$0x3FAE] =	sst s3  }
0xc: {  	[smem:$0x3FAF] =	sst s4  }
0xd: {  	[smem:$0x3FB0] =	sst s5  }
0xe: {  	[smem:$0x3FB1] =	sst s6  }
0xf: {  	[smem:$0x3FB2] =	sst s7  }
0x10: {  	[smem:$0x3FB3] =	sst s8  }
0x11: {  	[smem:$0x3FB4] =	sst s9;
	s0 =	simm.s32 @!p0 $0x0  }
0x12: {  	s1 =	sld [smem:$0x3F9A];
	s0 =	simm.s32 @p0 $0x1  }
0x13: {  	[smem:$0x3FB5] =	sst s0;
	s0 =	simm.s32 @!p1 $0x0  }
0x14: {  	s2 =	sld [smem:$0x3F99];
	s0 =	simm.s32 @p1 $0x1  }
0x15: {  	[smem:$0x3FB6] =	sst s0;
	s0 =	simm.s32 @!p2 $0x0  }
0x16: {  	s3 =	sld [smem:$0x3FDB];
	s0 =	simm.s32 @p2 $0x1  }
0x17: {  	s4 =	simm.s32 $0x1BF5;
	[smem:$0x3FB8] =	sst s0  }
0x18: {  	s0 =	sld [smem:$0x3F9B];
	_ =	swait.ge [sflag:s4], $0x0  }
0x19: {  	s7 =	sld [smem:$0x3F9C]  }
0x1a: {  	s8 =	sadd.s32 $0xFFFFE003, lr  }
0x1b: {  	s9 =	sadd.s32 $0xFFFFFEF7, lr;
	s5 =	simm.s32 $0xFFFFFFFF;
	p2 =	slt.u32 s8, $0xFFFFF086  }
0x1c: {  	p1 =	slt.u32 s9, $0xF7A;
	s5 =	simm.s32 @!p2 $0x0  }
0x1d: {  	s5 =	simm.s32 @p1 $0x1;
	p0 =	seq.s32 s7, s2  }
0x1e: {  	s7 =	smul.u32 @!p0 $0xF7A, s2;
	p2 =	seq.s32 @!p0 s5, $0x0  }
0x1f: {  	s9 =	smul.u32 $0xF7A, s1;
	s8 =	simm.s32 @!p0 $0x1BF5;
	p2 =	por !p2, p0  }
0x20: {  	[sflag:s8] =	ssyncset.s32 @!p0 $0xFFFFF086;
	s6 =	sadd.s32 @!p0 s3, s7;
	s7 =	simm.s32 @!p0 $0x108  }
0x21: {  	s3 =	sadd.s32 s3, s9;
	s6 =	sadd.s32 @!p0 $0x88, s6;
	s7 =	simm.s32 @p2 $0x1082  }
0x22: {  	[simem:s7], [sflag:s8] =	dma.local @!p0 [hbm:s6], $0xF7A  }
0x23: {  	s9 =	sor.u32 $0xD0000000, s2;
	s6 =	simm.s32 $0x108;
	_ =	swait.ge @!p0 [sflag:s8], $0x0  }
0x24: {  	s3 =	sadd.s32 $0x88, s3;
	s6 =	simm.s32 @!p1 $0x1082;
	[sflag:s4] =	ssyncset.s32 $0xFFFFF086  }
0x25: {  	[simem:s6], [sflag:s4] =	dma.local [hbm:s3], $0xF7A  }
0x26: {  	[smem:$0x3F9C] =	sst s1;
	(tag) =	ssettag s2;
	_ =	strace s9  }
0x27: {  	s1 =	sld [smem:$0x3FAC]  }
0x28: {  	s2 =	sld [smem:$0x3FAD]  }
0x29: {  	s4 =	sld [smem:$0x3FAF]  }
0x2a: {  	p0 =	seq.s32 s5, $0x0;
	s5 =	sld [smem:$0x3FB0]  }
0x2b: {  	s6 =	sld [smem:$0x3FB1]  }
0x2c: {  	s7 =	sld [smem:$0x3FB2]  }
0x2d: {  	s3 =	simm.s32 $0x108;
	s8 =	sld [smem:$0x3FB3]  }
0x2e: {  	s3 =	simm.s32 @!p0 $0x1082;
	s9 =	sld [smem:$0x3FB4]  }
0x2f: {  	lr =	sadd.s32 s0, s3;
	s0 =	sld [smem:$0x3FAB]  }
0x30: {  	s3 =	sld [smem:$0x3FAE]  }
0x31: {  	[smem:$0x3FB7] =	sst s10  }
0x32: {  	s10 =	sld [smem:$0x3FB5];
	_ =	sdelay $0x3  }
0x33: {  	p0 =	seq.s32 s10, $0x1;
	s10 =	sld [smem:$0x3FB7];
	_ =	sdelay $0x3  }
0x34: {  	[smem:$0x3FB7] =	sst s10  }
0x35: {  	s10 =	sld [smem:$0x3FB6];
	_ =	sdelay $0x3  }
0x36: {  	p1 =	seq.s32 s10, $0x1;
	s10 =	sld [smem:$0x3FB7];
	_ =	sdelay $0x3  }
0x37: {  	[smem:$0x3FB7] =	sst s10  }
0x38: {  	s10 =	sld [smem:$0x3FB8]  }
0x39: {  	_ = 	snop;
	(pc) =	sbr.ind lr, $3  }
0x3a: {  	_ = 	snop  }
0x3b: {  	_ = 	snop  }
0x3c: {  	p2 =	seq.s32 s10, $0x1;
	s10 =	sld [smem:$0x3FB7]  }
0x3d: {  	_ =	shalt  }
0x3e: {  	_ =	shalt  }
0x3f: {  	_ =	shalt  }
0x40: {  	_ =	shalt  }
0x41: {  	_ =	shalt  }
0x42: {  	_ =	shalt  }
0x43: {  	_ =	shalt  }
0x44: {  	_ =	shalt  }
0x45: {  	_ =	shalt  }
0x46: {  	_ =	shalt  }
0x47: {  	_ =	shalt  }
0x48: {  	_ =	shalt  }
0x49: {  	_ =	shalt  }
0x4a: {  	_ =	shalt  }
0x4b: {  	_ =	shalt  }
0x4c: {  	_ =	shalt  }
0x4d: {  	_ =	shalt  }
0x4e: {  	_ =	shalt  }
0x4f: {  	_ =	shalt  }
0x50: {  	_ =	shalt  }
0x51: {  	_ =	shalt  }
0x52: {  	_ =	shalt  }
0x53: {  	_ =	shalt  }
0x54: {  	_ =	shalt  }
0x55: {  	_ =	shalt  }
0x56: {  	_ =	shalt  }
0x57: {  	_ =	shalt  }
0x58: {  	_ =	shalt  }
0x59: {  	_ =	shalt  }
0x5a: {  	_ =	shalt  }
0x5b: {  	_ =	shalt  }
0x5c: {  	_ =	shalt  }
0x5d: {  	_ =	shalt  }
0x5e: {  	_ =	shalt  }
0x5f: {  	_ =	shalt  }
0x60: {  	_ =	shalt  }
0x61: {  	_ =	shalt  }
0x62: {  	_ =	shalt  }
0x63: {  	_ =	shalt  }
0x64: {  	_ =	shalt  }
0x65: {  	_ =	shalt  }
0x66: {  	_ =	shalt  }
0x67: {  	_ =	shalt  }
0x68: {  	_ =	shalt  }
0x69: {  	_ =	shalt  }
0x6a: {  	_ =	shalt  }
0x6b: {  	_ =	shalt  }
0x6c: {  	_ =	shalt  }
0x6d: {  	_ =	shalt  }
0x6e: {  	_ =	shalt  }
0x6f: {  	_ =	shalt  }
0x70: {  	_ =	shalt  }
0x71: {  	_ =	shalt  }
0x72: {  	_ =	shalt  }
0x73: {  	_ =	shalt  }
0x74: {  	_ =	shalt  }
0x75: {  	_ =	shalt  }
0x76: {  	_ =	shalt  }
0x77: {  	_ =	shalt  }
0x78: {  	_ =	shalt  }
0x79: {  	_ =	shalt  }
0x7a: {  	_ =	shalt  }
0x7b: {  	_ =	shalt  }
0x7c: {  	_ =	shalt  }
0x7d: {  	_ =	shalt  }
0x7e: {  	_ =	shalt  }
0x7f: {  	_ =	shalt  }
0x80: {  	_ =	shalt  }
0x81: {  	_ =	shalt  }
0x82: {  	_ =	shalt  }
0x83: {  	_ =	shalt  }
0x84: {  	_ =	shalt  }
0x85: {  	_ =	shalt  }
0x86: {  	_ =	shalt  }
0x87: {  	_ =	shalt  }
.Lfunc_end0:
.L_simem_size_0:
called_computation.1_lowered:
.L_overlay_start_0:
0x88: {  	s2 =	sld [smem:$0x3FD9]  }
0x89: {  	s3 =	sld [smem:$0x3FFE];
	_ =	sdelay $0x1  }
0x8a: {  	s1 =	srdreg.scid  }
0x8b: {  	s0 =	sand.u32 $0x1, s1  }
0x8c: {  	s17 =	sshll.u32 s0, $0xA;
	s2 =	sadd.s32 s3, s2  }
0x8d: {  	s2 =	sadd.s32 s2, s17  }
0x8e: {  	[smem:$0x3FC3] =	sst s2  }
0x8f: {  	_ = 	snop  }
0x90: {  	s2 =	sld [smem:$0x3FD0];
	(tm) =	ssettm $0x1  }
0x91: {  	s18 =	sld [smem:$0x3FFB];
	_ =	sdelay $0x3  }
0x92: {  	_ =	strace s18  }
0x93: {  	s3 =	sld [smem:$0x3FFC];
	_ =	sdelay $0x3  }
0x94: {  	_ =	strace s3  }
0x95: {  	s3 =	sld [smem:$0x3FFD];
	_ =	sdelay $0x3  }
0x96: {  	_ =	strace s3  }
0x97: {  	_ =	strace $0x8FFFFFFF  }
0x98: {  	s19 =	sld [smem:$0x3FDB];
	_ =	sdelay $0x1  }
0x99: {  	s4 =	simm.s32 $_scs_section_size  }
0x9a: {  	s5 =	simm.s32 $_size__tile_overlayer_lowered;
	s6 =	simm.s32 $_tile_overlayer_lowered  }
0x9b: {  	s22 =	simm.s32 $0x1BFF;
	s21 =	sshll.u32 s6, $0x1;
	s3 =	sadd.s32 s4, s19  }
0x9c: {  	s7 =	simm.s32 $0x0;
	s20 =	sshll.u32 s5, $0x1;
	s5 =	sadd.s32 s21, s3  }
0x9d: {  	[timem:s7], [sflag:s22] =	dma.local [hbm:s5], s20  }
0x9e: {  	_ =	swait.ge [sflag:s22], s20  }
0x9f: {  	s4 =	ssub.s32 $0x0, s20;
	[sflag:s22] =	ssyncset.done $0x0  }
0xa0: {  	[sflag:s22] =	ssyncadd.s32 s4;
	_ =	sdelay $0x1  }
0xa1: {  	s23 =	simm.s32 $0x1B8B  }
0xa2: {  	_ =	swait.ge [sflag:s23], $0x1  }
0xa3: {  	[sflag:s23] =	ssyncset.done $0x0  }
0xa4: {  	s25 =	simm.s32 $0x1B8E;
	s24 =	sld [smem:$0x3FFE];
	[sflag:s23] =	ssyncadd.s32 $0xFFFFFFFF  }
0xa5: {  	s26 =	simm.s32 $execute0_lowered;
	[smem:$0x3FD2] =	sst s25  }
0xa6: {  	s5 =	sshll.u32 s26, $0x1;
	_ =	strace $0x80000051;
	[dreg:$0x1] =	wrdreg $0xFFFFFFFF  }
0xa7: {  	s28 =	simm.s32 $_size_execute0_lowered;
	s3 =	sadd.s32 s3, s5;
	[dreg:$0x0] =	wrdreg $0x0  }
0xa8: {  	s5 =	sshll.u32 s28, $0x1;
	[dreg:$0x2] =	wrdreg s3  }
0xa9: {  	[dreg:$0x3] =	wrdreg s5  }
0xaa: {  	[dreg:$0x4] =	wrdreg $0xC0  }
0xab: {  	_ =	task [dreg:s7], $0x5FFFF  }
0xac: {  	[dreg:$0x1] =	wrdreg $0xFFFFFFFF  }
0xad: {  	[dreg:$0x0] =	wrdreg $0x60  }
0xae: {  	[dreg:$0x2] =	wrdreg s24  }
0xaf: {  	[dreg:$0x3] =	wrdreg s2  }
0xb0: {  	[dreg:$0x4] =	wrdreg $0x9  }
0xb1: {  	_ =	task.clear_ibuf [dreg:s7], $0x5FFFF;
	_ =	strace $0x90000051  }
0xb2: {  	s29 =	simm.s32 $0x9;
	_ =	strace $0x80000053  }
0xb3: {  	_ =	swait.ge [sflag:s29], $0x1  }
0xb4: {  	[sflag:s29] =	ssyncadd.s32 $0xFFFFFFFF  }
0xb5: {  	_ =	strace $0x90000053  }
0xb6: {  	_ =	sfence  }
0xb7: {  	s30 =	sld [smem:$0x0];
	_ =	sdelay $0x2  }
0xb8: {  	s31 =	sshll.u32 s1, $0xD;
	s1 =	sshrl.u32 s1, $0x2  }
0xb9: {  	s3 =	sand.u32 $0x4000, s31;
	s1 =	sadd.s32 s1, s30  }
0xba: {  	s0 =	sor.u32 s3, s0;
	s1 =	sshll.u32 s1, $0x11  }
0xbb: {  	s0 =	sor.u32 s1, s0  }
0xbc: {  	s0 =	sadd.s32 $0x8F2B, s0  }
0xbd: {  	[sflag:s0] =	ssyncadd.remote.s32 $0x1  }
0xbe: {  	_ =	sfence.sel $0xFFFF  }
0xbf: {  	[dreg:$0x0] =	wrdreg $0xFFFFFFFF;
	(pc) =	sbr.abs _section_cstart, $3  }
0xc0: {  	[dreg:$0x1] =	wrdreg $0xFFFFFFFF  }
0xc1: {  	_ =	task.clear_ibuf [dreg:s7], $0x2FFFF;
	_ =	strace $0x9FFFFFFF  }
0xc2: {  	(tm) =	ssettm $0x7FFFFFFF  }
0xc3: {  	_ =	shalt  }
tec
execute0_lowered:
.L_overlay_start_1:
0x0: {  	(tag) =	ssettag $0x1  }
0x1: {  	s0 =	rddreg [dreg:$0x0]  }
0x2: {  	s5 =	rddreg [dreg:$0x1];
	s3 =	srdreg.scid  }
0x3: {  	s2 =	simm.s32 $0x0;
	s1 =	stileid.u32;
	s26 =	simm.s32 $0x880  }
0x4: {  	s10 =	simm.s32 $0x1880;
	s11 =	simm.s32 $0x2080;
	s12 =	simm.s32 $0x2880  }
0x5: {  	s13 =	simm.s32 $0x3080;
	s14 =	simm.s32 $0x3880;
	s15 =	simm.s32 $0x4080  }
0x6: {  	s16 =	simm.s32 $0x4880;
	s17 =	simm.s32 $0x5080;
	s18 =	simm.s32 $0x5880  }
0x7: {  	s19 =	simm.s32 $0x6080;
	s20 =	simm.s32 $0x6880;
	s21 =	simm.s32 $0x7080  }
0x8: {  	s22 =	simm.s32 $0x7880;
	s28 =	simm.s32 $0xA080;
	s29 =	simm.s32 $0xA880  }
0x9: {  	s30 =	simm.s32 $0xB080;
	s31 =	simm.s32 $0xB880;
	s3 =	sand.u32 $0x1, s3  }
0xa: {  	[smem:$0x7FF] =	sst s2;
	s4 =	sshll.u32 s1, $0x4;
	s6 =	sshll.u32 s3, $0x3  }
0xb: {  	_ =	strace $0x80000052;
	s23 =	ssub.s32 $0x2, s3;
	s3 =	sadd.s32 $0x61400, s0  }
0xc: {  	[dreg:$0x5] =	wrdreg s26;
	s26 =	simm.s32 $0x9880;
	s4 =	sor.u32 s6, s4  }
0xd: {  	s8 =	sshrl.u32 s23, $0x1;
	s7 =	sadd.s32 s4, s0;
	s9 =	smul.u32 $0x300, s4  }
0xe: {  	s6 =	ssub.s32 s23, s8;
	s4 =	sadd.s32 $0x61500, s0;
	s8 =	simm.s32 $0x80  }
0xf: {  	s23 =	simm.s32 $0x8080;
	s24 =	sadd.s32 $0x61200, s7;
	s6 =	smax.u32 s6, $0x1  }
0x10: {  	v2 =	vlaneseq.u32;
	s7 =	simm.s32 $0x2;
	[dreg:$0x3] =	wrdreg s24;
	s25 =	sadd.s32 s5, s9  }
0x11: {  	vm0 =	vmmov $0xffff;
	v1 =	vshrl.u32 v2, $0x3;
	s5 =	sadd.s32 $0x61600, s0;
	s9 =	simm.s32 $0x1080;
	s24 =	simm.s32 $0x8880  }
0x12: {  	v0 =	vand.u32 $0x7, v2;
	v2 =	vor.u32 $0x8, v2;
	v1 =	vmul.u32 $0x8, v1;
	s0 =	simm.s32 $0x1;
	[dreg:$0x4] =	wrdreg s25;
	s25 =	simm.s32 $0x9080  }
.LBB2_1:
0x13: {  	s1 =	rddreg [dreg:$0x3]  }
0x14: {  	[tilespmem:s2], [sflag:$0x2] =	stream.linear.gather [hbm4b:s1+s2], $0x40, $0x38;
	[tilespmem:$0xC080] =	vst v63  }
0x15: {  	_ =	swait.ge [sflag:s7], $0x40  }
0x16: {  	[sflag:s7] =	ssyncset.done $0x0  }
0x17: {  	[sflag:s7] =	ssyncadd.s32 $0xFFFFFFC0  }
0x18: {  	v3 =	vld [tilespmem:$0x0];
	_ =	sdelay $0x4  }
0x19: {  	v4 =	vshrl.u32 v3, $0x3  }
0x1a: {  	v4 =	vmul.u32 $0x30, v4  }
0x1b: {  	v3 =	vand.u32 $0x7, v3  }
0x1c: {  	v3 =	vor.u32 v3, v4  }
0x1d: {  	v4 =	vperm.xlane v3, v0;
	_ =	sdelay $0x1  }
0x1e: {  	v4 =	vadd.s32 v1, v4;
	_ =	sdelay $0x3  }
0x1f: {  	v3 =	vperm.xlane v3, v2  }
0x20: {  	[tilespmem:s8], [sflag:$0x1] =	stream.indirect_vreg.gather [hbm4b:s3+s2], $0x80, v4, vm0, $0xb8;
	[tilespmem:$0xC080] =	vst v63  }
0x21: {  	s1 =	rddreg [dreg:$0x5];
	v3 =	vadd.s32 v1, v3  }
0x22: {  	[tilespmem:s1], [sflag:$0x1] =	stream.indirect_vreg.gather [hbm4b:s4+s2], $0x80, v4, vm0, $0xb8;
	[tilespmem:$0xC080] =	vst v63  }
0x23: {  	_ = 	snop  }
0x24: {  	[tilespmem:s9], [sflag:$0x1] =	stream.indirect_vreg.gather [hbm4b:s5+s2], $0x80, v4, vm0, $0xb8;
	[tilespmem:$0xC080] =	vst v63  }
0x25: {  	_ = 	snop  }
0x26: {  	[tilespmem:s10], [sflag:$0x1] =	stream.indirect_vreg.gather [hbm4b:s3+s2], $0x80, v3, vm0, $0xb8;
	[tilespmem:$0xC080] =	vst v63  }
0x27: {  	_ = 	snop  }
0x28: {  	[tilespmem:s11], [sflag:$0x1] =	stream.indirect_vreg.gather [hbm4b:s4+s2], $0x80, v3, vm0, $0xb8;
	[tilespmem:$0xC080] =	vst v63  }
0x29: {  	_ = 	snop  }
0x2a: {  	[tilespmem:s12], [sflag:$0x1] =	stream.indirect_vreg.gather [hbm4b:s5+s2], $0x80, v3, vm0, $0xb8;
	[tilespmem:$0xC080] =	vst v63  }
0x2b: {  	v3 =	vld [tilespmem:$0x10];
	_ =	sdelay $0x4  }
0x2c: {  	v61 =	vshrl.u32 v3, $0x3  }
0x2d: {  	v4 =	vmul.u32 $0x30, v61  }
0x2e: {  	v3 =	vand.u32 $0x7, v3  }
0x2f: {  	v3 =	vor.u32 v3, v4  }
0x30: {  	v4 =	vperm.xlane v3, v0;
	_ =	sdelay $0x1  }
0x31: {  	v4 =	vadd.s32 v1, v4;
	_ =	sdelay $0x3  }
0x32: {  	v3 =	vperm.xlane v3, v2  }
0x33: {  	[tilespmem:s13], [sflag:$0x1] =	stream.indirect_vreg.gather [hbm4b:s3+s2], $0x80, v4, vm0, $0xb8;
	[tilespmem:$0xC080] =	vst v63  }
0x34: {  	v3 =	vadd.s32 v1, v3  }
0x35: {  	[tilespmem:s14], [sflag:$0x1] =	stream.indirect_vreg.gather [hbm4b:s4+s2], $0x80, v4, vm0, $0xb8;
	[tilespmem:$0xC080] =	vst v63  }
0x36: {  	_ = 	snop  }
0x37: {  	[tilespmem:s15], [sflag:$0x1] =	stream.indirect_vreg.gather [hbm4b:s5+s2], $0x80, v4, vm0, $0xb8;
	[tilespmem:$0xC080] =	vst v63  }
0x38: {  	_ = 	snop  }
0x39: {  	[tilespmem:s16], [sflag:$0x1] =	stream.indirect_vreg.gather [hbm4b:s3+s2], $0x80, v3, vm0, $0xb8;
	[tilespmem:$0xC080] =	vst v63  }
0x3a: {  	_ = 	snop  }
0x3b: {  	[tilespmem:s17], [sflag:$0x1] =	stream.indirect_vreg.gather [hbm4b:s4+s2], $0x80, v3, vm0, $0xb8;
	[tilespmem:$0xC080] =	vst v63  }
0x3c: {  	_ = 	snop  }
0x3d: {  	[tilespmem:s18], [sflag:$0x1] =	stream.indirect_vreg.gather [hbm4b:s5+s2], $0x80, v3, vm0, $0xb8;
	[tilespmem:$0xC080] =	vst v63  }
0x3e: {  	v3 =	vld [tilespmem:$0x20];
	_ =	sdelay $0x4  }
0x3f: {  	v62 =	vshrl.u32 v3, $0x3  }
0x40: {  	v4 =	vmul.u32 $0x30, v62  }
0x41: {  	v3 =	vand.u32 $0x7, v3  }
0x42: {  	v3 =	vor.u32 v3, v4  }
0x43: {  	v4 =	vperm.xlane v3, v0;
	_ =	sdelay $0x1  }
0x44: {  	v4 =	vadd.s32 v1, v4;
	_ =	sdelay $0x3  }
0x45: {  	v3 =	vperm.xlane v3, v2  }
0x46: {  	[tilespmem:s19], [sflag:$0x1] =	stream.indirect_vreg.gather [hbm4b:s3+s2], $0x80, v4, vm0, $0xb8;
	[tilespmem:$0xC080] =	vst v63  }
0x47: {  	v3 =	vadd.s32 v1, v3  }
0x48: {  	[tilespmem:s20], [sflag:$0x1] =	stream.indirect_vreg.gather [hbm4b:s4+s2], $0x80, v4, vm0, $0xb8;
	[tilespmem:$0xC080] =	vst v63  }
0x49: {  	_ = 	snop  }
0x4a: {  	[tilespmem:s21], [sflag:$0x1] =	stream.indirect_vreg.gather [hbm4b:s5+s2], $0x80, v4, vm0, $0xb8;
	[tilespmem:$0xC080] =	vst v63  }
0x4b: {  	_ = 	snop  }
0x4c: {  	[tilespmem:s22], [sflag:$0x1] =	stream.indirect_vreg.gather [hbm4b:s3+s2], $0x80, v3, vm0, $0xb8;
	[tilespmem:$0xC080] =	vst v63  }
0x4d: {  	_ = 	snop  }
0x4e: {  	[tilespmem:s23], [sflag:$0x1] =	stream.indirect_vreg.gather [hbm4b:s4+s2], $0x80, v3, vm0, $0xb8;
	[tilespmem:$0xC080] =	vst v63  }
0x4f: {  	_ = 	snop  }
0x50: {  	[tilespmem:s24], [sflag:$0x1] =	stream.indirect_vreg.gather [hbm4b:s5+s2], $0x80, v3, vm0, $0xb8;
	[tilespmem:$0xC080] =	vst v63  }
0x51: {  	v3 =	vld [tilespmem:$0x30];
	_ =	sdelay $0x4  }
0x52: {  	v63 =	vshrl.u32 v3, $0x3  }
0x53: {  	v4 =	vmul.u32 $0x30, v63  }
0x54: {  	v3 =	vand.u32 $0x7, v3  }
0x55: {  	v3 =	vor.u32 v3, v4  }
0x56: {  	v4 =	vperm.xlane v3, v0;
	_ =	sdelay $0x1  }
0x57: {  	v4 =	vadd.s32 v1, v4;
	_ =	sdelay $0x3  }
0x58: {  	v3 =	vperm.xlane v3, v2  }
0x59: {  	[tilespmem:s25], [sflag:$0x1] =	stream.indirect_vreg.gather [hbm4b:s3+s2], $0x80, v4, vm0, $0xb8;
	[tilespmem:$0xC080] =	vst v63  }
0x5a: {  	v3 =	vadd.s32 v1, v3  }
0x5b: {  	[tilespmem:s26], [sflag:$0x1] =	stream.indirect_vreg.gather [hbm4b:s4+s2], $0x80, v4, vm0, $0xb8;
	[tilespmem:$0xC080] =	vst v63  }
0x5c: {  	_ = 	snop  }
0x5d: {  	[tilespmem:s28], [sflag:$0x1] =	stream.indirect_vreg.gather [hbm4b:s5+s2], $0x80, v4, vm0, $0xb8;
	[tilespmem:$0xC080] =	vst v63  }
0x5e: {  	_ = 	snop  }
0x5f: {  	[tilespmem:s29], [sflag:$0x1] =	stream.indirect_vreg.gather [hbm4b:s3+s2], $0x80, v3, vm0, $0xb8;
	[tilespmem:$0xC080] =	vst v63  }
0x60: {  	_ = 	snop  }
0x61: {  	[tilespmem:s30], [sflag:$0x1] =	stream.indirect_vreg.gather [hbm4b:s4+s2], $0x80, v3, vm0, $0xb8;
	[tilespmem:$0xC080] =	vst v63  }
0x62: {  	_ = 	snop  }
0x63: {  	[tilespmem:s31], [sflag:$0x1] =	stream.indirect_vreg.gather [hbm4b:s5+s2], $0x80, v3, vm0, $0xb8;
	[tilespmem:$0xC080] =	vst v63  }
0x64: {  	_ =	swait.ge [sflag:s0], $0xC000  }
0x65: {  	p0 =	sne.s32 s6, $0x1;
	[sflag:s0] =	ssyncset.done $0x0  }
.Ltmp0:
0x66: {  	s1 =	rddreg [dreg:$0x4];
	[sflag:s0] =	ssyncadd.s32 $0xFFFF4000;
	(pc) =	sbr.rel @p0 .LBB2_1-.Ltmp0, $4  }
0x67: {  	[hbm4b:s1+s2] =	stream.linear.scatter [tilespmem:s8], [sflag:$0x2], $0xC000, $0x38;
	[tilespmem:$0xC080] =	vst v63  }
0x68: {  	_ =	swait.ge [sflag:s7], $0xC000  }
0x69: {  	[sflag:s7] =	ssyncset.done $0x0  }
0x6a: {  	s6 =	sadd.s32 $0xFFFFFFFF, s6;
	[sflag:s7] =	ssyncadd.s32 $0xFFFF4000  }
0x6b: {  	_ =	sfence.sel $0x180000  }
0x6c: {  	[bflag:$0x0] =	sbarrier.arrive $0xFFFF  }
0x6d: {  	_ =	strace $0x90000052  }
0x6e: {  	s0 =	stileid.u32;
	[bflag:$0x2] =	sbarrier.arrive $0xFFFF  }
0x6f: {  	p0 =	sne.s32 s0, $0x0;
	s0 =	rddreg [dreg:$0x2]  }
0x70: {  	s0 =	sadd.s32 @!p0 $0x100000, s0  }
0x71: {  	[sflag:s0] =	ssyncadd.tile.s32 @!p0 $0x1;
	_ =	shalt  }
.Lfunc_end2:
_tile_overlayer_lowered:
.L_overlay_start_2:
0x72: {  	(tag) =	ssettag $0x2  }
0x73: {  	s0 =	rddreg [dreg:$0x0];
	s2 =	stileid.u32  }
0x74: {  	s1 =	rddreg [dreg:$0x1];
	p0 =	sne.s32 s2, $0x0  }
0x75: {  	s3 =	rddreg [dreg:$0x2];
	[bflag:$0x3] =	sbarrier.arrive $0xFFFF;
	s2 =	simm.s32 @!p0 $0x1C02  }
0x76: {  	[timem:s3], [sflag:s2] =	dma.local @!p0 [hbm:s0], s1  }
0x77: {  	s0 =	simm.s32 @!p0 $0x2  }
0x78: {  	_ =	swait.ge @!p0 [sflag:s0], s1  }
0x79: {  	s1 =	ssub.s32 @!p0 $0x0, s1;
	[sflag:s0] =	ssyncset.done @!p0 $0x0  }
0x7a: {  	[sflag:s0] =	ssyncadd.s32 @!p0 s1  }
0x7b: {  	[bflag:$0x3] =	sbarrier.arrive $0xFFFF  }
0x7c: {  	_ =	shalt  }

</sc_bundles>
